<compile_context>
chip_gen: v7x
topology: tpu7x:2x2x1
jax: 0.10.2.dev20260603
libtpu: 0.0.44.dev20260713+nightly
codegen_flags: <defaults>
</compile_context>

<pallas_src>
import functools

import jax
import jax.numpy as jnp
from jax import lax
from jax.experimental import pallas as pl
from jax.experimental.pallas import tpu as pltpu
from jax.experimental.pallas import tpu_sc as plsc

H = 768
L = 16
NC = 2
NS = 16
NW = NC * NS
HV = H // L
EPS = 1e-5
CHUNK = 32
INV_H = 1.0 / H


def _rsqrt_vec(x):
  i = lax.bitcast_convert_type(x, jnp.int32)
  i = jnp.int32(0x5F3759DF) - lax.shift_right_arithmetic(i, 1)
  y = lax.bitcast_convert_type(i, jnp.float32)
  half_x = x * jnp.float32(0.5)
  for _ in range(2):
    y = y * (jnp.float32(1.5) - half_x * y * y)
  return y


def _ln_chunk(inb, outb, gam, rstd_ref, mb_ref):

  @plsc.parallel_loop(0, CHUNK, unroll=2)
  def stats_body(r):
    s = jnp.zeros((L,), jnp.float32)
    q = jnp.zeros((L,), jnp.float32)
    for j in range(HV):
      v = inb[r, pl.ds(j * L, L)]
      s = s + v
      q = q + v * v
    ssum = jnp.sum(s)
    qsum = jnp.sum(q)
    mean = lax.broadcast_in_dim(ssum, (L,), ()) * jnp.float32(INV_H)
    ex2 = lax.broadcast_in_dim(qsum, (L,), ()) * jnp.float32(INV_H)
    var = ex2 - mean * mean
    rstd = _rsqrt_vec(var + jnp.float32(EPS))
    rstd_ref[r, :] = rstd
    mb_ref[r, :] = mean * rstd

  jw = HV // 4

  def jblock_body(jb, carry):
    base = pl.multiple_of(jb * (jw * L), jw * L)
    gvs = [gam[pl.ds(base + t * L, L)] for t in range(jw)]

    @plsc.parallel_loop(0, CHUNK, unroll=2)
    def apply_body(r):
      a = rstd_ref[r, :]
      mb = mb_ref[r, :]
      for t in range(jw):
        v = inb[r, pl.ds(base + t * L, L)]
        outb[r, pl.ds(base + t * L, L)] = (v * a - mb) * gvs[t]

    return carry

  lax.fori_loop(0, 4, jblock_body, 0)


def _body(n_tok, ids_hbm, table_hbm, out_hbm,
          idx_v, ring, gam, rstd_v, mb_v, gsem, osem):
  rows_per_w = n_tok // NW
  nch = rows_per_w // CHUNK

  wid = lax.axis_index("s") * NC + lax.axis_index("c")
  row_base = pl.multiple_of(wid * rows_per_w, rows_per_w)

  pltpu.sync_copy(ids_hbm.at[pl.ds(row_base, rows_per_w)], idx_v)

  def slot(par):
    return ring.at[pl.ds(pl.multiple_of(par * CHUNK, CHUNK), CHUNK)]

  def do_gather(c, par):
    off = pl.multiple_of(c * CHUNK, CHUNK)
    pltpu.async_copy(table_hbm.at[idx_v.at[pl.ds(off, CHUNK)]], slot(par),
                     gsem.at[par])

  def wait_gather(par):
    pltpu.make_async_copy(table_hbm.at[pl.ds(0, CHUNK)], slot(par),
                          gsem.at[par]).wait()

  def do_out(c, par):
    off = pl.multiple_of(row_base + c * CHUNK, CHUNK)
    pltpu.async_copy(slot(par), out_hbm.at[pl.ds(off, CHUNK)], osem.at[par])

  def wait_out(par):
    pltpu.make_async_copy(slot(par), out_hbm.at[pl.ds(0, CHUNK)],
                          osem.at[par]).wait()

  do_gather(0, 0)
  do_gather(1, 1)

  def gbody(c, carry):
    par = lax.rem(c, 4)
    par2 = lax.rem(c + 2, 4)
    pl.when(c >= 2)(lambda: wait_out(par2))
    pl.when(c < nch - 2)(lambda: do_gather(c + 2, par2))
    wait_gather(par)
    _ln_chunk(slot(par), slot(par), gam, rstd_v, mb_v)
    do_out(c, par)
    return carry

  lax.fori_loop(0, nch, gbody, 0)

  for par in (2, 3):
    wait_out(par)


def _body_with_gamma(n_tok, ids_hbm, table_hbm, gamma_hbm, out_hbm,
                     idx_v, ring, gam, rstd_v, mb_v, gsem, osem):
  pltpu.sync_copy(gamma_hbm, gam)
  _body(n_tok, ids_hbm, table_hbm, out_hbm,
        idx_v, ring, gam, rstd_v, mb_v, gsem, osem)


def kernel(input_ids, table, gamma):
  b, s = input_ids.shape
  n_tok = b * s
  rows_per_w = n_tok // NW
  ids_flat = input_ids.reshape((n_tok,))
  mesh = plsc.VectorSubcoreMesh(core_axis_name="c", subcore_axis_name="s")
  run = pl.kernel(
      functools.partial(_body_with_gamma, n_tok),
      out_type=jax.ShapeDtypeStruct((n_tok, H), jnp.float32),
      mesh=mesh,
      compiler_params=pltpu.CompilerParams(needs_layout_passes=False),
      scratch_types=[
          pltpu.VMEM((rows_per_w,), jnp.int32),
          pltpu.VMEM((4 * CHUNK, H), jnp.float32),
          pltpu.VMEM((H,), jnp.float32),
          pltpu.VMEM((CHUNK, L), jnp.float32),
          pltpu.VMEM((CHUNK, L), jnp.float32),
          pltpu.SemaphoreType.DMA((4,)),
          pltpu.SemaphoreType.DMA((4,)),
      ],
  )
  out = run(ids_flat, table, gamma)
  return out.reshape((b, s, H))

# --- scband reference (transcript-rebuilt; emitter-appended) ---
"""Pipeline reference for scband-modern-bert-embeddings-63342177682121 (READ-ONLY COPY).

The authoritative reference and input builder live on the scoring server;
editing this copy changes nothing except your own understanding.
"""

import jax, jax.numpy as jnp
import numpy as np

VOCAB = 50368
HIDDEN = 768
B = 4
S = 8192
EPS = 1e-5

def setup_inputs(seed: int = 0):
    key = jax.random.key(seed)
    k1, k2, k3 = jax.random.split(key, 3)
    input_ids = jax.random.randint(k1, (B, S), 0, VOCAB, dtype=jnp.int32)
    table = jax.random.normal(k2, (VOCAB, HIDDEN), dtype=jnp.float32) * 0.02
    gamma = jnp.ones((HIDDEN,), dtype=jnp.float32)
    return {"input_ids": input_ids, "table": table, "gamma": gamma}

def reference(input_ids, table, gamma):
    # tok_embeddings(input_ids): gather rows from embedding table
    h = jnp.take(table, input_ids, axis=0)
    # LayerNorm (elementwise_affine with weight only, bias=False per norm_bias=False)
    mean = jnp.mean(h, axis=-1, keepdims=True)
    var = jnp.mean(jnp.square(h - mean), axis=-1, keepdims=True)
    h = (h - mean) / jnp.sqrt(var + EPS)
    h = h * gamma
    # dropout p=0.0 -> identity
    return h

if __name__ == "__main__":
    import jax
    _d = setup_inputs()
    print(jax.jit(kernel)(*tuple(_d.values())))

</pallas_src>

<mosaic_0001>
#map = affine_map<(d0, d1) -> (0)>
#map1 = affine_map<(d0, d1) -> (0, 0)>
module attributes {stable_mosaic.version = 14 : i64} {
  func.func @_body_with_gamma(%arg0: i32, %arg1: i32, %arg2: memref<32768xi32, #tpu.memory_space<hbm>>, %arg3: memref<50368x768xf32, #tpu.memory_space<hbm>>, %arg4: memref<768xf32, #tpu.memory_space<hbm>>, %arg5: memref<32768x768xf32, #tpu.memory_space<hbm>>, %arg6: memref<1024xi32, #tpu.memory_space<vmem>>, %arg7: memref<128x768xf32, #tpu.memory_space<vmem>>, %arg8: memref<768xf32, #tpu.memory_space<vmem>>, %arg9: memref<32x16xf32, #tpu.memory_space<vmem>>, %arg10: memref<32x16xf32, #tpu.memory_space<vmem>>, %arg11: memref<4x!tpu.dma_semaphore, #tpu.memory_space<semaphore_mem>>, %arg12: memref<4x!tpu.dma_semaphore, #tpu.memory_space<semaphore_mem>>) attributes {dimension_semantics = [#tpu.dimension_semantics<core_parallel>, #tpu.dimension_semantics<subcore_parallel>], iteration_bounds = array<i64: 2, 16>, scalar_prefetch = 0 : i64, scratch_operands = 7 : i64, tpu.core_type = #tpu.core_type<sc_vector_subcore>, window_params = [{transform_indices = #map}, {transform_indices = #map1}, {transform_indices = #map}, {transform_indices = #map1}]} {
    "tpu.region"() ({
      %run_scoped3A = tpu.sem_alloc : memref<!tpu.dma_semaphore, #tpu.memory_space<semaphore_mem>>
      tpu.enqueue_dma source(%arg4 : memref<768xf32, #tpu.memory_space<hbm>>) target(%arg8 : memref<768xf32, #tpu.memory_space<vmem>>) target_semaphore(%run_scoped3A : memref<!tpu.dma_semaphore, #tpu.memory_space<semaphore_mem>>)
      tpu.wait_dma2 semaphore(%run_scoped3A : memref<!tpu.dma_semaphore, #tpu.memory_space<semaphore_mem>>) src(%arg4 : memref<768xf32, #tpu.memory_space<hbm>>) dst(%arg8 : memref<768xf32, #tpu.memory_space<vmem>>)
      tpu.yield
    }) : () -> ()
    %mul3A = arith.constant 2 : i32
    %mul3A_0 = arith.muli %arg1, %mul3A : i32
    %add3A = arith.addi %mul3A_0, %arg0 : i32
    %mul3A_1 = arith.constant 1024 : i32
    %mul3A_2 = arith.muli %add3A, %mul3A_1 : i32
    %multiple_of3A = tpu.assume_multiple %mul3A_2, 1024 : i32
    "tpu.region"() ({
      %run_scoped3A = tpu.sem_alloc : memref<!tpu.dma_semaphore, #tpu.memory_space<semaphore_mem>>
      %dma_start3A_62 = tpu.memref_slice %arg2[%multiple_of3A] : memref<32768xi32, #tpu.memory_space<hbm>> -> memref<1024xi32, #tpu.memory_space<hbm>>
      %dma_start3A_63 = tpu.memref_slice %arg2[%multiple_of3A] : memref<32768xi32, #tpu.memory_space<hbm>> -> memref<1024xi32, #tpu.memory_space<hbm>>
      tpu.enqueue_dma source(%dma_start3A_63 : memref<1024xi32, #tpu.memory_space<hbm>>) target(%arg6 : memref<1024xi32, #tpu.memory_space<vmem>>) target_semaphore(%run_scoped3A : memref<!tpu.dma_semaphore, #tpu.memory_space<semaphore_mem>>)
      %dma_wait3A_64 = tpu.memref_slice %arg2[%multiple_of3A] : memref<32768xi32, #tpu.memory_space<hbm>> -> memref<1024xi32, #tpu.memory_space<hbm>>
      %dma_wait3A_65 = tpu.memref_slice %arg2[%multiple_of3A] : memref<32768xi32, #tpu.memory_space<hbm>> -> memref<1024xi32, #tpu.memory_space<hbm>>
      tpu.wait_dma2 semaphore(%run_scoped3A : memref<!tpu.dma_semaphore, #tpu.memory_space<semaphore_mem>>) src(%dma_wait3A_65 : memref<1024xi32, #tpu.memory_space<hbm>>) dst(%arg6 : memref<1024xi32, #tpu.memory_space<vmem>>)
      tpu.yield
    }) : () -> ()
    %multiple_of3A_3 = arith.constant 0 : i32
    %multiple_of3A_4 = tpu.assume_multiple %multiple_of3A_3, 32 : i32
    %multiple_of3A_5 = arith.constant 0 : i32
    %multiple_of3A_6 = tpu.assume_multiple %multiple_of3A_5, 32 : i32
    %dma_start3A = arith.constant 0 : i32
    %dma_start3A_7 = arith.constant 0 : i32
    %dma_start3A_8 = tpu.memref_slice %arg7[%multiple_of3A_6, %dma_start3A_7] : memref<128x768xf32, #tpu.memory_space<vmem>> -> memref<32x768xf32, #tpu.memory_space<vmem>>
    %dma_start3A_9 = tpu.memref_slice %arg6[%multiple_of3A_4] : memref<1024xi32, #tpu.memory_space<vmem>> -> memref<32xi32, #tpu.memory_space<vmem>>
    %dma_start3A_10 = arith.constant 0 : i32
    %dma_start3A_11 = arith.constant 0 : i32
    %dma_start3A_12 = tpu.memref_slice %arg3[%dma_start3A_10, %dma_start3A_11] : memref<50368x768xf32, #tpu.memory_space<hbm>> -> memref<50368x768xf32, #tpu.memory_space<hbm>>
    %dma_start3A_13 = tpu.memref_slice %arg11[%dma_start3A] : memref<4x!tpu.dma_semaphore, #tpu.memory_space<semaphore_mem>> -> memref<1x!tpu.dma_semaphore, #tpu.memory_space<semaphore_mem>>
    %dma_start3A_14 = tpu.memref_squeeze %dma_start3A_13 : memref<1x!tpu.dma_semaphore, #tpu.memory_space<semaphore_mem>> -> memref<!tpu.dma_semaphore, #tpu.memory_space<semaphore_mem>>
    tpu.enqueue_indirect_dma source(%dma_start3A_12 : memref<50368x768xf32, #tpu.memory_space<hbm>>) target(%dma_start3A_8 : memref<32x768xf32, #tpu.memory_space<vmem>>) offsets(%dma_start3A_9 : memref<32xi32, #tpu.memory_space<vmem>>) semaphore(%dma_start3A_14 : memref<!tpu.dma_semaphore, #tpu.memory_space<semaphore_mem>>)
    %multiple_of3A_15 = arith.constant 32 : i32
    %multiple_of3A_16 = tpu.assume_multiple %multiple_of3A_15, 32 : i32
    %multiple_of3A_17 = arith.constant 32 : i32
    %multiple_of3A_18 = tpu.assume_multiple %multiple_of3A_17, 32 : i32
    %dma_start3A_19 = arith.constant 1 : i32
    %dma_start3A_20 = arith.constant 0 : i32
    %dma_start3A_21 = tpu.memref_slice %arg7[%multiple_of3A_18, %dma_start3A_20] : memref<128x768xf32, #tpu.memory_space<vmem>> -> memref<32x768xf32, #tpu.memory_space<vmem>>
    %dma_start3A_22 = tpu.memref_slice %arg6[%multiple_of3A_16] : memref<1024xi32, #tpu.memory_space<vmem>> -> memref<32xi32, #tpu.memory_space<vmem>>
    %dma_start3A_23 = arith.constant 0 : i32
    %dma_start3A_24 = arith.constant 0 : i32
    %dma_start3A_25 = tpu.memref_slice %arg3[%dma_start3A_23, %dma_start3A_24] : memref<50368x768xf32, #tpu.memory_space<hbm>> -> memref<50368x768xf32, #tpu.memory_space<hbm>>
    %dma_start3A_26 = tpu.memref_slice %arg11[%dma_start3A_19] : memref<4x!tpu.dma_semaphore, #tpu.memory_space<semaphore_mem>> -> memref<1x!tpu.dma_semaphore, #tpu.memory_space<semaphore_mem>>
    %dma_start3A_27 = tpu.memref_squeeze %dma_start3A_26 : memref<1x!tpu.dma_semaphore, #tpu.memory_space<semaphore_mem>> -> memref<!tpu.dma_semaphore, #tpu.memory_space<semaphore_mem>>
    tpu.enqueue_indirect_dma source(%dma_start3A_25 : memref<50368x768xf32, #tpu.memory_space<hbm>>) target(%dma_start3A_21 : memref<32x768xf32, #tpu.memory_space<vmem>>) offsets(%dma_start3A_22 : memref<32xi32, #tpu.memory_space<vmem>>) semaphore(%dma_start3A_27 : memref<!tpu.dma_semaphore, #tpu.memory_space<semaphore_mem>>)
    %scan3A = arith.constant 0 : i32
    %scan3A_28 = arith.constant 0 : i32
    %scan3A_29 = arith.constant 32 : i32
    %scan3A_30 = arith.addi %scan3A_28, %scan3A_29 : i32
    %scan3A_31 = arith.constant 1 : i32
    scf.for %scan3A_62 = %scan3A_28 to %scan3A_30 step %scan3A_31  : i32 {
      %rem3A = arith.constant 4 : i32
      %rem3A_63 = arith.remsi %scan3A_62, %rem3A : i32
      %add3A_64 = arith.constant 2 : i32
      %add3A_65 = arith.addi %scan3A_62, %add3A_64 : i32
      %rem3A_66 = arith.constant 4 : i32
      %rem3A_67 = arith.remsi %add3A_65, %rem3A_66 : i32
      %ge3A = arith.constant 2 : i32
      %ge3A_68 = arith.cmpi sge, %scan3A_62, %ge3A : i32
      %convert_element_type3A = arith.extui %ge3A_68 : i1 to i32
      %cond3A = arith.constant 0 : i32
      %cond3A_69 = arith.cmpi ne, %convert_element_type3A, %cond3A : i32
      scf.if %cond3A_69 {
        %mul3A_120 = arith.constant 32 : i32
        %mul3A_121 = arith.muli %rem3A_67, %mul3A_120 : i32
        %multiple_of3A_122 = tpu.assume_multiple %mul3A_121, 32 : i32
        %dma_wait3A_123 = arith.constant 0 : i32
        %dma_wait3A_124 = tpu.memref_slice %arg7[%multiple_of3A_122, %dma_wait3A_123] : memref<128x768xf32, #tpu.memory_space<vmem>> -> memref<32x768xf32, #tpu.memory_space<vmem>>
        %dma_wait3A_125 = arith.constant 0 : i32
        %dma_wait3A_126 = arith.constant 0 : i32
        %dma_wait3A_127 = tpu.memref_slice %arg5[%dma_wait3A_125, %dma_wait3A_126] : memref<32768x768xf32, #tpu.memory_space<hbm>> -> memref<32x768xf32, #tpu.memory_space<hbm>>
        %dma_wait3A_128 = tpu.memref_slice %arg12[%rem3A_67] : memref<4x!tpu.dma_semaphore, #tpu.memory_space<semaphore_mem>> -> memref<1x!tpu.dma_semaphore, #tpu.memory_space<semaphore_mem>>
        %dma_wait3A_129 = tpu.memref_squeeze %dma_wait3A_128 : memref<1x!tpu.dma_semaphore, #tpu.memory_space<semaphore_mem>> -> memref<!tpu.dma_semaphore, #tpu.memory_space<semaphore_mem>>
        %dma_wait3A_130 = arith.constant 0 : i32
        %dma_wait3A_131 = arith.constant 0 : i32
        %dma_wait3A_132 = tpu.memref_slice %arg5[%dma_wait3A_130, %dma_wait3A_131] : memref<32768x768xf32, #tpu.memory_space<hbm>> -> memref<32x768xf32, #tpu.memory_space<hbm>>
        %dma_wait3A_133 = arith.constant 0 : i32
        %dma_wait3A_134 = tpu.memref_slice %arg7[%multiple_of3A_122, %dma_wait3A_133] : memref<128x768xf32, #tpu.memory_space<vmem>> -> memref<32x768xf32, #tpu.memory_space<vmem>>
        tpu.wait_dma2 semaphore(%dma_wait3A_129 : memref<!tpu.dma_semaphore, #tpu.memory_space<semaphore_mem>>) src(%dma_wait3A_134 : memref<32x768xf32, #tpu.memory_space<vmem>>) dst(%dma_wait3A_132 : memref<32x768xf32, #tpu.memory_space<hbm>>)
      } else {
      }
      %lt3A = arith.constant 30 : i32
      %lt3A_70 = arith.cmpi slt, %scan3A_62, %lt3A : i32
      %convert_element_type3A_71 = arith.extui %lt3A_70 : i1 to i32
      %cond3A_72 = arith.constant 0 : i32
      %cond3A_73 = arith.cmpi ne, %convert_element_type3A_71, %cond3A_72 : i32
      scf.if %cond3A_73 {
        %add3A_120 = arith.constant 2 : i32
        %add3A_121 = arith.addi %scan3A_62, %add3A_120 : i32
        %mul3A_122 = arith.constant 32 : i32
        %mul3A_123 = arith.muli %add3A_121, %mul3A_122 : i32
        %multiple_of3A_124 = tpu.assume_multiple %mul3A_123, 32 : i32
        %mul3A_125 = arith.constant 32 : i32
        %mul3A_126 = arith.muli %rem3A_67, %mul3A_125 : i32
        %multiple_of3A_127 = tpu.assume_multiple %mul3A_126, 32 : i32
        %dma_start3A_128 = arith.constant 0 : i32
        %dma_start3A_129 = tpu.memref_slice %arg7[%multiple_of3A_127, %dma_start3A_128] : memref<128x768xf32, #tpu.memory_space<vmem>> -> memref<32x768xf32, #tpu.memory_space<vmem>>
        %dma_start3A_130 = tpu.memref_slice %arg6[%multiple_of3A_124] : memref<1024xi32, #tpu.memory_space<vmem>> -> memref<32xi32, #tpu.memory_space<vmem>>
        %dma_start3A_131 = arith.constant 0 : i32
        %dma_start3A_132 = arith.constant 0 : i32
        %dma_start3A_133 = tpu.memref_slice %arg3[%dma_start3A_131, %dma_start3A_132] : memref<50368x768xf32, #tpu.memory_space<hbm>> -> memref<50368x768xf32, #tpu.memory_space<hbm>>
        %dma_start3A_134 = tpu.memref_slice %arg11[%rem3A_67] : memref<4x!tpu.dma_semaphore, #tpu.memory_space<semaphore_mem>> -> memref<1x!tpu.dma_semaphore, #tpu.memory_space<semaphore_mem>>
        %dma_start3A_135 = tpu.memref_squeeze %dma_start3A_134 : memref<1x!tpu.dma_semaphore, #tpu.memory_space<semaphore_mem>> -> memref<!tpu.dma_semaphore, #tpu.memory_space<semaphore_mem>>
        tpu.enqueue_indirect_dma source(%dma_start3A_133 : memref<50368x768xf32, #tpu.memory_space<hbm>>) target(%dma_start3A_129 : memref<32x768xf32, #tpu.memory_space<vmem>>) offsets(%dma_start3A_130 : memref<32xi32, #tpu.memory_space<vmem>>) semaphore(%dma_start3A_135 : memref<!tpu.dma_semaphore, #tpu.memory_space<semaphore_mem>>)
      } else {
      }
      %mul3A_74 = arith.constant 32 : i32
      %mul3A_75 = arith.muli %rem3A_63, %mul3A_74 : i32
      %multiple_of3A_76 = tpu.assume_multiple %mul3A_75, 32 : i32
      %dma_wait3A_77 = arith.constant 0 : i32
      %dma_wait3A_78 = tpu.memref_slice %arg7[%multiple_of3A_76, %dma_wait3A_77] : memref<128x768xf32, #tpu.memory_space<vmem>> -> memref<32x768xf32, #tpu.memory_space<vmem>>
      %dma_wait3A_79 = arith.constant 0 : i32
      %dma_wait3A_80 = arith.constant 0 : i32
      %dma_wait3A_81 = tpu.memref_slice %arg3[%dma_wait3A_79, %dma_wait3A_80] : memref<50368x768xf32, #tpu.memory_space<hbm>> -> memref<32x768xf32, #tpu.memory_space<hbm>>
      %dma_wait3A_82 = tpu.memref_slice %arg11[%rem3A_63] : memref<4x!tpu.dma_semaphore, #tpu.memory_space<semaphore_mem>> -> memref<1x!tpu.dma_semaphore, #tpu.memory_space<semaphore_mem>>
      %dma_wait3A_83 = tpu.memref_squeeze %dma_wait3A_82 : memref<1x!tpu.dma_semaphore, #tpu.memory_space<semaphore_mem>> -> memref<!tpu.dma_semaphore, #tpu.memory_space<semaphore_mem>>
      %dma_wait3A_84 = arith.constant 0 : i32
      %dma_wait3A_85 = tpu.memref_slice %arg7[%multiple_of3A_76, %dma_wait3A_84] : memref<128x768xf32, #tpu.memory_space<vmem>> -> memref<32x768xf32, #tpu.memory_space<vmem>>
      %dma_wait3A_86 = arith.constant 0 : i32
      %dma_wait3A_87 = arith.constant 0 : i32
      %dma_wait3A_88 = tpu.memref_slice %arg3[%dma_wait3A_86, %dma_wait3A_87] : memref<50368x768xf32, #tpu.memory_space<hbm>> -> memref<32x768xf32, #tpu.memory_space<hbm>>
      tpu.wait_dma2 semaphore(%dma_wait3A_83 : memref<!tpu.dma_semaphore, #tpu.memory_space<semaphore_mem>>) src(%dma_wait3A_88 : memref<32x768xf32, #tpu.memory_space<hbm>>) dst(%dma_wait3A_85 : memref<32x768xf32, #tpu.memory_space<vmem>>)
      %mul3A_89 = arith.constant 32 : i32
      %mul3A_90 = arith.muli %rem3A_63, %mul3A_89 : i32
      %multiple_of3A_91 = tpu.assume_multiple %mul3A_90, 32 : i32
      %mul3A_92 = arith.constant 32 : i32
      %mul3A_93 = arith.muli %rem3A_63, %mul3A_92 : i32
      %multiple_of3A_94 = tpu.assume_multiple %mul3A_93, 32 : i32
      %parallel_loop3A = arith.constant 0 : i32
      %parallel_loop3A_95 = arith.constant 32 : i32
      %parallel_loop3A_96 = arith.constant 1 : i32
      scf.for %parallel_loop3A_120 = %parallel_loop3A to %parallel_loop3A_95 step %parallel_loop3A_96  : i32 {
        %parallel_loop3A_121 = arith.constant 0.000000e+00 : f32
        %parallel_loop3A_122 = vector.broadcast %parallel_loop3A_121 : f32 to vector<16xf32>
        %parallel_loop3A_123 = arith.constant 0.000000e+00 : f32
        %parallel_loop3A_124 = vector.broadcast %parallel_loop3A_123 : f32 to vector<16xf32>
        %parallel_loop3A_125 = arith.constant 0 : i32
        %parallel_loop3A_126 = tpu.memref_slice %arg7[%multiple_of3A_91, %parallel_loop3A_125] : memref<128x768xf32, #tpu.memory_space<vmem>> -> memref<32x768xf32, #tpu.memory_space<vmem>>
        %parallel_loop3A_127 = arith.index_cast %parallel_loop3A_120 : i32 to index
        %parallel_loop3A_128 = arith.constant 0 : index
        %parallel_loop3A_129 = tpu.vector_load %parallel_loop3A_126[%parallel_loop3A_127, %parallel_loop3A_128] {strides = array<i32>} : memref<32x768xf32, #tpu.memory_space<vmem>>, vector<16xf32>,
        %parallel_loop3A_130 = arith.addf %parallel_loop3A_122, %parallel_loop3A_129 : vector<16xf32>
        %parallel_loop3A_131 = arith.mulf %parallel_loop3A_129, %parallel_loop3A_129 : vector<16xf32>
        %parallel_loop3A_132 = arith.addf %parallel_loop3A_124, %parallel_loop3A_131 : vector<16xf32>
        %parallel_loop3A_133 = arith.constant 0 : i32
        %parallel_loop3A_134 = tpu.memref_slice %arg7[%multiple_of3A_91, %parallel_loop3A_133] : memref<128x768xf32, #tpu.memory_space<vmem>> -> memref<32x768xf32, #tpu.memory_space<vmem>>
        %parallel_loop3A_135 = arith.index_cast %parallel_loop3A_120 : i32 to index
        %parallel_loop3A_136 = arith.constant 16 : index
        %parallel_loop3A_137 = tpu.vector_load %parallel_loop3A_134[%parallel_loop3A_135, %parallel_loop3A_136] {strides = array<i32>} : memref<32x768xf32, #tpu.memory_space<vmem>>, vector<16xf32>,
        %parallel_loop3A_138 = arith.addf %parallel_loop3A_130, %parallel_loop3A_137 : vector<16xf32>
        %parallel_loop3A_139 = arith.mulf %parallel_loop3A_137, %parallel_loop3A_137 : vector<16xf32>
        %parallel_loop3A_140 = arith.addf %parallel_loop3A_132, %parallel_loop3A_139 : vector<16xf32>
        %parallel_loop3A_141 = arith.constant 0 : i32
        %parallel_loop3A_142 = tpu.memref_slice %arg7[%multiple_of3A_91, %parallel_loop3A_141] : memref<128x768xf32, #tpu.memory_space<vmem>> -> memref<32x768xf32, #tpu.memory_space<vmem>>
        %parallel_loop3A_143 = arith.index_cast %parallel_loop3A_120 : i32 to index
        %parallel_loop3A_144 = arith.constant 32 : index
        %parallel_loop3A_145 = tpu.vector_load %parallel_loop3A_142[%parallel_loop3A_143, %parallel_loop3A_144] {strides = array<i32>} : memref<32x768xf32, #tpu.memory_space<vmem>>, vector<16xf32>,
        %parallel_loop3A_146 = arith.addf %parallel_loop3A_138, %parallel_loop3A_145 : vector<16xf32>
        %parallel_loop3A_147 = arith.mulf %parallel_loop3A_145, %parallel_loop3A_145 : vector<16xf32>
        %parallel_loop3A_148 = arith.addf %parallel_loop3A_140, %parallel_loop3A_147 : vector<16xf32>
        %parallel_loop3A_149 = arith.constant 0 : i32
        %parallel_loop3A_150 = tpu.memref_slice %arg7[%multiple_of3A_91, %parallel_loop3A_149] : memref<128x768xf32, #tpu.memory_space<vmem>> -> memref<32x768xf32, #tpu.memory_space<vmem>>
        %parallel_loop3A_151 = arith.index_cast %parallel_loop3A_120 : i32 to index
        %parallel_loop3A_152 = arith.constant 48 : index
        %parallel_loop3A_153 = tpu.vector_load %parallel_loop3A_150[%parallel_loop3A_151, %parallel_loop3A_152] {strides = array<i32>} : memref<32x768xf32, #tpu.memory_space<vmem>>, vector<16xf32>,
        %parallel_loop3A_154 = arith.addf %parallel_loop3A_146, %parallel_loop3A_153 : vector<16xf32>
        %parallel_loop3A_155 = arith.mulf %parallel_loop3A_153, %parallel_loop3A_153 : vector<16xf32>
        %parallel_loop3A_156 = arith.addf %parallel_loop3A_148, %parallel_loop3A_155 : vector<16xf32>
        %parallel_loop3A_157 = arith.constant 0 : i32
        %parallel_loop3A_158 = tpu.memref_slice %arg7[%multiple_of3A_91, %parallel_loop3A_157] : memref<128x768xf32, #tpu.memory_space<vmem>> -> memref<32x768xf32, #tpu.memory_space<vmem>>
        %parallel_loop3A_159 = arith.index_cast %parallel_loop3A_120 : i32 to index
        %parallel_loop3A_160 = arith.constant 64 : index
        %parallel_loop3A_161 = tpu.vector_load %parallel_loop3A_158[%parallel_loop3A_159, %parallel_loop3A_160] {strides = array<i32>} : memref<32x768xf32, #tpu.memory_space<vmem>>, vector<16xf32>,
        %parallel_loop3A_162 = arith.addf %parallel_loop3A_154, %parallel_loop3A_161 : vector<16xf32>
        %parallel_loop3A_163 = arith.mulf %parallel_loop3A_161, %parallel_loop3A_161 : vector<16xf32>
        %parallel_loop3A_164 = arith.addf %parallel_loop3A_156, %parallel_loop3A_163 : vector<16xf32>
        %parallel_loop3A_165 = arith.constant 0 : i32
        %parallel_loop3A_166 = tpu.memref_slice %arg7[%multiple_of3A_91, %parallel_loop3A_165] : memref<128x768xf32, #tpu.memory_space<vmem>> -> memref<32x768xf32, #tpu.memory_space<vmem>>
        %parallel_loop3A_167 = arith.index_cast %parallel_loop3A_120 : i32 to index
        %parallel_loop3A_168 = arith.constant 80 : index
        %parallel_loop3A_169 = tpu.vector_load %parallel_loop3A_166[%parallel_loop3A_167, %parallel_loop3A_168] {strides = array<i32>} : memref<32x768xf32, #tpu.memory_space<vmem>>, vector<16xf32>,
        %parallel_loop3A_170 = arith.addf %parallel_loop3A_162, %parallel_loop3A_169 : vector<16xf32>
        %parallel_loop3A_171 = arith.mulf %parallel_loop3A_169, %parallel_loop3A_169 : vector<16xf32>
        %parallel_loop3A_172 = arith.addf %parallel_loop3A_164, %parallel_loop3A_171 : vector<16xf32>
        %parallel_loop3A_173 = arith.constant 0 : i32
        %parallel_loop3A_174 = tpu.memref_slice %arg7[%multiple_of3A_91, %parallel_loop3A_173] : memref<128x768xf32, #tpu.memory_space<vmem>> -> memref<32x768xf32, #tpu.memory_space<vmem>>
        %parallel_loop3A_175 = arith.index_cast %parallel_loop3A_120 : i32 to index
        %parallel_loop3A_176 = arith.constant 96 : index
        %parallel_loop3A_177 = tpu.vector_load %parallel_loop3A_174[%parallel_loop3A_175, %parallel_loop3A_176] {strides = array<i32>} : memref<32x768xf32, #tpu.memory_space<vmem>>, vector<16xf32>,
        %parallel_loop3A_178 = arith.addf %parallel_loop3A_170, %parallel_loop3A_177 : vector<16xf32>
        %parallel_loop3A_179 = arith.mulf %parallel_loop3A_177, %parallel_loop3A_177 : vector<16xf32>
        %parallel_loop3A_180 = arith.addf %parallel_loop3A_172, %parallel_loop3A_179 : vector<16xf32>
        %parallel_loop3A_181 = arith.constant 0 : i32
        %parallel_loop3A_182 = tpu.memref_slice %arg7[%multiple_of3A_91, %parallel_loop3A_181] : memref<128x768xf32, #tpu.memory_space<vmem>> -> memref<32x768xf32, #tpu.memory_space<vmem>>
        %parallel_loop3A_183 = arith.index_cast %parallel_loop3A_120 : i32 to index
        %parallel_loop3A_184 = arith.constant 112 : index
        %parallel_loop3A_185 = tpu.vector_load %parallel_loop3A_182[%parallel_loop3A_183, %parallel_loop3A_184] {strides = array<i32>} : memref<32x768xf32, #tpu.memory_space<vmem>>, vector<16xf32>,
        %parallel_loop3A_186 = arith.addf %parallel_loop3A_178, %parallel_loop3A_185 : vector<16xf32>
        %parallel_loop3A_187 = arith.mulf %parallel_loop3A_185, %parallel_loop3A_185 : vector<16xf32>
        %parallel_loop3A_188 = arith.addf %parallel_loop3A_180, %parallel_loop3A_187 : vector<16xf32>
        %parallel_loop3A_189 = arith.constant 0 : i32
        %parallel_loop3A_190 = tpu.memref_slice %arg7[%multiple_of3A_91, %parallel_loop3A_189] : memref<128x768xf32, #tpu.memory_space<vmem>> -> memref<32x768xf32, #tpu.memory_space<vmem>>
        %parallel_loop3A_191 = arith.index_cast %parallel_loop3A_120 : i32 to index
        %parallel_loop3A_192 = arith.constant 128 : index
        %parallel_loop3A_193 = tpu.vector_load %parallel_loop3A_190[%parallel_loop3A_191, %parallel_loop3A_192] {strides = array<i32>} : memref<32x768xf32, #tpu.memory_space<vmem>>, vector<16xf32>,
        %parallel_loop3A_194 = arith.addf %parallel_loop3A_186, %parallel_loop3A_193 : vector<16xf32>
        %parallel_loop3A_195 = arith.mulf %parallel_loop3A_193, %parallel_loop3A_193 : vector<16xf32>
        %parallel_loop3A_196 = arith.addf %parallel_loop3A_188, %parallel_loop3A_195 : vector<16xf32>
        %parallel_loop3A_197 = arith.constant 0 : i32
        %parallel_loop3A_198 = tpu.memref_slice %arg7[%multiple_of3A_91, %parallel_loop3A_197] : memref<128x768xf32, #tpu.memory_space<vmem>> -> memref<32x768xf32, #tpu.memory_space<vmem>>
        %parallel_loop3A_199 = arith.index_cast %parallel_loop3A_120 : i32 to index
        %parallel_loop3A_200 = arith.constant 144 : index
        %parallel_loop3A_201 = tpu.vector_load %parallel_loop3A_198[%parallel_loop3A_199, %parallel_loop3A_200] {strides = array<i32>} : memref<32x768xf32, #tpu.memory_space<vmem>>, vector<16xf32>,
        %parallel_loop3A_202 = arith.addf %parallel_loop3A_194, %parallel_loop3A_201 : vector<16xf32>
        %parallel_loop3A_203 = arith.mulf %parallel_loop3A_201, %parallel_loop3A_201 : vector<16xf32>
        %parallel_loop3A_204 = arith.addf %parallel_loop3A_196, %parallel_loop3A_203 : vector<16xf32>
        %parallel_loop3A_205 = arith.constant 0 : i32
        %parallel_loop3A_206 = tpu.memref_slice %arg7[%multiple_of3A_91, %parallel_loop3A_205] : memref<128x768xf32, #tpu.memory_space<vmem>> -> memref<32x768xf32, #tpu.memory_space<vmem>>
        %parallel_loop3A_207 = arith.index_cast %parallel_loop3A_120 : i32 to index
        %parallel_loop3A_208 = arith.constant 160 : index
        %parallel_loop3A_209 = tpu.vector_load %parallel_loop3A_206[%parallel_loop3A_207, %parallel_loop3A_208] {strides = array<i32>} : memref<32x768xf32, #tpu.memory_space<vmem>>, vector<16xf32>,
        %parallel_loop3A_210 = arith.addf %parallel_loop3A_202, %parallel_loop3A_209 : vector<16xf32>
        %parallel_loop3A_211 = arith.mulf %parallel_loop3A_209, %parallel_loop3A_209 : vector<16xf32>
        %parallel_loop3A_212 = arith.addf %parallel_loop3A_204, %parallel_loop3A_211 : vector<16xf32>
        %parallel_loop3A_213 = arith.constant 0 : i32
        %parallel_loop3A_214 = tpu.memref_slice %arg7[%multiple_of3A_91, %parallel_loop3A_213] : memref<128x768xf32, #tpu.memory_space<vmem>> -> memref<32x768xf32, #tpu.memory_space<vmem>>
        %parallel_loop3A_215 = arith.index_cast %parallel_loop3A_120 : i32 to index
        %parallel_loop3A_216 = arith.constant 176 : index
        %parallel_loop3A_217 = tpu.vector_load %parallel_loop3A_214[%parallel_loop3A_215, %parallel_loop3A_216] {strides = array<i32>} : memref<32x768xf32, #tpu.memory_space<vmem>>, vector<16xf32>,
        %parallel_loop3A_218 = arith.addf %parallel_loop3A_210, %parallel_loop3A_217 : vector<16xf32>
        %parallel_loop3A_219 = arith.mulf %parallel_loop3A_217, %parallel_loop3A_217 : vector<16xf32>
        %parallel_loop3A_220 = arith.addf %parallel_loop3A_212, %parallel_loop3A_219 : vector<16xf32>
        %parallel_loop3A_221 = arith.constant 0 : i32
        %parallel_loop3A_222 = tpu.memref_slice %arg7[%multiple_of3A_91, %parallel_loop3A_221] : memref<128x768xf32, #tpu.memory_space<vmem>> -> memref<32x768xf32, #tpu.memory_space<vmem>>
        %parallel_loop3A_223 = arith.index_cast %parallel_loop3A_120 : i32 to index
        %parallel_loop3A_224 = arith.constant 192 : index
        %parallel_loop3A_225 = tpu.vector_load %parallel_loop3A_222[%parallel_loop3A_223, %parallel_loop3A_224] {strides = array<i32>} : memref<32x768xf32, #tpu.memory_space<vmem>>, vector<16xf32>,
        %parallel_loop3A_226 = arith.addf %parallel_loop3A_218, %parallel_loop3A_225 : vector<16xf32>
        %parallel_loop3A_227 = arith.mulf %parallel_loop3A_225, %parallel_loop3A_225 : vector<16xf32>
        %parallel_loop3A_228 = arith.addf %parallel_loop3A_220, %parallel_loop3A_227 : vector<16xf32>
        %parallel_loop3A_229 = arith.constant 0 : i32
        %parallel_loop3A_230 = tpu.memref_slice %arg7[%multiple_of3A_91, %parallel_loop3A_229] : memref<128x768xf32, #tpu.memory_space<vmem>> -> memref<32x768xf32, #tpu.memory_space<vmem>>
        %parallel_loop3A_231 = arith.index_cast %parallel_loop3A_120 : i32 to index
        %parallel_loop3A_232 = arith.constant 208 : index
        %parallel_loop3A_233 = tpu.vector_load %parallel_loop3A_230[%parallel_loop3A_231, %parallel_loop3A_232] {strides = array<i32>} : memref<32x768xf32, #tpu.memory_space<vmem>>, vector<16xf32>,
        %parallel_loop3A_234 = arith.addf %parallel_loop3A_226, %parallel_loop3A_233 : vector<16xf32>
        %parallel_loop3A_235 = arith.mulf %parallel_loop3A_233, %parallel_loop3A_233 : vector<16xf32>
        %parallel_loop3A_236 = arith.addf %parallel_loop3A_228, %parallel_loop3A_235 : vector<16xf32>
        %parallel_loop3A_237 = arith.constant 0 : i32
        %parallel_loop3A_238 = tpu.memref_slice %arg7[%multiple_of3A_91, %parallel_loop3A_237] : memref<128x768xf32, #tpu.memory_space<vmem>> -> memref<32x768xf32, #tpu.memory_space<vmem>>
        %parallel_loop3A_239 = arith.index_cast %parallel_loop3A_120 : i32 to index
        %parallel_loop3A_240 = arith.constant 224 : index
        %parallel_loop3A_241 = tpu.vector_load %parallel_loop3A_238[%parallel_loop3A_239, %parallel_loop3A_240] {strides = array<i32>} : memref<32x768xf32, #tpu.memory_space<vmem>>, vector<16xf32>,
        %parallel_loop3A_242 = arith.addf %parallel_loop3A_234, %parallel_loop3A_241 : vector<16xf32>
        %parallel_loop3A_243 = arith.mulf %parallel_loop3A_241, %parallel_loop3A_241 : vector<16xf32>
        %parallel_loop3A_244 = arith.addf %parallel_loop3A_236, %parallel_loop3A_243 : vector<16xf32>
        %parallel_loop3A_245 = arith.constant 0 : i32
        %parallel_loop3A_246 = tpu.memref_slice %arg7[%multiple_of3A_91, %parallel_loop3A_245] : memref<128x768xf32, #tpu.memory_space<vmem>> -> memref<32x768xf32, #tpu.memory_space<vmem>>
        %parallel_loop3A_247 = arith.index_cast %parallel_loop3A_120 : i32 to index
        %parallel_loop3A_248 = arith.constant 240 : index
        %parallel_loop3A_249 = tpu.vector_load %parallel_loop3A_246[%parallel_loop3A_247, %parallel_loop3A_248] {strides = array<i32>} : memref<32x768xf32, #tpu.memory_space<vmem>>, vector<16xf32>,
        %parallel_loop3A_250 = arith.addf %parallel_loop3A_242, %parallel_loop3A_249 : vector<16xf32>
        %parallel_loop3A_251 = arith.mulf %parallel_loop3A_249, %parallel_loop3A_249 : vector<16xf32>
        %parallel_loop3A_252 = arith.addf %parallel_loop3A_244, %parallel_loop3A_251 : vector<16xf32>
        %parallel_loop3A_253 = arith.constant 0 : i32
        %parallel_loop3A_254 = tpu.memref_slice %arg7[%multiple_of3A_91, %parallel_loop3A_253] : memref<128x768xf32, #tpu.memory_space<vmem>> -> memref<32x768xf32, #tpu.memory_space<vmem>>
        %parallel_loop3A_255 = arith.index_cast %parallel_loop3A_120 : i32 to index
        %parallel_loop3A_256 = arith.constant 256 : index
        %parallel_loop3A_257 = tpu.vector_load %parallel_loop3A_254[%parallel_loop3A_255, %parallel_loop3A_256] {strides = array<i32>} : memref<32x768xf32, #tpu.memory_space<vmem>>, vector<16xf32>,
        %parallel_loop3A_258 = arith.addf %parallel_loop3A_250, %parallel_loop3A_257 : vector<16xf32>
        %parallel_loop3A_259 = arith.mulf %parallel_loop3A_257, %parallel_loop3A_257 : vector<16xf32>
        %parallel_loop3A_260 = arith.addf %parallel_loop3A_252, %parallel_loop3A_259 : vector<16xf32>
        %parallel_loop3A_261 = arith.constant 0 : i32
        %parallel_loop3A_262 = tpu.memref_slice %arg7[%multiple_of3A_91, %parallel_loop3A_261] : memref<128x768xf32, #tpu.memory_space<vmem>> -> memref<32x768xf32, #tpu.memory_space<vmem>>
        %parallel_loop3A_263 = arith.index_cast %parallel_loop3A_120 : i32 to index
        %parallel_loop3A_264 = arith.constant 272 : index
        %parallel_loop3A_265 = tpu.vector_load %parallel_loop3A_262[%parallel_loop3A_263, %parallel_loop3A_264] {strides = array<i32>} : memref<32x768xf32, #tpu.memory_space<vmem>>, vector<16xf32>,
        %parallel_loop3A_266 = arith.addf %parallel_loop3A_258, %parallel_loop3A_265 : vector<16xf32>
        %parallel_loop3A_267 = arith.mulf %parallel_loop3A_265, %parallel_loop3A_265 : vector<16xf32>
        %parallel_loop3A_268 = arith.addf %parallel_loop3A_260, %parallel_loop3A_267 : vector<16xf32>
        %parallel_loop3A_269 = arith.constant 0 : i32
        %parallel_loop3A_270 = tpu.memref_slice %arg7[%multiple_of3A_91, %parallel_loop3A_269] : memref<128x768xf32, #tpu.memory_space<vmem>> -> memref<32x768xf32, #tpu.memory_space<vmem>>
        %parallel_loop3A_271 = arith.index_cast %parallel_loop3A_120 : i32 to index
        %parallel_loop3A_272 = arith.constant 288 : index
        %parallel_loop3A_273 = tpu.vector_load %parallel_loop3A_270[%parallel_loop3A_271, %parallel_loop3A_272] {strides = array<i32>} : memref<32x768xf32, #tpu.memory_space<vmem>>, vector<16xf32>,
        %parallel_loop3A_274 = arith.addf %parallel_loop3A_266, %parallel_loop3A_273 : vector<16xf32>
        %parallel_loop3A_275 = arith.mulf %parallel_loop3A_273, %parallel_loop3A_273 : vector<16xf32>
        %parallel_loop3A_276 = arith.addf %parallel_loop3A_268, %parallel_loop3A_275 : vector<16xf32>
        %parallel_loop3A_277 = arith.constant 0 : i32
        %parallel_loop3A_278 = tpu.memref_slice %arg7[%multiple_of3A_91, %parallel_loop3A_277] : memref<128x768xf32, #tpu.memory_space<vmem>> -> memref<32x768xf32, #tpu.memory_space<vmem>>
        %parallel_loop3A_279 = arith.index_cast %parallel_loop3A_120 : i32 to index
        %parallel_loop3A_280 = arith.constant 304 : index
        %parallel_loop3A_281 = tpu.vector_load %parallel_loop3A_278[%parallel_loop3A_279, %parallel_loop3A_280] {strides = array<i32>} : memref<32x768xf32, #tpu.memory_space<vmem>>, vector<16xf32>,
        %parallel_loop3A_282 = arith.addf %parallel_loop3A_274, %parallel_loop3A_281 : vector<16xf32>
        %parallel_loop3A_283 = arith.mulf %parallel_loop3A_281, %parallel_loop3A_281 : vector<16xf32>
        %parallel_loop3A_284 = arith.addf %parallel_loop3A_276, %parallel_loop3A_283 : vector<16xf32>
        %parallel_loop3A_285 = arith.constant 0 : i32
        %parallel_loop3A_286 = tpu.memref_slice %arg7[%multiple_of3A_91, %parallel_loop3A_285] : memref<128x768xf32, #tpu.memory_space<vmem>> -> memref<32x768xf32, #tpu.memory_space<vmem>>
        %parallel_loop3A_287 = arith.index_cast %parallel_loop3A_120 : i32 to index
        %parallel_loop3A_288 = arith.constant 320 : index
        %parallel_loop3A_289 = tpu.vector_load %parallel_loop3A_286[%parallel_loop3A_287, %parallel_loop3A_288] {strides = array<i32>} : memref<32x768xf32, #tpu.memory_space<vmem>>, vector<16xf32>,
        %parallel_loop3A_290 = arith.addf %parallel_loop3A_282, %parallel_loop3A_289 : vector<16xf32>
        %parallel_loop3A_291 = arith.mulf %parallel_loop3A_289, %parallel_loop3A_289 : vector<16xf32>
        %parallel_loop3A_292 = arith.addf %parallel_loop3A_284, %parallel_loop3A_291 : vector<16xf32>
        %parallel_loop3A_293 = arith.constant 0 : i32
        %parallel_loop3A_294 = tpu.memref_slice %arg7[%multiple_of3A_91, %parallel_loop3A_293] : memref<128x768xf32, #tpu.memory_space<vmem>> -> memref<32x768xf32, #tpu.memory_space<vmem>>
        %parallel_loop3A_295 = arith.index_cast %parallel_loop3A_120 : i32 to index
        %parallel_loop3A_296 = arith.constant 336 : index
        %parallel_loop3A_297 = tpu.vector_load %parallel_loop3A_294[%parallel_loop3A_295, %parallel_loop3A_296] {strides = array<i32>} : memref<32x768xf32, #tpu.memory_space<vmem>>, vector<16xf32>,
        %parallel_loop3A_298 = arith.addf %parallel_loop3A_290, %parallel_loop3A_297 : vector<16xf32>
        %parallel_loop3A_299 = arith.mulf %parallel_loop3A_297, %parallel_loop3A_297 : vector<16xf32>
        %parallel_loop3A_300 = arith.addf %parallel_loop3A_292, %parallel_loop3A_299 : vector<16xf32>
        %parallel_loop3A_301 = arith.constant 0 : i32
        %parallel_loop3A_302 = tpu.memref_slice %arg7[%multiple_of3A_91, %parallel_loop3A_301] : memref<128x768xf32, #tpu.memory_space<vmem>> -> memref<32x768xf32, #tpu.memory_space<vmem>>
        %parallel_loop3A_303 = arith.index_cast %parallel_loop3A_120 : i32 to index
        %parallel_loop3A_304 = arith.constant 352 : index
        %parallel_loop3A_305 = tpu.vector_load %parallel_loop3A_302[%parallel_loop3A_303, %parallel_loop3A_304] {strides = array<i32>} : memref<32x768xf32, #tpu.memory_space<vmem>>, vector<16xf32>,
        %parallel_loop3A_306 = arith.addf %parallel_loop3A_298, %parallel_loop3A_305 : vector<16xf32>
        %parallel_loop3A_307 = arith.mulf %parallel_loop3A_305, %parallel_loop3A_305 : vector<16xf32>
        %parallel_loop3A_308 = arith.addf %parallel_loop3A_300, %parallel_loop3A_307 : vector<16xf32>
        %parallel_loop3A_309 = arith.constant 0 : i32
        %parallel_loop3A_310 = tpu.memref_slice %arg7[%multiple_of3A_91, %parallel_loop3A_309] : memref<128x768xf32, #tpu.memory_space<vmem>> -> memref<32x768xf32, #tpu.memory_space<vmem>>
        %parallel_loop3A_311 = arith.index_cast %parallel_loop3A_120 : i32 to index
        %parallel_loop3A_312 = arith.constant 368 : index
        %parallel_loop3A_313 = tpu.vector_load %parallel_loop3A_310[%parallel_loop3A_311, %parallel_loop3A_312] {strides = array<i32>} : memref<32x768xf32, #tpu.memory_space<vmem>>, vector<16xf32>,
        %parallel_loop3A_314 = arith.addf %parallel_loop3A_306, %parallel_loop3A_313 : vector<16xf32>
        %parallel_loop3A_315 = arith.mulf %parallel_loop3A_313, %parallel_loop3A_313 : vector<16xf32>
        %parallel_loop3A_316 = arith.addf %parallel_loop3A_308, %parallel_loop3A_315 : vector<16xf32>
        %parallel_loop3A_317 = arith.constant 0 : i32
        %parallel_loop3A_318 = tpu.memref_slice %arg7[%multiple_of3A_91, %parallel_loop3A_317] : memref<128x768xf32, #tpu.memory_space<vmem>> -> memref<32x768xf32, #tpu.memory_space<vmem>>
        %parallel_loop3A_319 = arith.index_cast %parallel_loop3A_120 : i32 to index
        %parallel_loop3A_320 = arith.constant 384 : index
        %parallel_loop3A_321 = tpu.vector_load %parallel_loop3A_318[%parallel_loop3A_319, %parallel_loop3A_320] {strides = array<i32>} : memref<32x768xf32, #tpu.memory_space<vmem>>, vector<16xf32>,
        %parallel_loop3A_322 = arith.addf %parallel_loop3A_314, %parallel_loop3A_321 : vector<16xf32>
        %parallel_loop3A_323 = arith.mulf %parallel_loop3A_321, %parallel_loop3A_321 : vector<16xf32>
        %parallel_loop3A_324 = arith.addf %parallel_loop3A_316, %parallel_loop3A_323 : vector<16xf32>
        %parallel_loop3A_325 = arith.constant 0 : i32
        %parallel_loop3A_326 = tpu.memref_slice %arg7[%multiple_of3A_91, %parallel_loop3A_325] : memref<128x768xf32, #tpu.memory_space<vmem>> -> memref<32x768xf32, #tpu.memory_space<vmem>>
        %parallel_loop3A_327 = arith.index_cast %parallel_loop3A_120 : i32 to index
        %parallel_loop3A_328 = arith.constant 400 : index
        %parallel_loop3A_329 = tpu.vector_load %parallel_loop3A_326[%parallel_loop3A_327, %parallel_loop3A_328] {strides = array<i32>} : memref<32x768xf32, #tpu.memory_space<vmem>>, vector<16xf32>,
        %parallel_loop3A_330 = arith.addf %parallel_loop3A_322, %parallel_loop3A_329 : vector<16xf32>
        %parallel_loop3A_331 = arith.mulf %parallel_loop3A_329, %parallel_loop3A_329 : vector<16xf32>
        %parallel_loop3A_332 = arith.addf %parallel_loop3A_324, %parallel_loop3A_331 : vector<16xf32>
        %parallel_loop3A_333 = arith.constant 0 : i32
        %parallel_loop3A_334 = tpu.memref_slice %arg7[%multiple_of3A_91, %parallel_loop3A_333] : memref<128x768xf32, #tpu.memory_space<vmem>> -> memref<32x768xf32, #tpu.memory_space<vmem>>
        %parallel_loop3A_335 = arith.index_cast %parallel_loop3A_120 : i32 to index
        %parallel_loop3A_336 = arith.constant 416 : index
        %parallel_loop3A_337 = tpu.vector_load %parallel_loop3A_334[%parallel_loop3A_335, %parallel_loop3A_336] {strides = array<i32>} : memref<32x768xf32, #tpu.memory_space<vmem>>, vector<16xf32>,
        %parallel_loop3A_338 = arith.addf %parallel_loop3A_330, %parallel_loop3A_337 : vector<16xf32>
        %parallel_loop3A_339 = arith.mulf %parallel_loop3A_337, %parallel_loop3A_337 : vector<16xf32>
        %parallel_loop3A_340 = arith.addf %parallel_loop3A_332, %parallel_loop3A_339 : vector<16xf32>
        %parallel_loop3A_341 = arith.constant 0 : i32
        %parallel_loop3A_342 = tpu.memref_slice %arg7[%multiple_of3A_91, %parallel_loop3A_341] : memref<128x768xf32, #tpu.memory_space<vmem>> -> memref<32x768xf32, #tpu.memory_space<vmem>>
        %parallel_loop3A_343 = arith.index_cast %parallel_loop3A_120 : i32 to index
        %parallel_loop3A_344 = arith.constant 432 : index
        %parallel_loop3A_345 = tpu.vector_load %parallel_loop3A_342[%parallel_loop3A_343, %parallel_loop3A_344] {strides = array<i32>} : memref<32x768xf32, #tpu.memory_space<vmem>>, vector<16xf32>,
        %parallel_loop3A_346 = arith.addf %parallel_loop3A_338, %parallel_loop3A_345 : vector<16xf32>
        %parallel_loop3A_347 = arith.mulf %parallel_loop3A_345, %parallel_loop3A_345 : vector<16xf32>
        %parallel_loop3A_348 = arith.addf %parallel_loop3A_340, %parallel_loop3A_347 : vector<16xf32>
        %parallel_loop3A_349 = arith.constant 0 : i32
        %parallel_loop3A_350 = tpu.memref_slice %arg7[%multiple_of3A_91, %parallel_loop3A_349] : memref<128x768xf32, #tpu.memory_space<vmem>> -> memref<32x768xf32, #tpu.memory_space<vmem>>
        %parallel_loop3A_351 = arith.index_cast %parallel_loop3A_120 : i32 to index
        %parallel_loop3A_352 = arith.constant 448 : index
        %parallel_loop3A_353 = tpu.vector_load %parallel_loop3A_350[%parallel_loop3A_351, %parallel_loop3A_352] {strides = array<i32>} : memref<32x768xf32, #tpu.memory_space<vmem>>, vector<16xf32>,
        %parallel_loop3A_354 = arith.addf %parallel_loop3A_346, %parallel_loop3A_353 : vector<16xf32>
        %parallel_loop3A_355 = arith.mulf %parallel_loop3A_353, %parallel_loop3A_353 : vector<16xf32>
        %parallel_loop3A_356 = arith.addf %parallel_loop3A_348, %parallel_loop3A_355 : vector<16xf32>
        %parallel_loop3A_357 = arith.constant 0 : i32
        %parallel_loop3A_358 = tpu.memref_slice %arg7[%multiple_of3A_91, %parallel_loop3A_357] : memref<128x768xf32, #tpu.memory_space<vmem>> -> memref<32x768xf32, #tpu.memory_space<vmem>>
        %parallel_loop3A_359 = arith.index_cast %parallel_loop3A_120 : i32 to index
        %parallel_loop3A_360 = arith.constant 464 : index
        %parallel_loop3A_361 = tpu.vector_load %parallel_loop3A_358[%parallel_loop3A_359, %parallel_loop3A_360] {strides = array<i32>} : memref<32x768xf32, #tpu.memory_space<vmem>>, vector<16xf32>,
        %parallel_loop3A_362 = arith.addf %parallel_loop3A_354, %parallel_loop3A_361 : vector<16xf32>
        %parallel_loop3A_363 = arith.mulf %parallel_loop3A_361, %parallel_loop3A_361 : vector<16xf32>
        %parallel_loop3A_364 = arith.addf %parallel_loop3A_356, %parallel_loop3A_363 : vector<16xf32>
        %parallel_loop3A_365 = arith.constant 0 : i32
        %parallel_loop3A_366 = tpu.memref_slice %arg7[%multiple_of3A_91, %parallel_loop3A_365] : memref<128x768xf32, #tpu.memory_space<vmem>> -> memref<32x768xf32, #tpu.memory_space<vmem>>
        %parallel_loop3A_367 = arith.index_cast %parallel_loop3A_120 : i32 to index
        %parallel_loop3A_368 = arith.constant 480 : index
        %parallel_loop3A_369 = tpu.vector_load %parallel_loop3A_366[%parallel_loop3A_367, %parallel_loop3A_368] {strides = array<i32>} : memref<32x768xf32, #tpu.memory_space<vmem>>, vector<16xf32>,
        %parallel_loop3A_370 = arith.addf %parallel_loop3A_362, %parallel_loop3A_369 : vector<16xf32>
        %parallel_loop3A_371 = arith.mulf %parallel_loop3A_369, %parallel_loop3A_369 : vector<16xf32>
        %parallel_loop3A_372 = arith.addf %parallel_loop3A_364, %parallel_loop3A_371 : vector<16xf32>
        %parallel_loop3A_373 = arith.constant 0 : i32
        %parallel_loop3A_374 = tpu.memref_slice %arg7[%multiple_of3A_91, %parallel_loop3A_373] : memref<128x768xf32, #tpu.memory_space<vmem>> -> memref<32x768xf32, #tpu.memory_space<vmem>>
        %parallel_loop3A_375 = arith.index_cast %parallel_loop3A_120 : i32 to index
        %parallel_loop3A_376 = arith.constant 496 : index
        %parallel_loop3A_377 = tpu.vector_load %parallel_loop3A_374[%parallel_loop3A_375, %parallel_loop3A_376] {strides = array<i32>} : memref<32x768xf32, #tpu.memory_space<vmem>>, vector<16xf32>,
        %parallel_loop3A_378 = arith.addf %parallel_loop3A_370, %parallel_loop3A_377 : vector<16xf32>
        %parallel_loop3A_379 = arith.mulf %parallel_loop3A_377, %parallel_loop3A_377 : vector<16xf32>
        %parallel_loop3A_380 = arith.addf %parallel_loop3A_372, %parallel_loop3A_379 : vector<16xf32>
        %parallel_loop3A_381 = arith.constant 0 : i32
        %parallel_loop3A_382 = tpu.memref_slice %arg7[%multiple_of3A_91, %parallel_loop3A_381] : memref<128x768xf32, #tpu.memory_space<vmem>> -> memref<32x768xf32, #tpu.memory_space<vmem>>
        %parallel_loop3A_383 = arith.index_cast %parallel_loop3A_120 : i32 to index
        %parallel_loop3A_384 = arith.constant 512 : index
        %parallel_loop3A_385 = tpu.vector_load %parallel_loop3A_382[%parallel_loop3A_383, %parallel_loop3A_384] {strides = array<i32>} : memref<32x768xf32, #tpu.memory_space<vmem>>, vector<16xf32>,
        %parallel_loop3A_386 = arith.addf %parallel_loop3A_378, %parallel_loop3A_385 : vector<16xf32>
        %parallel_loop3A_387 = arith.mulf %parallel_loop3A_385, %parallel_loop3A_385 : vector<16xf32>
        %parallel_loop3A_388 = arith.addf %parallel_loop3A_380, %parallel_loop3A_387 : vector<16xf32>
        %parallel_loop3A_389 = arith.constant 0 : i32
        %parallel_loop3A_390 = tpu.memref_slice %arg7[%multiple_of3A_91, %parallel_loop3A_389] : memref<128x768xf32, #tpu.memory_space<vmem>> -> memref<32x768xf32, #tpu.memory_space<vmem>>
        %parallel_loop3A_391 = arith.index_cast %parallel_loop3A_120 : i32 to index
        %parallel_loop3A_392 = arith.constant 528 : index
        %parallel_loop3A_393 = tpu.vector_load %parallel_loop3A_390[%parallel_loop3A_391, %parallel_loop3A_392] {strides = array<i32>} : memref<32x768xf32, #tpu.memory_space<vmem>>, vector<16xf32>,
        %parallel_loop3A_394 = arith.addf %parallel_loop3A_386, %parallel_loop3A_393 : vector<16xf32>
        %parallel_loop3A_395 = arith.mulf %parallel_loop3A_393, %parallel_loop3A_393 : vector<16xf32>
        %parallel_loop3A_396 = arith.addf %parallel_loop3A_388, %parallel_loop3A_395 : vector<16xf32>
        %parallel_loop3A_397 = arith.constant 0 : i32
        %parallel_loop3A_398 = tpu.memref_slice %arg7[%multiple_of3A_91, %parallel_loop3A_397] : memref<128x768xf32, #tpu.memory_space<vmem>> -> memref<32x768xf32, #tpu.memory_space<vmem>>
        %parallel_loop3A_399 = arith.index_cast %parallel_loop3A_120 : i32 to index
        %parallel_loop3A_400 = arith.constant 544 : index
        %parallel_loop3A_401 = tpu.vector_load %parallel_loop3A_398[%parallel_loop3A_399, %parallel_loop3A_400] {strides = array<i32>} : memref<32x768xf32, #tpu.memory_space<vmem>>, vector<16xf32>,
        %parallel_loop3A_402 = arith.addf %parallel_loop3A_394, %parallel_loop3A_401 : vector<16xf32>
        %parallel_loop3A_403 = arith.mulf %parallel_loop3A_401, %parallel_loop3A_401 : vector<16xf32>
        %parallel_loop3A_404 = arith.addf %parallel_loop3A_396, %parallel_loop3A_403 : vector<16xf32>
        %parallel_loop3A_405 = arith.constant 0 : i32
        %parallel_loop3A_406 = tpu.memref_slice %arg7[%multiple_of3A_91, %parallel_loop3A_405] : memref<128x768xf32, #tpu.memory_space<vmem>> -> memref<32x768xf32, #tpu.memory_space<vmem>>
        %parallel_loop3A_407 = arith.index_cast %parallel_loop3A_120 : i32 to index
        %parallel_loop3A_408 = arith.constant 560 : index
        %parallel_loop3A_409 = tpu.vector_load %parallel_loop3A_406[%parallel_loop3A_407, %parallel_loop3A_408] {strides = array<i32>} : memref<32x768xf32, #tpu.memory_space<vmem>>, vector<16xf32>,
        %parallel_loop3A_410 = arith.addf %parallel_loop3A_402, %parallel_loop3A_409 : vector<16xf32>
        %parallel_loop3A_411 = arith.mulf %parallel_loop3A_409, %parallel_loop3A_409 : vector<16xf32>
        %parallel_loop3A_412 = arith.addf %parallel_loop3A_404, %parallel_loop3A_411 : vector<16xf32>
        %parallel_loop3A_413 = arith.constant 0 : i32
        %parallel_loop3A_414 = tpu.memref_slice %arg7[%multiple_of3A_91, %parallel_loop3A_413] : memref<128x768xf32, #tpu.memory_space<vmem>> -> memref<32x768xf32, #tpu.memory_space<vmem>>
        %parallel_loop3A_415 = arith.index_cast %parallel_loop3A_120 : i32 to index
        %parallel_loop3A_416 = arith.constant 576 : index
        %parallel_loop3A_417 = tpu.vector_load %parallel_loop3A_414[%parallel_loop3A_415, %parallel_loop3A_416] {strides = array<i32>} : memref<32x768xf32, #tpu.memory_space<vmem>>, vector<16xf32>,
        %parallel_loop3A_418 = arith.addf %parallel_loop3A_410, %parallel_loop3A_417 : vector<16xf32>
        %parallel_loop3A_419 = arith.mulf %parallel_loop3A_417, %parallel_loop3A_417 : vector<16xf32>
        %parallel_loop3A_420 = arith.addf %parallel_loop3A_412, %parallel_loop3A_419 : vector<16xf32>
        %parallel_loop3A_421 = arith.constant 0 : i32
        %parallel_loop3A_422 = tpu.memref_slice %arg7[%multiple_of3A_91, %parallel_loop3A_421] : memref<128x768xf32, #tpu.memory_space<vmem>> -> memref<32x768xf32, #tpu.memory_space<vmem>>
        %parallel_loop3A_423 = arith.index_cast %parallel_loop3A_120 : i32 to index
        %parallel_loop3A_424 = arith.constant 592 : index
        %parallel_loop3A_425 = tpu.vector_load %parallel_loop3A_422[%parallel_loop3A_423, %parallel_loop3A_424] {strides = array<i32>} : memref<32x768xf32, #tpu.memory_space<vmem>>, vector<16xf32>,
        %parallel_loop3A_426 = arith.addf %parallel_loop3A_418, %parallel_loop3A_425 : vector<16xf32>
        %parallel_loop3A_427 = arith.mulf %parallel_loop3A_425, %parallel_loop3A_425 : vector<16xf32>
        %parallel_loop3A_428 = arith.addf %parallel_loop3A_420, %parallel_loop3A_427 : vector<16xf32>
        %parallel_loop3A_429 = arith.constant 0 : i32
        %parallel_loop3A_430 = tpu.memref_slice %arg7[%multiple_of3A_91, %parallel_loop3A_429] : memref<128x768xf32, #tpu.memory_space<vmem>> -> memref<32x768xf32, #tpu.memory_space<vmem>>
        %parallel_loop3A_431 = arith.index_cast %parallel_loop3A_120 : i32 to index
        %parallel_loop3A_432 = arith.constant 608 : index
        %parallel_loop3A_433 = tpu.vector_load %parallel_loop3A_430[%parallel_loop3A_431, %parallel_loop3A_432] {strides = array<i32>} : memref<32x768xf32, #tpu.memory_space<vmem>>, vector<16xf32>,
        %parallel_loop3A_434 = arith.addf %parallel_loop3A_426, %parallel_loop3A_433 : vector<16xf32>
        %parallel_loop3A_435 = arith.mulf %parallel_loop3A_433, %parallel_loop3A_433 : vector<16xf32>
        %parallel_loop3A_436 = arith.addf %parallel_loop3A_428, %parallel_loop3A_435 : vector<16xf32>
        %parallel_loop3A_437 = arith.constant 0 : i32
        %parallel_loop3A_438 = tpu.memref_slice %arg7[%multiple_of3A_91, %parallel_loop3A_437] : memref<128x768xf32, #tpu.memory_space<vmem>> -> memref<32x768xf32, #tpu.memory_space<vmem>>
        %parallel_loop3A_439 = arith.index_cast %parallel_loop3A_120 : i32 to index
        %parallel_loop3A_440 = arith.constant 624 : index
        %parallel_loop3A_441 = tpu.vector_load %parallel_loop3A_438[%parallel_loop3A_439, %parallel_loop3A_440] {strides = array<i32>} : memref<32x768xf32, #tpu.memory_space<vmem>>, vector<16xf32>,
        %parallel_loop3A_442 = arith.addf %parallel_loop3A_434, %parallel_loop3A_441 : vector<16xf32>
        %parallel_loop3A_443 = arith.mulf %parallel_loop3A_441, %parallel_loop3A_441 : vector<16xf32>
        %parallel_loop3A_444 = arith.addf %parallel_loop3A_436, %parallel_loop3A_443 : vector<16xf32>
        %parallel_loop3A_445 = arith.constant 0 : i32
        %parallel_loop3A_446 = tpu.memref_slice %arg7[%multiple_of3A_91, %parallel_loop3A_445] : memref<128x768xf32, #tpu.memory_space<vmem>> -> memref<32x768xf32, #tpu.memory_space<vmem>>
        %parallel_loop3A_447 = arith.index_cast %parallel_loop3A_120 : i32 to index
        %parallel_loop3A_448 = arith.constant 640 : index
        %parallel_loop3A_449 = tpu.vector_load %parallel_loop3A_446[%parallel_loop3A_447, %parallel_loop3A_448] {strides = array<i32>} : memref<32x768xf32, #tpu.memory_space<vmem>>, vector<16xf32>,
        %parallel_loop3A_450 = arith.addf %parallel_loop3A_442, %parallel_loop3A_449 : vector<16xf32>
        %parallel_loop3A_451 = arith.mulf %parallel_loop3A_449, %parallel_loop3A_449 : vector<16xf32>
        %parallel_loop3A_452 = arith.addf %parallel_loop3A_444, %parallel_loop3A_451 : vector<16xf32>
        %parallel_loop3A_453 = arith.constant 0 : i32
        %parallel_loop3A_454 = tpu.memref_slice %arg7[%multiple_of3A_91, %parallel_loop3A_453] : memref<128x768xf32, #tpu.memory_space<vmem>> -> memref<32x768xf32, #tpu.memory_space<vmem>>
        %parallel_loop3A_455 = arith.index_cast %parallel_loop3A_120 : i32 to index
        %parallel_loop3A_456 = arith.constant 656 : index
        %parallel_loop3A_457 = tpu.vector_load %parallel_loop3A_454[%parallel_loop3A_455, %parallel_loop3A_456] {strides = array<i32>} : memref<32x768xf32, #tpu.memory_space<vmem>>, vector<16xf32>,
        %parallel_loop3A_458 = arith.addf %parallel_loop3A_450, %parallel_loop3A_457 : vector<16xf32>
        %parallel_loop3A_459 = arith.mulf %parallel_loop3A_457, %parallel_loop3A_457 : vector<16xf32>
        %parallel_loop3A_460 = arith.addf %parallel_loop3A_452, %parallel_loop3A_459 : vector<16xf32>
        %parallel_loop3A_461 = arith.constant 0 : i32
        %parallel_loop3A_462 = tpu.memref_slice %arg7[%multiple_of3A_91, %parallel_loop3A_461] : memref<128x768xf32, #tpu.memory_space<vmem>> -> memref<32x768xf32, #tpu.memory_space<vmem>>
        %parallel_loop3A_463 = arith.index_cast %parallel_loop3A_120 : i32 to index
        %parallel_loop3A_464 = arith.constant 672 : index
        %parallel_loop3A_465 = tpu.vector_load %parallel_loop3A_462[%parallel_loop3A_463, %parallel_loop3A_464] {strides = array<i32>} : memref<32x768xf32, #tpu.memory_space<vmem>>, vector<16xf32>,
        %parallel_loop3A_466 = arith.addf %parallel_loop3A_458, %parallel_loop3A_465 : vector<16xf32>
        %parallel_loop3A_467 = arith.mulf %parallel_loop3A_465, %parallel_loop3A_465 : vector<16xf32>
        %parallel_loop3A_468 = arith.addf %parallel_loop3A_460, %parallel_loop3A_467 : vector<16xf32>
        %parallel_loop3A_469 = arith.constant 0 : i32
        %parallel_loop3A_470 = tpu.memref_slice %arg7[%multiple_of3A_91, %parallel_loop3A_469] : memref<128x768xf32, #tpu.memory_space<vmem>> -> memref<32x768xf32, #tpu.memory_space<vmem>>
        %parallel_loop3A_471 = arith.index_cast %parallel_loop3A_120 : i32 to index
        %parallel_loop3A_472 = arith.constant 688 : index
        %parallel_loop3A_473 = tpu.vector_load %parallel_loop3A_470[%parallel_loop3A_471, %parallel_loop3A_472] {strides = array<i32>} : memref<32x768xf32, #tpu.memory_space<vmem>>, vector<16xf32>,
        %parallel_loop3A_474 = arith.addf %parallel_loop3A_466, %parallel_loop3A_473 : vector<16xf32>
        %parallel_loop3A_475 = arith.mulf %parallel_loop3A_473, %parallel_loop3A_473 : vector<16xf32>
        %parallel_loop3A_476 = arith.addf %parallel_loop3A_468, %parallel_loop3A_475 : vector<16xf32>
        %parallel_loop3A_477 = arith.constant 0 : i32
        %parallel_loop3A_478 = tpu.memref_slice %arg7[%multiple_of3A_91, %parallel_loop3A_477] : memref<128x768xf32, #tpu.memory_space<vmem>> -> memref<32x768xf32, #tpu.memory_space<vmem>>
        %parallel_loop3A_479 = arith.index_cast %parallel_loop3A_120 : i32 to index
        %parallel_loop3A_480 = arith.constant 704 : index
        %parallel_loop3A_481 = tpu.vector_load %parallel_loop3A_478[%parallel_loop3A_479, %parallel_loop3A_480] {strides = array<i32>} : memref<32x768xf32, #tpu.memory_space<vmem>>, vector<16xf32>,
        %parallel_loop3A_482 = arith.addf %parallel_loop3A_474, %parallel_loop3A_481 : vector<16xf32>
        %parallel_loop3A_483 = arith.mulf %parallel_loop3A_481, %parallel_loop3A_481 : vector<16xf32>
        %parallel_loop3A_484 = arith.addf %parallel_loop3A_476, %parallel_loop3A_483 : vector<16xf32>
        %parallel_loop3A_485 = arith.constant 0 : i32
        %parallel_loop3A_486 = tpu.memref_slice %arg7[%multiple_of3A_91, %parallel_loop3A_485] : memref<128x768xf32, #tpu.memory_space<vmem>> -> memref<32x768xf32, #tpu.memory_space<vmem>>
        %parallel_loop3A_487 = arith.index_cast %parallel_loop3A_120 : i32 to index
        %parallel_loop3A_488 = arith.constant 720 : index
        %parallel_loop3A_489 = tpu.vector_load %parallel_loop3A_486[%parallel_loop3A_487, %parallel_loop3A_488] {strides = array<i32>} : memref<32x768xf32, #tpu.memory_space<vmem>>, vector<16xf32>,
        %parallel_loop3A_490 = arith.addf %parallel_loop3A_482, %parallel_loop3A_489 : vector<16xf32>
        %parallel_loop3A_491 = arith.mulf %parallel_loop3A_489, %parallel_loop3A_489 : vector<16xf32>
        %parallel_loop3A_492 = arith.addf %parallel_loop3A_484, %parallel_loop3A_491 : vector<16xf32>
        %parallel_loop3A_493 = arith.constant 0 : i32
        %parallel_loop3A_494 = tpu.memref_slice %arg7[%multiple_of3A_91, %parallel_loop3A_493] : memref<128x768xf32, #tpu.memory_space<vmem>> -> memref<32x768xf32, #tpu.memory_space<vmem>>
        %parallel_loop3A_495 = arith.index_cast %parallel_loop3A_120 : i32 to index
        %parallel_loop3A_496 = arith.constant 736 : index
        %parallel_loop3A_497 = tpu.vector_load %parallel_loop3A_494[%parallel_loop3A_495, %parallel_loop3A_496] {strides = array<i32>} : memref<32x768xf32, #tpu.memory_space<vmem>>, vector<16xf32>,
        %parallel_loop3A_498 = arith.addf %parallel_loop3A_490, %parallel_loop3A_497 : vector<16xf32>
        %parallel_loop3A_499 = arith.mulf %parallel_loop3A_497, %parallel_loop3A_497 : vector<16xf32>
        %parallel_loop3A_500 = arith.addf %parallel_loop3A_492, %parallel_loop3A_499 : vector<16xf32>
        %parallel_loop3A_501 = arith.constant 0 : i32
        %parallel_loop3A_502 = tpu.memref_slice %arg7[%multiple_of3A_91, %parallel_loop3A_501] : memref<128x768xf32, #tpu.memory_space<vmem>> -> memref<32x768xf32, #tpu.memory_space<vmem>>
        %parallel_loop3A_503 = arith.index_cast %parallel_loop3A_120 : i32 to index
        %parallel_loop3A_504 = arith.constant 752 : index
        %parallel_loop3A_505 = tpu.vector_load %parallel_loop3A_502[%parallel_loop3A_503, %parallel_loop3A_504] {strides = array<i32>} : memref<32x768xf32, #tpu.memory_space<vmem>>, vector<16xf32>,
        %parallel_loop3A_506 = arith.addf %parallel_loop3A_498, %parallel_loop3A_505 : vector<16xf32>
        %parallel_loop3A_507 = arith.mulf %parallel_loop3A_505, %parallel_loop3A_505 : vector<16xf32>
        %parallel_loop3A_508 = arith.addf %parallel_loop3A_500, %parallel_loop3A_507 : vector<16xf32>
        %parallel_loop3A_509 = arith.constant true
        %parallel_loop3A_510 = vector.broadcast %parallel_loop3A_509 : i1 to vector<16xi1>
        %parallel_loop3A_511 = tpu.scan <sum>, %parallel_loop3A_506 masked %parallel_loop3A_510 : vector<16xf32>, vector<16xi1> -> vector<16xf32>
        %parallel_loop3A_512 = vector.extract %parallel_loop3A_511[15] : f32 from vector<16xf32>
        %parallel_loop3A_513 = arith.constant true
        %parallel_loop3A_514 = vector.broadcast %parallel_loop3A_513 : i1 to vector<16xi1>
        %parallel_loop3A_515 = tpu.scan <sum>, %parallel_loop3A_508 masked %parallel_loop3A_514 : vector<16xf32>, vector<16xi1> -> vector<16xf32>
        %parallel_loop3A_516 = vector.extract %parallel_loop3A_515[15] : f32 from vector<16xf32>
        %parallel_loop3A_517 = vector.broadcast %parallel_loop3A_512 : f32 to vector<16xf32>
        %parallel_loop3A_518 = arith.constant 0.00130208337 : f32
        %parallel_loop3A_519 = vector.broadcast %parallel_loop3A_518 : f32 to vector<16xf32>
        %parallel_loop3A_520 = arith.mulf %parallel_loop3A_517, %parallel_loop3A_519 : vector<16xf32>
        %parallel_loop3A_521 = vector.broadcast %parallel_loop3A_516 : f32 to vector<16xf32>
        %parallel_loop3A_522 = arith.constant 0.00130208337 : f32
        %parallel_loop3A_523 = vector.broadcast %parallel_loop3A_522 : f32 to vector<16xf32>
        %parallel_loop3A_524 = arith.mulf %parallel_loop3A_521, %parallel_loop3A_523 : vector<16xf32>
        %parallel_loop3A_525 = arith.mulf %parallel_loop3A_520, %parallel_loop3A_520 : vector<16xf32>
        %parallel_loop3A_526 = arith.subf %parallel_loop3A_524, %parallel_loop3A_525 : vector<16xf32>
        %parallel_loop3A_527 = arith.constant 9.99999974E-6 : f32
        %parallel_loop3A_528 = vector.broadcast %parallel_loop3A_527 : f32 to vector<16xf32>
        %parallel_loop3A_529 = arith.addf %parallel_loop3A_526, %parallel_loop3A_528 : vector<16xf32>
        %parallel_loop3A_530 = tpu.bitcast %parallel_loop3A_529 : vector<16xf32> -> vector<16xi32>
        %parallel_loop3A_531 = arith.constant 1 : i32
        %parallel_loop3A_532 = vector.broadcast %parallel_loop3A_531 : i32 to vector<16xi32>
        %parallel_loop3A_533 = arith.shrsi %parallel_loop3A_530, %parallel_loop3A_532 : vector<16xi32>
        %parallel_loop3A_534 = arith.constant 1597463007 : i32
        %parallel_loop3A_535 = vector.broadcast %parallel_loop3A_534 : i32 to vector<16xi32>
        %parallel_loop3A_536 = arith.subi %parallel_loop3A_535, %parallel_loop3A_533 : vector<16xi32>
        %parallel_loop3A_537 = tpu.bitcast %parallel_loop3A_536 : vector<16xi32> -> vector<16xf32>
        %parallel_loop3A_538 = arith.constant 5.000000e-01 : f32
        %parallel_loop3A_539 = vector.broadcast %parallel_loop3A_538 : f32 to vector<16xf32>
        %parallel_loop3A_540 = arith.mulf %parallel_loop3A_529, %parallel_loop3A_539 : vector<16xf32>
        %parallel_loop3A_541 = arith.mulf %parallel_loop3A_540, %parallel_loop3A_537 : vector<16xf32>
        %parallel_loop3A_542 = arith.mulf %parallel_loop3A_541, %parallel_loop3A_537 : vector<16xf32>
        %parallel_loop3A_543 = arith.constant 1.500000e+00 : f32
        %parallel_loop3A_544 = vector.broadcast %parallel_loop3A_543 : f32 to vector<16xf32>
        %parallel_loop3A_545 = arith.subf %parallel_loop3A_544, %parallel_loop3A_542 : vector<16xf32>
        %parallel_loop3A_546 = arith.mulf %parallel_loop3A_537, %parallel_loop3A_545 : vector<16xf32>
        %parallel_loop3A_547 = arith.mulf %parallel_loop3A_540, %parallel_loop3A_546 : vector<16xf32>
        %parallel_loop3A_548 = arith.mulf %parallel_loop3A_547, %parallel_loop3A_546 : vector<16xf32>
        %parallel_loop3A_549 = arith.constant 1.500000e+00 : f32
        %parallel_loop3A_550 = vector.broadcast %parallel_loop3A_549 : f32 to vector<16xf32>
        %parallel_loop3A_551 = arith.subf %parallel_loop3A_550, %parallel_loop3A_548 : vector<16xf32>
        %parallel_loop3A_552 = arith.mulf %parallel_loop3A_546, %parallel_loop3A_551 : vector<16xf32>
        %parallel_loop3A_553 = arith.index_cast %parallel_loop3A_120 : i32 to index
        %parallel_loop3A_554 = arith.constant 0 : index
        %parallel_loop3A_555 = tpu.vector_load %arg9[%parallel_loop3A_553, %parallel_loop3A_554] {strides = array<i32>} : memref<32x16xf32, #tpu.memory_space<vmem>>, vector<16xf32>,
        tpu.vector_store %arg9[%parallel_loop3A_553, %parallel_loop3A_554], %parallel_loop3A_552 {strides = array<i32>} : memref<32x16xf32, #tpu.memory_space<vmem>>, vector<16xf32>,
        %parallel_loop3A_556 = arith.mulf %parallel_loop3A_520, %parallel_loop3A_552 : vector<16xf32>
        %parallel_loop3A_557 = arith.index_cast %parallel_loop3A_120 : i32 to index
        %parallel_loop3A_558 = arith.constant 0 : index
        %parallel_loop3A_559 = tpu.vector_load %arg10[%parallel_loop3A_557, %parallel_loop3A_558] {strides = array<i32>} : memref<32x16xf32, #tpu.memory_space<vmem>>, vector<16xf32>,
        tpu.vector_store %arg10[%parallel_loop3A_557, %parallel_loop3A_558], %parallel_loop3A_556 {strides = array<i32>} : memref<32x16xf32, #tpu.memory_space<vmem>>, vector<16xf32>,
      } {sc.loop_unroll_factor = 2 : i64, sc.parallel_access}
      %scan3A_97 = arith.constant 0 : i32
      %scan3A_98 = arith.constant 0 : i32
      %scan3A_99 = arith.constant 4 : i32
      %scan3A_100 = arith.addi %scan3A_98, %scan3A_99 : i32
      %scan3A_101 = arith.constant 1 : i32
      scf.for %scan3A_120 = %scan3A_98 to %scan3A_100 step %scan3A_101  : i32 {
        %mul3A_121 = arith.constant 192 : i32
        %mul3A_122 = arith.muli %scan3A_120, %mul3A_121 : i32
        %multiple_of3A_123 = tpu.assume_multiple %mul3A_122, 192 : i32
        %add3A_124 = arith.constant 0 : i32
        %add3A_125 = arith.addi %multiple_of3A_123, %add3A_124 : i32
        %get3A = arith.index_cast %add3A_125 : i32 to index
        %get3A_126 = tpu.vector_load %arg8[%get3A] {strides = array<i32>} : memref<768xf32, #tpu.memory_space<vmem>>, vector<16xf32>,
        %add3A_127 = arith.constant 16 : i32
        %add3A_128 = arith.addi %multiple_of3A_123, %add3A_127 : i32
        %get3A_129 = arith.index_cast %add3A_128 : i32 to index
        %get3A_130 = tpu.vector_load %arg8[%get3A_129] {strides = array<i32>} : memref<768xf32, #tpu.memory_space<vmem>>, vector<16xf32>,
        %add3A_131 = arith.constant 32 : i32
        %add3A_132 = arith.addi %multiple_of3A_123, %add3A_131 : i32
        %get3A_133 = arith.index_cast %add3A_132 : i32 to index
        %get3A_134 = tpu.vector_load %arg8[%get3A_133] {strides = array<i32>} : memref<768xf32, #tpu.memory_space<vmem>>, vector<16xf32>,
        %add3A_135 = arith.constant 48 : i32
        %add3A_136 = arith.addi %multiple_of3A_123, %add3A_135 : i32
        %get3A_137 = arith.index_cast %add3A_136 : i32 to index
        %get3A_138 = tpu.vector_load %arg8[%get3A_137] {strides = array<i32>} : memref<768xf32, #tpu.memory_space<vmem>>, vector<16xf32>,
        %add3A_139 = arith.constant 64 : i32
        %add3A_140 = arith.addi %multiple_of3A_123, %add3A_139 : i32
        %get3A_141 = arith.index_cast %add3A_140 : i32 to index
        %get3A_142 = tpu.vector_load %arg8[%get3A_141] {strides = array<i32>} : memref<768xf32, #tpu.memory_space<vmem>>, vector<16xf32>,
        %add3A_143 = arith.constant 80 : i32
        %add3A_144 = arith.addi %multiple_of3A_123, %add3A_143 : i32
        %get3A_145 = arith.index_cast %add3A_144 : i32 to index
        %get3A_146 = tpu.vector_load %arg8[%get3A_145] {strides = array<i32>} : memref<768xf32, #tpu.memory_space<vmem>>, vector<16xf32>,
        %add3A_147 = arith.constant 96 : i32
        %add3A_148 = arith.addi %multiple_of3A_123, %add3A_147 : i32
        %get3A_149 = arith.index_cast %add3A_148 : i32 to index
        %get3A_150 = tpu.vector_load %arg8[%get3A_149] {strides = array<i32>} : memref<768xf32, #tpu.memory_space<vmem>>, vector<16xf32>,
        %add3A_151 = arith.constant 112 : i32
        %add3A_152 = arith.addi %multiple_of3A_123, %add3A_151 : i32
        %get3A_153 = arith.index_cast %add3A_152 : i32 to index
        %get3A_154 = tpu.vector_load %arg8[%get3A_153] {strides = array<i32>} : memref<768xf32, #tpu.memory_space<vmem>>, vector<16xf32>,
        %add3A_155 = arith.constant 128 : i32
        %add3A_156 = arith.addi %multiple_of3A_123, %add3A_155 : i32
        %get3A_157 = arith.index_cast %add3A_156 : i32 to index
        %get3A_158 = tpu.vector_load %arg8[%get3A_157] {strides = array<i32>} : memref<768xf32, #tpu.memory_space<vmem>>, vector<16xf32>,
        %add3A_159 = arith.constant 144 : i32
        %add3A_160 = arith.addi %multiple_of3A_123, %add3A_159 : i32
        %get3A_161 = arith.index_cast %add3A_160 : i32 to index
        %get3A_162 = tpu.vector_load %arg8[%get3A_161] {strides = array<i32>} : memref<768xf32, #tpu.memory_space<vmem>>, vector<16xf32>,
        %add3A_163 = arith.constant 160 : i32
        %add3A_164 = arith.addi %multiple_of3A_123, %add3A_163 : i32
        %get3A_165 = arith.index_cast %add3A_164 : i32 to index
        %get3A_166 = tpu.vector_load %arg8[%get3A_165] {strides = array<i32>} : memref<768xf32, #tpu.memory_space<vmem>>, vector<16xf32>,
        %add3A_167 = arith.constant 176 : i32
        %add3A_168 = arith.addi %multiple_of3A_123, %add3A_167 : i32
        %get3A_169 = arith.index_cast %add3A_168 : i32 to index
        %get3A_170 = tpu.vector_load %arg8[%get3A_169] {strides = array<i32>} : memref<768xf32, #tpu.memory_space<vmem>>, vector<16xf32>,
        %parallel_loop3A_171 = arith.constant 0 : i32
        %parallel_loop3A_172 = arith.constant 32 : i32
        %parallel_loop3A_173 = arith.constant 1 : i32
        scf.for %parallel_loop3A_174 = %parallel_loop3A_171 to %parallel_loop3A_172 step %parallel_loop3A_173  : i32 {
          %parallel_loop3A_175 = arith.index_cast %parallel_loop3A_174 : i32 to index
          %parallel_loop3A_176 = arith.constant 0 : index
          %parallel_loop3A_177 = tpu.vector_load %arg9[%parallel_loop3A_175, %parallel_loop3A_176] {strides = array<i32>} : memref<32x16xf32, #tpu.memory_space<vmem>>, vector<16xf32>,
          %parallel_loop3A_178 = arith.index_cast %parallel_loop3A_174 : i32 to index
          %parallel_loop3A_179 = arith.constant 0 : index
          %parallel_loop3A_180 = tpu.vector_load %arg10[%parallel_loop3A_178, %parallel_loop3A_179] {strides = array<i32>} : memref<32x16xf32, #tpu.memory_space<vmem>>, vector<16xf32>,
          %parallel_loop3A_181 = arith.constant 0 : i32
          %parallel_loop3A_182 = arith.addi %multiple_of3A_123, %parallel_loop3A_181 : i32
          %parallel_loop3A_183 = arith.constant 0 : i32
          %parallel_loop3A_184 = tpu.memref_slice %arg7[%multiple_of3A_91, %parallel_loop3A_183] : memref<128x768xf32, #tpu.memory_space<vmem>> -> memref<32x768xf32, #tpu.memory_space<vmem>>
          %parallel_loop3A_185 = arith.index_cast %parallel_loop3A_174 : i32 to index
          %parallel_loop3A_186 = arith.index_cast %parallel_loop3A_182 : i32 to index
          %parallel_loop3A_187 = tpu.vector_load %parallel_loop3A_184[%parallel_loop3A_185, %parallel_loop3A_186] {strides = array<i32>} : memref<32x768xf32, #tpu.memory_space<vmem>>, vector<16xf32>,
          %parallel_loop3A_188 = arith.mulf %parallel_loop3A_187, %parallel_loop3A_177 : vector<16xf32>
          %parallel_loop3A_189 = arith.subf %parallel_loop3A_188, %parallel_loop3A_180 : vector<16xf32>
          %parallel_loop3A_190 = arith.mulf %parallel_loop3A_189, %get3A_126 : vector<16xf32>
          %parallel_loop3A_191 = arith.constant 0 : i32
          %parallel_loop3A_192 = arith.addi %multiple_of3A_123, %parallel_loop3A_191 : i32
          %parallel_loop3A_193 = arith.constant 0 : i32
          %parallel_loop3A_194 = tpu.memref_slice %arg7[%multiple_of3A_94, %parallel_loop3A_193] : memref<128x768xf32, #tpu.memory_space<vmem>> -> memref<32x768xf32, #tpu.memory_space<vmem>>
          %parallel_loop3A_195 = arith.index_cast %parallel_loop3A_174 : i32 to index
          %parallel_loop3A_196 = arith.index_cast %parallel_loop3A_192 : i32 to index
          %parallel_loop3A_197 = tpu.vector_load %parallel_loop3A_194[%parallel_loop3A_195, %parallel_loop3A_196] {strides = array<i32>} : memref<32x768xf32, #tpu.memory_space<vmem>>, vector<16xf32>,
          tpu.vector_store %parallel_loop3A_194[%parallel_loop3A_195, %parallel_loop3A_196], %parallel_loop3A_190 {strides = array<i32>} : memref<32x768xf32, #tpu.memory_space<vmem>>, vector<16xf32>,
          %parallel_loop3A_198 = arith.constant 16 : i32
          %parallel_loop3A_199 = arith.addi %multiple_of3A_123, %parallel_loop3A_198 : i32
          %parallel_loop3A_200 = arith.constant 0 : i32
          %parallel_loop3A_201 = tpu.memref_slice %arg7[%multiple_of3A_91, %parallel_loop3A_200] : memref<128x768xf32, #tpu.memory_space<vmem>> -> memref<32x768xf32, #tpu.memory_space<vmem>>
          %parallel_loop3A_202 = arith.index_cast %parallel_loop3A_174 : i32 to index
          %parallel_loop3A_203 = arith.index_cast %parallel_loop3A_199 : i32 to index
          %parallel_loop3A_204 = tpu.vector_load %parallel_loop3A_201[%parallel_loop3A_202, %parallel_loop3A_203] {strides = array<i32>} : memref<32x768xf32, #tpu.memory_space<vmem>>, vector<16xf32>,
          %parallel_loop3A_205 = arith.mulf %parallel_loop3A_204, %parallel_loop3A_177 : vector<16xf32>
          %parallel_loop3A_206 = arith.subf %parallel_loop3A_205, %parallel_loop3A_180 : vector<16xf32>
          %parallel_loop3A_207 = arith.mulf %parallel_loop3A_206, %get3A_130 : vector<16xf32>
          %parallel_loop3A_208 = arith.constant 16 : i32
          %parallel_loop3A_209 = arith.addi %multiple_of3A_123, %parallel_loop3A_208 : i32
          %parallel_loop3A_210 = arith.constant 0 : i32
          %parallel_loop3A_211 = tpu.memref_slice %arg7[%multiple_of3A_94, %parallel_loop3A_210] : memref<128x768xf32, #tpu.memory_space<vmem>> -> memref<32x768xf32, #tpu.memory_space<vmem>>
          %parallel_loop3A_212 = arith.index_cast %parallel_loop3A_174 : i32 to index
          %parallel_loop3A_213 = arith.index_cast %parallel_loop3A_209 : i32 to index
          %parallel_loop3A_214 = tpu.vector_load %parallel_loop3A_211[%parallel_loop3A_212, %parallel_loop3A_213] {strides = array<i32>} : memref<32x768xf32, #tpu.memory_space<vmem>>, vector<16xf32>,
          tpu.vector_store %parallel_loop3A_211[%parallel_loop3A_212, %parallel_loop3A_213], %parallel_loop3A_207 {strides = array<i32>} : memref<32x768xf32, #tpu.memory_space<vmem>>, vector<16xf32>,
          %parallel_loop3A_215 = arith.constant 32 : i32
          %parallel_loop3A_216 = arith.addi %multiple_of3A_123, %parallel_loop3A_215 : i32
          %parallel_loop3A_217 = arith.constant 0 : i32
          %parallel_loop3A_218 = tpu.memref_slice %arg7[%multiple_of3A_91, %parallel_loop3A_217] : memref<128x768xf32, #tpu.memory_space<vmem>> -> memref<32x768xf32, #tpu.memory_space<vmem>>
          %parallel_loop3A_219 = arith.index_cast %parallel_loop3A_174 : i32 to index
          %parallel_loop3A_220 = arith.index_cast %parallel_loop3A_216 : i32 to index
          %parallel_loop3A_221 = tpu.vector_load %parallel_loop3A_218[%parallel_loop3A_219, %parallel_loop3A_220] {strides = array<i32>} : memref<32x768xf32, #tpu.memory_space<vmem>>, vector<16xf32>,
          %parallel_loop3A_222 = arith.mulf %parallel_loop3A_221, %parallel_loop3A_177 : vector<16xf32>
          %parallel_loop3A_223 = arith.subf %parallel_loop3A_222, %parallel_loop3A_180 : vector<16xf32>
          %parallel_loop3A_224 = arith.mulf %parallel_loop3A_223, %get3A_134 : vector<16xf32>
          %parallel_loop3A_225 = arith.constant 32 : i32
          %parallel_loop3A_226 = arith.addi %multiple_of3A_123, %parallel_loop3A_225 : i32
          %parallel_loop3A_227 = arith.constant 0 : i32
          %parallel_loop3A_228 = tpu.memref_slice %arg7[%multiple_of3A_94, %parallel_loop3A_227] : memref<128x768xf32, #tpu.memory_space<vmem>> -> memref<32x768xf32, #tpu.memory_space<vmem>>
          %parallel_loop3A_229 = arith.index_cast %parallel_loop3A_174 : i32 to index
          %parallel_loop3A_230 = arith.index_cast %parallel_loop3A_226 : i32 to index
          %parallel_loop3A_231 = tpu.vector_load %parallel_loop3A_228[%parallel_loop3A_229, %parallel_loop3A_230] {strides = array<i32>} : memref<32x768xf32, #tpu.memory_space<vmem>>, vector<16xf32>,
          tpu.vector_store %parallel_loop3A_228[%parallel_loop3A_229, %parallel_loop3A_230], %parallel_loop3A_224 {strides = array<i32>} : memref<32x768xf32, #tpu.memory_space<vmem>>, vector<16xf32>,
          %parallel_loop3A_232 = arith.constant 48 : i32
          %parallel_loop3A_233 = arith.addi %multiple_of3A_123, %parallel_loop3A_232 : i32
          %parallel_loop3A_234 = arith.constant 0 : i32
          %parallel_loop3A_235 = tpu.memref_slice %arg7[%multiple_of3A_91, %parallel_loop3A_234] : memref<128x768xf32, #tpu.memory_space<vmem>> -> memref<32x768xf32, #tpu.memory_space<vmem>>
          %parallel_loop3A_236 = arith.index_cast %parallel_loop3A_174 : i32 to index
          %parallel_loop3A_237 = arith.index_cast %parallel_loop3A_233 : i32 to index
          %parallel_loop3A_238 = tpu.vector_load %parallel_loop3A_235[%parallel_loop3A_236, %parallel_loop3A_237] {strides = array<i32>} : memref<32x768xf32, #tpu.memory_space<vmem>>, vector<16xf32>,
          %parallel_loop3A_239 = arith.mulf %parallel_loop3A_238, %parallel_loop3A_177 : vector<16xf32>
          %parallel_loop3A_240 = arith.subf %parallel_loop3A_239, %parallel_loop3A_180 : vector<16xf32>
          %parallel_loop3A_241 = arith.mulf %parallel_loop3A_240, %get3A_138 : vector<16xf32>
          %parallel_loop3A_242 = arith.constant 48 : i32
          %parallel_loop3A_243 = arith.addi %multiple_of3A_123, %parallel_loop3A_242 : i32
          %parallel_loop3A_244 = arith.constant 0 : i32
          %parallel_loop3A_245 = tpu.memref_slice %arg7[%multiple_of3A_94, %parallel_loop3A_244] : memref<128x768xf32, #tpu.memory_space<vmem>> -> memref<32x768xf32, #tpu.memory_space<vmem>>
          %parallel_loop3A_246 = arith.index_cast %parallel_loop3A_174 : i32 to index
          %parallel_loop3A_247 = arith.index_cast %parallel_loop3A_243 : i32 to index
          %parallel_loop3A_248 = tpu.vector_load %parallel_loop3A_245[%parallel_loop3A_246, %parallel_loop3A_247] {strides = array<i32>} : memref<32x768xf32, #tpu.memory_space<vmem>>, vector<16xf32>,
          tpu.vector_store %parallel_loop3A_245[%parallel_loop3A_246, %parallel_loop3A_247], %parallel_loop3A_241 {strides = array<i32>} : memref<32x768xf32, #tpu.memory_space<vmem>>, vector<16xf32>,
          %parallel_loop3A_249 = arith.constant 64 : i32
          %parallel_loop3A_250 = arith.addi %multiple_of3A_123, %parallel_loop3A_249 : i32
          %parallel_loop3A_251 = arith.constant 0 : i32
          %parallel_loop3A_252 = tpu.memref_slice %arg7[%multiple_of3A_91, %parallel_loop3A_251] : memref<128x768xf32, #tpu.memory_space<vmem>> -> memref<32x768xf32, #tpu.memory_space<vmem>>
          %parallel_loop3A_253 = arith.index_cast %parallel_loop3A_174 : i32 to index
          %parallel_loop3A_254 = arith.index_cast %parallel_loop3A_250 : i32 to index
          %parallel_loop3A_255 = tpu.vector_load %parallel_loop3A_252[%parallel_loop3A_253, %parallel_loop3A_254] {strides = array<i32>} : memref<32x768xf32, #tpu.memory_space<vmem>>, vector<16xf32>,
          %parallel_loop3A_256 = arith.mulf %parallel_loop3A_255, %parallel_loop3A_177 : vector<16xf32>
          %parallel_loop3A_257 = arith.subf %parallel_loop3A_256, %parallel_loop3A_180 : vector<16xf32>
          %parallel_loop3A_258 = arith.mulf %parallel_loop3A_257, %get3A_142 : vector<16xf32>
          %parallel_loop3A_259 = arith.constant 64 : i32
          %parallel_loop3A_260 = arith.addi %multiple_of3A_123, %parallel_loop3A_259 : i32
          %parallel_loop3A_261 = arith.constant 0 : i32
          %parallel_loop3A_262 = tpu.memref_slice %arg7[%multiple_of3A_94, %parallel_loop3A_261] : memref<128x768xf32, #tpu.memory_space<vmem>> -> memref<32x768xf32, #tpu.memory_space<vmem>>
          %parallel_loop3A_263 = arith.index_cast %parallel_loop3A_174 : i32 to index
          %parallel_loop3A_264 = arith.index_cast %parallel_loop3A_260 : i32 to index
          %parallel_loop3A_265 = tpu.vector_load %parallel_loop3A_262[%parallel_loop3A_263, %parallel_loop3A_264] {strides = array<i32>} : memref<32x768xf32, #tpu.memory_space<vmem>>, vector<16xf32>,
          tpu.vector_store %parallel_loop3A_262[%parallel_loop3A_263, %parallel_loop3A_264], %parallel_loop3A_258 {strides = array<i32>} : memref<32x768xf32, #tpu.memory_space<vmem>>, vector<16xf32>,
          %parallel_loop3A_266 = arith.constant 80 : i32
          %parallel_loop3A_267 = arith.addi %multiple_of3A_123, %parallel_loop3A_266 : i32
          %parallel_loop3A_268 = arith.constant 0 : i32
          %parallel_loop3A_269 = tpu.memref_slice %arg7[%multiple_of3A_91, %parallel_loop3A_268] : memref<128x768xf32, #tpu.memory_space<vmem>> -> memref<32x768xf32, #tpu.memory_space<vmem>>
          %parallel_loop3A_270 = arith.index_cast %parallel_loop3A_174 : i32 to index
          %parallel_loop3A_271 = arith.index_cast %parallel_loop3A_267 : i32 to index
          %parallel_loop3A_272 = tpu.vector_load %parallel_loop3A_269[%parallel_loop3A_270, %parallel_loop3A_271] {strides = array<i32>} : memref<32x768xf32, #tpu.memory_space<vmem>>, vector<16xf32>,
          %parallel_loop3A_273 = arith.mulf %parallel_loop3A_272, %parallel_loop3A_177 : vector<16xf32>
          %parallel_loop3A_274 = arith.subf %parallel_loop3A_273, %parallel_loop3A_180 : vector<16xf32>
          %parallel_loop3A_275 = arith.mulf %parallel_loop3A_274, %get3A_146 : vector<16xf32>
          %parallel_loop3A_276 = arith.constant 80 : i32
          %parallel_loop3A_277 = arith.addi %multiple_of3A_123, %parallel_loop3A_276 : i32
          %parallel_loop3A_278 = arith.constant 0 : i32
          %parallel_loop3A_279 = tpu.memref_slice %arg7[%multiple_of3A_94, %parallel_loop3A_278] : memref<128x768xf32, #tpu.memory_space<vmem>> -> memref<32x768xf32, #tpu.memory_space<vmem>>
          %parallel_loop3A_280 = arith.index_cast %parallel_loop3A_174 : i32 to index
          %parallel_loop3A_281 = arith.index_cast %parallel_loop3A_277 : i32 to index
          %parallel_loop3A_282 = tpu.vector_load %parallel_loop3A_279[%parallel_loop3A_280, %parallel_loop3A_281] {strides = array<i32>} : memref<32x768xf32, #tpu.memory_space<vmem>>, vector<16xf32>,
          tpu.vector_store %parallel_loop3A_279[%parallel_loop3A_280, %parallel_loop3A_281], %parallel_loop3A_275 {strides = array<i32>} : memref<32x768xf32, #tpu.memory_space<vmem>>, vector<16xf32>,
          %parallel_loop3A_283 = arith.constant 96 : i32
          %parallel_loop3A_284 = arith.addi %multiple_of3A_123, %parallel_loop3A_283 : i32
          %parallel_loop3A_285 = arith.constant 0 : i32
          %parallel_loop3A_286 = tpu.memref_slice %arg7[%multiple_of3A_91, %parallel_loop3A_285] : memref<128x768xf32, #tpu.memory_space<vmem>> -> memref<32x768xf32, #tpu.memory_space<vmem>>
          %parallel_loop3A_287 = arith.index_cast %parallel_loop3A_174 : i32 to index
          %parallel_loop3A_288 = arith.index_cast %parallel_loop3A_284 : i32 to index
          %parallel_loop3A_289 = tpu.vector_load %parallel_loop3A_286[%parallel_loop3A_287, %parallel_loop3A_288] {strides = array<i32>} : memref<32x768xf32, #tpu.memory_space<vmem>>, vector<16xf32>,
          %parallel_loop3A_290 = arith.mulf %parallel_loop3A_289, %parallel_loop3A_177 : vector<16xf32>
          %parallel_loop3A_291 = arith.subf %parallel_loop3A_290, %parallel_loop3A_180 : vector<16xf32>
          %parallel_loop3A_292 = arith.mulf %parallel_loop3A_291, %get3A_150 : vector<16xf32>
          %parallel_loop3A_293 = arith.constant 96 : i32
          %parallel_loop3A_294 = arith.addi %multiple_of3A_123, %parallel_loop3A_293 : i32
          %parallel_loop3A_295 = arith.constant 0 : i32
          %parallel_loop3A_296 = tpu.memref_slice %arg7[%multiple_of3A_94, %parallel_loop3A_295] : memref<128x768xf32, #tpu.memory_space<vmem>> -> memref<32x768xf32, #tpu.memory_space<vmem>>
          %parallel_loop3A_297 = arith.index_cast %parallel_loop3A_174 : i32 to index
          %parallel_loop3A_298 = arith.index_cast %parallel_loop3A_294 : i32 to index
          %parallel_loop3A_299 = tpu.vector_load %parallel_loop3A_296[%parallel_loop3A_297, %parallel_loop3A_298] {strides = array<i32>} : memref<32x768xf32, #tpu.memory_space<vmem>>, vector<16xf32>,
          tpu.vector_store %parallel_loop3A_296[%parallel_loop3A_297, %parallel_loop3A_298], %parallel_loop3A_292 {strides = array<i32>} : memref<32x768xf32, #tpu.memory_space<vmem>>, vector<16xf32>,
          %parallel_loop3A_300 = arith.constant 112 : i32
          %parallel_loop3A_301 = arith.addi %multiple_of3A_123, %parallel_loop3A_300 : i32
          %parallel_loop3A_302 = arith.constant 0 : i32
          %parallel_loop3A_303 = tpu.memref_slice %arg7[%multiple_of3A_91, %parallel_loop3A_302] : memref<128x768xf32, #tpu.memory_space<vmem>> -> memref<32x768xf32, #tpu.memory_space<vmem>>
          %parallel_loop3A_304 = arith.index_cast %parallel_loop3A_174 : i32 to index
          %parallel_loop3A_305 = arith.index_cast %parallel_loop3A_301 : i32 to index
          %parallel_loop3A_306 = tpu.vector_load %parallel_loop3A_303[%parallel_loop3A_304, %parallel_loop3A_305] {strides = array<i32>} : memref<32x768xf32, #tpu.memory_space<vmem>>, vector<16xf32>,
          %parallel_loop3A_307 = arith.mulf %parallel_loop3A_306, %parallel_loop3A_177 : vector<16xf32>
          %parallel_loop3A_308 = arith.subf %parallel_loop3A_307, %parallel_loop3A_180 : vector<16xf32>
          %parallel_loop3A_309 = arith.mulf %parallel_loop3A_308, %get3A_154 : vector<16xf32>
          %parallel_loop3A_310 = arith.constant 112 : i32
          %parallel_loop3A_311 = arith.addi %multiple_of3A_123, %parallel_loop3A_310 : i32
          %parallel_loop3A_312 = arith.constant 0 : i32
          %parallel_loop3A_313 = tpu.memref_slice %arg7[%multiple_of3A_94, %parallel_loop3A_312] : memref<128x768xf32, #tpu.memory_space<vmem>> -> memref<32x768xf32, #tpu.memory_space<vmem>>
          %parallel_loop3A_314 = arith.index_cast %parallel_loop3A_174 : i32 to index
          %parallel_loop3A_315 = arith.index_cast %parallel_loop3A_311 : i32 to index
          %parallel_loop3A_316 = tpu.vector_load %parallel_loop3A_313[%parallel_loop3A_314, %parallel_loop3A_315] {strides = array<i32>} : memref<32x768xf32, #tpu.memory_space<vmem>>, vector<16xf32>,
          tpu.vector_store %parallel_loop3A_313[%parallel_loop3A_314, %parallel_loop3A_315], %parallel_loop3A_309 {strides = array<i32>} : memref<32x768xf32, #tpu.memory_space<vmem>>, vector<16xf32>,
          %parallel_loop3A_317 = arith.constant 128 : i32
          %parallel_loop3A_318 = arith.addi %multiple_of3A_123, %parallel_loop3A_317 : i32
          %parallel_loop3A_319 = arith.constant 0 : i32
          %parallel_loop3A_320 = tpu.memref_slice %arg7[%multiple_of3A_91, %parallel_loop3A_319] : memref<128x768xf32, #tpu.memory_space<vmem>> -> memref<32x768xf32, #tpu.memory_space<vmem>>
          %parallel_loop3A_321 = arith.index_cast %parallel_loop3A_174 : i32 to index
          %parallel_loop3A_322 = arith.index_cast %parallel_loop3A_318 : i32 to index
          %parallel_loop3A_323 = tpu.vector_load %parallel_loop3A_320[%parallel_loop3A_321, %parallel_loop3A_322] {strides = array<i32>} : memref<32x768xf32, #tpu.memory_space<vmem>>, vector<16xf32>,
          %parallel_loop3A_324 = arith.mulf %parallel_loop3A_323, %parallel_loop3A_177 : vector<16xf32>
          %parallel_loop3A_325 = arith.subf %parallel_loop3A_324, %parallel_loop3A_180 : vector<16xf32>
          %parallel_loop3A_326 = arith.mulf %parallel_loop3A_325, %get3A_158 : vector<16xf32>
          %parallel_loop3A_327 = arith.constant 128 : i32
          %parallel_loop3A_328 = arith.addi %multiple_of3A_123, %parallel_loop3A_327 : i32
          %parallel_loop3A_329 = arith.constant 0 : i32
          %parallel_loop3A_330 = tpu.memref_slice %arg7[%multiple_of3A_94, %parallel_loop3A_329] : memref<128x768xf32, #tpu.memory_space<vmem>> -> memref<32x768xf32, #tpu.memory_space<vmem>>
          %parallel_loop3A_331 = arith.index_cast %parallel_loop3A_174 : i32 to index
          %parallel_loop3A_332 = arith.index_cast %parallel_loop3A_328 : i32 to index
          %parallel_loop3A_333 = tpu.vector_load %parallel_loop3A_330[%parallel_loop3A_331, %parallel_loop3A_332] {strides = array<i32>} : memref<32x768xf32, #tpu.memory_space<vmem>>, vector<16xf32>,
          tpu.vector_store %parallel_loop3A_330[%parallel_loop3A_331, %parallel_loop3A_332], %parallel_loop3A_326 {strides = array<i32>} : memref<32x768xf32, #tpu.memory_space<vmem>>, vector<16xf32>,
          %parallel_loop3A_334 = arith.constant 144 : i32
          %parallel_loop3A_335 = arith.addi %multiple_of3A_123, %parallel_loop3A_334 : i32
          %parallel_loop3A_336 = arith.constant 0 : i32
          %parallel_loop3A_337 = tpu.memref_slice %arg7[%multiple_of3A_91, %parallel_loop3A_336] : memref<128x768xf32, #tpu.memory_space<vmem>> -> memref<32x768xf32, #tpu.memory_space<vmem>>
          %parallel_loop3A_338 = arith.index_cast %parallel_loop3A_174 : i32 to index
          %parallel_loop3A_339 = arith.index_cast %parallel_loop3A_335 : i32 to index
          %parallel_loop3A_340 = tpu.vector_load %parallel_loop3A_337[%parallel_loop3A_338, %parallel_loop3A_339] {strides = array<i32>} : memref<32x768xf32, #tpu.memory_space<vmem>>, vector<16xf32>,
          %parallel_loop3A_341 = arith.mulf %parallel_loop3A_340, %parallel_loop3A_177 : vector<16xf32>
          %parallel_loop3A_342 = arith.subf %parallel_loop3A_341, %parallel_loop3A_180 : vector<16xf32>
          %parallel_loop3A_343 = arith.mulf %parallel_loop3A_342, %get3A_162 : vector<16xf32>
          %parallel_loop3A_344 = arith.constant 144 : i32
          %parallel_loop3A_345 = arith.addi %multiple_of3A_123, %parallel_loop3A_344 : i32
          %parallel_loop3A_346 = arith.constant 0 : i32
          %parallel_loop3A_347 = tpu.memref_slice %arg7[%multiple_of3A_94, %parallel_loop3A_346] : memref<128x768xf32, #tpu.memory_space<vmem>> -> memref<32x768xf32, #tpu.memory_space<vmem>>
          %parallel_loop3A_348 = arith.index_cast %parallel_loop3A_174 : i32 to index
          %parallel_loop3A_349 = arith.index_cast %parallel_loop3A_345 : i32 to index
          %parallel_loop3A_350 = tpu.vector_load %parallel_loop3A_347[%parallel_loop3A_348, %parallel_loop3A_349] {strides = array<i32>} : memref<32x768xf32, #tpu.memory_space<vmem>>, vector<16xf32>,
          tpu.vector_store %parallel_loop3A_347[%parallel_loop3A_348, %parallel_loop3A_349], %parallel_loop3A_343 {strides = array<i32>} : memref<32x768xf32, #tpu.memory_space<vmem>>, vector<16xf32>,
          %parallel_loop3A_351 = arith.constant 160 : i32
          %parallel_loop3A_352 = arith.addi %multiple_of3A_123, %parallel_loop3A_351 : i32
          %parallel_loop3A_353 = arith.constant 0 : i32
          %parallel_loop3A_354 = tpu.memref_slice %arg7[%multiple_of3A_91, %parallel_loop3A_353] : memref<128x768xf32, #tpu.memory_space<vmem>> -> memref<32x768xf32, #tpu.memory_space<vmem>>
          %parallel_loop3A_355 = arith.index_cast %parallel_loop3A_174 : i32 to index
          %parallel_loop3A_356 = arith.index_cast %parallel_loop3A_352 : i32 to index
          %parallel_loop3A_357 = tpu.vector_load %parallel_loop3A_354[%parallel_loop3A_355, %parallel_loop3A_356] {strides = array<i32>} : memref<32x768xf32, #tpu.memory_space<vmem>>, vector<16xf32>,
          %parallel_loop3A_358 = arith.mulf %parallel_loop3A_357, %parallel_loop3A_177 : vector<16xf32>
          %parallel_loop3A_359 = arith.subf %parallel_loop3A_358, %parallel_loop3A_180 : vector<16xf32>
          %parallel_loop3A_360 = arith.mulf %parallel_loop3A_359, %get3A_166 : vector<16xf32>
          %parallel_loop3A_361 = arith.constant 160 : i32
          %parallel_loop3A_362 = arith.addi %multiple_of3A_123, %parallel_loop3A_361 : i32
          %parallel_loop3A_363 = arith.constant 0 : i32
          %parallel_loop3A_364 = tpu.memref_slice %arg7[%multiple_of3A_94, %parallel_loop3A_363] : memref<128x768xf32, #tpu.memory_space<vmem>> -> memref<32x768xf32, #tpu.memory_space<vmem>>
          %parallel_loop3A_365 = arith.index_cast %parallel_loop3A_174 : i32 to index
          %parallel_loop3A_366 = arith.index_cast %parallel_loop3A_362 : i32 to index
          %parallel_loop3A_367 = tpu.vector_load %parallel_loop3A_364[%parallel_loop3A_365, %parallel_loop3A_366] {strides = array<i32>} : memref<32x768xf32, #tpu.memory_space<vmem>>, vector<16xf32>,
          tpu.vector_store %parallel_loop3A_364[%parallel_loop3A_365, %parallel_loop3A_366], %parallel_loop3A_360 {strides = array<i32>} : memref<32x768xf32, #tpu.memory_space<vmem>>, vector<16xf32>,
          %parallel_loop3A_368 = arith.constant 176 : i32
          %parallel_loop3A_369 = arith.addi %multiple_of3A_123, %parallel_loop3A_368 : i32
          %parallel_loop3A_370 = arith.constant 0 : i32
          %parallel_loop3A_371 = tpu.memref_slice %arg7[%multiple_of3A_91, %parallel_loop3A_370] : memref<128x768xf32, #tpu.memory_space<vmem>> -> memref<32x768xf32, #tpu.memory_space<vmem>>
          %parallel_loop3A_372 = arith.index_cast %parallel_loop3A_174 : i32 to index
          %parallel_loop3A_373 = arith.index_cast %parallel_loop3A_369 : i32 to index
          %parallel_loop3A_374 = tpu.vector_load %parallel_loop3A_371[%parallel_loop3A_372, %parallel_loop3A_373] {strides = array<i32>} : memref<32x768xf32, #tpu.memory_space<vmem>>, vector<16xf32>,
          %parallel_loop3A_375 = arith.mulf %parallel_loop3A_374, %parallel_loop3A_177 : vector<16xf32>
          %parallel_loop3A_376 = arith.subf %parallel_loop3A_375, %parallel_loop3A_180 : vector<16xf32>
          %parallel_loop3A_377 = arith.mulf %parallel_loop3A_376, %get3A_170 : vector<16xf32>
          %parallel_loop3A_378 = arith.constant 176 : i32
          %parallel_loop3A_379 = arith.addi %multiple_of3A_123, %parallel_loop3A_378 : i32
          %parallel_loop3A_380 = arith.constant 0 : i32
          %parallel_loop3A_381 = tpu.memref_slice %arg7[%multiple_of3A_94, %parallel_loop3A_380] : memref<128x768xf32, #tpu.memory_space<vmem>> -> memref<32x768xf32, #tpu.memory_space<vmem>>
          %parallel_loop3A_382 = arith.index_cast %parallel_loop3A_174 : i32 to index
          %parallel_loop3A_383 = arith.index_cast %parallel_loop3A_379 : i32 to index
          %parallel_loop3A_384 = tpu.vector_load %parallel_loop3A_381[%parallel_loop3A_382, %parallel_loop3A_383] {strides = array<i32>} : memref<32x768xf32, #tpu.memory_space<vmem>>, vector<16xf32>,
          tpu.vector_store %parallel_loop3A_381[%parallel_loop3A_382, %parallel_loop3A_383], %parallel_loop3A_377 {strides = array<i32>} : memref<32x768xf32, #tpu.memory_space<vmem>>, vector<16xf32>,
        } {sc.loop_unroll_factor = 2 : i64, sc.parallel_access}
      }
      %scan3A_102 = arith.constant 4 : i32
      %mul3A_103 = arith.constant 32 : i32
      %mul3A_104 = arith.muli %scan3A_62, %mul3A_103 : i32
      %add3A_105 = arith.addi %multiple_of3A, %mul3A_104 : i32
      %multiple_of3A_106 = tpu.assume_multiple %add3A_105, 32 : i32
      %mul3A_107 = arith.constant 32 : i32
      %mul3A_108 = arith.muli %rem3A_63, %mul3A_107 : i32
      %multiple_of3A_109 = tpu.assume_multiple %mul3A_108, 32 : i32
      %dma_start3A_110 = arith.constant 0 : i32
      %dma_start3A_111 = tpu.memref_slice %arg7[%multiple_of3A_109, %dma_start3A_110] : memref<128x768xf32, #tpu.memory_space<vmem>> -> memref<32x768xf32, #tpu.memory_space<vmem>>
      %dma_start3A_112 = arith.constant 0 : i32
      %dma_start3A_113 = tpu.memref_slice %arg5[%multiple_of3A_106, %dma_start3A_112] : memref<32768x768xf32, #tpu.memory_space<hbm>> -> memref<32x768xf32, #tpu.memory_space<hbm>>
      %dma_start3A_114 = tpu.memref_slice %arg12[%rem3A_63] : memref<4x!tpu.dma_semaphore, #tpu.memory_space<semaphore_mem>> -> memref<1x!tpu.dma_semaphore, #tpu.memory_space<semaphore_mem>>
      %dma_start3A_115 = tpu.memref_squeeze %dma_start3A_114 : memref<1x!tpu.dma_semaphore, #tpu.memory_space<semaphore_mem>> -> memref<!tpu.dma_semaphore, #tpu.memory_space<semaphore_mem>>
      %dma_start3A_116 = arith.constant 0 : i32
      %dma_start3A_117 = tpu.memref_slice %arg5[%multiple_of3A_106, %dma_start3A_116] : memref<32768x768xf32, #tpu.memory_space<hbm>> -> memref<32x768xf32, #tpu.memory_space<hbm>>
      %dma_start3A_118 = arith.constant 0 : i32
      %dma_start3A_119 = tpu.memref_slice %arg7[%multiple_of3A_109, %dma_start3A_118] : memref<128x768xf32, #tpu.memory_space<vmem>> -> memref<32x768xf32, #tpu.memory_space<vmem>>
      tpu.enqueue_dma source(%dma_start3A_119 : memref<32x768xf32, #tpu.memory_space<vmem>>) target(%dma_start3A_117 : memref<32x768xf32, #tpu.memory_space<hbm>>) target_semaphore(%dma_start3A_115 : memref<!tpu.dma_semaphore, #tpu.memory_space<semaphore_mem>>)
    }
    %scan3A_32 = arith.constant 32 : i32
    %multiple_of3A_33 = arith.constant 64 : i32
    %multiple_of3A_34 = tpu.assume_multiple %multiple_of3A_33, 32 : i32
    %dma_wait3A = arith.constant 2 : i32
    %dma_wait3A_35 = arith.constant 0 : i32
    %dma_wait3A_36 = tpu.memref_slice %arg7[%multiple_of3A_34, %dma_wait3A_35] : memref<128x768xf32, #tpu.memory_space<vmem>> -> memref<32x768xf32, #tpu.memory_space<vmem>>
    %dma_wait3A_37 = arith.constant 0 : i32
    %dma_wait3A_38 = arith.constant 0 : i32
    %dma_wait3A_39 = tpu.memref_slice %arg5[%dma_wait3A_37, %dma_wait3A_38] : memref<32768x768xf32, #tpu.memory_space<hbm>> -> memref<32x768xf32, #tpu.memory_space<hbm>>
    %dma_wait3A_40 = tpu.memref_slice %arg12[%dma_wait3A] : memref<4x!tpu.dma_semaphore, #tpu.memory_space<semaphore_mem>> -> memref<1x!tpu.dma_semaphore, #tpu.memory_space<semaphore_mem>>
    %dma_wait3A_41 = tpu.memref_squeeze %dma_wait3A_40 : memref<1x!tpu.dma_semaphore, #tpu.memory_space<semaphore_mem>> -> memref<!tpu.dma_semaphore, #tpu.memory_space<semaphore_mem>>
    %dma_wait3A_42 = arith.constant 0 : i32
    %dma_wait3A_43 = arith.constant 0 : i32
    %dma_wait3A_44 = tpu.memref_slice %arg5[%dma_wait3A_42, %dma_wait3A_43] : memref<32768x768xf32, #tpu.memory_space<hbm>> -> memref<32x768xf32, #tpu.memory_space<hbm>>
    %dma_wait3A_45 = arith.constant 0 : i32
    %dma_wait3A_46 = tpu.memref_slice %arg7[%multiple_of3A_34, %dma_wait3A_45] : memref<128x768xf32, #tpu.memory_space<vmem>> -> memref<32x768xf32, #tpu.memory_space<vmem>>
    tpu.wait_dma2 semaphore(%dma_wait3A_41 : memref<!tpu.dma_semaphore, #tpu.memory_space<semaphore_mem>>) src(%dma_wait3A_46 : memref<32x768xf32, #tpu.memory_space<vmem>>) dst(%dma_wait3A_44 : memref<32x768xf32, #tpu.memory_space<hbm>>)
    %multiple_of3A_47 = arith.constant 96 : i32
    %multiple_of3A_48 = tpu.assume_multiple %multiple_of3A_47, 32 : i32
    %dma_wait3A_49 = arith.constant 3 : i32
    %dma_wait3A_50 = arith.constant 0 : i32
    %dma_wait3A_51 = tpu.memref_slice %arg7[%multiple_of3A_48, %dma_wait3A_50] : memref<128x768xf32, #tpu.memory_space<vmem>> -> memref<32x768xf32, #tpu.memory_space<vmem>>
    %dma_wait3A_52 = arith.constant 0 : i32
    %dma_wait3A_53 = arith.constant 0 : i32
    %dma_wait3A_54 = tpu.memref_slice %arg5[%dma_wait3A_52, %dma_wait3A_53] : memref<32768x768xf32, #tpu.memory_space<hbm>> -> memref<32x768xf32, #tpu.memory_space<hbm>>
    %dma_wait3A_55 = tpu.memref_slice %arg12[%dma_wait3A_49] : memref<4x!tpu.dma_semaphore, #tpu.memory_space<semaphore_mem>> -> memref<1x!tpu.dma_semaphore, #tpu.memory_space<semaphore_mem>>
    %dma_wait3A_56 = tpu.memref_squeeze %dma_wait3A_55 : memref<1x!tpu.dma_semaphore, #tpu.memory_space<semaphore_mem>> -> memref<!tpu.dma_semaphore, #tpu.memory_space<semaphore_mem>>
    %dma_wait3A_57 = arith.constant 0 : i32
    %dma_wait3A_58 = arith.constant 0 : i32
    %dma_wait3A_59 = tpu.memref_slice %arg5[%dma_wait3A_57, %dma_wait3A_58] : memref<32768x768xf32, #tpu.memory_space<hbm>> -> memref<32x768xf32, #tpu.memory_space<hbm>>
    %dma_wait3A_60 = arith.constant 0 : i32
    %dma_wait3A_61 = tpu.memref_slice %arg7[%multiple_of3A_48, %dma_wait3A_60] : memref<128x768xf32, #tpu.memory_space<vmem>> -> memref<32x768xf32, #tpu.memory_space<vmem>>
    tpu.wait_dma2 semaphore(%dma_wait3A_56 : memref<!tpu.dma_semaphore, #tpu.memory_space<semaphore_mem>>) src(%dma_wait3A_61 : memref<32x768xf32, #tpu.memory_space<vmem>>) dst(%dma_wait3A_59 : memref<32x768xf32, #tpu.memory_space<hbm>>)
    return
  }
}

</mosaic_0001>

<sc_bundles>
// kernel: kernel.3.cloned.1.call-start
scs
__scs_entry_jumppad:
0x0: {  	(pc) =	sbr.rel $0x88, $3  }
0x1: {  	(tag) =	ssettag $0x0;
	lr =	simm.s32 $0x1  }
0x2: {  	[smem:$0x3F9E] =	sst lr;
	_ =	strace $0xD0000000  }
0x3: {  	_ = 	snop  }
0x4: {  	_ = 	snop  }
0x5: {  	_ = 	snop  }
0x6: {  	_ = 	snop  }
0x7: {  	_ = 	snop  }
__scs_overlays_trampoline_lowered:
0x8: {  	[smem:$0x3FAD] =	sst s0  }
0x9: {  	[smem:$0x3FAE] =	sst s1  }
0xa: {  	[smem:$0x3FAF] =	sst s2  }
0xb: {  	[smem:$0x3FB0] =	sst s3  }
0xc: {  	[smem:$0x3FB1] =	sst s4  }
0xd: {  	[smem:$0x3FB2] =	sst s5  }
0xe: {  	[smem:$0x3FB3] =	sst s6  }
0xf: {  	[smem:$0x3FB4] =	sst s7  }
0x10: {  	[smem:$0x3FB5] =	sst s8  }
0x11: {  	[smem:$0x3FB6] =	sst s9;
	s0 =	simm.s32 @!p0 $0x0  }
0x12: {  	s1 =	sld [smem:$0x3F9C];
	s0 =	simm.s32 @p0 $0x1  }
0x13: {  	[smem:$0x3FB7] =	sst s0;
	s0 =	simm.s32 @!p1 $0x0  }
0x14: {  	s2 =	sld [smem:$0x3F9B];
	s0 =	simm.s32 @p1 $0x1  }
0x15: {  	[smem:$0x3FB8] =	sst s0;
	s0 =	simm.s32 @!p2 $0x0  }
0x16: {  	s3 =	sld [smem:$0x3FDB];
	s0 =	simm.s32 @p2 $0x1  }
0x17: {  	s4 =	simm.s32 $0x1BF5;
	[smem:$0x3FBA] =	sst s0  }
0x18: {  	s0 =	sld [smem:$0x3F9D];
	_ =	swait.ge [sflag:s4], $0x0  }
0x19: {  	s7 =	sld [smem:$0x3F9E]  }
0x1a: {  	s8 =	sadd.s32 $0xFFFFE003, lr  }
0x1b: {  	s9 =	sadd.s32 $0xFFFFFEF7, lr;
	s5 =	simm.s32 $0xFFFFFFFF;
	p2 =	slt.u32 s8, $0xFFFFF086  }
0x1c: {  	p1 =	slt.u32 s9, $0xF7A;
	s5 =	simm.s32 @!p2 $0x0  }
0x1d: {  	s5 =	simm.s32 @p1 $0x1;
	p0 =	seq.s32 s7, s2  }
0x1e: {  	s7 =	smul.u32 @!p0 $0xF7A, s2;
	p2 =	seq.s32 @!p0 s5, $0x0  }
0x1f: {  	s9 =	smul.u32 $0xF7A, s1;
	s8 =	simm.s32 @!p0 $0x1BF5;
	p2 =	por !p2, p0  }
0x20: {  	[sflag:s8] =	ssyncset.s32 @!p0 $0xFFFFF086;
	s6 =	sadd.s32 @!p0 s3, s7;
	s7 =	simm.s32 @!p0 $0x108  }
0x21: {  	s3 =	sadd.s32 s3, s9;
	s6 =	sadd.s32 @!p0 $0x88, s6;
	s7 =	simm.s32 @p2 $0x1082  }
0x22: {  	[simem:s7], [sflag:s8] =	dma.local @!p0 [hbm:s6], $0xF7A  }
0x23: {  	s9 =	sor.u32 $0xD0000000, s2;
	s6 =	simm.s32 $0x108;
	_ =	swait.ge @!p0 [sflag:s8], $0x0  }
0x24: {  	s3 =	sadd.s32 $0x88, s3;
	s6 =	simm.s32 @!p1 $0x1082;
	[sflag:s4] =	ssyncset.s32 $0xFFFFF086  }
0x25: {  	[simem:s6], [sflag:s4] =	dma.local [hbm:s3], $0xF7A  }
0x26: {  	[smem:$0x3F9E] =	sst s1;
	(tag) =	ssettag s2;
	_ =	strace s9  }
0x27: {  	s1 =	sld [smem:$0x3FAE]  }
0x28: {  	s2 =	sld [smem:$0x3FAF]  }
0x29: {  	s4 =	sld [smem:$0x3FB1]  }
0x2a: {  	p0 =	seq.s32 s5, $0x0;
	s5 =	sld [smem:$0x3FB2]  }
0x2b: {  	s6 =	sld [smem:$0x3FB3]  }
0x2c: {  	s7 =	sld [smem:$0x3FB4]  }
0x2d: {  	s3 =	simm.s32 $0x108;
	s8 =	sld [smem:$0x3FB5]  }
0x2e: {  	s3 =	simm.s32 @!p0 $0x1082;
	s9 =	sld [smem:$0x3FB6]  }
0x2f: {  	lr =	sadd.s32 s0, s3;
	s0 =	sld [smem:$0x3FAD]  }
0x30: {  	s3 =	sld [smem:$0x3FB0]  }
0x31: {  	[smem:$0x3FB9] =	sst s10  }
0x32: {  	s10 =	sld [smem:$0x3FB7];
	_ =	sdelay $0x3  }
0x33: {  	p0 =	seq.s32 s10, $0x1;
	s10 =	sld [smem:$0x3FB9];
	_ =	sdelay $0x3  }
0x34: {  	[smem:$0x3FB9] =	sst s10  }
0x35: {  	s10 =	sld [smem:$0x3FB8];
	_ =	sdelay $0x3  }
0x36: {  	p1 =	seq.s32 s10, $0x1;
	s10 =	sld [smem:$0x3FB9];
	_ =	sdelay $0x3  }
0x37: {  	[smem:$0x3FB9] =	sst s10  }
0x38: {  	s10 =	sld [smem:$0x3FBA]  }
0x39: {  	_ = 	snop;
	(pc) =	sbr.ind lr, $3  }
0x3a: {  	_ = 	snop  }
0x3b: {  	_ = 	snop  }
0x3c: {  	p2 =	seq.s32 s10, $0x1;
	s10 =	sld [smem:$0x3FB9]  }
0x3d: {  	_ =	shalt  }
0x3e: {  	_ =	shalt  }
0x3f: {  	_ =	shalt  }
0x40: {  	_ =	shalt  }
0x41: {  	_ =	shalt  }
0x42: {  	_ =	shalt  }
0x43: {  	_ =	shalt  }
0x44: {  	_ =	shalt  }
0x45: {  	_ =	shalt  }
0x46: {  	_ =	shalt  }
0x47: {  	_ =	shalt  }
0x48: {  	_ =	shalt  }
0x49: {  	_ =	shalt  }
0x4a: {  	_ =	shalt  }
0x4b: {  	_ =	shalt  }
0x4c: {  	_ =	shalt  }
0x4d: {  	_ =	shalt  }
0x4e: {  	_ =	shalt  }
0x4f: {  	_ =	shalt  }
0x50: {  	_ =	shalt  }
0x51: {  	_ =	shalt  }
0x52: {  	_ =	shalt  }
0x53: {  	_ =	shalt  }
0x54: {  	_ =	shalt  }
0x55: {  	_ =	shalt  }
0x56: {  	_ =	shalt  }
0x57: {  	_ =	shalt  }
0x58: {  	_ =	shalt  }
0x59: {  	_ =	shalt  }
0x5a: {  	_ =	shalt  }
0x5b: {  	_ =	shalt  }
0x5c: {  	_ =	shalt  }
0x5d: {  	_ =	shalt  }
0x5e: {  	_ =	shalt  }
0x5f: {  	_ =	shalt  }
0x60: {  	_ =	shalt  }
0x61: {  	_ =	shalt  }
0x62: {  	_ =	shalt  }
0x63: {  	_ =	shalt  }
0x64: {  	_ =	shalt  }
0x65: {  	_ =	shalt  }
0x66: {  	_ =	shalt  }
0x67: {  	_ =	shalt  }
0x68: {  	_ =	shalt  }
0x69: {  	_ =	shalt  }
0x6a: {  	_ =	shalt  }
0x6b: {  	_ =	shalt  }
0x6c: {  	_ =	shalt  }
0x6d: {  	_ =	shalt  }
0x6e: {  	_ =	shalt  }
0x6f: {  	_ =	shalt  }
0x70: {  	_ =	shalt  }
0x71: {  	_ =	shalt  }
0x72: {  	_ =	shalt  }
0x73: {  	_ =	shalt  }
0x74: {  	_ =	shalt  }
0x75: {  	_ =	shalt  }
0x76: {  	_ =	shalt  }
0x77: {  	_ =	shalt  }
0x78: {  	_ =	shalt  }
0x79: {  	_ =	shalt  }
0x7a: {  	_ =	shalt  }
0x7b: {  	_ =	shalt  }
0x7c: {  	_ =	shalt  }
0x7d: {  	_ =	shalt  }
0x7e: {  	_ =	shalt  }
0x7f: {  	_ =	shalt  }
0x80: {  	_ =	shalt  }
0x81: {  	_ =	shalt  }
0x82: {  	_ =	shalt  }
0x83: {  	_ =	shalt  }
0x84: {  	_ =	shalt  }
0x85: {  	_ =	shalt  }
0x86: {  	_ =	shalt  }
0x87: {  	_ =	shalt  }
.Lfunc_end0:
.L_simem_size_0:
called_computation_lowered:
.L_overlay_start_0:
0x88: {  	s2 =	sld [smem:$0x3FD9]  }
0x89: {  	s3 =	sld [smem:$0x3FFE];
	_ =	sdelay $0x1  }
0x8a: {  	s1 =	srdreg.scid  }
0x8b: {  	s0 =	sand.u32 $0x1, s1  }
0x8c: {  	s17 =	sshll.u32 s0, $0xA;
	s2 =	sadd.s32 s3, s2  }
0x8d: {  	s2 =	sadd.s32 s2, s17  }
0x8e: {  	[smem:$0x3FC5] =	sst s2  }
0x8f: {  	_ = 	snop  }
0x90: {  	s2 =	sld [smem:$0x3FC8]  }
0x91: {  	s18 =	sld [smem:$0x3FC7]  }
0x92: {  	s4 =	sld [smem:$0x3FD0];
	(tm) =	ssettm $0x1  }
0x93: {  	s5 =	sld [smem:$0x3FFB];
	_ =	sdelay $0x3  }
0x94: {  	_ =	strace s5  }
0x95: {  	s5 =	sld [smem:$0x3FFC];
	_ =	sdelay $0x3  }
0x96: {  	_ =	strace s5  }
0x97: {  	s5 =	sld [smem:$0x3FFD];
	_ =	sdelay $0x3  }
0x98: {  	_ =	strace s5  }
0x99: {  	_ =	strace $0x8FFFFFFF  }
0x9a: {  	s19 =	sld [smem:$0x3FDB];
	_ =	sdelay $0x1  }
0x9b: {  	s6 =	simm.s32 $_scs_section_size  }
0x9c: {  	s7 =	simm.s32 $_size__tile_overlayer_lowered;
	s8 =	simm.s32 $_tile_overlayer_lowered  }
0x9d: {  	s22 =	simm.s32 $0x1BFF;
	s21 =	sshll.u32 s8, $0x1;
	s5 =	sadd.s32 s6, s19  }
0x9e: {  	s9 =	simm.s32 $0x0;
	s20 =	sshll.u32 s7, $0x1;
	s7 =	sadd.s32 s21, s5  }
0x9f: {  	[timem:s9], [sflag:s22] =	dma.local [hbm:s7], s20  }
0xa0: {  	_ =	swait.ge [sflag:s22], s20  }
0xa1: {  	s6 =	ssub.s32 $0x0, s20;
	[sflag:s22] =	ssyncset.done $0x0  }
0xa2: {  	[sflag:s22] =	ssyncadd.s32 s6;
	_ =	sdelay $0x1  }
0xa3: {  	s23 =	simm.s32 $0x1B8B  }
0xa4: {  	_ =	swait.ge [sflag:s23], $0x1  }
0xa5: {  	[sflag:s23] =	ssyncset.done $0x0  }
0xa6: {  	s25 =	simm.s32 $0x1B8E;
	s24 =	sld [smem:$0x3FFE];
	[sflag:s23] =	ssyncadd.s32 $0xFFFFFFFF  }
0xa7: {  	s26 =	simm.s32 $execute0_lowered;
	[smem:$0x3FD2] =	sst s25  }
0xa8: {  	s7 =	sshll.u32 s26, $0x1;
	_ =	strace $0x80000046;
	[dreg:$0x1] =	wrdreg $0xFFFFFFFF  }
0xa9: {  	s28 =	simm.s32 $_size_execute0_lowered;
	s5 =	sadd.s32 s5, s7;
	[dreg:$0x0] =	wrdreg $0x0  }
0xaa: {  	s7 =	sshll.u32 s28, $0x1;
	[dreg:$0x2] =	wrdreg s5  }
0xab: {  	[dreg:$0x3] =	wrdreg s7  }
0xac: {  	[dreg:$0x4] =	wrdreg $0xC0  }
0xad: {  	_ =	task [dreg:s9], $0x5FFFF  }
0xae: {  	[dreg:$0x1] =	wrdreg $0xFFFFFFFF  }
0xaf: {  	[dreg:$0x0] =	wrdreg $0x60  }
0xb0: {  	[dreg:$0x2] =	wrdreg s24  }
0xb1: {  	[dreg:$0x3] =	wrdreg s2  }
0xb2: {  	[dreg:$0x4] =	wrdreg s18  }
0xb3: {  	[dreg:$0x5] =	wrdreg s4  }
0xb4: {  	[dreg:$0x6] =	wrdreg $0x9  }
0xb5: {  	_ =	task.clear_ibuf [dreg:s9], $0x7FFFF;
	_ =	strace $0x90000046  }
0xb6: {  	s29 =	simm.s32 $0x9;
	_ =	strace $0x80000048  }
0xb7: {  	_ =	swait.ge [sflag:s29], $0x1  }
0xb8: {  	[sflag:s29] =	ssyncadd.s32 $0xFFFFFFFF  }
0xb9: {  	_ =	strace $0x90000048  }
0xba: {  	_ =	sfence  }
0xbb: {  	s30 =	sld [smem:$0x0];
	_ =	sdelay $0x2  }
0xbc: {  	s31 =	sshll.u32 s1, $0xD;
	s1 =	sshrl.u32 s1, $0x2  }
0xbd: {  	s3 =	sand.u32 $0x4000, s31;
	s1 =	sadd.s32 s1, s30  }
0xbe: {  	s0 =	sor.u32 s3, s0;
	s1 =	sshll.u32 s1, $0x11  }
0xbf: {  	s0 =	sor.u32 s1, s0  }
0xc0: {  	s0 =	sadd.s32 $0x8F2B, s0  }
0xc1: {  	[sflag:s0] =	ssyncadd.remote.s32 $0x1  }
0xc2: {  	_ =	sfence.sel $0xFFFF  }
0xc3: {  	[dreg:$0x0] =	wrdreg $0xFFFFFFFF;
	(pc) =	sbr.abs _section_cstart, $3  }
0xc4: {  	[dreg:$0x1] =	wrdreg $0xFFFFFFFF  }
0xc5: {  	_ =	task.clear_ibuf [dreg:s9], $0x2FFFF;
	_ =	strace $0x9FFFFFFF  }
0xc6: {  	(tm) =	ssettm $0x7FFFFFFF  }
0xc7: {  	_ =	shalt  }
tec
execute0_lowered:
.L_overlay_start_1:
0x0: {  	(tag) =	ssettag $0x1  }
0x1: {  	s0 =	rddreg [dreg:$0x0]  }
0x2: {  	s4 =	rddreg [dreg:$0x1]  }
0x3: {  	s1 =	srdreg.scid;
	s2 =	stileid.u32  }
0x4: {  	s5 =	simm.s32 $0x0;
	s1 =	sand.u32 $0x1, s1;
	s2 =	sshll.u32 s2, $0xB  }
0x5: {  	[smem:$0x7FF] =	sst s5;
	s29 =	sadd.s32 $0x100, s4;
	s3 =	sshll.u32 s1, $0xA  }
0x6: {  	s30 =	sadd.s32 $0x200, s4;
	s1 =	ssub.s32 $0x2, s1;
	s2 =	sor.u32 s3, s2  }
0x7: {  	s28 =	sshrl.u32 s1, $0x1;
	[dreg:$0x1c] =	wrdreg s2;
	s2 =	sshrl.u32 s2, $0x3  }
0x8: {  	s1 =	ssub.s32 s1, s28;
	_ =	strace $0x80000047;
	[dreg:$0x1e] =	wrdreg s29  }
0x9: {  	v2 =	vlaneseq.u32;
	s0 =	sadd.s32 s2, s0;
	[dreg:$0x1f] =	wrdreg s30;
	s31 =	smax.u32 s1, $0x1  }
0xa: {  	vm0 =	vmmov $0xffff;
	v1 =	vshrl.u32 v2, $0x3;
	s0 =	sadd.s32 $0x400, s0;
	[smem:$0x7FD] =	sst s31  }
0xb: {  	v0 =	vand.u32 $0x7, v2;
	v2 =	vor.u32 $0x8, v2;
	v1 =	vmul.u32 $0x8, v1;
	s2 =	simm.s32 $0x0;
	[dreg:$0x1d] =	wrdreg s0  }
.LBB2_1:
0xc: {  	[smem:$0x7FC] =	sst s2  }
0xd: {  	s0 =	rddreg [dreg:$0x2]  }
0xe: {  	s1 =	simm.s32 $0x0;
	s3 =	simm.s32 $0x18400;
	s4 =	simm.s32 $0x9  }
0xf: {  	[tilespmem:s3], [sflag:$0x9] =	stream.linear.gather [hbm4b:s0+s1], $0x300, $0x38;
	[tilespmem:$0x1A700] =	vst v63  }
0x10: {  	_ =	swait.ge [sflag:s4], $0x300  }
0x11: {  	[sflag:s4] =	ssyncset.done $0x0  }
0x12: {  	s5 =	rddreg [dreg:$0x1d];
	[sflag:s4] =	ssyncadd.s32 $0xFFFFFD00  }
0x13: {  	[tilespmem:s1], [sflag:$0x9] =	stream.linear.gather [hbm4b:s5+s1], $0x400, $0x38;
	[tilespmem:$0x1A700] =	vst v63  }
0x14: {  	_ =	swait.ge [sflag:s4], $0x400  }
0x15: {  	[sflag:s4] =	ssyncset.done $0x0  }
0x16: {  	[sflag:s4] =	ssyncadd.s32 $0xFFFFFC00  }
0x17: {  	v3 =	vld [tilespmem:$0x0];
	_ =	sdelay $0x4  }
0x18: {  	v4 =	vshrl.u32 v3, $0x3  }
0x19: {  	v4 =	vmul.u32 $0x30, v4  }
0x1a: {  	v3 =	vand.u32 $0x7, v3  }
0x1b: {  	v3 =	vor.u32 v3, v4  }
0x1c: {  	v4 =	vperm.xlane v3, v0;
	_ =	sdelay $0x1  }
0x1d: {  	v4 =	vadd.s32 v1, v4;
	_ =	sdelay $0x3  }
0x1e: {  	s7 =	simm.s32 $0x400;
	s6 =	rddreg [dreg:$0x1];
	v3 =	vperm.xlane v3, v2  }
0x1f: {  	[tilespmem:s7], [sflag:$0x1] =	stream.indirect_vreg.gather [hbm4b:s6+s1], $0x80, v4, vm0, $0xb8;
	[tilespmem:$0x1A700] =	vst v63  }
0x20: {  	s3 =	simm.s32 $0xC00;
	s8 =	rddreg [dreg:$0x1e];
	v3 =	vadd.s32 v1, v3  }
0x21: {  	[tilespmem:s3], [sflag:$0x1] =	stream.indirect_vreg.gather [hbm4b:s8+s1], $0x80, v4, vm0, $0xb8;
	[tilespmem:$0x1A700] =	vst v63  }
0x22: {  	s9 =	rddreg [dreg:$0x1f];
	s4 =	simm.s32 $0x1400  }
0x23: {  	[tilespmem:s4], [sflag:$0x1] =	stream.indirect_vreg.gather [hbm4b:s9+s1], $0x80, v4, vm0, $0xb8;
	[tilespmem:$0x1A700] =	vst v63  }
0x24: {  	s10 =	simm.s32 $0x1C00  }
0x25: {  	[tilespmem:s10], [sflag:$0x1] =	stream.indirect_vreg.gather [hbm4b:s6+s1], $0x80, v3, vm0, $0xb8;
	[tilespmem:$0x1A700] =	vst v63  }
0x26: {  	s11 =	simm.s32 $0x2400  }
0x27: {  	[tilespmem:s11], [sflag:$0x1] =	stream.indirect_vreg.gather [hbm4b:s8+s1], $0x80, v3, vm0, $0xb8;
	[tilespmem:$0x1A700] =	vst v63  }
0x28: {  	s12 =	simm.s32 $0x2C00  }
0x29: {  	[tilespmem:s12], [sflag:$0x1] =	stream.indirect_vreg.gather [hbm4b:s9+s1], $0x80, v3, vm0, $0xb8;
	[tilespmem:$0x1A700] =	vst v63  }
0x2a: {  	v3 =	vld [tilespmem:$0x10];
	_ =	sdelay $0x4  }
0x2b: {  	v61 =	vshrl.u32 v3, $0x3  }
0x2c: {  	v4 =	vmul.u32 $0x30, v61  }
0x2d: {  	v3 =	vand.u32 $0x7, v3  }
0x2e: {  	v3 =	vor.u32 v3, v4  }
0x2f: {  	v4 =	vperm.xlane v3, v0;
	_ =	sdelay $0x1  }
0x30: {  	v4 =	vadd.s32 v1, v4;
	_ =	sdelay $0x3  }
0x31: {  	s13 =	simm.s32 $0x3400;
	v3 =	vperm.xlane v3, v2  }
0x32: {  	[tilespmem:s13], [sflag:$0x1] =	stream.indirect_vreg.gather [hbm4b:s6+s1], $0x80, v4, vm0, $0xb8;
	[tilespmem:$0x1A700] =	vst v63  }
0x33: {  	s14 =	simm.s32 $0x3C00;
	v3 =	vadd.s32 v1, v3  }
0x34: {  	[tilespmem:s14], [sflag:$0x1] =	stream.indirect_vreg.gather [hbm4b:s8+s1], $0x80, v4, vm0, $0xb8;
	[tilespmem:$0x1A700] =	vst v63  }
0x35: {  	s15 =	simm.s32 $0x4400  }
0x36: {  	[tilespmem:s15], [sflag:$0x1] =	stream.indirect_vreg.gather [hbm4b:s9+s1], $0x80, v4, vm0, $0xb8;
	[tilespmem:$0x1A700] =	vst v63  }
0x37: {  	s16 =	simm.s32 $0x4C00  }
0x38: {  	[tilespmem:s16], [sflag:$0x1] =	stream.indirect_vreg.gather [hbm4b:s6+s1], $0x80, v3, vm0, $0xb8;
	[tilespmem:$0x1A700] =	vst v63  }
0x39: {  	s17 =	simm.s32 $0x5400  }
0x3a: {  	[tilespmem:s17], [sflag:$0x1] =	stream.indirect_vreg.gather [hbm4b:s8+s1], $0x80, v3, vm0, $0xb8;
	[tilespmem:$0x1A700] =	vst v63  }
0x3b: {  	s18 =	simm.s32 $0x5C00  }
0x3c: {  	[tilespmem:s18], [sflag:$0x1] =	stream.indirect_vreg.gather [hbm4b:s9+s1], $0x80, v3, vm0, $0xb8;
	[tilespmem:$0x1A700] =	vst v63  }
0x3d: {  	v3 =	vld [tilespmem:$0x20];
	_ =	sdelay $0x4  }
0x3e: {  	v62 =	vshrl.u32 v3, $0x3  }
0x3f: {  	v4 =	vmul.u32 $0x30, v62  }
0x40: {  	v3 =	vand.u32 $0x7, v3  }
0x41: {  	v3 =	vor.u32 v3, v4  }
0x42: {  	v4 =	vperm.xlane v3, v0;
	_ =	sdelay $0x1  }
0x43: {  	v4 =	vadd.s32 v1, v4;
	_ =	sdelay $0x3  }
0x44: {  	s19 =	simm.s32 $0x6400;
	v3 =	vperm.xlane v3, v2  }
0x45: {  	[tilespmem:s19], [sflag:$0x2] =	stream.indirect_vreg.gather [hbm4b:s6+s1], $0x80, v4, vm0, $0xb8;
	[tilespmem:$0x1A700] =	vst v63  }
0x46: {  	s20 =	simm.s32 $0x6C00;
	v3 =	vadd.s32 v1, v3  }
0x47: {  	[tilespmem:s20], [sflag:$0x2] =	stream.indirect_vreg.gather [hbm4b:s8+s1], $0x80, v4, vm0, $0xb8;
	[tilespmem:$0x1A700] =	vst v63  }
0x48: {  	s21 =	simm.s32 $0x7400  }
0x49: {  	[tilespmem:s21], [sflag:$0x2] =	stream.indirect_vreg.gather [hbm4b:s9+s1], $0x80, v4, vm0, $0xb8;
	[tilespmem:$0x1A700] =	vst v63  }
0x4a: {  	s22 =	simm.s32 $0x7C00  }
0x4b: {  	[tilespmem:s22], [sflag:$0x2] =	stream.indirect_vreg.gather [hbm4b:s6+s1], $0x80, v3, vm0, $0xb8;
	[tilespmem:$0x1A700] =	vst v63  }
0x4c: {  	s23 =	simm.s32 $0x8400  }
0x4d: {  	[tilespmem:s23], [sflag:$0x2] =	stream.indirect_vreg.gather [hbm4b:s8+s1], $0x80, v3, vm0, $0xb8;
	[tilespmem:$0x1A700] =	vst v63  }
0x4e: {  	s24 =	simm.s32 $0x8C00  }
0x4f: {  	[tilespmem:s24], [sflag:$0x2] =	stream.indirect_vreg.gather [hbm4b:s9+s1], $0x80, v3, vm0, $0xb8;
	[tilespmem:$0x1A700] =	vst v63  }
0x50: {  	v3 =	vld [tilespmem:$0x30];
	_ =	sdelay $0x4  }
0x51: {  	v63 =	vshrl.u32 v3, $0x3  }
0x52: {  	v4 =	vmul.u32 $0x30, v63  }
0x53: {  	v3 =	vand.u32 $0x7, v3  }
0x54: {  	v3 =	vor.u32 v3, v4  }
0x55: {  	v4 =	vperm.xlane v3, v0;
	_ =	sdelay $0x1  }
0x56: {  	v4 =	vadd.s32 v1, v4;
	_ =	sdelay $0x3  }
0x57: {  	s25 =	simm.s32 $0x9400;
	v3 =	vperm.xlane v3, v2  }
0x58: {  	[tilespmem:s25], [sflag:$0x2] =	stream.indirect_vreg.gather [hbm4b:s6+s1], $0x80, v4, vm0, $0xb8;
	[tilespmem:$0x1A700] =	vst v63  }
0x59: {  	s26 =	simm.s32 $0x9C00;
	v3 =	vadd.s32 v1, v3  }
0x5a: {  	[tilespmem:s26], [sflag:$0x2] =	stream.indirect_vreg.gather [hbm4b:s8+s1], $0x80, v4, vm0, $0xb8;
	[tilespmem:$0x1A700] =	vst v63  }
0x5b: {  	s28 =	simm.s32 $0xA400  }
0x5c: {  	[tilespmem:s28], [sflag:$0x2] =	stream.indirect_vreg.gather [hbm4b:s9+s1], $0x80, v4, vm0, $0xb8;
	[tilespmem:$0x1A700] =	vst v63  }
0x5d: {  	s29 =	simm.s32 $0xAC00  }
0x5e: {  	[tilespmem:s29], [sflag:$0x2] =	stream.indirect_vreg.gather [hbm4b:s6+s1], $0x80, v3, vm0, $0xb8;
	[tilespmem:$0x1A700] =	vst v63  }
0x5f: {  	s30 =	simm.s32 $0xB400  }
0x60: {  	[tilespmem:s30], [sflag:$0x2] =	stream.indirect_vreg.gather [hbm4b:s8+s1], $0x80, v3, vm0, $0xb8;
	[tilespmem:$0x1A700] =	vst v63  }
0x61: {  	s31 =	simm.s32 $0xBC00;
	s8 =	simm.s32 $0x0  }
0x62: {  	[tilespmem:s31], [sflag:$0x2] =	stream.indirect_vreg.gather [hbm4b:s9+s1], $0x80, v3, vm0, $0xb8;
	[tilespmem:$0x1A700] =	vst v63  }
.LBB2_2:
0x63: {  	p0 =	slt.u32 s8, $0x2  }
0x64: {  	p1 =	sgt.u32 @!p0 s8, $0x1D  }
0x65: {  	s1 =	sadd.s32 $0x2, s8;
	p1 =	por p0, !p1  }
.Ltmp0:
0x66: {  	s0 =	sand.u32 $0x3, s1;
	(pc) =	sbr.rel @!p1 .LBB2_4-.Ltmp0, $4  }
0x67: {  	s2 =	sadd.s32 @!p0 $0x5, s0  }
0x68: {  	_ =	swait.ge @!p0 [sflag:s2], $0x6000  }
0x69: {  	[sflag:s2] =	ssyncset.done @!p0 $0x0  }
0x6a: {  	[sflag:s2] =	ssyncadd.s32 @!p0 $0xFFFFA000  }
0x6b: {  	s1 =	sshll.u32 s1, $0x5  }
0x6c: {  	s1 =	sand.u32 $0x3FFFFFE0, s1  }
0x6d: {  	v3 =	vld [tilespmem:s1+$0x0];
	_ =	sdelay $0x4  }
0x6e: {  	v4 =	vshrl.u32 v3, $0x3  }
0x6f: {  	v4 =	vmul.u32 $0x30, v4  }
0x70: {  	v3 =	vand.u32 $0x7, v3  }
0x71: {  	v3 =	vor.u32 v3, v4  }
0x72: {  	v4 =	vperm.xlane v3, v0;
	_ =	sdelay $0x1  }
0x73: {  	v4 =	vadd.s32 v1, v4  }
0x74: {  	s2 =	smul.u32 $0x18000, s0;
	_ =	sdelay $0x1  }
0x75: {  	s19 =	sadd.s32 $0x1, s0;
	s2 =	sshrl.u32 s2, $0x2  }
0x76: {  	s4 =	rddreg [dreg:$0x1];
	s5 =	simm.s32 $0x0;
	s3 =	sor.u32 $0x400, s2;
	v3 =	vperm.xlane v3, v2  }
0x77: {  	[tilespmem:s3], [sflag:s19] =	stream.indirect_vreg.gather [hbm4b:s4+s5], $0x80, v4, vm0, $0xb8;
	[tilespmem:$0x1A700] =	vst v63  }
0x78: {  	s6 =	rddreg [dreg:$0x1e];
	s20 =	sor.u32 $0xC00, s2;
	v3 =	vadd.s32 v1, v3  }
0x79: {  	[tilespmem:s20], [sflag:s19] =	stream.indirect_vreg.gather [hbm4b:s6+s5], $0x80, v4, vm0, $0xb8;
	[tilespmem:$0x1A700] =	vst v63  }
0x7a: {  	s7 =	rddreg [dreg:$0x1f];
	s21 =	sor.u32 $0x1400, s2  }
0x7b: {  	[tilespmem:s21], [sflag:s19] =	stream.indirect_vreg.gather [hbm4b:s7+s5], $0x80, v4, vm0, $0xb8;
	[tilespmem:$0x1A700] =	vst v63  }
0x7c: {  	s22 =	sor.u32 $0x1C00, s2  }
0x7d: {  	[tilespmem:s22], [sflag:s19] =	stream.indirect_vreg.gather [hbm4b:s4+s5], $0x80, v3, vm0, $0xb8;
	[tilespmem:$0x1A700] =	vst v63  }
0x7e: {  	s23 =	sadd.s32 $0x2400, s2  }
0x7f: {  	[tilespmem:s23], [sflag:s19] =	stream.indirect_vreg.gather [hbm4b:s6+s5], $0x80, v3, vm0, $0xb8;
	[tilespmem:$0x1A700] =	vst v63  }
0x80: {  	s24 =	sadd.s32 $0x2C00, s2  }
0x81: {  	[tilespmem:s24], [sflag:s19] =	stream.indirect_vreg.gather [hbm4b:s7+s5], $0x80, v3, vm0, $0xb8;
	[tilespmem:$0x1A700] =	vst v63  }
0x82: {  	v3 =	vld [tilespmem:s1+$0x10];
	_ =	sdelay $0x4  }
0x83: {  	v63 =	vshrl.u32 v3, $0x3  }
0x84: {  	v4 =	vmul.u32 $0x30, v63  }
0x85: {  	v3 =	vand.u32 $0x7, v3  }
0x86: {  	v3 =	vor.u32 v3, v4  }
0x87: {  	v4 =	vperm.xlane v3, v0;
	_ =	sdelay $0x1  }
0x88: {  	v4 =	vadd.s32 v1, v4;
	_ =	sdelay $0x3  }
0x89: {  	s25 =	sadd.s32 $0x3400, s2;
	v3 =	vperm.xlane v3, v2  }
0x8a: {  	[tilespmem:s25], [sflag:s19] =	stream.indirect_vreg.gather [hbm4b:s4+s5], $0x80, v4, vm0, $0xb8;
	[tilespmem:$0x1A700] =	vst v63  }
0x8b: {  	s26 =	sadd.s32 $0x3C00, s2;
	v3 =	vadd.s32 v1, v3  }
0x8c: {  	[tilespmem:s26], [sflag:s19] =	stream.indirect_vreg.gather [hbm4b:s6+s5], $0x80, v4, vm0, $0xb8;
	[tilespmem:$0x1A700] =	vst v63  }
0x8d: {  	s28 =	sadd.s32 $0x4400, s2  }
0x8e: {  	[tilespmem:s28], [sflag:s19] =	stream.indirect_vreg.gather [hbm4b:s7+s5], $0x80, v4, vm0, $0xb8;
	[tilespmem:$0x1A700] =	vst v63  }
0x8f: {  	s29 =	sadd.s32 $0x4C00, s2  }
0x90: {  	[tilespmem:s29], [sflag:s19] =	stream.indirect_vreg.gather [hbm4b:s4+s5], $0x80, v3, vm0, $0xb8;
	[tilespmem:$0x1A700] =	vst v63  }
0x91: {  	s30 =	sadd.s32 $0x5400, s2  }
0x92: {  	[tilespmem:s30], [sflag:s19] =	stream.indirect_vreg.gather [hbm4b:s6+s5], $0x80, v3, vm0, $0xb8;
	[tilespmem:$0x1A700] =	vst v63  }
0x93: {  	s31 =	sadd.s32 $0x5C00, s2  }
0x94: {  	[tilespmem:s31], [sflag:s19] =	stream.indirect_vreg.gather [hbm4b:s7+s5], $0x80, v3, vm0, $0xb8;
	[tilespmem:$0x1A700] =	vst v63  }
.LBB2_4:
0x95: {  	s2 =	sand.u32 $0x3, s8  }
0x96: {  	s1 =	simm.s32 $0x0;
	s0 =	smul.u32 $0x18000, s2  }
0x97: {  	[smem:$0x7FA] =	sst s8;
	s22 =	simm.s32 $0x80;
	s1 =	smul.u32 $0x6000, s1  }
0x98: {  	[smem:$0x7FB] =	sst s2;
	s3 =	sadd.s32 $0x1, s2;
	s0 =	sshrl.u32 s0, $0x2  }
0x99: {  	_ =	swait.ge [sflag:s3], $0x6000;
	s1 =	sshra.s32 s1, $0x2;
	s8 =	sor.u32 $0x400, s0  }
0x9a: {  	s24 =	sand.u32 $0x380, s22;
	[sflag:s3] =	ssyncset.done $0x0;
	s23 =	sadd.s32 s1, s8  }
0x9b: {  	[sflag:s3] =	ssyncadd.s32 $0xFFFFA000;
	s4 =	sadd.s32 s24, s23  }
0x9c: {  	v3 =	vld [tilespmem:s4+$0x10]  }
0x9d: {  	v4 =	vld [tilespmem:s4+$0x0];
	_ =	sdelay $0x1  }
0x9e: {  	v5 =	vld [tilespmem:s4+$0x20];
	_ =	sdelay $0x1  }
0x9f: {  	v6 =	vld [tilespmem:s4+$0x30]  }
0xa0: {  	v7 =	vmul.f32 v4, v4;
	v8 =	vmul.f32 v3, v3  }
0xa1: {  	s25 =	simm.s32 $0x0;
	v9 =	vld [tilespmem:s4+$0x40];
	v4 =	vadd.f32 $0.0e+00, v4  }
0xa2: {  	s0 =	sand.u32 $0x300, s25;
	v7 =	vadd.f32 v8, v7;
	v8 =	vmul.f32 v5, v5  }
0xa3: {  	s26 =	sadd.s32 s0, s23;
	v10 =	vld [tilespmem:s4+$0x50];
	v3 =	vadd.f32 v3, v4  }
0xa4: {  	v11 =	vmul.f32 v6, v6;
	v4 =	vld [tilespmem:s26+$0x0];
	v7 =	vadd.f32 v8, v7  }
0xa5: {  	v8 =	vld [tilespmem:s4+$0x60];
	v3 =	vadd.f32 v5, v3  }
0xa6: {  	v12 =	vld [tilespmem:s4+$0x70];
	v7 =	vadd.f32 v11, v7;
	v11 =	vmul.f32 v9, v9  }
0xa7: {  	v5 =	vld [tilespmem:s26+$0x10];
	v3 =	vadd.f32 v6, v3  }
0xa8: {  	v13 =	vld [tilespmem:s4+$0x400];
	v7 =	vadd.f32 v11, v7;
	v11 =	vmul.f32 v10, v10  }
0xa9: {  	v6 =	vld [tilespmem:s26+$0x20];
	v3 =	vadd.f32 v9, v3  }
0xaa: {  	v14 =	vld [tilespmem:s26+$0x30];
	v9 =	vadd.f32 $0.0e+00, v4;
	v7 =	vadd.f32 v11, v7;
	v11 =	vmul.f32 v8, v8  }
0xab: {  	v15 =	vld [tilespmem:s4+$0x410];
	v3 =	vadd.f32 v10, v3  }
0xac: {  	v16 =	vmul.f32 v12, v12;
	v10 =	vld [tilespmem:s26+$0x40];
	v9 =	vadd.f32 v5, v9;
	v7 =	vadd.f32 v11, v7  }
0xad: {  	v11 =	vld [tilespmem:s4+$0x420];
	v3 =	vadd.f32 v8, v3  }
0xae: {  	v17 =	vld [tilespmem:s4+$0x430];
	v8 =	vadd.f32 v6, v9;
	v7 =	vadd.f32 v16, v7;
	v16 =	vmul.f32 v13, v13  }
0xaf: {  	v9 =	vld [tilespmem:s26+$0x50];
	v3 =	vadd.f32 v12, v3  }
0xb0: {  	v18 =	vld [tilespmem:s4+$0x440];
	v8 =	vadd.f32 v14, v8;
	v7 =	vadd.f32 v16, v7;
	v16 =	vmul.f32 v15, v15  }
0xb1: {  	v12 =	vld [tilespmem:s26+$0x60];
	v3 =	vadd.f32 v13, v3  }
0xb2: {  	v19 =	vld [tilespmem:s4+$0x450];
	v8 =	vadd.f32 v10, v8;
	v7 =	vadd.f32 v16, v7;
	v16 =	vmul.f32 v11, v11  }
0xb3: {  	v4 =	vmul.f32 v4, v4;
	v5 =	vmul.f32 v5, v5;
	v13 =	vld [tilespmem:s26+$0x70];
	v3 =	vadd.f32 v15, v3  }
0xb4: {  	v20 =	vld [tilespmem:s4+$0x460];
	v8 =	vadd.f32 v9, v8;
	v7 =	vadd.f32 v16, v7;
	v16 =	vmul.f32 v17, v17  }
0xb5: {  	v6 =	vmul.f32 v6, v6;
	v4 =	vadd.f32 v5, v4;
	v15 =	vld [tilespmem:s26+$0x400];
	v3 =	vadd.f32 v11, v3  }
0xb6: {  	s6 =	sadd.s32 $0x800, s23;
	v5 =	vld [tilespmem:s4+$0x470];
	v8 =	vadd.f32 v12, v8;
	v7 =	vadd.f32 v16, v7;
	v16 =	vmul.f32 v18, v18  }
0xb7: {  	s5 =	sadd.s32 s24, s6;
	v14 =	vmul.f32 v14, v14;
	v4 =	vadd.f32 v6, v4;
	v11 =	vld [tilespmem:s26+$0x410];
	v3 =	vadd.f32 v17, v3  }
0xb8: {  	v6 =	vld [tilespmem:s5+$0x0];
	v8 =	vadd.f32 v13, v8;
	v7 =	vadd.f32 v16, v7;
	v16 =	vmul.f32 v19, v19  }
0xb9: {  	v10 =	vmul.f32 v10, v10;
	v4 =	vadd.f32 v14, v4;
	v17 =	vld [tilespmem:s26+$0x420];
	v3 =	vadd.f32 v18, v3  }
0xba: {  	v14 =	vld [tilespmem:s5+$0x10];
	v8 =	vadd.f32 v15, v8;
	v7 =	vadd.f32 v16, v7;
	v16 =	vmul.f32 v20, v20  }
0xbb: {  	v9 =	vmul.f32 v9, v9;
	v4 =	vadd.f32 v10, v4;
	v18 =	vld [tilespmem:s26+$0x430];
	v3 =	vadd.f32 v19, v3  }
0xbc: {  	v21 =	vmul.f32 v5, v5;
	v10 =	vld [tilespmem:s5+$0x20];
	v8 =	vadd.f32 v11, v8;
	v7 =	vadd.f32 v16, v7  }
0xbd: {  	v12 =	vmul.f32 v12, v12;
	v4 =	vadd.f32 v9, v4;
	v19 =	vld [tilespmem:s26+$0x440];
	v3 =	vadd.f32 v20, v3  }
0xbe: {  	v9 =	vld [tilespmem:s5+$0x30];
	v20 =	vmul.f32 v6, v6;
	v8 =	vadd.f32 v17, v8;
	v7 =	vadd.f32 v21, v7  }
0xbf: {  	v13 =	vmul.f32 v13, v13;
	v4 =	vadd.f32 v12, v4;
	v16 =	vld [tilespmem:s26+$0x450];
	v3 =	vadd.f32 v5, v3  }
0xc0: {  	v12 =	vld [tilespmem:s5+$0x40];
	v8 =	vadd.f32 v18, v8;
	v7 =	vadd.f32 v20, v7;
	v20 =	vmul.f32 v14, v14  }
0xc1: {  	v15 =	vmul.f32 v15, v15;
	v4 =	vadd.f32 v13, v4;
	v5 =	vld [tilespmem:s26+$0x460];
	v3 =	vadd.f32 v6, v3  }
0xc2: {  	v13 =	vld [tilespmem:s5+$0x50];
	v8 =	vadd.f32 v19, v8;
	v7 =	vadd.f32 v20, v7;
	v20 =	vmul.f32 v10, v10  }
0xc3: {  	v11 =	vmul.f32 v11, v11;
	v4 =	vadd.f32 v15, v4;
	v6 =	vld [tilespmem:s26+$0x470];
	v3 =	vadd.f32 v14, v3  }
0xc4: {  	s7 =	sadd.s32 s0, s6;
	v15 =	vld [tilespmem:s5+$0x60];
	v8 =	vadd.f32 v16, v8;
	v7 =	vadd.f32 v20, v7;
	v20 =	vmul.f32 v9, v9  }
0xc5: {  	v17 =	vmul.f32 v17, v17;
	v4 =	vadd.f32 v11, v4;
	v14 =	vld [tilespmem:s7+$0x0];
	v3 =	vadd.f32 v10, v3  }
0xc6: {  	s9 =	sadd.s32 $0xC00, s23;
	v11 =	vld [tilespmem:s5+$0x70];
	v8 =	vadd.f32 v5, v8;
	v7 =	vadd.f32 v20, v7;
	v20 =	vmul.f32 v12, v12  }
0xc7: {  	s10 =	sadd.s32 s24, s9;
	v18 =	vmul.f32 v18, v18;
	v4 =	vadd.f32 v17, v4;
	v10 =	vld [tilespmem:s7+$0x10];
	v3 =	vadd.f32 v9, v3  }
0xc8: {  	v17 =	vld [tilespmem:s10+$0x0];
	v8 =	vadd.f32 v6, v8;
	v7 =	vadd.f32 v20, v7;
	v20 =	vmul.f32 v13, v13  }
0xc9: {  	v19 =	vmul.f32 v19, v19;
	v4 =	vadd.f32 v18, v4;
	v9 =	vld [tilespmem:s7+$0x20];
	v3 =	vadd.f32 v12, v3  }
0xca: {  	v18 =	vld [tilespmem:s10+$0x10];
	v8 =	vadd.f32 v14, v8;
	v7 =	vadd.f32 v20, v7;
	v20 =	vmul.f32 v15, v15  }
0xcb: {  	v16 =	vmul.f32 v16, v16;
	v4 =	vadd.f32 v19, v4;
	v12 =	vld [tilespmem:s7+$0x30];
	v3 =	vadd.f32 v13, v3  }
0xcc: {  	v19 =	vld [tilespmem:s10+$0x20];
	v8 =	vadd.f32 v10, v8;
	v7 =	vadd.f32 v20, v7;
	v20 =	vmul.f32 v11, v11  }
0xcd: {  	v5 =	vmul.f32 v5, v5;
	v4 =	vadd.f32 v16, v4;
	v13 =	vld [tilespmem:s7+$0x40];
	v3 =	vadd.f32 v15, v3  }
0xce: {  	v16 =	vld [tilespmem:s10+$0x30];
	v8 =	vadd.f32 v9, v8;
	v7 =	vadd.f32 v20, v7;
	v20 =	vmul.f32 v17, v17  }
0xcf: {  	v6 =	vmul.f32 v6, v6;
	v4 =	vadd.f32 v5, v4;
	v15 =	vld [tilespmem:s7+$0x50];
	v3 =	vadd.f32 v11, v3  }
0xd0: {  	v5 =	vld [tilespmem:s10+$0x40];
	v8 =	vadd.f32 v12, v8;
	v7 =	vadd.f32 v20, v7;
	v20 =	vmul.f32 v18, v18  }
0xd1: {  	v14 =	vmul.f32 v14, v14;
	v4 =	vadd.f32 v6, v4;
	v11 =	vld [tilespmem:s7+$0x60];
	v3 =	vadd.f32 v17, v3  }
0xd2: {  	v6 =	vld [tilespmem:s10+$0x50];
	v8 =	vadd.f32 v13, v8;
	v7 =	vadd.f32 v20, v7;
	v20 =	vmul.f32 v19, v19  }
0xd3: {  	v10 =	vmul.f32 v10, v10;
	v4 =	vadd.f32 v14, v4;
	v17 =	vld [tilespmem:s7+$0x70];
	v3 =	vadd.f32 v18, v3  }
0xd4: {  	s11 =	sadd.s32 s0, s9;
	v14 =	vld [tilespmem:s10+$0x60];
	v8 =	vadd.f32 v15, v8;
	v7 =	vadd.f32 v20, v7;
	v20 =	vmul.f32 v16, v16  }
0xd5: {  	v9 =	vmul.f32 v9, v9;
	v4 =	vadd.f32 v10, v4;
	v18 =	vld [tilespmem:s11+$0x0];
	v3 =	vadd.f32 v19, v3  }
0xd6: {  	s12 =	sadd.s32 $0x1000, s23;
	v10 =	vld [tilespmem:s10+$0x70];
	v8 =	vadd.f32 v11, v8;
	v7 =	vadd.f32 v20, v7;
	v20 =	vmul.f32 v5, v5  }
0xd7: {  	s13 =	sadd.s32 s24, s12;
	v12 =	vmul.f32 v12, v12;
	v4 =	vadd.f32 v9, v4;
	v19 =	vld [tilespmem:s11+$0x10];
	v3 =	vadd.f32 v16, v3  }
0xd8: {  	v9 =	vld [tilespmem:s13+$0x0];
	v8 =	vadd.f32 v17, v8;
	v7 =	vadd.f32 v20, v7;
	v20 =	vmul.f32 v6, v6  }
0xd9: {  	v13 =	vmul.f32 v13, v13;
	v4 =	vadd.f32 v12, v4;
	v16 =	vld [tilespmem:s11+$0x20];
	v3 =	vadd.f32 v5, v3  }
0xda: {  	v12 =	vld [tilespmem:s13+$0x10];
	v8 =	vadd.f32 v18, v8;
	v7 =	vadd.f32 v20, v7;
	v20 =	vmul.f32 v14, v14  }
0xdb: {  	v15 =	vmul.f32 v15, v15;
	v4 =	vadd.f32 v13, v4;
	v5 =	vld [tilespmem:s11+$0x30];
	v3 =	vadd.f32 v6, v3  }
0xdc: {  	v13 =	vld [tilespmem:s13+$0x20];
	v8 =	vadd.f32 v19, v8;
	v7 =	vadd.f32 v20, v7;
	v20 =	vmul.f32 v10, v10  }
0xdd: {  	v11 =	vmul.f32 v11, v11;
	v4 =	vadd.f32 v15, v4;
	v6 =	vld [tilespmem:s11+$0x40];
	v3 =	vadd.f32 v14, v3  }
0xde: {  	v15 =	vld [tilespmem:s13+$0x30];
	v8 =	vadd.f32 v16, v8;
	v7 =	vadd.f32 v20, v7;
	v20 =	vmul.f32 v9, v9  }
0xdf: {  	v17 =	vmul.f32 v17, v17;
	v4 =	vadd.f32 v11, v4;
	v14 =	vld [tilespmem:s11+$0x50];
	v3 =	vadd.f32 v10, v3  }
0xe0: {  	v11 =	vld [tilespmem:s13+$0x40];
	v8 =	vadd.f32 v5, v8;
	v7 =	vadd.f32 v20, v7;
	v20 =	vmul.f32 v12, v12  }
0xe1: {  	v18 =	vmul.f32 v18, v18;
	v4 =	vadd.f32 v17, v4;
	v10 =	vld [tilespmem:s11+$0x60];
	v3 =	vadd.f32 v9, v3  }
0xe2: {  	v17 =	vld [tilespmem:s13+$0x50];
	v8 =	vadd.f32 v6, v8;
	v7 =	vadd.f32 v20, v7;
	v20 =	vmul.f32 v13, v13  }
0xe3: {  	v19 =	vmul.f32 v19, v19;
	v4 =	vadd.f32 v18, v4;
	v9 =	vld [tilespmem:s11+$0x70];
	v3 =	vadd.f32 v12, v3  }
0xe4: {  	s14 =	sadd.s32 s0, s12;
	v18 =	vld [tilespmem:s13+$0x60];
	v8 =	vadd.f32 v14, v8;
	v7 =	vadd.f32 v20, v7;
	v20 =	vmul.f32 v15, v15  }
0xe5: {  	v16 =	vmul.f32 v16, v16;
	v4 =	vadd.f32 v19, v4;
	v12 =	vld [tilespmem:s14+$0x0];
	v3 =	vadd.f32 v13, v3  }
0xe6: {  	s2 =	sadd.s32 $0x1400, s23;
	v19 =	vld [tilespmem:s13+$0x70];
	v8 =	vadd.f32 v10, v8;
	v7 =	vadd.f32 v20, v7;
	v20 =	vmul.f32 v11, v11  }
0xe7: {  	s1 =	sadd.s32 s24, s2;
	v5 =	vmul.f32 v5, v5;
	v4 =	vadd.f32 v16, v4;
	v13 =	vld [tilespmem:s14+$0x10];
	v3 =	vadd.f32 v15, v3  }
0xe8: {  	v16 =	vld [tilespmem:s1+$0x0];
	v8 =	vadd.f32 v9, v8;
	v7 =	vadd.f32 v20, v7;
	v20 =	vmul.f32 v17, v17  }
0xe9: {  	v6 =	vmul.f32 v6, v6;
	v4 =	vadd.f32 v5, v4;
	v15 =	vld [tilespmem:s14+$0x20];
	v3 =	vadd.f32 v11, v3  }
0xea: {  	v5 =	vld [tilespmem:s1+$0x10];
	v8 =	vadd.f32 v12, v8;
	v7 =	vadd.f32 v20, v7;
	v20 =	vmul.f32 v18, v18  }
0xeb: {  	v14 =	vmul.f32 v14, v14;
	v4 =	vadd.f32 v6, v4;
	v11 =	vld [tilespmem:s14+$0x30];
	v3 =	vadd.f32 v17, v3  }
0xec: {  	v6 =	vld [tilespmem:s1+$0x20];
	v8 =	vadd.f32 v13, v8;
	v7 =	vadd.f32 v20, v7;
	v20 =	vmul.f32 v19, v19  }
0xed: {  	v10 =	vmul.f32 v10, v10;
	v4 =	vadd.f32 v14, v4;
	v17 =	vld [tilespmem:s14+$0x40];
	v3 =	vadd.f32 v18, v3  }
0xee: {  	v14 =	vld [tilespmem:s1+$0x30];
	v8 =	vadd.f32 v15, v8;
	v7 =	vadd.f32 v20, v7;
	v20 =	vmul.f32 v16, v16  }
0xef: {  	v9 =	vmul.f32 v9, v9;
	v4 =	vadd.f32 v10, v4;
	v18 =	vld [tilespmem:s14+$0x50];
	v3 =	vadd.f32 v19, v3  }
0xf0: {  	v10 =	vld [tilespmem:s1+$0x40];
	v8 =	vadd.f32 v11, v8;
	v7 =	vadd.f32 v20, v7;
	v20 =	vmul.f32 v5, v5  }
0xf1: {  	v12 =	vmul.f32 v12, v12;
	v4 =	vadd.f32 v9, v4;
	v19 =	vld [tilespmem:s14+$0x60];
	v3 =	vadd.f32 v16, v3  }
0xf2: {  	v9 =	vld [tilespmem:s1+$0x50];
	v8 =	vadd.f32 v17, v8;
	v7 =	vadd.f32 v20, v7;
	v20 =	vmul.f32 v6, v6  }
0xf3: {  	v13 =	vmul.f32 v13, v13;
	v4 =	vadd.f32 v12, v4;
	v16 =	vld [tilespmem:s14+$0x70];
	v3 =	vadd.f32 v5, v3  }
0xf4: {  	s0 =	sadd.s32 s0, s2;
	v12 =	vld [tilespmem:s1+$0x60];
	v8 =	vadd.f32 v18, v8;
	v7 =	vadd.f32 v20, v7;
	v20 =	vmul.f32 v14, v14  }
0xf5: {  	v4 =	vadd.f32 v13, v4;
	v5 =	vld [tilespmem:s0+$0x0];
	v3 =	vadd.f32 v6, v3  }
0xf6: {  	v13 =	vld [tilespmem:s1+$0x70];
	v8 =	vadd.f32 v19, v8;
	v7 =	vadd.f32 v20, v7;
	v20 =	vmul.f32 v10, v10  }
0xf7: {  	v15 =	vmul.f32 v15, v15;
	v6 =	vld [tilespmem:s0+$0x10];
	v3 =	vadd.f32 v14, v3  }
0xf8: {  	v14 =	vmul.f32 v9, v9;
	v8 =	vadd.f32 v16, v8;
	v7 =	vadd.f32 v20, v7  }
0xf9: {  	s15 =	simm.s32 $0x0;
	v11 =	vmul.f32 v11, v11;
	v4 =	vadd.f32 v15, v4;
	v20 =	vld [tilespmem:s0+$0x20];
	v3 =	vadd.f32 v10, v3  }
0xfa: {  	s1 =	smul.u32 $0x6000, s15;
	v8 =	vadd.f32 v5, v8;
	v7 =	vadd.f32 v14, v7;
	v14 =	vmul.f32 v12, v12  }
0xfb: {  	v15 =	vmul.f32 v17, v17;
	v4 =	vadd.f32 v11, v4;
	v10 =	vld [tilespmem:s0+$0x30];
	v3 =	vadd.f32 v9, v3  }
0xfc: {  	s16 =	simm.s32 $0x180;
	s1 =	sshra.s32 s1, $0x2;
	v11 =	vmul.f32 v13, v13;
	v8 =	vadd.f32 v6, v8;
	v7 =	vadd.f32 v14, v7  }
0xfd: {  	s18 =	sand.u32 $0x380, s16;
	s17 =	sadd.s32 s1, s8;
	v17 =	vld [tilespmem:s0+$0x40];
	v4 =	vadd.f32 v15, v4;
	v14 =	vmul.f32 v18, v18;
	v12 =	vadd.f32 v12, v3  }
0xfe: {  	s20 =	sadd.s32 s18, s17;
	v9 =	vld [tilespmem:s0+$0x50];
	v8 =	vadd.f32 v20, v8;
	v7 =	vadd.f32 v11, v7  }
0xff: {  	v11 =	vmul.f32 v19, v19;
	v4 =	vadd.f32 v14, v4;
	v12 =	vadd.f32 v13, v12;
	v13 =	vld [tilespmem:s20+$0x10]  }
0x100: {  	(xrf2) =	vadd.scan.msk.f32 $0xffff, v7;
	v7 =	vadd.f32 v10, v8;
	v8 =	vld [tilespmem:s20+$0x0]  }
0x101: {  	v18 =	vld [tilespmem:s0+$0x60];
	v14 =	vmul.f32 v16, v16;
	v4 =	vadd.f32 v11, v4  }
0x102: {  	(xrf2) =	vadd.scan.msk.f32 $0xffff, v12;
	v12 =	vld [tilespmem:s20+$0x20];
	v7 =	vadd.f32 v17, v7  }
0x103: {  	v5 =	vmul.f32 v5, v5;
	v3 =	vld [tilespmem:s0+$0x70];
	v4 =	vadd.f32 v14, v4  }
0x104: {  	v6 =	vmul.f32 v6, v6;
	v14 =	vld [tilespmem:s20+$0x30];
	v7 =	vadd.f32 v9, v7  }
0x105: {  	s19 =	simm.s32 $0x100;
	v21 =	vld [tilespmem:s20+$0x40];
	v19 =	vmul.f32 v13, v13;
	v4 =	vadd.f32 v5, v4;
	v5 =	vmul.f32 v8, v8  }
0x106: {  	v23 =	vld [tilespmem:s20+$0x50];
	s0 =	sand.u32 $0x300, s19;
	v20 =	vmul.f32 v20, v20;
	v8 =	vadd.f32 $0.0e+00, v8;
	v7 =	vadd.f32 v18, v7  }
0x107: {  	v25 =	vld [tilespmem:s20+$0x70];
	s21 =	sadd.s32 s0, s17;
	v4 =	vadd.f32 v6, v4;
	v6 =	vmul.f32 v12, v12;
	v5 =	vadd.f32 v19, v5  }
0x108: {  	v11 =	vld [tilespmem:s21+$0x0];
	v10 =	vmul.f32 v10, v10;
	v8 =	vadd.f32 v13, v8  }
0x109: {  	v26 =	vld [tilespmem:s20+$0x400];
	v13 =	vmul.f32 v14, v14;
	v19 =	vadd.f32 v3, v7;
	v6 =	vadd.f32 v6, v5  }
0x10a: {  	v15 =	vld [tilespmem:s21+$0x10];
	v5 =	vmul.f32 v9, v9;
	v9 =	vadd.f32 v20, v4;
	v12 =	vadd.f32 v12, v8  }
0x10b: {  	v24 =	vmul.f32 v21, v21;
	v7 =	vmul.f32 v17, v17;
	v20, _, _ =	vpop (xrf2);
	(xrf2) =	vadd.scan.msk.f32 $0xffff, v19;
	v19 =	vld [tilespmem:s20+$0x60];
	v13 =	vadd.f32 v13, v6  }
0x10c: {  	v16 =	vld [tilespmem:s21+$0x20];
	v4 =	vmul.f32 v18, v18;
	v18, _, _ =	vpop (xrf2);
	v8 =	vadd.f32 v10, v9;
	v9 =	vadd.f32 v14, v12  }
0x10d: {  	v22 =	vld [tilespmem:s21+$0x30];
	v12 =	vadd.f32 $0.0e+00, v11;
	v20 =	vmul.f32 $1.302083370e-03, v20;
	v6 =	vmul.f32 $1.302083370e-03, v18  }
0x10e: {  	v27 =	vld [tilespmem:s21+$0x400];
	v11 =	vmul.f32 v11, v11;
	v18 =	vmul.f32 v23, v23;
	v13 =	vadd.f32 v24, v13  }
0x10f: {  	v28 =	vld [tilespmem:s21+$0x410];
	v9 =	vadd.f32 v21, v9;
	v12 =	vadd.f32 v15, v12;
	v24 =	vmul.f32 v6, v6  }
0x110: {  	v17 =	vld [tilespmem:s21+$0x40];
	v7 =	vadd.f32 v7, v8;
	v13 =	vadd.f32 v18, v13;
	v18 =	vmul.f32 v19, v19  }
0x111: {  	v15 =	vmul.f32 v15, v15;
	v9 =	vadd.f32 v23, v9;
	v20 =	vsub.f32 v20, v24;
	v24 =	vld [tilespmem:s20+$0x410]  }
0x112: {  	v10 =	vld [tilespmem:s21+$0x50];
	v12 =	vadd.f32 v16, v12;
	v23 =	vmul.f32 v25, v25;
	v13 =	vadd.f32 v18, v13  }
0x113: {  	v14 =	vld [tilespmem:s21+$0x60];
	v15 =	vadd.f32 v15, v11;
	v19 =	vadd.f32 v19, v9  }
0x114: {  	v18 =	vadd.f32 $9.999999740e-06, v20;
	v20 =	vld [tilespmem:s20+$0x420];
	v13 =	vadd.f32 v23, v13;
	v23 =	vmul.f32 v26, v26  }
0x115: {  	v21 =	vld [tilespmem:s21+$0x70];
	v16 =	vmul.f32 v16, v16;
	v12 =	vadd.f32 v22, v12;
	v19 =	vadd.f32 v25, v19  }
0x116: {  	v11 =	vbroadcast v18, $0xF;
	v9, _, _ =	vpop (xrf2);
	v18 =	vld [tilespmem:s20+$0x430];
	v13 =	vadd.f32 v23, v13;
	v23 =	vmul.f32 v24, v24  }
0x117: {  	v15 =	vadd.f32 v16, v15;
	v25 =	vmul.f32 v22, v22;
	v29 =	vld [tilespmem:s21+$0x420];
	v19 =	vadd.f32 v26, v19  }
0x118: {  	v30 =	vld [tilespmem:s20+$0x440];
	v22 =	vshra.s32 v11, $0x1;
	v11 =	vmul.f32 $5.000000000e-01, v11;
	v13 =	vadd.f32 v23, v13  }
0x119: {  	v23 =	vmul.f32 v20, v20;
	v16 =	vsub.s32 $0x5F3759DF, v22;
	v19 =	vadd.f32 v24, v19  }
0x11a: {  	v12 =	vadd.f32 v17, v12;
	v17 =	vmul.f32 v17, v17;
	v22 =	vld [tilespmem:s20+$0x450];
	v24 =	vmul.f32 v16, v11  }
0x11b: {  	v26 =	vld [tilespmem:s20+$0x460];
	v13 =	vadd.f32 v23, v13;
	v23 =	vmul.f32 v18, v18;
	v19 =	vadd.f32 v20, v19  }
0x11c: {  	v15 =	vadd.f32 v25, v15;
	v12 =	vadd.f32 v10, v12;
	v20 =	vmul.f32 v16, v24  }
0x11d: {  	v13 =	vadd.f32 v23, v13;
	v23 =	vmul.f32 v30, v30;
	v18 =	vadd.f32 v18, v19  }
0x11e: {  	s22 =	sadd.s32 $0x800, s17;
	v25 =	vld [tilespmem:s20+$0x470];
	v15 =	vadd.f32 v17, v15;
	v19 =	vsub.f32 $1.500000000e+00, v20  }
0x11f: {  	s6 =	sadd.s32 s18, s22;
	v20 =	vmul.f32 v22, v22;
	v13 =	vadd.f32 v23, v13;
	v18 =	vadd.f32 v30, v18  }
0x120: {  	v31 =	vld [tilespmem:s6+$0x0];
	v12 =	vadd.f32 v14, v12;
	v24 =	vmul.f32 v10, v10;
	v17 =	vmul.f32 v26, v26  }
0x121: {  	v10 =	vmul.f32 v16, v19;
	v13 =	vadd.f32 v20, v13;
	v16 =	vadd.f32 v22, v18  }
0x122: {  	v12 =	vadd.f32 v21, v12;
	v15 =	vadd.f32 v24, v15;
	v23 =	vmul.f32 v14, v14;
	v14 =	vld [tilespmem:s6+$0x10]  }
0x123: {  	v18 =	vmul.f32 v25, v25;
	v13 =	vadd.f32 v17, v13;
	v16 =	vadd.f32 v26, v16  }
0x124: {  	v12 =	vadd.f32 v27, v12;
	v19 =	vld [tilespmem:s6+$0x20];
	v15 =	vadd.f32 v23, v15;
	v17 =	vmul.f32 v21, v21  }
0x125: {  	v22 =	vld [tilespmem:s21+$0x430];
	v13 =	vadd.f32 v18, v13;
	v18 =	vmul.f32 v31, v31;
	v16 =	vadd.f32 v25, v16  }
0x126: {  	v12 =	vadd.f32 v28, v12;
	v20 =	vmul.f32 v27, v27;
	v21 =	vld [tilespmem:s6+$0x30];
	v15 =	vadd.f32 v17, v15  }
0x127: {  	v24 =	vld [tilespmem:s21+$0x440];
	v17 =	vmul.f32 v14, v14;
	v13 =	vadd.f32 v18, v13;
	v16 =	vadd.f32 v31, v16  }
0x128: {  	v23 =	vld [tilespmem:s6+$0x40];
	v12 =	vadd.f32 v29, v12;
	v18 =	vmul.f32 v28, v28;
	v15 =	vadd.f32 v20, v15  }
0x129: {  	v13 =	vadd.f32 v17, v13;
	v17 =	vmul.f32 v19, v19;
	v14 =	vadd.f32 v14, v16;
	v16 =	vld [tilespmem:s21+$0x450]  }
0x12a: {  	v25 =	vld [tilespmem:s6+$0x50];
	v12 =	vadd.f32 v22, v12;
	v20 =	vmul.f32 v29, v29;
	v15 =	vadd.f32 v18, v15  }
0x12b: {  	v13 =	vadd.f32 v17, v13;
	v17 =	vmul.f32 v21, v21;
	v14 =	vadd.f32 v19, v14;
	v19 =	vld [tilespmem:s21+$0x460]  }
0x12c: {  	v12 =	vadd.f32 v24, v12;
	v18 =	vmul.f32 v22, v22;
	v22 =	vld [tilespmem:s6+$0x60];
	v15 =	vadd.f32 v20, v15  }
0x12d: {  	v13 =	vadd.f32 v17, v13;
	v17 =	vmul.f32 v23, v23;
	v14 =	vadd.f32 v21, v14;
	v21 =	vld [tilespmem:s21+$0x470]  }
0x12e: {  	s23 =	sadd.s32 $0xC00, s17;
	s5 =	sadd.s32 s0, s22;
	v20 =	vmul.f32 v24, v24;
	v24 =	vld [tilespmem:s6+$0x70];
	v15 =	vadd.f32 v18, v15;
	v12 =	vadd.f32 v16, v12  }
0x12f: {  	s24 =	sadd.s32 s18, s23;
	v13 =	vadd.f32 v17, v13;
	v17 =	vmul.f32 v25, v25;
	v14 =	vadd.f32 v23, v14;
	v23 =	vld [tilespmem:s5+$0x0]  }
0x130: {  	v18 =	vmul.f32 v16, v16;
	v16 =	vld [tilespmem:s24+$0x0];
	v15 =	vadd.f32 v20, v15;
	v12 =	vadd.f32 v19, v12  }
0x131: {  	v13 =	vadd.f32 v17, v13;
	v17 =	vmul.f32 v22, v22;
	v14 =	vadd.f32 v25, v14;
	v25 =	vld [tilespmem:s5+$0x10]  }
0x132: {  	v20 =	vmul.f32 v19, v19;
	v19 =	vld [tilespmem:s24+$0x10];
	v15 =	vadd.f32 v18, v15;
	v12 =	vadd.f32 v21, v12  }
0x133: {  	v13 =	vadd.f32 v17, v13;
	v17 =	vmul.f32 v24, v24;
	v14 =	vadd.f32 v22, v14;
	v22 =	vld [tilespmem:s5+$0x20]  }
0x134: {  	v18 =	vmul.f32 v21, v21;
	v21 =	vld [tilespmem:s24+$0x20];
	v15 =	vadd.f32 v20, v15;
	v12 =	vadd.f32 v23, v12  }
0x135: {  	v13 =	vadd.f32 v17, v13;
	v17 =	vmul.f32 v16, v16;
	v14 =	vadd.f32 v24, v14;
	v24 =	vld [tilespmem:s5+$0x30]  }
0x136: {  	v20 =	vmul.f32 v23, v23;
	v23 =	vld [tilespmem:s24+$0x30];
	v15 =	vadd.f32 v18, v15;
	v12 =	vadd.f32 v25, v12  }
0x137: {  	v13 =	vadd.f32 v17, v13;
	v17 =	vmul.f32 v19, v19;
	v14 =	vadd.f32 v16, v14;
	v16 =	vld [tilespmem:s5+$0x40]  }
0x138: {  	v18 =	vmul.f32 v25, v25;
	v25 =	vld [tilespmem:s24+$0x40];
	v15 =	vadd.f32 v20, v15;
	v12 =	vadd.f32 v22, v12  }
0x139: {  	v13 =	vadd.f32 v17, v13;
	v17 =	vmul.f32 v21, v21;
	v14 =	vadd.f32 v19, v14;
	v19 =	vld [tilespmem:s5+$0x50]  }
0x13a: {  	v20 =	vmul.f32 v22, v22;
	v22 =	vld [tilespmem:s24+$0x50];
	v15 =	vadd.f32 v18, v15;
	v12 =	vadd.f32 v24, v12  }
0x13b: {  	v13 =	vadd.f32 v17, v13;
	v17 =	vmul.f32 v23, v23;
	v14 =	vadd.f32 v21, v14;
	v21 =	vld [tilespmem:s5+$0x60]  }
0x13c: {  	v18 =	vmul.f32 v24, v24;
	v24 =	vld [tilespmem:s24+$0x60];
	v15 =	vadd.f32 v20, v15;
	v12 =	vadd.f32 v16, v12  }
0x13d: {  	v13 =	vadd.f32 v17, v13;
	v17 =	vmul.f32 v25, v25;
	v14 =	vadd.f32 v23, v14;
	v23 =	vld [tilespmem:s5+$0x70]  }
0x13e: {  	s25 =	sadd.s32 $0x1000, s17;
	s4 =	sadd.s32 s0, s23;
	v20 =	vmul.f32 v16, v16;
	v16 =	vld [tilespmem:s24+$0x70];
	v15 =	vadd.f32 v18, v15;
	v12 =	vadd.f32 v19, v12  }
0x13f: {  	s26 =	sadd.s32 s18, s25;
	v13 =	vadd.f32 v17, v13;
	v17 =	vmul.f32 v22, v22;
	v14 =	vadd.f32 v25, v14;
	v25 =	vld [tilespmem:s4+$0x0]  }
0x140: {  	v18 =	vmul.f32 v19, v19;
	v19 =	vld [tilespmem:s26+$0x0];
	v15 =	vadd.f32 v20, v15;
	v12 =	vadd.f32 v21, v12  }
0x141: {  	v13 =	vadd.f32 v17, v13;
	v17 =	vmul.f32 v24, v24;
	v14 =	vadd.f32 v22, v14;
	v22 =	vld [tilespmem:s4+$0x10]  }
0x142: {  	v20 =	vmul.f32 v21, v21;
	v21 =	vld [tilespmem:s26+$0x10];
	v15 =	vadd.f32 v18, v15;
	v12 =	vadd.f32 v23, v12  }
0x143: {  	v13 =	vadd.f32 v17, v13;
	v17 =	vmul.f32 v16, v16;
	v14 =	vadd.f32 v24, v14;
	v24 =	vld [tilespmem:s4+$0x20]  }
0x144: {  	v18 =	vmul.f32 v23, v23;
	v23 =	vld [tilespmem:s26+$0x20];
	v15 =	vadd.f32 v20, v15;
	v12 =	vadd.f32 v25, v12  }
0x145: {  	v13 =	vadd.f32 v17, v13;
	v17 =	vmul.f32 v19, v19;
	v14 =	vadd.f32 v16, v14;
	v16 =	vld [tilespmem:s4+$0x30]  }
0x146: {  	v20 =	vmul.f32 v25, v25;
	v25 =	vld [tilespmem:s26+$0x30];
	v15 =	vadd.f32 v18, v15;
	v12 =	vadd.f32 v22, v12  }
0x147: {  	v13 =	vadd.f32 v17, v13;
	v17 =	vmul.f32 v21, v21;
	v14 =	vadd.f32 v19, v14;
	v19 =	vld [tilespmem:s4+$0x40]  }
0x148: {  	v18 =	vmul.f32 v22, v22;
	v22 =	vld [tilespmem:s26+$0x40];
	v15 =	vadd.f32 v20, v15;
	v12 =	vadd.f32 v24, v12  }
0x149: {  	v13 =	vadd.f32 v17, v13;
	v17 =	vmul.f32 v23, v23;
	v14 =	vadd.f32 v21, v14;
	v21 =	vld [tilespmem:s4+$0x50]  }
0x14a: {  	v20 =	vmul.f32 v24, v24;
	v24 =	vld [tilespmem:s26+$0x50];
	v15 =	vadd.f32 v18, v15;
	v12 =	vadd.f32 v16, v12  }
0x14b: {  	v13 =	vadd.f32 v17, v13;
	v17 =	vmul.f32 v25, v25;
	v14 =	vadd.f32 v23, v14;
	v23 =	vld [tilespmem:s4+$0x60]  }
0x14c: {  	v18 =	vmul.f32 v16, v16;
	v16 =	vld [tilespmem:s26+$0x60];
	v15 =	vadd.f32 v20, v15;
	v12 =	vadd.f32 v19, v12  }
0x14d: {  	v13 =	vadd.f32 v17, v13;
	v17 =	vmul.f32 v22, v22;
	v14 =	vadd.f32 v25, v14;
	v25 =	vld [tilespmem:s4+$0x70]  }
0x14e: {  	s2 =	sadd.s32 $0x1400, s17;
	s3 =	sadd.s32 s0, s25;
	v20 =	vmul.f32 v19, v19;
	v19 =	vld [tilespmem:s26+$0x70];
	v15 =	vadd.f32 v18, v15;
	v12 =	vadd.f32 v21, v12  }
0x14f: {  	s1 =	sadd.s32 s18, s2;
	v13 =	vadd.f32 v17, v13;
	v17 =	vmul.f32 v24, v24;
	v14 =	vadd.f32 v22, v14;
	v22 =	vld [tilespmem:s3+$0x0]  }
0x150: {  	v18 =	vmul.f32 v21, v21;
	v21 =	vld [tilespmem:s1+$0x0];
	v15 =	vadd.f32 v20, v15;
	v12 =	vadd.f32 v23, v12  }
0x151: {  	v13 =	vadd.f32 v17, v13;
	v17 =	vmul.f32 v16, v16;
	v14 =	vadd.f32 v24, v14;
	v24 =	vld [tilespmem:s3+$0x10]  }
0x152: {  	v20 =	vmul.f32 v23, v23;
	v23 =	vld [tilespmem:s1+$0x10];
	v15 =	vadd.f32 v18, v15;
	v12 =	vadd.f32 v25, v12  }
0x153: {  	v13 =	vadd.f32 v17, v13;
	v17 =	vmul.f32 v19, v19;
	v14 =	vadd.f32 v16, v14;
	v16 =	vld [tilespmem:s3+$0x20]  }
0x154: {  	v18 =	vmul.f32 v25, v25;
	v25 =	vld [tilespmem:s1+$0x20];
	v15 =	vadd.f32 v20, v15;
	v12 =	vadd.f32 v22, v12  }
0x155: {  	v13 =	vadd.f32 v17, v13;
	v17 =	vmul.f32 v21, v21;
	v14 =	vadd.f32 v19, v14;
	v19 =	vld [tilespmem:s3+$0x30]  }
0x156: {  	v20 =	vmul.f32 v22, v22;
	v22 =	vld [tilespmem:s1+$0x30];
	v15 =	vadd.f32 v18, v15;
	v12 =	vadd.f32 v24, v12  }
0x157: {  	v13 =	vadd.f32 v17, v13;
	v17 =	vmul.f32 v23, v23;
	v14 =	vadd.f32 v21, v14;
	v21 =	vld [tilespmem:s3+$0x40]  }
0x158: {  	v18 =	vmul.f32 v24, v24;
	v24 =	vld [tilespmem:s1+$0x40];
	v15 =	vadd.f32 v20, v15;
	v20 =	vmul.f32 v16, v16  }
0x159: {  	v12 =	vadd.f32 v16, v12;
	v16 =	vld [tilespmem:s1+$0x50];
	v13 =	vadd.f32 v17, v13;
	v17 =	vmul.f32 v25, v25  }
0x15a: {  	v14 =	vadd.f32 v23, v14;
	v23 =	vld [tilespmem:s3+$0x50];
	v15 =	vadd.f32 v18, v15;
	v18 =	vmul.f32 v19, v19  }
0x15b: {  	v12 =	vadd.f32 v19, v12;
	v19 =	vld [tilespmem:s1+$0x60];
	v13 =	vadd.f32 v17, v13;
	v17 =	vmul.f32 v22, v22  }
0x15c: {  	v14 =	vadd.f32 v25, v14;
	v25 =	vld [tilespmem:s3+$0x60];
	v15 =	vadd.f32 v20, v15;
	v20 =	vmul.f32 v21, v21  }
0x15d: {  	v12 =	vadd.f32 v21, v12;
	v21 =	vld [tilespmem:s1+$0x70];
	v13 =	vadd.f32 v17, v13;
	v17 =	vmul.f32 v24, v24  }
0x15e: {  	v11 =	vmul.f32 v10, v11;
	v14 =	vadd.f32 v22, v14;
	v22 =	vld [tilespmem:s3+$0x70];
	v15 =	vadd.f32 v18, v15  }
0x15f: {  	s0 =	sadd.s32 s0, s2;
	v12 =	vadd.f32 v23, v12;
	v13 =	vadd.f32 v17, v13;
	v17 =	vmul.f32 v16, v16  }
0x160: {  	v18 =	vmul.f32 v23, v23;
	v23 =	vld [tilespmem:s0+$0x0];
	v14 =	vadd.f32 v24, v14;
	v15 =	vadd.f32 v20, v15  }
0x161: {  	v12 =	vadd.f32 v25, v12;
	v13 =	vadd.f32 v17, v13;
	v17 =	vmul.f32 v19, v19  }
0x162: {  	v20 =	vmul.f32 v25, v25;
	v14 =	vadd.f32 v16, v14;
	v16 =	vld [tilespmem:s0+$0x10];
	v15 =	vadd.f32 v18, v15  }
0x163: {  	v12 =	vadd.f32 v22, v12;
	v13 =	vadd.f32 v17, v13;
	v17 =	vmul.f32 v21, v21  }
0x164: {  	v18 =	vld [tilespmem:s0+$0x20];
	v22 =	vmul.f32 v22, v22;
	v14 =	vadd.f32 v19, v14;
	v15 =	vadd.f32 v20, v15  }
0x165: {  	v11 =	vmul.f32 v11, v10;
	s5 =	simm.s32 $0x0;
	v12 =	vadd.f32 v23, v12;
	v13 =	vadd.f32 v17, v13  }
0x166: {  	s1 =	smul.u32 $0x6000, s5;
	v19 =	vld [tilespmem:s0+$0x30];
	v8 =	vmul.f32 v23, v23;
	v14 =	vadd.f32 v21, v14;
	v15 =	vadd.f32 v22, v15  }
0x167: {  	v12 =	vadd.f32 v16, v12;
	(xrf2) =	vadd.scan.msk.f32 $0xffff, v13;
	v13 =	vmul.f32 v3, v3;
	v3 =	vsub.f32 $1.500000000e+00, v11  }
0x168: {  	v7 =	vadd.f32 v5, v7;
	s6 =	simm.s32 $0x280;
	s1 =	sshra.s32 s1, $0x2;
	v17 =	vld [tilespmem:s0+$0x40];
	v16 =	vmul.f32 v16, v16  }
0x169: {  	s9 =	sand.u32 $0x380, s6;
	s7 =	sadd.s32 s1, s8;
	v20 =	vld [tilespmem:s0+$0x50];
	v8 =	vadd.f32 v8, v15;
	(xrf2) =	vadd.scan.msk.f32 $0xffff, v14;
	v5 =	vmul.f32 v3, v10;
	v3 =	vadd.f32 v18, v12  }
0x16a: {  	v4 =	vadd.f32 v4, v7;
	s10 =	sadd.s32 s9, s7;
	v11 =	vld [tilespmem:s0+$0x60]  }
0x16b: {  	v7 =	vmul.f32 v18, v18;
	v15 =	vld [tilespmem:s10+$0x0];
	v8 =	vadd.f32 v16, v8;
	v10 =	vadd.f32 v19, v3  }
0x16c: {  	s11 =	simm.s32 $0x200;
	v12 =	vld [tilespmem:s10+$0x10];
	v16 =	vmul.f32 v19, v19  }
0x16d: {  	v14 =	vld [tilespmem:s0+$0x70];
	s0 =	sand.u32 $0x300, s11;
	v18 =	vmul.f32 v17, v17;
	v7 =	vadd.f32 v7, v8;
	v17 =	vadd.f32 v17, v10  }
0x16e: {  	v21 =	vld [tilespmem:s10+$0x20];
	s12 =	sadd.s32 s0, s7;
	v10 =	vadd.f32 v13, v4  }
0x16f: {  	v22 =	vld [tilespmem:s12+$0x0];
	v4 =	vmul.f32 $1.302083370e-03, v9;
	v9 =	vadd.f32 v16, v7;
	v16 =	vadd.f32 v20, v17  }
0x170: {  	v19 =	vmul.f32 v20, v20;
	v8 =	vmul.f32 v11, v11;
	v13 =	vld [tilespmem:s10+$0x30]  }
0x171: {  	v17 =	vmul.f32 v15, v15;
	v20 =	vmul.f32 v12, v12  }
0x172: {  	v23 =	vld [tilespmem:s10+$0x40];
	v3 =	vmul.f32 v14, v14;
	v9 =	vadd.f32 v18, v9;
	v15 =	vadd.f32 $0.0e+00, v15;
	v18, _, _ =	vpop (xrf2)  }
0x173: {  	v24 =	vld [tilespmem:s12+$0x10];
	v11 =	vadd.f32 v11, v16;
	v17 =	vadd.f32 v20, v17;
	v20 =	vmul.f32 v21, v21;
	v16, _, _ =	vpop (xrf2)  }
0x174: {  	v9 =	vadd.f32 v19, v9;
	v19 =	vld [tilespmem:s10+$0x50];
	v12 =	vadd.f32 v12, v15;
	v16 =	vmul.f32 $1.302083370e-03, v16  }
0x175: {  	v27 =	vld [tilespmem:s10+$0x60];
	v25 =	vadd.f32 $0.0e+00, v22;
	v26 =	vmul.f32 v13, v13;
	v17 =	vadd.f32 v20, v17  }
0x176: {  	v15 =	vld [tilespmem:s12+$0x20];
	v18 =	vmul.f32 $1.302083370e-03, v18;
	v12 =	vadd.f32 v21, v12;
	v20 =	vmul.f32 v16, v16  }
0x177: {  	v11 =	vadd.f32 v14, v11;
	v14 =	vadd.f32 v26, v17;
	v17 =	vmul.f32 v23, v23  }
0x178: {  	v21 =	vmul.f32 v22, v22;
	v22 =	vld [tilespmem:s10+$0x70];
	v12 =	vadd.f32 v13, v12;
	v18 =	vsub.f32 v18, v20  }
0x179: {  	v13 =	vadd.f32 v24, v25;
	v14 =	vadd.f32 v17, v14;
	v17 =	vmul.f32 v19, v19  }
0x17a: {  	v12 =	vadd.f32 v23, v12;
	v20 =	vmul.f32 v24, v24;
	v24 =	vld [tilespmem:s10+$0x400];
	v18 =	vadd.f32 $9.999999740e-06, v18  }
0x17b: {  	v23 =	vld [tilespmem:s12+$0x30];
	v13 =	vadd.f32 v15, v13;
	v14 =	vadd.f32 v17, v14;
	v17 =	vmul.f32 v27, v27  }
0x17c: {  	v25 =	vld [tilespmem:s10+$0x410];
	v15 =	vmul.f32 v15, v15;
	v12 =	vadd.f32 v19, v12;
	v18 =	vbroadcast v18, $0xF  }
0x17d: {  	v19 =	vld [tilespmem:s12+$0x40];
	v20 =	vadd.f32 v20, v21;
	v21 =	vmul.f32 v22, v22;
	v14 =	vadd.f32 v17, v14  }
0x17e: {  	v26 =	vld [tilespmem:s10+$0x420];
	v12 =	vadd.f32 v27, v12;
	v17 =	vshra.s32 v18, $0x1;
	v18 =	vmul.f32 $5.000000000e-01, v18  }
0x17f: {  	v14 =	vadd.f32 v21, v14;
	v21 =	vmul.f32 v24, v24;
	v17 =	vsub.s32 $0x5F3759DF, v17  }
0x180: {  	v29 =	vld [tilespmem:s10+$0x430];
	v27 =	vmul.f32 v23, v23;
	v13 =	vadd.f32 v23, v13;
	v28 =	vmul.f32 v17, v18  }
0x181: {  	v12 =	vadd.f32 v22, v12;
	v14 =	vadd.f32 v21, v14;
	v21 =	vmul.f32 v25, v25  }
0x182: {  	v15 =	vadd.f32 v15, v20;
	v23 =	vld [tilespmem:s10+$0x440];
	v13 =	vadd.f32 v19, v13;
	v20 =	vmul.f32 v17, v28  }
0x183: {  	v22 =	vld [tilespmem:s12+$0x50];
	v12 =	vadd.f32 v24, v12;
	v14 =	vadd.f32 v21, v14;
	v21 =	vmul.f32 v26, v26  }
0x184: {  	v19 =	vmul.f32 v19, v19;
	v15 =	vadd.f32 v27, v15;
	v28 =	vld [tilespmem:s10+$0x450];
	v20 =	vsub.f32 $1.500000000e+00, v20  }
0x185: {  	v24 =	vld [tilespmem:s12+$0x60];
	v25 =	vadd.f32 v25, v12;
	v14 =	vadd.f32 v21, v14;
	v21 =	vmul.f32 v29, v29  }
0x186: {  	v15 =	vadd.f32 v19, v15;
	v12 =	vmul.f32 v17, v20;
	v17 =	vld [tilespmem:s10+$0x460]  }
0x187: {  	v14 =	vadd.f32 v21, v14;
	v21 =	vmul.f32 v23, v23;
	v20 =	vadd.f32 v26, v25;
	v25 =	vld [tilespmem:s12+$0x70]  }
0x188: {  	s13 =	sadd.s32 $0x800, s7;
	v27 =	vmul.f32 v22, v22;
	v13 =	vadd.f32 v22, v13;
	v26 =	vld [tilespmem:s10+$0x470];
	v18 =	vmul.f32 v12, v18  }
0x189: {  	s14 =	sadd.s32 s9, s13;
	v14 =	vadd.f32 v21, v14;
	v19 =	vmul.f32 v28, v28;
	v20 =	vadd.f32 v29, v20;
	v29 =	vld [tilespmem:s12+$0x400]  }
0x18a: {  	v22 =	vmul.f32 v24, v24;
	v21 =	vadd.f32 v24, v13;
	v13 =	vmul.f32 v18, v12;
	v18 =	vld [tilespmem:s14+$0x0]  }
0x18b: {  	v14 =	vadd.f32 v19, v14;
	v20 =	vadd.f32 v23, v20;
	v23 =	vld [tilespmem:s12+$0x410];
	v19 =	vmul.f32 v17, v17  }
0x18c: {  	v15 =	vadd.f32 v27, v15;
	v27 =	vld [tilespmem:s14+$0x10];
	v24 =	vmul.f32 v25, v25;
	v21 =	vadd.f32 v25, v21  }
0x18d: {  	v25 =	vmul.f32 v26, v26;
	v20 =	vadd.f32 v28, v20;
	v14 =	vadd.f32 v19, v14  }
0x18e: {  	v15 =	vadd.f32 v22, v15;
	v22 =	vld [tilespmem:s14+$0x20];
	v13 =	vsub.f32 $1.500000000e+00, v13;
	v19 =	vmul.f32 v29, v29  }
0x18f: {  	v28 =	vld [tilespmem:s12+$0x420];
	v17 =	vadd.f32 v17, v20;
	v14 =	vadd.f32 v25, v14;
	v25 =	vmul.f32 v18, v18  }
0x190: {  	v30 =	vld [tilespmem:s14+$0x30];
	v21 =	vadd.f32 v29, v21;
	v15 =	vadd.f32 v24, v15;
	v29 =	vmul.f32 v23, v23  }
0x191: {  	v20 =	vld [tilespmem:s12+$0x430];
	v17 =	vadd.f32 v26, v17;
	v26 =	vmul.f32 v27, v27;
	v25 =	vadd.f32 v25, v14  }
0x192: {  	v21 =	vadd.f32 v23, v21;
	v15 =	vadd.f32 v19, v15;
	v14 =	vbroadcast v16, $0xF;
	v16 =	vld [tilespmem:s14+$0x40]  }
0x193: {  	v24 =	vld [tilespmem:s12+$0x440];
	v23 =	vmul.f32 v22, v22;
	v17 =	vadd.f32 v18, v17;
	v19 =	vadd.f32 v26, v25  }
0x194: {  	v21 =	vadd.f32 v28, v21;
	v15 =	vadd.f32 v29, v15;
	v25 =	vmul.f32 v28, v28;
	v26 =	vld [tilespmem:s14+$0x50]  }
0x195: {  	v18 =	vld [tilespmem:s12+$0x450];
	v17 =	vadd.f32 v27, v17;
	v19 =	vadd.f32 v23, v19;
	v23 =	vmul.f32 v30, v30  }
0x196: {  	v21 =	vadd.f32 v20, v21;
	v20 =	vmul.f32 v20, v20;
	v28 =	vld [tilespmem:s14+$0x60];
	v15 =	vadd.f32 v25, v15  }
0x197: {  	v27 =	vld [tilespmem:s12+$0x460];
	v17 =	vadd.f32 v22, v17;
	v19 =	vadd.f32 v23, v19;
	v23 =	vmul.f32 v16, v16  }
0x198: {  	s15 =	sadd.s32 $0xC00, s7;
	v21 =	vadd.f32 v24, v21;
	v24 =	vmul.f32 v24, v24;
	v25 =	vld [tilespmem:s14+$0x70];
	v15 =	vadd.f32 v20, v15  }
0x199: {  	s16 =	sadd.s32 s9, s15;
	v22 =	vld [tilespmem:s12+$0x470];
	v17 =	vadd.f32 v30, v17;
	v19 =	vadd.f32 v23, v19;
	v23 =	vmul.f32 v26, v26  }
0x19a: {  	s4 =	sadd.s32 s0, s13;
	v29 =	vld [tilespmem:s16+$0x0];
	v21 =	vadd.f32 v18, v21;
	v18 =	vmul.f32 v18, v18;
	v15 =	vadd.f32 v24, v15  }
0x19b: {  	v20 =	vld [tilespmem:s4+$0x0];
	v16 =	vadd.f32 v16, v17;
	v19 =	vadd.f32 v23, v19;
	v23 =	vmul.f32 v28, v28  }
0x19c: {  	v21 =	vadd.f32 v27, v21;
	v24 =	vmul.f32 v27, v27;
	v27 =	vld [tilespmem:s16+$0x10];
	v15 =	vadd.f32 v18, v15  }
0x19d: {  	v17 =	vld [tilespmem:s4+$0x10];
	v16 =	vadd.f32 v26, v16;
	v19 =	vadd.f32 v23, v19;
	v23 =	vmul.f32 v25, v25  }
0x19e: {  	v21 =	vadd.f32 v22, v21;
	v22 =	vmul.f32 v22, v22;
	v26 =	vld [tilespmem:s16+$0x20];
	v15 =	vadd.f32 v24, v15  }
0x19f: {  	v18 =	vld [tilespmem:s4+$0x20];
	v16 =	vadd.f32 v28, v16;
	v19 =	vadd.f32 v23, v19;
	v23 =	vmul.f32 v29, v29  }
0x1a0: {  	v21 =	vadd.f32 v20, v21;
	v20 =	vmul.f32 v20, v20;
	v28 =	vld [tilespmem:s16+$0x30];
	v15 =	vadd.f32 v22, v15  }
0x1a1: {  	v24 =	vld [tilespmem:s4+$0x30];
	v16 =	vadd.f32 v25, v16;
	v19 =	vadd.f32 v23, v19;
	v23 =	vmul.f32 v27, v27  }
0x1a2: {  	v21 =	vadd.f32 v17, v21;
	v17 =	vmul.f32 v17, v17;
	v25 =	vld [tilespmem:s16+$0x40];
	v15 =	vadd.f32 v20, v15  }
0x1a3: {  	v22 =	vld [tilespmem:s4+$0x40];
	v16 =	vadd.f32 v29, v16;
	v19 =	vadd.f32 v23, v19;
	v23 =	vmul.f32 v26, v26  }
0x1a4: {  	v21 =	vadd.f32 v18, v21;
	v18 =	vmul.f32 v18, v18;
	v29 =	vld [tilespmem:s16+$0x50];
	v15 =	vadd.f32 v17, v15  }
0x1a5: {  	v20 =	vld [tilespmem:s4+$0x50];
	v16 =	vadd.f32 v27, v16;
	v19 =	vadd.f32 v23, v19;
	v23 =	vmul.f32 v28, v28  }
0x1a6: {  	v21 =	vadd.f32 v24, v21;
	v24 =	vmul.f32 v24, v24;
	v27 =	vld [tilespmem:s16+$0x60];
	v15 =	vadd.f32 v18, v15  }
0x1a7: {  	v17 =	vld [tilespmem:s4+$0x60];
	v16 =	vadd.f32 v26, v16;
	v19 =	vadd.f32 v23, v19;
	v23 =	vmul.f32 v25, v25  }
0x1a8: {  	s18 =	sadd.s32 $0x1000, s7;
	v21 =	vadd.f32 v22, v21;
	v22 =	vmul.f32 v22, v22;
	v26 =	vld [tilespmem:s16+$0x70];
	v15 =	vadd.f32 v24, v15  }
0x1a9: {  	s19 =	sadd.s32 s9, s18;
	v18 =	vld [tilespmem:s4+$0x70];
	v16 =	vadd.f32 v28, v16;
	v19 =	vadd.f32 v23, v19;
	v23 =	vmul.f32 v29, v29  }
0x1aa: {  	s17 =	sadd.s32 s0, s15;
	v21 =	vadd.f32 v20, v21;
	v20 =	vmul.f32 v20, v20;
	v28 =	vld [tilespmem:s19+$0x0];
	v15 =	vadd.f32 v22, v15  }
0x1ab: {  	v24 =	vld [tilespmem:s17+$0x0];
	v16 =	vadd.f32 v25, v16;
	v19 =	vadd.f32 v23, v19;
	v23 =	vmul.f32 v27, v27  }
0x1ac: {  	v21 =	vadd.f32 v17, v21;
	v17 =	vmul.f32 v17, v17;
	v25 =	vld [tilespmem:s19+$0x10];
	v15 =	vadd.f32 v20, v15  }
0x1ad: {  	v22 =	vld [tilespmem:s17+$0x10];
	v16 =	vadd.f32 v29, v16;
	v19 =	vadd.f32 v23, v19;
	v23 =	vmul.f32 v26, v26  }
0x1ae: {  	v21 =	vadd.f32 v18, v21;
	v18 =	vmul.f32 v18, v18;
	v29 =	vld [tilespmem:s19+$0x20];
	v15 =	vadd.f32 v17, v15  }
0x1af: {  	v20 =	vld [tilespmem:s17+$0x20];
	v16 =	vadd.f32 v27, v16;
	v19 =	vadd.f32 v23, v19;
	v23 =	vmul.f32 v28, v28  }
0x1b0: {  	v21 =	vadd.f32 v24, v21;
	v24 =	vmul.f32 v24, v24;
	v27 =	vld [tilespmem:s19+$0x30];
	v15 =	vadd.f32 v18, v15  }
0x1b1: {  	v17 =	vld [tilespmem:s17+$0x30];
	v16 =	vadd.f32 v26, v16;
	v19 =	vadd.f32 v23, v19;
	v23 =	vmul.f32 v25, v25  }
0x1b2: {  	v21 =	vadd.f32 v22, v21;
	v22 =	vmul.f32 v22, v22;
	v26 =	vld [tilespmem:s19+$0x40];
	v15 =	vadd.f32 v24, v15  }
0x1b3: {  	v18 =	vld [tilespmem:s17+$0x40];
	v16 =	vadd.f32 v28, v16;
	v19 =	vadd.f32 v23, v19;
	v23 =	vmul.f32 v29, v29  }
0x1b4: {  	v21 =	vadd.f32 v20, v21;
	v20 =	vmul.f32 v20, v20;
	v28 =	vld [tilespmem:s19+$0x50];
	v15 =	vadd.f32 v22, v15  }
0x1b5: {  	v24 =	vld [tilespmem:s17+$0x50];
	v16 =	vadd.f32 v25, v16;
	v19 =	vadd.f32 v23, v19;
	v23 =	vmul.f32 v27, v27  }
0x1b6: {  	v21 =	vadd.f32 v17, v21;
	v17 =	vmul.f32 v17, v17;
	v25 =	vld [tilespmem:s19+$0x60];
	v15 =	vadd.f32 v20, v15  }
0x1b7: {  	v22 =	vld [tilespmem:s17+$0x60];
	v16 =	vadd.f32 v29, v16;
	v19 =	vadd.f32 v23, v19;
	v23 =	vmul.f32 v26, v26  }
0x1b8: {  	s2 =	sadd.s32 $0x1400, s7;
	v21 =	vadd.f32 v18, v21;
	v18 =	vmul.f32 v18, v18;
	v29 =	vld [tilespmem:s19+$0x70];
	v15 =	vadd.f32 v17, v15  }
0x1b9: {  	s1 =	sadd.s32 s9, s2;
	v20 =	vld [tilespmem:s17+$0x70];
	v16 =	vadd.f32 v27, v16;
	v19 =	vadd.f32 v23, v19;
	v23 =	vmul.f32 v28, v28  }
0x1ba: {  	s3 =	sadd.s32 s0, s18;
	v21 =	vadd.f32 v24, v21;
	v24 =	vmul.f32 v24, v24;
	v27 =	vld [tilespmem:s1+$0x0];
	v15 =	vadd.f32 v18, v15  }
0x1bb: {  	v17 =	vld [tilespmem:s3+$0x0];
	v16 =	vadd.f32 v26, v16;
	v19 =	vadd.f32 v23, v19;
	v23 =	vmul.f32 v25, v25  }
0x1bc: {  	v21 =	vadd.f32 v22, v21;
	v22 =	vmul.f32 v22, v22;
	v26 =	vld [tilespmem:s1+$0x10];
	v15 =	vadd.f32 v24, v15  }
0x1bd: {  	v18 =	vld [tilespmem:s3+$0x10];
	v16 =	vadd.f32 v28, v16;
	v19 =	vadd.f32 v23, v19;
	v23 =	vmul.f32 v29, v29  }
0x1be: {  	v21 =	vadd.f32 v20, v21;
	v20 =	vmul.f32 v20, v20;
	v28 =	vld [tilespmem:s1+$0x20];
	v15 =	vadd.f32 v22, v15  }
0x1bf: {  	v24 =	vld [tilespmem:s3+$0x20];
	v16 =	vadd.f32 v25, v16;
	v19 =	vadd.f32 v23, v19;
	v23 =	vmul.f32 v27, v27  }
0x1c0: {  	v21 =	vadd.f32 v17, v21;
	v17 =	vmul.f32 v17, v17;
	v25 =	vld [tilespmem:s1+$0x30];
	v15 =	vadd.f32 v20, v15  }
0x1c1: {  	v22 =	vld [tilespmem:s3+$0x30];
	v16 =	vadd.f32 v29, v16;
	v19 =	vadd.f32 v23, v19;
	v23 =	vmul.f32 v26, v26  }
0x1c2: {  	v21 =	vadd.f32 v18, v21;
	v18 =	vmul.f32 v18, v18;
	v29 =	vld [tilespmem:s1+$0x40];
	v15 =	vadd.f32 v17, v15  }
0x1c3: {  	v20 =	vld [tilespmem:s3+$0x40];
	v16 =	vadd.f32 v27, v16;
	v19 =	vadd.f32 v23, v19;
	v23 =	vmul.f32 v28, v28  }
0x1c4: {  	v21 =	vadd.f32 v24, v21;
	v24 =	vmul.f32 v24, v24;
	v27 =	vld [tilespmem:s1+$0x50];
	v15 =	vadd.f32 v18, v15  }
0x1c5: {  	v17 =	vld [tilespmem:s3+$0x50];
	v16 =	vadd.f32 v26, v16;
	v19 =	vadd.f32 v23, v19;
	v23 =	vmul.f32 v25, v25  }
0x1c6: {  	v21 =	vadd.f32 v22, v21;
	v22 =	vmul.f32 v22, v22;
	v26 =	vld [tilespmem:s1+$0x60];
	v15 =	vadd.f32 v24, v15  }
0x1c7: {  	v18 =	vld [tilespmem:s3+$0x60];
	v16 =	vadd.f32 v28, v16;
	v19 =	vadd.f32 v23, v19;
	v23 =	vmul.f32 v29, v29  }
0x1c8: {  	(xrf2) =	vadd.scan.msk.f32 $0xffff, v10;
	v10 =	vmul.f32 v20, v20;
	v21 =	vadd.f32 v20, v21;
	v20 =	vld [tilespmem:s1+$0x70];
	v15 =	vadd.f32 v22, v15  }
0x1c9: {  	v24 =	vld [tilespmem:s3+$0x70];
	v22 =	vmul.f32 v27, v27;
	v16 =	vadd.f32 v25, v16;
	v19 =	vadd.f32 v23, v19  }
0x1ca: {  	s0 =	sadd.s32 s0, s2;
	v21 =	vadd.f32 v17, v21;
	v17 =	vmul.f32 v17, v17;
	v10 =	vadd.f32 v10, v15  }
0x1cb: {  	(xrf2) =	vadd.scan.msk.f32 $0xffff, v11;
	v23 =	vld [tilespmem:s0+$0x0];
	v15 =	vadd.f32 v29, v16;
	v16 =	vmul.f32 v26, v26;
	v11 =	vadd.f32 v22, v19  }
0x1cc: {  	v19 =	vadd.f32 v18, v21;
	v18 =	vmul.f32 v18, v18;
	v10 =	vadd.f32 v17, v10  }
0x1cd: {  	v21 =	vld [tilespmem:s0+$0x10];
	v15 =	vadd.f32 v27, v15;
	v11 =	vadd.f32 v16, v11;
	v16 =	vmul.f32 v20, v20  }
0x1ce: {  	v19 =	vadd.f32 v24, v19;
	v24 =	vmul.f32 v24, v24;
	v18 =	vadd.f32 v18, v10  }
0x1cf: {  	v8 =	vadd.f32 v8, v9;
	v17 =	vld [tilespmem:s0+$0x20];
	v10 =	vmul.f32 v13, v12;
	v15 =	vadd.f32 v26, v15  }
0x1d0: {  	s20 =	simm.s32 $0x0;
	v9 =	vld [tilespmem:s0+$0x60];
	v11 =	vadd.f32 v16, v11;
	v16 =	vmul.f32 v23, v23;
	v18 =	vadd.f32 v24, v18  }
0x1d1: {  	s1 =	smul.u32 $0x6000, s20;
	v22 =	vld [tilespmem:s0+$0x30];
	v13 =	vadd.f32 v23, v19;
	v15 =	vadd.f32 v20, v15  }
0x1d2: {  	v12 =	vld [tilespmem:s0+$0x40];
	(xrf2) =	vadd.scan.msk.f32 $0xffff, v11;
	v11 =	vmul.f32 v10, v14;
	v14 =	vmul.f32 v21, v21;
	v16 =	vadd.f32 v16, v18  }
0x1d3: {  	s21 =	simm.s32 $0x380;
	s1 =	sshra.s32 s1, $0x2;
	v19 =	vld [tilespmem:s0+$0x50];
	v13 =	vadd.f32 v21, v13  }
0x1d4: {  	s23 =	sand.u32 $0x380, s21;
	s22 =	sadd.s32 s1, s8;
	v23 =	vld [tilespmem:s0+$0x70];
	v20, _, _ =	vpop (xrf2);
	(xrf2) =	vadd.scan.msk.f32 $0xffff, v15;
	v15 =	vmul.f32 v17, v17;
	v14 =	vadd.f32 v14, v16  }
0x1d5: {  	v7 =	vmul.f32 v4, v4;
	s24 =	sadd.s32 s23, s22;
	v13 =	vadd.f32 v17, v13;
	v17 =	vmul.f32 $1.302083370e-03, v20  }
0x1d6: {  	v25 =	vmul.f32 v9, v9;
	v18 =	vmul.f32 v22, v22;
	v21 =	vld [tilespmem:s24+$0x10];
	v14 =	vadd.f32 v15, v14  }
0x1d7: {  	s25 =	simm.s32 $0x300;
	v20 =	vmul.f32 v12, v12;
	v16, _, _ =	vpop (xrf2);
	v13 =	vadd.f32 v22, v13;
	v17 =	vsub.f32 v17, v7;
	v22 =	vld [tilespmem:s24+$0x0]  }
0x1d8: {  	s0 =	sand.u32 $0x300, s25;
	v24 =	vmul.f32 v19, v19;
	v26 =	vmul.f32 $1.302083370e-03, v16;
	v14 =	vadd.f32 v18, v14  }
0x1d9: {  	v27 =	vld [tilespmem:s24+$0x20];
	s26 =	sadd.s32 s0, s22;
	v7 =	vmul.f32 v23, v23;
	v12 =	vadd.f32 v12, v13;
	v13 =	vadd.f32 $9.999999740e-06, v17  }
0x1da: {  	v28 =	vld [tilespmem:s26+$0x0];
	v16 =	vadd.f32 v3, v8;
	v8 =	vmul.f32 v26, v26;
	v17 =	vadd.f32 v20, v14  }
0x1db: {  	v18 =	vld [tilespmem:s24+$0x30];
	v3 =	vbroadcast v26, $0xF;
	v12 =	vadd.f32 v19, v12;
	v13 =	vbroadcast v13, $0xF  }
0x1dc: {  	v31 =	vld [tilespmem:s24+$0x50];
	v20 =	vmul.f32 v21, v21;
	v19 =	vmul.f32 v22, v22;
	v22 =	vadd.f32 $0.0e+00, v22  }
0x1dd: {  	v26, _, _ =	vpop (xrf2);
	v9 =	vadd.f32 v9, v12;
	v15 =	vshra.s32 v13, $0x1;
	v14 =	vmul.f32 $5.000000000e-01, v13;
	v12 =	vld [tilespmem:s24+$0x40]  }
0x1de: {  	v13 =	vld [tilespmem:s26+$0x10];
	v24 =	vadd.f32 v24, v17;
	v19 =	vadd.f32 v20, v19;
	v20 =	vmul.f32 v27, v27;
	v17, _, _ =	vpop (xrf2)  }
0x1df: {  	v29 =	vadd.f32 $0.0e+00, v28;
	v21 =	vadd.f32 v21, v22;
	v22 =	vld [tilespmem:s24+$0x60];
	v30 =	vmul.f32 $1.302083370e-03, v17  }
0x1e0: {  	v32 =	vld [tilespmem:s26+$0x20];
	v17 =	vadd.f32 v23, v9;
	v23 =	vmul.f32 v18, v18;
	v19 =	vadd.f32 v20, v19  }
0x1e1: {  	v26 =	vmul.f32 $1.302083370e-03, v26;
	v9 =	vadd.f32 v25, v24;
	v24 =	vmul.f32 v28, v28  }
0x1e2: {  	v20 =	vld [tilespmem:s26+$0x30];
	v21 =	vadd.f32 v27, v21;
	v33 =	vmul.f32 v30, v30;
	v19 =	vadd.f32 v23, v19  }
0x1e3: {  	v25 =	vld [tilespmem:s24+$0x70];
	v23 =	vmul.f32 v12, v12;
	v27 =	vadd.f32 v13, v29;
	v13 =	vmul.f32 v13, v13  }
0x1e4: {  	v18 =	vadd.f32 v18, v21;
	v29 =	vmul.f32 v22, v22;
	v26 =	vsub.f32 v26, v33  }
0x1e5: {  	v19 =	vadd.f32 v23, v19;
	v23 =	vmul.f32 v31, v31;
	v21 =	vadd.f32 v32, v27  }
0x1e6: {  	v27 =	vmul.f32 v32, v32;
	v12 =	vadd.f32 v12, v18;
	v13 =	vadd.f32 v13, v24  }
0x1e7: {  	v28 =	vld [tilespmem:s24+$0x400];
	v18 =	vmul.f32 v20, v20;
	v26 =	vadd.f32 $9.999999740e-06, v26;
	v19 =	vadd.f32 v23, v19  }
0x1e8: {  	v24 =	vmul.f32 v25, v25;
	v23 =	vld [tilespmem:s26+$0x40];
	v12 =	vadd.f32 v31, v12;
	v13 =	vadd.f32 v27, v13  }
0x1e9: {  	v60 =	vld [tilespmem:s24+$0x410];
	v20 =	vadd.f32 v20, v21;
	v26 =	vbroadcast v26, $0xF;
	v19 =	vadd.f32 v29, v19  }
0x1ea: {  	v31 =	vld [tilespmem:s26+$0x50];
	v12 =	vadd.f32 v22, v12;
	v13 =	vadd.f32 v18, v13  }
0x1eb: {  	v61 =	vld [tilespmem:s26+$0x60];
	v29 =	vshra.s32 v26, $0x1;
	v21 =	vmul.f32 $5.000000000e-01, v26;
	v19 =	vadd.f32 v24, v19  }
0x1ec: {  	v26 =	vld [tilespmem:s24+$0x420];
	v24 =	vmul.f32 v28, v28;
	v12 =	vadd.f32 v25, v12;
	v29 =	vsub.s32 $0x5F3759DF, v29  }
0x1ed: {  	v20 =	vadd.f32 v23, v20;
	v23 =	vmul.f32 v23, v23;
	v22 =	vmul.f32 v29, v21  }
0x1ee: {  	v27 =	vld [tilespmem:s24+$0x430];
	v19 =	vadd.f32 v24, v19;
	v24 =	vmul.f32 v60, v60;
	v12 =	vadd.f32 v28, v12  }
0x1ef: {  	v25 =	vld [tilespmem:s26+$0x70];
	v20 =	vadd.f32 v31, v20;
	v13 =	vadd.f32 v23, v13;
	v22 =	vmul.f32 v29, v22  }
0x1f0: {  	v18 =	vld [tilespmem:s24+$0x440];
	v28 =	vmul.f32 v31, v31;
	v19 =	vadd.f32 v24, v19;
	v12 =	vadd.f32 v60, v12  }
0x1f1: {  	v24 =	vmul.f32 v26, v26;
	v20 =	vadd.f32 v61, v20;
	v22 =	vsub.f32 $1.500000000e+00, v22  }
0x1f2: {  	v31 =	vld [tilespmem:s24+$0x450];
	v13 =	vadd.f32 v28, v13;
	v12 =	vadd.f32 v26, v12  }
0x1f3: {  	v34 =	vld [tilespmem:s26+$0x400];
	v19 =	vadd.f32 v24, v19;
	v24 =	vmul.f32 v27, v27;
	v22 =	vmul.f32 v29, v22  }
0x1f4: {  	v35 =	vmul.f32 v61, v61;
	v23 =	vld [tilespmem:s24+$0x460];
	v20 =	vadd.f32 v25, v20;
	v12 =	vadd.f32 v27, v12  }
0x1f5: {  	v62 =	vld [tilespmem:s26+$0x410];
	v19 =	vadd.f32 v24, v19;
	v24 =	vmul.f32 v18, v18;
	v21 =	vmul.f32 v22, v21  }
0x1f6: {  	s5 =	sadd.s32 $0x800, s22;
	v26 =	vmul.f32 v25, v25;
	v13 =	vadd.f32 v35, v13;
	v29 =	vld [tilespmem:s24+$0x470];
	v12 =	vadd.f32 v18, v12  }
0x1f7: {  	s6 =	sadd.s32 s23, s5;
	v18 =	vld [tilespmem:s26+$0x420];
	v19 =	vadd.f32 v24, v19;
	v24 =	vmul.f32 v31, v31;
	v21 =	vmul.f32 v21, v22  }
0x1f8: {  	v63 =	vld [tilespmem:s6+$0x0];
	v20 =	vadd.f32 v34, v20;
	v13 =	vadd.f32 v26, v13  }
0x1f9: {  	v36 =	vld [tilespmem:s6+$0x10];
	v19 =	vadd.f32 v24, v19;
	v24 =	vmul.f32 v23, v23;
	v21 =	vsub.f32 $1.500000000e+00, v21  }
0x1fa: {  	v40 =	vld [tilespmem:s26+$0x430];
	v27 =	vmul.f32 v34, v34;
	v20 =	vadd.f32 v62, v20;
	v31 =	vadd.f32 v31, v12  }
0x1fb: {  	v25 =	vmul.f32 v29, v29;
	v19 =	vadd.f32 v24, v19;
	v12 =	vmul.f32 v21, v22;
	v21 =	vld [tilespmem:s6+$0x20]  }
0x1fc: {  	v24 =	vbroadcast v30, $0xF;
	v26 =	vmul.f32 v18, v18;
	v22 =	vadd.f32 v23, v31;
	v23 =	vld [tilespmem:s26+$0x440]  }
0x1fd: {  	v30 =	vld [tilespmem:s6+$0x30];
	v18 =	vadd.f32 v18, v20;
	v19 =	vadd.f32 v25, v19;
	v25 =	vmul.f32 v63, v63  }
0x1fe: {  	v28 =	vmul.f32 v62, v62;
	v27 =	vadd.f32 v27, v13;
	v22 =	vadd.f32 v29, v22;
	v29 =	vld [tilespmem:s26+$0x450]  }
0x1ff: {  	v20 =	vld [tilespmem:s6+$0x40];
	v18 =	vadd.f32 v40, v18;
	v19 =	vadd.f32 v25, v19;
	v25 =	vmul.f32 v36, v36  }
0x200: {  	v13 =	vmul.f32 v12, v24;
	v24 =	vadd.f32 v28, v27;
	v27 =	vld [tilespmem:s26+$0x460];
	v22 =	vadd.f32 v63, v22  }
0x201: {  	v31 =	vld [tilespmem:s6+$0x50];
	v19 =	vadd.f32 v25, v19;
	v25 =	vmul.f32 v21, v21;
	v18 =	vadd.f32 v23, v18  }
0x202: {  	v28 =	vmul.f32 v40, v40;
	v24 =	vadd.f32 v26, v24;
	v26 =	vld [tilespmem:s26+$0x470];
	v22 =	vadd.f32 v36, v22  }
0x203: {  	v19 =	vadd.f32 v25, v19;
	v25 =	vmul.f32 v30, v30;
	v18 =	vadd.f32 v29, v18  }
0x204: {  	v41 =	vld [tilespmem:s6+$0x60];
	s7 =	sadd.s32 s0, s5;
	v23 =	vmul.f32 v23, v23;
	v21 =	vadd.f32 v21, v22;
	v22 =	vadd.f32 v28, v24  }
0x205: {  	v24 =	vld [tilespmem:s7+$0x0];
	v19 =	vadd.f32 v25, v19;
	v25 =	vmul.f32 v20, v20;
	v18 =	vadd.f32 v27, v18  }
0x206: {  	s9 =	sadd.s32 $0xC00, s22;
	v28 =	vmul.f32 v29, v29;
	v29 =	vld [tilespmem:s6+$0x70];
	v21 =	vadd.f32 v30, v21;
	v22 =	vadd.f32 v23, v22  }
0x207: {  	s10 =	sadd.s32 s23, s9;
	v23 =	vld [tilespmem:s7+$0x10];
	v19 =	vadd.f32 v25, v19;
	v25 =	vmul.f32 v31, v31;
	v18 =	vadd.f32 v26, v18  }
0x208: {  	v27 =	vmul.f32 v27, v27;
	v30 =	vld [tilespmem:s10+$0x0];
	v20 =	vadd.f32 v20, v21;
	v21 =	vadd.f32 v28, v22  }
0x209: {  	v22 =	vld [tilespmem:s7+$0x20];
	v19 =	vadd.f32 v25, v19;
	v25 =	vmul.f32 v41, v41  }
0x20a: {  	v26 =	vmul.f32 v26, v26;
	v28 =	vld [tilespmem:s10+$0x10];
	v18 =	vadd.f32 v24, v18;
	v21 =	vadd.f32 v27, v21  }
0x20b: {  	v20 =	vadd.f32 v31, v20;
	v27 =	vld [tilespmem:s7+$0x30];
	v19 =	vadd.f32 v25, v19;
	v25 =	vmul.f32 v29, v29  }
0x20c: {  	v24 =	vmul.f32 v24, v24;
	v31 =	vld [tilespmem:s10+$0x20];
	v18 =	vadd.f32 v23, v18;
	v21 =	vadd.f32 v26, v21  }
0x20d: {  	v20 =	vadd.f32 v41, v20;
	v26 =	vld [tilespmem:s7+$0x40];
	v19 =	vadd.f32 v25, v19;
	v25 =	vmul.f32 v30, v30  }
0x20e: {  	v42 =	vld [tilespmem:s10+$0x30];
	v23 =	vmul.f32 v23, v23;
	v18 =	vadd.f32 v22, v18;
	v21 =	vadd.f32 v24, v21  }
0x20f: {  	v20 =	vadd.f32 v29, v20;
	v24 =	vld [tilespmem:s7+$0x50];
	v19 =	vadd.f32 v25, v19;
	v25 =	vmul.f32 v28, v28  }
0x210: {  	v22 =	vmul.f32 v22, v22;
	v29 =	vld [tilespmem:s10+$0x40];
	v18 =	vadd.f32 v27, v18;
	v21 =	vadd.f32 v23, v21  }
0x211: {  	v20 =	vadd.f32 v30, v20;
	v23 =	vld [tilespmem:s7+$0x60];
	v19 =	vadd.f32 v25, v19;
	v25 =	vmul.f32 v31, v31  }
0x212: {  	v27 =	vmul.f32 v27, v27;
	v30 =	vld [tilespmem:s10+$0x50];
	v18 =	vadd.f32 v26, v18;
	v21 =	vadd.f32 v22, v21  }
0x213: {  	v20 =	vadd.f32 v28, v20;
	v22 =	vld [tilespmem:s7+$0x70];
	v19 =	vadd.f32 v25, v19;
	v25 =	vmul.f32 v42, v42  }
0x214: {  	s11 =	sadd.s32 s0, s9;
	v26 =	vmul.f32 v26, v26;
	v28 =	vld [tilespmem:s10+$0x60];
	v18 =	vadd.f32 v24, v18;
	v21 =	vadd.f32 v27, v21  }
0x215: {  	v20 =	vadd.f32 v31, v20;
	v27 =	vld [tilespmem:s11+$0x0];
	v19 =	vadd.f32 v25, v19;
	v25 =	vmul.f32 v29, v29  }
0x216: {  	s12 =	sadd.s32 $0x1000, s22;
	v24 =	vmul.f32 v24, v24;
	v31 =	vld [tilespmem:s10+$0x70];
	v18 =	vadd.f32 v23, v18;
	v21 =	vadd.f32 v26, v21  }
0x217: {  	s13 =	sadd.s32 s23, s12;
	v20 =	vadd.f32 v42, v20;
	v26 =	vld [tilespmem:s11+$0x10];
	v19 =	vadd.f32 v25, v19;
	v25 =	vmul.f32 v30, v30  }
0x218: {  	v43 =	vld [tilespmem:s13+$0x0];
	v23 =	vmul.f32 v23, v23;
	v18 =	vadd.f32 v22, v18;
	v21 =	vadd.f32 v24, v21  }
0x219: {  	v20 =	vadd.f32 v29, v20;
	v24 =	vld [tilespmem:s11+$0x20];
	v19 =	vadd.f32 v25, v19;
	v25 =	vmul.f32 v28, v28  }
0x21a: {  	v22 =	vmul.f32 v22, v22;
	v29 =	vld [tilespmem:s13+$0x10];
	v18 =	vadd.f32 v27, v18;
	v21 =	vadd.f32 v23, v21  }
0x21b: {  	v20 =	vadd.f32 v30, v20;
	v23 =	vld [tilespmem:s11+$0x30];
	v19 =	vadd.f32 v25, v19;
	v25 =	vmul.f32 v31, v31  }
0x21c: {  	v27 =	vmul.f32 v27, v27;
	v30 =	vld [tilespmem:s13+$0x20];
	v18 =	vadd.f32 v26, v18;
	v21 =	vadd.f32 v22, v21  }
0x21d: {  	v20 =	vadd.f32 v28, v20;
	v22 =	vld [tilespmem:s11+$0x40];
	v19 =	vadd.f32 v25, v19;
	v25 =	vmul.f32 v43, v43  }
0x21e: {  	v26 =	vmul.f32 v26, v26;
	v28 =	vld [tilespmem:s13+$0x30];
	v18 =	vadd.f32 v24, v18;
	v21 =	vadd.f32 v27, v21  }
0x21f: {  	v20 =	vadd.f32 v31, v20;
	v27 =	vld [tilespmem:s11+$0x50];
	v19 =	vadd.f32 v25, v19;
	v25 =	vmul.f32 v29, v29  }
0x220: {  	v24 =	vmul.f32 v24, v24;
	v31 =	vld [tilespmem:s13+$0x40];
	v18 =	vadd.f32 v23, v18;
	v21 =	vadd.f32 v26, v21  }
0x221: {  	v20 =	vadd.f32 v43, v20;
	v26 =	vld [tilespmem:s11+$0x60];
	v19 =	vadd.f32 v25, v19;
	v25 =	vmul.f32 v30, v30  }
0x222: {  	v44 =	vld [tilespmem:s13+$0x50];
	v23 =	vmul.f32 v23, v23;
	v18 =	vadd.f32 v22, v18;
	v21 =	vadd.f32 v24, v21  }
0x223: {  	v20 =	vadd.f32 v29, v20;
	v24 =	vld [tilespmem:s11+$0x70];
	v19 =	vadd.f32 v25, v19;
	v25 =	vmul.f32 v28, v28  }
0x224: {  	s14 =	sadd.s32 s0, s12;
	v22 =	vmul.f32 v22, v22;
	v29 =	vld [tilespmem:s13+$0x60];
	v18 =	vadd.f32 v27, v18;
	v21 =	vadd.f32 v23, v21  }
0x225: {  	v20 =	vadd.f32 v30, v20;
	v23 =	vld [tilespmem:s14+$0x0];
	v19 =	vadd.f32 v25, v19;
	v25 =	vmul.f32 v31, v31  }
0x226: {  	s2 =	sadd.s32 $0x1400, s22;
	v27 =	vmul.f32 v27, v27;
	v30 =	vld [tilespmem:s13+$0x70];
	v18 =	vadd.f32 v26, v18;
	v21 =	vadd.f32 v22, v21  }
0x227: {  	s1 =	sadd.s32 s23, s2;
	v20 =	vadd.f32 v28, v20;
	v22 =	vld [tilespmem:s14+$0x10];
	v19 =	vadd.f32 v25, v19;
	v25 =	vmul.f32 v44, v44  }
0x228: {  	v26 =	vmul.f32 v26, v26;
	v28 =	vld [tilespmem:s1+$0x0];
	v18 =	vadd.f32 v24, v18;
	v21 =	vadd.f32 v27, v21  }
0x229: {  	v20 =	vadd.f32 v31, v20;
	v27 =	vld [tilespmem:s14+$0x20];
	v19 =	vadd.f32 v25, v19;
	v25 =	vmul.f32 v29, v29  }
0x22a: {  	v24 =	vmul.f32 v24, v24;
	v31 =	vld [tilespmem:s1+$0x10];
	v18 =	vadd.f32 v23, v18;
	v21 =	vadd.f32 v26, v21  }
0x22b: {  	v20 =	vadd.f32 v44, v20;
	v26 =	vld [tilespmem:s14+$0x30];
	v19 =	vadd.f32 v25, v19;
	v25 =	vmul.f32 v30, v30  }
0x22c: {  	v45 =	vld [tilespmem:s1+$0x20];
	v23 =	vmul.f32 v23, v23;
	v18 =	vadd.f32 v22, v18;
	v21 =	vadd.f32 v24, v21  }
0x22d: {  	v20 =	vadd.f32 v29, v20;
	v24 =	vld [tilespmem:s14+$0x40];
	v19 =	vadd.f32 v25, v19;
	v25 =	vmul.f32 v28, v28  }
0x22e: {  	v22 =	vmul.f32 v22, v22;
	v29 =	vld [tilespmem:s1+$0x30];
	v18 =	vadd.f32 v27, v18;
	v21 =	vadd.f32 v23, v21  }
0x22f: {  	v20 =	vadd.f32 v30, v20;
	v23 =	vld [tilespmem:s14+$0x50];
	v19 =	vadd.f32 v25, v19;
	v25 =	vmul.f32 v31, v31  }
0x230: {  	v27 =	vmul.f32 v27, v27;
	v30 =	vld [tilespmem:s1+$0x40];
	v18 =	vadd.f32 v26, v18;
	v21 =	vadd.f32 v22, v21  }
0x231: {  	v20 =	vadd.f32 v28, v20;
	v22 =	vld [tilespmem:s14+$0x60];
	v19 =	vadd.f32 v25, v19;
	v25 =	vmul.f32 v45, v45  }
0x232: {  	v26 =	vmul.f32 v26, v26;
	v28 =	vld [tilespmem:s1+$0x50];
	v18 =	vadd.f32 v24, v18;
	v21 =	vadd.f32 v27, v21  }
0x233: {  	v20 =	vadd.f32 v31, v20;
	v27 =	vld [tilespmem:s14+$0x70];
	v19 =	vadd.f32 v25, v19;
	v25 =	vmul.f32 v29, v29  }
0x234: {  	s0 =	sadd.s32 s0, s2;
	v24 =	vmul.f32 v24, v24;
	v31 =	vld [tilespmem:s1+$0x60];
	v18 =	vadd.f32 v23, v18;
	v21 =	vadd.f32 v26, v21  }
0x235: {  	(xrf2) =	vadd.scan.msk.f32 $0xffff, v16;
	v16 =	vld [tilespmem:s0+$0x0];
	v20 =	vadd.f32 v45, v20;
	v19 =	vadd.f32 v25, v19;
	v25 =	vmul.f32 v30, v30  }
0x236: {  	v23 =	vmul.f32 v23, v23;
	v26 =	vld [tilespmem:s1+$0x70];
	v18 =	vadd.f32 v22, v18;
	v21 =	vadd.f32 v24, v21  }
0x237: {  	s15 =	simm.s32 $0x1;
	v20 =	vadd.f32 v29, v20;
	v24 =	vld [tilespmem:s0+$0x10];
	v19 =	vadd.f32 v25, v19;
	v25 =	vmul.f32 v28, v28  }
0x238: {  	s1 =	smul.u32 $0x6000, s15;
	v22 =	vmul.f32 v22, v22;
	v18 =	vadd.f32 v27, v18;
	v21 =	vadd.f32 v23, v21  }
0x239: {  	(xrf2) =	vadd.scan.msk.f32 $0xffff, v17;
	v17 =	vld [tilespmem:s0+$0x20];
	v20 =	vadd.f32 v30, v20;
	v19 =	vadd.f32 v25, v19;
	v25 =	vmul.f32 v31, v31  }
0x23a: {  	s17 =	simm.s32 $0x480;
	s16 =	sshra.s32 s1, $0x2;
	v27 =	vmul.f32 v27, v27;
	v18 =	vadd.f32 v16, v18;
	v21 =	vadd.f32 v22, v21  }
0x23b: {  	v29 =	vld [tilespmem:s0+$0x40];
	s1 =	sand.u32 $0x380, s17;
	s18 =	sadd.s32 s16, s8;
	v20 =	vadd.f32 v28, v20;
	v22 =	vmul.f32 v26, v26;
	v19 =	vadd.f32 v25, v19  }
0x23c: {  	v23 =	vld [tilespmem:s0+$0x30];
	s20 =	sadd.s32 s1, s18;
	v16 =	vmul.f32 v16, v16;
	v18 =	vadd.f32 v24, v18;
	v21 =	vadd.f32 v27, v21  }
0x23d: {  	v6 =	vbroadcast v6, $0xF;
	v46 =	vld [tilespmem:s20+$0x30];
	v20 =	vadd.f32 v31, v20;
	v19 =	vadd.f32 v22, v19  }
0x23e: {  	v25 =	vld [tilespmem:s0+$0x50];
	v28 =	vmul.f32 v24, v24;
	v22 =	vmul.f32 v17, v17;
	v16 =	vadd.f32 v16, v21  }
0x23f: {  	s19 =	simm.s32 $0x400;
	v24 =	vld [tilespmem:s0+$0x70];
	v17 =	vadd.f32 v17, v18;
	v20 =	vadd.f32 v26, v20;
	(xrf2) =	vadd.scan.msk.f32 $0xffff, v19;
	v19 =	vsub.s32 $0x5F3759DF, v15  }
0x240: {  	v27 =	vld [tilespmem:s0+$0x60];
	s0 =	sand.u32 $0x300, s19;
	v21, _, _ =	vpop (xrf2);
	v15 =	vadd.f32 v28, v16;
	v16 =	vmul.f32 v19, v14  }
0x241: {  	v6 =	vmul.f32 v5, v6;
	s21 =	sadd.s32 s0, s18;
	v17 =	vadd.f32 v23, v17;
	(xrf2) =	vadd.scan.msk.f32 $0xffff, v20;
	v18 =	vmul.f32 $1.302083370e-03, v21  }
0x242: {  	v30 =	vmul.f32 v29, v29;
	v52 =	vld [tilespmem:s21+$0x40];
	v15 =	vadd.f32 v22, v15;
	v16 =	vmul.f32 v19, v16  }
0x243: {  	v26 =	vmul.f32 v23, v23;
	v28 =	vld [tilespmem:s20+$0x10];
	v21, _, _ =	vpop (xrf2);
	v22 =	vadd.f32 v29, v17;
	v8 =	vsub.f32 v18, v8  }
0x244: {  	v50 =	vmul.f32 v46, v46;
	v18 =	vmul.f32 $1.302083370e-03, v21;
	v21 =	vld [tilespmem:s20+$0x0];
	v31 =	vsub.f32 $1.500000000e+00, v16  }
0x245: {  	v56 =	vld [tilespmem:s21+$0x70];
	v20 =	vmul.f32 v25, v25;
	v22 =	vadd.f32 v25, v22;
	v8 =	vadd.f32 $9.999999740e-06, v8  }
0x246: {  	v23 =	vmul.f32 v27, v27;
	v26 =	vadd.f32 v26, v15;
	v16 =	vadd.f32 v7, v9;
	v25 =	vld [tilespmem:s20+$0x20]  }
0x247: {  	v29 =	vld [tilespmem:s21+$0x0];
	v9 =	vbroadcast v8, $0xF;
	v8 =	vmul.f32 v19, v31;
	v19 =	vadd.f32 v27, v22  }
0x248: {  	v17 =	vmul.f32 v24, v24;
	v32 =	vmul.f32 v52, v52;
	v26 =	vadd.f32 v30, v26  }
0x249: {  	v48 =	vld [tilespmem:s20+$0x40];
	v31 =	vmul.f32 v28, v28;
	v22 =	vmul.f32 v21, v21  }
0x24a: {  	v59 =	vmul.f32 v56, v56;
	v30 =	vld [tilespmem:s21+$0x10];
	v26 =	vadd.f32 v20, v26;
	v21 =	vadd.f32 $0.0e+00, v21;
	v27, _, _ =	vpop (xrf2)  }
0x24b: {  	v37 =	vld [tilespmem:s20+$0x50];
	v20 =	vadd.f32 v24, v19;
	v22 =	vadd.f32 v31, v22;
	v31 =	vmul.f32 v25, v25;
	v19, _, _ =	vpop (xrf2)  }
0x24c: {  	v47 =	vadd.f32 $0.0e+00, v29;
	v24 =	vld [tilespmem:s21+$0x20];
	v21 =	vadd.f32 v28, v21;
	v49 =	vmul.f32 $1.302083370e-03, v19  }
0x24d: {  	v29 =	vmul.f32 v29, v29;
	v19 =	vadd.f32 v23, v26;
	v22 =	vadd.f32 v31, v22  }
0x24e: {  	v26 =	vmul.f32 $1.302083370e-03, v27;
	v31 =	vld [tilespmem:s20+$0x60];
	v21 =	vadd.f32 v25, v21;
	v27 =	vmul.f32 v49, v49  }
0x24f: {  	v28 =	vadd.f32 v30, v47;
	v23 =	vld [tilespmem:s21+$0x30];
	v25 =	vmul.f32 v48, v48;
	v22 =	vadd.f32 v50, v22  }
0x250: {  	v51 =	vld [tilespmem:s20+$0x70];
	v30 =	vmul.f32 v30, v30;
	v21 =	vadd.f32 v46, v21;
	v26 =	vsub.f32 v26, v27  }
0x251: {  	v27 =	vadd.f32 v24, v28;
	v22 =	vadd.f32 v25, v22;
	v25 =	vmul.f32 v37, v37  }
0x252: {  	v24 =	vmul.f32 v24, v24;
	v28 =	vadd.f32 v30, v29;
	v21 =	vadd.f32 v48, v21  }
0x253: {  	v30 =	vld [tilespmem:s20+$0x400];
	v26 =	vadd.f32 $9.999999740e-06, v26;
	v22 =	vadd.f32 v25, v22;
	v25 =	vmul.f32 v31, v31  }
0x254: {  	v29 =	vmul.f32 v23, v23;
	v23 =	vadd.f32 v23, v27;
	v21 =	vadd.f32 v37, v21  }
0x255: {  	v53 =	vld [tilespmem:s20+$0x410];
	v27 =	vmul.f32 v51, v51;
	v26 =	vbroadcast v26, $0xF;
	v22 =	vadd.f32 v25, v22  }
0x256: {  	v15 =	vmul.f32 v18, v18;
	v24 =	vadd.f32 v24, v28;
	v21 =	vadd.f32 v31, v21  }
0x257: {  	v28 =	vld [tilespmem:s20+$0x420];
	v25 =	vshra.s32 v26, $0x1;
	v26 =	vmul.f32 $5.000000000e-01, v26;
	v22 =	vadd.f32 v27, v22  }
0x258: {  	v54 =	vld [tilespmem:s21+$0x50];
	v27 =	vmul.f32 v30, v30;
	v21 =	vadd.f32 v51, v21;
	v25 =	vsub.s32 $0x5F3759DF, v25  }
0x259: {  	v38 =	vld [tilespmem:s20+$0x430];
	v7 =	vbroadcast v18, $0xF;
	v18 =	vshra.s32 v9, $0x1;
	v55 =	vmul.f32 v25, v26  }
0x25a: {  	v22 =	vadd.f32 v27, v22;
	v27 =	vmul.f32 v53, v53;
	v21 =	vadd.f32 v30, v21  }
0x25b: {  	v39 =	vld [tilespmem:s20+$0x440];
	v35 =	vbroadcast v49, $0xF;
	v23 =	vadd.f32 v52, v23;
	v37 =	vmul.f32 v25, v55  }
0x25c: {  	v31 =	vld [tilespmem:s21+$0x60];
	v22 =	vadd.f32 v27, v22;
	v27 =	vmul.f32 v28, v28;
	v21 =	vadd.f32 v53, v21  }
0x25d: {  	v40 =	vld [tilespmem:s20+$0x450];
	v24 =	vadd.f32 v29, v24;
	v29 =	vmul.f32 v54, v54;
	v37 =	vsub.f32 $1.500000000e+00, v37  }
0x25e: {  	v22 =	vadd.f32 v27, v22;
	v27 =	vmul.f32 v38, v38;
	v21 =	vadd.f32 v28, v21  }
0x25f: {  	v60 =	vld [tilespmem:s20+$0x460];
	v23 =	vadd.f32 v54, v23;
	v24 =	vadd.f32 v32, v24;
	v25 =	vmul.f32 v25, v37  }
0x260: {  	s22 =	sadd.s32 $0x800, s18;
	v30 =	vld [tilespmem:s21+$0x400];
	v22 =	vadd.f32 v27, v22;
	v27 =	vmul.f32 v39, v39;
	v21 =	vadd.f32 v38, v21  }
0x261: {  	s23 =	sadd.s32 s1, s22;
	v24 =	vadd.f32 v29, v24;
	v23 =	vadd.f32 v31, v23;
	v28 =	vld [tilespmem:s20+$0x470];
	v26 =	vmul.f32 v25, v26  }
0x262: {  	v41 =	vld [tilespmem:s23+$0x0];
	v22 =	vadd.f32 v27, v22;
	v27 =	vmul.f32 v40, v40;
	v21 =	vadd.f32 v39, v21  }
0x263: {  	s25 =	sadd.s32 $0xC00, s18;
	v42 =	vld [tilespmem:s23+$0x10];
	v57 =	vmul.f32 v31, v31;
	v23 =	vadd.f32 v56, v23;
	v26 =	vmul.f32 v26, v25  }
0x264: {  	s26 =	sadd.s32 s1, s25;
	v58 =	vld [tilespmem:s21+$0x410];
	v22 =	vadd.f32 v27, v22;
	v27 =	vmul.f32 v60, v60;
	v21 =	vadd.f32 v40, v21  }
0x265: {  	v43 =	vld [tilespmem:s26+$0x50];
	v24 =	vadd.f32 v57, v24;
	v31 =	vmul.f32 v30, v30;
	v26 =	vsub.f32 $1.500000000e+00, v26  }
0x266: {  	v61 =	vld [tilespmem:s21+$0x420];
	v63 =	vmul.f32 v28, v28;
	v27 =	vadd.f32 v27, v22;
	v21 =	vadd.f32 v60, v21  }
0x267: {  	v23 =	vadd.f32 v30, v23;
	v24 =	vadd.f32 v59, v24;
	v22 =	vmul.f32 v26, v25;
	v25 =	vld [tilespmem:s23+$0x20]  }
0x268: {  	v62 =	vld [tilespmem:s21+$0x430];
	v30 =	vmul.f32 v41, v41;
	v27 =	vadd.f32 v63, v27;
	v21 =	vadd.f32 v28, v21  }
0x269: {  	v47 =	vld [tilespmem:s23+$0x30];
	v29 =	vmul.f32 v58, v58;
	v34 =	vadd.f32 v58, v23;
	v24 =	vadd.f32 v31, v24  }
0x26a: {  	v45 =	vld [tilespmem:s21+$0x440];
	v27 =	vadd.f32 v30, v27;
	v30 =	vmul.f32 v42, v42;
	v21 =	vadd.f32 v41, v21  }
0x26b: {  	v46 =	vmul.f32 v61, v61;
	v31 =	vld [tilespmem:s23+$0x40];
	v34 =	vadd.f32 v61, v34;
	v24 =	vadd.f32 v29, v24  }
0x26c: {  	v26 =	vld [tilespmem:s21+$0x450];
	v27 =	vadd.f32 v30, v27;
	v21 =	vadd.f32 v42, v21;
	v30 =	vmul.f32 v25, v25  }
0x26d: {  	v49 =	vld [tilespmem:s23+$0x50];
	v29 =	vmul.f32 v62, v62;
	v34 =	vadd.f32 v62, v34;
	v24 =	vadd.f32 v46, v24  }
0x26e: {  	v28 =	vld [tilespmem:s21+$0x460];
	v21 =	vadd.f32 v25, v21;
	v27 =	vadd.f32 v30, v27;
	v30 =	vmul.f32 v47, v47  }
0x26f: {  	v52 =	vld [tilespmem:s23+$0x60];
	v51 =	vmul.f32 v45, v45;
	v34 =	vadd.f32 v45, v34;
	v24 =	vadd.f32 v29, v24  }
0x270: {  	v48 =	vld [tilespmem:s21+$0x470];
	v21 =	vadd.f32 v47, v21;
	v27 =	vadd.f32 v30, v27;
	v30 =	vmul.f32 v31, v31  }
0x271: {  	s24 =	sadd.s32 s0, s22;
	v53 =	vld [tilespmem:s23+$0x70];
	v24 =	vadd.f32 v51, v24;
	v29 =	vmul.f32 v26, v26;
	v26 =	vadd.f32 v26, v34  }
0x272: {  	v50 =	vld [tilespmem:s24+$0x0];
	v21 =	vadd.f32 v31, v21;
	v27 =	vadd.f32 v30, v27;
	v30 =	vmul.f32 v49, v49  }
0x273: {  	v56 =	vld [tilespmem:s26+$0x0];
	v55 =	vmul.f32 v28, v28;
	v26 =	vadd.f32 v28, v26;
	v24 =	vadd.f32 v29, v24  }
0x274: {  	v25 =	vld [tilespmem:s24+$0x10];
	v21 =	vadd.f32 v49, v21;
	v27 =	vadd.f32 v30, v27;
	v30 =	vmul.f32 v52, v52  }
0x275: {  	v29 =	vmul.f32 v48, v48;
	v26 =	vadd.f32 v48, v26;
	v24 =	vadd.f32 v55, v24;
	v31 =	vld [tilespmem:s26+$0x10]  }
0x276: {  	v54 =	vld [tilespmem:s24+$0x20];
	v21 =	vadd.f32 v52, v21;
	v27 =	vadd.f32 v30, v27;
	v30 =	vmul.f32 v53, v53  }
0x277: {  	v59 =	vld [tilespmem:s26+$0x20];
	v58 =	vmul.f32 v50, v50;
	v26 =	vadd.f32 v50, v26;
	v24 =	vadd.f32 v29, v24  }
0x278: {  	v28 =	vld [tilespmem:s24+$0x30];
	v21 =	vadd.f32 v53, v21;
	v27 =	vadd.f32 v30, v27;
	v30 =	vmul.f32 v56, v56  }
0x279: {  	v61 =	vld [tilespmem:s26+$0x30];
	v29 =	vmul.f32 v25, v25;
	v25 =	vadd.f32 v25, v26;
	v24 =	vadd.f32 v58, v24  }
0x27a: {  	v57 =	vld [tilespmem:s24+$0x40];
	v21 =	vadd.f32 v56, v21;
	v27 =	vadd.f32 v30, v27;
	v30 =	vmul.f32 v31, v31  }
0x27b: {  	v62 =	vmul.f32 v54, v54;
	v63 =	vld [tilespmem:s26+$0x40];
	v25 =	vadd.f32 v54, v25;
	v24 =	vadd.f32 v29, v24  }
0x27c: {  	v60 =	vld [tilespmem:s24+$0x50];
	v21 =	vadd.f32 v31, v21;
	v27 =	vadd.f32 v30, v27;
	v30 =	vmul.f32 v59, v59  }
0x27d: {  	s7 =	sadd.s32 $0x1000, s18;
	s2 =	sadd.s32 $0x1400, s18;
	v44 =	vld [tilespmem:s26+$0x60];
	v29 =	vmul.f32 v28, v28;
	v25 =	vadd.f32 v28, v25;
	v24 =	vadd.f32 v62, v24  }
0x27e: {  	s6 =	sadd.s32 s0, s25;
	s10 =	sadd.s32 s0, s7;
	s0 =	sadd.s32 s0, s2;
	v26 =	vld [tilespmem:s24+$0x60];
	v21 =	vadd.f32 v59, v21;
	v27 =	vadd.f32 v30, v27;
	v30 =	vmul.f32 v61, v61  }
0x27f: {  	(xrf2) =	vadd.scan.msk.f32 $0xffff, v16;
	v16 =	vld [tilespmem:s0+$0x20];
	v25 =	vadd.f32 v57, v25;
	v24 =	vadd.f32 v29, v24;
	v31 =	vmul.f32 v57, v57  }
0x280: {  	v42 =	vld [tilespmem:s24+$0x70];
	v21 =	vadd.f32 v61, v21;
	v27 =	vadd.f32 v30, v27;
	v30 =	vmul.f32 v63, v63  }
0x281: {  	v46 =	vld [tilespmem:s26+$0x70];
	v29 =	vmul.f32 v60, v60;
	v25 =	vadd.f32 v60, v25;
	v24 =	vadd.f32 v31, v24  }
0x282: {  	s9 =	sadd.s32 s1, s7;
	v28 =	vld [tilespmem:s6+$0x0];
	v21 =	vadd.f32 v63, v21;
	v27 =	vadd.f32 v30, v27;
	v30 =	vmul.f32 v43, v43  }
0x283: {  	v48 =	vld [tilespmem:s9+$0x0];
	v31 =	vmul.f32 v26, v26;
	v25 =	vadd.f32 v26, v25;
	v24 =	vadd.f32 v29, v24  }
0x284: {  	v45 =	vld [tilespmem:s6+$0x10];
	v21 =	vadd.f32 v43, v21;
	v27 =	vadd.f32 v30, v27;
	v30 =	vmul.f32 v44, v44  }
0x285: {  	v49 =	vld [tilespmem:s9+$0x10];
	v29 =	vmul.f32 v42, v42;
	v25 =	vadd.f32 v42, v25;
	v24 =	vadd.f32 v31, v24  }
0x286: {  	v47 =	vld [tilespmem:s6+$0x20];
	v21 =	vadd.f32 v44, v21;
	v27 =	vadd.f32 v30, v27;
	v30 =	vmul.f32 v46, v46  }
0x287: {  	v51 =	vld [tilespmem:s9+$0x20];
	v31 =	vmul.f32 v28, v28;
	v25 =	vadd.f32 v28, v25;
	v24 =	vadd.f32 v29, v24  }
0x288: {  	v26 =	vld [tilespmem:s6+$0x30];
	v21 =	vadd.f32 v46, v21;
	v27 =	vadd.f32 v30, v27;
	v30 =	vmul.f32 v48, v48  }
0x289: {  	v52 =	vld [tilespmem:s9+$0x30];
	v29 =	vmul.f32 v45, v45;
	v25 =	vadd.f32 v45, v25;
	v24 =	vadd.f32 v31, v24  }
0x28a: {  	v50 =	vld [tilespmem:s6+$0x40];
	v21 =	vadd.f32 v48, v21;
	v27 =	vadd.f32 v30, v27;
	v30 =	vmul.f32 v49, v49  }
0x28b: {  	v54 =	vld [tilespmem:s9+$0x40];
	v31 =	vmul.f32 v47, v47;
	v25 =	vadd.f32 v47, v25;
	v24 =	vadd.f32 v29, v24  }
0x28c: {  	v28 =	vld [tilespmem:s6+$0x50];
	v21 =	vadd.f32 v49, v21;
	v27 =	vadd.f32 v30, v27;
	v30 =	vmul.f32 v51, v51  }
0x28d: {  	v56 =	vld [tilespmem:s9+$0x50];
	v29 =	vmul.f32 v26, v26;
	v25 =	vadd.f32 v26, v25;
	v24 =	vadd.f32 v31, v24  }
0x28e: {  	v53 =	vld [tilespmem:s6+$0x60];
	v21 =	vadd.f32 v51, v21;
	v27 =	vadd.f32 v30, v27;
	v30 =	vmul.f32 v52, v52  }
0x28f: {  	v57 =	vld [tilespmem:s9+$0x60];
	v31 =	vmul.f32 v50, v50;
	v25 =	vadd.f32 v50, v25;
	v24 =	vadd.f32 v29, v24  }
0x290: {  	v55 =	vld [tilespmem:s6+$0x70];
	v21 =	vadd.f32 v52, v21;
	v27 =	vadd.f32 v30, v27;
	v30 =	vmul.f32 v54, v54  }
0x291: {  	v59 =	vld [tilespmem:s9+$0x70];
	v29 =	vmul.f32 v28, v28;
	v25 =	vadd.f32 v28, v25;
	v24 =	vadd.f32 v31, v24  }
0x292: {  	s1 =	sadd.s32 s1, s2;
	v26 =	vld [tilespmem:s10+$0x0];
	v21 =	vadd.f32 v54, v21;
	v27 =	vadd.f32 v30, v27;
	v30 =	vmul.f32 v56, v56  }
0x293: {  	v60 =	vld [tilespmem:s1+$0x0];
	v31 =	vmul.f32 v53, v53;
	v25 =	vadd.f32 v53, v25;
	v24 =	vadd.f32 v29, v24  }
0x294: {  	v58 =	vld [tilespmem:s10+$0x10];
	v21 =	vadd.f32 v56, v21;
	v27 =	vadd.f32 v30, v27;
	v30 =	vmul.f32 v57, v57  }
0x295: {  	v62 =	vld [tilespmem:s1+$0x10];
	v29 =	vmul.f32 v55, v55;
	v25 =	vadd.f32 v55, v25;
	v24 =	vadd.f32 v31, v24  }
0x296: {  	v28 =	vld [tilespmem:s10+$0x20];
	v21 =	vadd.f32 v57, v21;
	v27 =	vadd.f32 v30, v27;
	v30 =	vmul.f32 v59, v59  }
0x297: {  	v42 =	vld [tilespmem:s1+$0x20];
	v31 =	vmul.f32 v26, v26;
	v25 =	vadd.f32 v26, v25;
	v24 =	vadd.f32 v29, v24  }
0x298: {  	v61 =	vld [tilespmem:s10+$0x30];
	v21 =	vadd.f32 v59, v21;
	v27 =	vadd.f32 v30, v27;
	v30 =	vmul.f32 v60, v60  }
0x299: {  	v43 =	vld [tilespmem:s1+$0x30];
	v29 =	vmul.f32 v58, v58;
	v25 =	vadd.f32 v58, v25;
	v24 =	vadd.f32 v31, v24  }
0x29a: {  	v63 =	vld [tilespmem:s10+$0x40];
	v21 =	vadd.f32 v60, v21;
	v27 =	vadd.f32 v30, v27;
	v30 =	vmul.f32 v62, v62  }
0x29b: {  	v45 =	vld [tilespmem:s1+$0x40];
	v31 =	vmul.f32 v28, v28;
	v25 =	vadd.f32 v28, v25;
	v24 =	vadd.f32 v29, v24  }
0x29c: {  	v26 =	vld [tilespmem:s10+$0x50];
	v21 =	vadd.f32 v62, v21;
	v27 =	vadd.f32 v30, v27;
	v30 =	vmul.f32 v42, v42  }
0x29d: {  	v46 =	vld [tilespmem:s1+$0x50];
	v29 =	vmul.f32 v61, v61;
	v25 =	vadd.f32 v61, v25;
	v24 =	vadd.f32 v31, v24  }
0x29e: {  	v44 =	vld [tilespmem:s10+$0x60];
	v21 =	vadd.f32 v42, v21;
	v27 =	vadd.f32 v30, v27;
	v30 =	vmul.f32 v43, v43  }
0x29f: {  	v48 =	vld [tilespmem:s1+$0x60];
	v31 =	vmul.f32 v63, v63;
	v25 =	vadd.f32 v63, v25;
	v24 =	vadd.f32 v29, v24  }
0x2a0: {  	v28 =	vld [tilespmem:s10+$0x70];
	v21 =	vadd.f32 v43, v21;
	v27 =	vadd.f32 v30, v27;
	v30 =	vmul.f32 v45, v45  }
0x2a1: {  	v50 =	vld [tilespmem:s1+$0x70];
	v29 =	vmul.f32 v26, v26;
	v25 =	vadd.f32 v26, v25;
	v24 =	vadd.f32 v31, v24  }
0x2a2: {  	v47 =	vld [tilespmem:s0+$0x0];
	v21 =	vadd.f32 v45, v21;
	v26 =	vadd.f32 v30, v27;
	v27 =	vmul.f32 v46, v46  }
0x2a3: {  	(xrf2) =	vadd.scan.msk.f32 $0xffff, v20;
	v20 =	vld [tilespmem:s0+$0x30];
	v25 =	vadd.f32 v44, v25;
	v24 =	vadd.f32 v29, v24;
	v30 =	vmul.f32 v44, v44  }
0x2a4: {  	v49 =	vld [tilespmem:s0+$0x10];
	v21 =	vadd.f32 v46, v21;
	v26 =	vadd.f32 v27, v26;
	v27 =	vmul.f32 v48, v48  }
0x2a5: {  	v51 =	vmul.f32 v28, v28;
	v31 =	vld [tilespmem:s0+$0x40];
	v25 =	vadd.f32 v28, v25;
	v24 =	vadd.f32 v30, v24  }
0x2a6: {  	v28 =	vld [tilespmem:s0+$0x60];
	v21 =	vadd.f32 v48, v21;
	v26 =	vadd.f32 v27, v26;
	v27 =	vmul.f32 v50, v50  }
0x2a7: {  	v9 =	vmul.f32 $5.000000000e-01, v9;
	v25 =	vadd.f32 v47, v25;
	v24 =	vadd.f32 v51, v24  }
0x2a8: {  	s11 =	simm.s32 $0x1;
	v52 =	vld [tilespmem:s0+$0x70];
	v30 =	vmul.f32 v47, v47;
	v21 =	vadd.f32 v50, v21;
	v26 =	vadd.f32 v27, v26  }
0x2a9: {  	v14 =	vmul.f32 v8, v14;
	v23 =	vmul.f32 v22, v35;
	v29 =	vld [tilespmem:s0+$0x50];
	s0 =	smul.u32 $0x6000, s11;
	v25 =	vadd.f32 v49, v25  }
0x2aa: {  	v53 =	vmul.f32 v49, v49;
	v54 =	vmul.f32 v20, v20;
	(xrf2) =	vadd.scan.msk.f32 $0xffff, v26;
	v26 =	vadd.f32 v30, v24  }
0x2ab: {  	s21 =	simm.s32 $0x580;
	v55 =	vmul.f32 v31, v31;
	s0 =	sshra.s32 s0, $0x2;
	v56 =	vmul.f32 v28, v28;
	v25 =	vadd.f32 v16, v25  }
0x2ac: {  	s13 =	sand.u32 $0x380, s21;
	s12 =	sadd.s32 s0, s8;
	v27 =	vmul.f32 v16, v16;
	v24 =	vadd.f32 v17, v19;
	(xrf2) =	vadd.scan.msk.f32 $0xffff, v21;
	v21, _, _ =	vpop (xrf2);
	v17 =	vadd.f32 v53, v26  }
0x2ad: {  	s14 =	simm.s32 $0x500;
	s15 =	sadd.s32 s13, s12;
	v21 =	vmul.f32 $1.302083370e-03, v21;
	v26 =	vsub.s32 $0x5F3759DF, v18;
	v18 =	vadd.f32 v20, v25  }
0x2ae: {  	s0 =	sand.u32 $0x300, s14;
	v57 =	vld [tilespmem:s15+$0x10];
	v16 =	vmul.f32 v52, v52;
	v30 =	vmul.f32 v29, v29;
	v25 =	vadd.f32 v27, v17  }
0x2af: {  	s16 =	sadd.s32 s0, s12;
	v19, _, _ =	vpop (xrf2);
	v20 =	vmul.f32 v26, v9;
	v15 =	vsub.f32 v21, v15;
	v21 =	vld [tilespmem:s15+$0x0];
	v18 =	vadd.f32 v31, v18  }
0x2b0: {  	v19 =	vmul.f32 $1.302083370e-03, v19;
	v27 =	vld [tilespmem:s16+$0x0];
	v31 =	vmul.f32 v14, v8  }
0x2b1: {  	v58 =	vld [tilespmem:s15+$0x20];
	v20 =	vmul.f32 v26, v20;
	v25 =	vadd.f32 v54, v25;
	v29 =	vadd.f32 v29, v18  }
0x2b2: {  	v17 =	vmul.f32 v19, v19;
	v15 =	vadd.f32 $9.999999740e-06, v15;
	v18 =	vsub.f32 $1.500000000e+00, v31  }
0x2b3: {  	v14 =	vbroadcast v19, $0xF;
	v31 =	vld [tilespmem:s16+$0x10];
	v19 =	vsub.f32 $1.500000000e+00, v20;
	v28 =	vadd.f32 v28, v29  }
0x2b4: {  	v60 =	vmul.f32 v57, v57;
	v20 =	vld [tilespmem:s15+$0x30];
	v25 =	vadd.f32 v55, v25;
	v35 =	vbroadcast v15, $0xF  }
0x2b5: {  	v61 =	vld [tilespmem:s16+$0x20];
	v59 =	vmul.f32 v21, v21;
	v15 =	vmul.f32 v26, v19;
	v19 =	vadd.f32 $0.0e+00, v27  }
0x2b6: {  	v62 =	vmul.f32 v58, v58;
	v26 =	vld [tilespmem:s15+$0x40];
	v63 =	vadd.f32 $0.0e+00, v21;
	v29, _, _ =	vpop (xrf2);
	v30 =	vadd.f32 v30, v25  }
0x2b7: {  	v27 =	vmul.f32 v27, v27;
	v25 =	vadd.f32 v52, v28;
	v37 =	vadd.f32 v60, v59;
	v28, _, _ =	vpop (xrf2)  }
0x2b8: {  	v45 =	vld [tilespmem:s15+$0x50];
	v29 =	vmul.f32 $1.302083370e-03, v29;
	v19 =	vadd.f32 v31, v19;
	v28 =	vmul.f32 $1.302083370e-03, v28  }
0x2b9: {  	v48 =	vld [tilespmem:s15+$0x60];
	v34 =	vadd.f32 v57, v63;
	v44 =	vmul.f32 v20, v20;
	v46 =	vadd.f32 v62, v37  }
0x2ba: {  	v55 =	vld [tilespmem:s15+$0x410];
	v31 =	vmul.f32 v31, v31;
	v21 =	vadd.f32 v56, v30;
	v47 =	vmul.f32 v28, v28  }
0x2bb: {  	v30 =	vld [tilespmem:s16+$0x30];
	v19 =	vadd.f32 v61, v19;
	v49 =	vmul.f32 v26, v26;
	v36 =	vadd.f32 v44, v46  }
0x2bc: {  	v50 =	vld [tilespmem:s15+$0x70];
	v32 =	vmul.f32 v61, v61;
	v33 =	vadd.f32 v58, v34;
	v29 =	vsub.f32 v29, v47  }
0x2bd: {  	v52 =	vmul.f32 v45, v45;
	v27 =	vadd.f32 v31, v27;
	v51 =	vadd.f32 v49, v36  }
0x2be: {  	v54 =	vmul.f32 v48, v48;
	v31 =	vld [tilespmem:s15+$0x400];
	v20 =	vadd.f32 v20, v33;
	v29 =	vadd.f32 $9.999999740e-06, v29  }
0x2bf: {  	v53 =	vld [tilespmem:s16+$0x40];
	v62 =	vmul.f32 v55, v55;
	v27 =	vadd.f32 v32, v27;
	v34 =	vadd.f32 v52, v51  }
0x2c0: {  	v57 =	vld [tilespmem:s15+$0x420];
	v19 =	vadd.f32 v30, v19;
	v20 =	vadd.f32 v26, v20;
	v29 =	vbroadcast v29, $0xF  }
0x2c1: {  	v26 =	vmul.f32 v50, v50;
	v30 =	vmul.f32 v30, v30;
	v34 =	vadd.f32 v54, v34  }
0x2c2: {  	v63 =	vld [tilespmem:s15+$0x440];
	v20 =	vadd.f32 v45, v20;
	v56 =	vshra.s32 v29, $0x1;
	v29 =	vmul.f32 $5.000000000e-01, v29  }
0x2c3: {  	v58 =	vld [tilespmem:s16+$0x50];
	v59 =	vmul.f32 v31, v31;
	v26 =	vadd.f32 v26, v34;
	v36 =	vsub.s32 $0x5F3759DF, v56  }
0x2c4: {  	v61 =	vld [tilespmem:s15+$0x430];
	v33 =	vmul.f32 v53, v53;
	v38 =	vadd.f32 v48, v20;
	v60 =	vmul.f32 v36, v29  }
0x2c5: {  	v49 =	vmul.f32 v57, v57;
	v27 =	vadd.f32 v30, v27;
	v26 =	vadd.f32 v59, v26  }
0x2c6: {  	v19 =	vadd.f32 v53, v19;
	v52 =	vld [tilespmem:s16+$0x400];
	v30 =	vadd.f32 v50, v38;
	v41 =	vmul.f32 v36, v60  }
0x2c7: {  	s24 =	sadd.s32 $0x1000, s12;
	v53 =	vmul.f32 v63, v63;
	v48 =	vld [tilespmem:s16+$0x60];
	v27 =	vadd.f32 v33, v27;
	v26 =	vadd.f32 v62, v26  }
0x2c8: {  	s26 =	sadd.s32 s0, s24;
	v20 =	vshra.s32 v35, $0x1;
	v30 =	vadd.f32 v31, v30;
	v31 =	vld [tilespmem:s15+$0x450];
	v41 =	vsub.f32 $1.500000000e+00, v41  }
0x2c9: {  	v42 =	vld [tilespmem:s26+$0x40];
	v54 =	vmul.f32 v58, v58;
	v50 =	vmul.f32 v61, v61;
	v26 =	vadd.f32 v49, v26  }
0x2ca: {  	v51 =	vld [tilespmem:s15+$0x460];
	v43 =	vadd.f32 v58, v19;
	v30 =	vadd.f32 v55, v30;
	v36 =	vmul.f32 v36, v41  }
0x2cb: {  	s29 =	simm.s32 $0x18A80;
	s2 =	sadd.s32 $0x1400, s12;
	v44 =	vld [tilespmem:s16+$0x70];
	v19 =	vmul.f32 $5.000000000e-01, v35;
	v27 =	vadd.f32 v54, v27;
	v26 =	vadd.f32 v50, v26  }
0x2cc: {  	s17 =	sadd.s32 $0x800, s12;
	s1 =	sadd.s32 s13, s2;
	s2 =	sadd.s32 s0, s2;
	v45 =	vmul.f32 v52, v52;
	v55 =	vld [tilespmem:s15+$0x470];
	v30 =	vadd.f32 v57, v30;
	v29 =	vmul.f32 v36, v29  }
0x2cd: {  	[tilespmem:s29+$0x0] =	vst v22;
	s18 =	sadd.s32 s13, s17;
	v22 =	vld [tilespmem:s2+$0x40];
	v40 =	vmul.f32 v48, v48;
	v58 =	vmul.f32 v31, v31;
	v26 =	vadd.f32 v53, v26  }
0x2ce: {  	v59 =	vld [tilespmem:s18+$0x0];
	v56 =	vadd.f32 v48, v43;
	v30 =	vadd.f32 v61, v30;
	v29 =	vmul.f32 v29, v36  }
0x2cf: {  	v27 =	vadd.f32 v40, v27;
	v57 =	vld [tilespmem:s16+$0x410];
	v61 =	vmul.f32 v51, v51;
	v26 =	vadd.f32 v58, v26  }
0x2d0: {  	v62 =	vmul.f32 v44, v44;
	v30 =	vadd.f32 v63, v30;
	v63 =	vld [tilespmem:s18+$0x10];
	v29 =	vsub.f32 $1.500000000e+00, v29  }
0x2d1: {  	v60 =	vld [tilespmem:s16+$0x420];
	v41 =	vadd.f32 v44, v56;
	v46 =	vmul.f32 v55, v55;
	v34 =	vadd.f32 v61, v26  }
0x2d2: {  	v27 =	vadd.f32 v62, v27;
	v26 =	vmul.f32 v29, v36;
	v29 =	vadd.f32 v31, v30;
	v30 =	vld [tilespmem:s18+$0x20]  }
0x2d3: {  	v48 =	vld [tilespmem:s16+$0x430];
	v50 =	vmul.f32 v59, v59;
	v35 =	vadd.f32 v52, v41;
	v34 =	vadd.f32 v46, v34  }
0x2d4: {  	v28 =	vbroadcast v28, $0xF;
	v45 =	vadd.f32 v45, v27;
	v29 =	vadd.f32 v51, v29;
	v51 =	vld [tilespmem:s18+$0x30]  }
0x2d5: {  	v32 =	vadd.f32 v57, v35;
	v53 =	vmul.f32 v63, v63;
	v31 =	vld [tilespmem:s16+$0x440];
	v34 =	vadd.f32 v50, v34  }
0x2d6: {  	v49 =	vmul.f32 v57, v57;
	v27 =	vmul.f32 v26, v28;
	v29 =	vadd.f32 v55, v29;
	v55 =	vld [tilespmem:s18+$0x40]  }
0x2d7: {  	v58 =	vld [tilespmem:s18+$0x50];
	v28 =	vadd.f32 v60, v32;
	v34 =	vadd.f32 v53, v34;
	v57 =	vmul.f32 v30, v30  }
0x2d8: {  	v4 =	vbroadcast v4, $0xF;
	v54 =	vmul.f32 v60, v60;
	v52 =	vld [tilespmem:s16+$0x450];
	v29 =	vadd.f32 v59, v29  }
0x2d9: {  	v62 =	vld [tilespmem:s18+$0x60];
	v28 =	vadd.f32 v48, v28;
	v34 =	vadd.f32 v57, v34;
	v60 =	vmul.f32 v51, v51  }
0x2da: {  	v56 =	vld [tilespmem:s16+$0x460];
	v61 =	vmul.f32 v48, v48;
	v36 =	vadd.f32 v49, v45;
	v29 =	vadd.f32 v63, v29  }
0x2db: {  	v59 =	vld [tilespmem:s16+$0x470];
	v28 =	vadd.f32 v31, v28;
	v34 =	vadd.f32 v60, v34;
	v47 =	vmul.f32 v55, v55  }
0x2dc: {  	s20 =	sadd.s32 $0xC00, s12;
	s19 =	sadd.s32 s0, s17;
	v49 =	vmul.f32 v58, v58;
	v36 =	vadd.f32 v54, v36;
	v29 =	vadd.f32 v30, v29;
	v30 =	vld [tilespmem:s18+$0x70]  }
0x2dd: {  	s22 =	sadd.s32 s13, s20;
	v50 =	vmul.f32 v52, v52;
	v63 =	vld [tilespmem:s19+$0x0];
	v28 =	vadd.f32 v52, v28;
	v34 =	vadd.f32 v47, v34  }
0x2de: {  	v36 =	vadd.f32 v61, v36;
	v48 =	vmul.f32 v31, v31;
	v29 =	vadd.f32 v51, v29;
	v51 =	vld [tilespmem:s22+$0x0]  }
0x2df: {  	v35 =	vld [tilespmem:s22+$0x10];
	v53 =	vmul.f32 v62, v62;
	v28 =	vadd.f32 v56, v28;
	v34 =	vadd.f32 v49, v34  }
0x2e0: {  	v54 =	vmul.f32 v56, v56;
	v31 =	vld [tilespmem:s19+$0x10];
	v36 =	vadd.f32 v48, v36;
	v29 =	vadd.f32 v55, v29  }
0x2e1: {  	v52 =	vld [tilespmem:s19+$0x20];
	v28 =	vadd.f32 v59, v28;
	v34 =	vadd.f32 v53, v34;
	v56 =	vmul.f32 v30, v30  }
0x2e2: {  	v36 =	vadd.f32 v50, v36;
	v57 =	vmul.f32 v59, v59;
	v29 =	vadd.f32 v58, v29;
	v58 =	vld [tilespmem:s22+$0x20]  }
0x2e3: {  	v55 =	vld [tilespmem:s19+$0x30];
	v28 =	vadd.f32 v63, v28;
	v34 =	vadd.f32 v56, v34;
	v60 =	vmul.f32 v51, v51  }
0x2e4: {  	v36 =	vadd.f32 v54, v36;
	v47 =	vmul.f32 v35, v35;
	v29 =	vadd.f32 v62, v29;
	v62 =	vld [tilespmem:s22+$0x30]  }
0x2e5: {  	v48 =	vmul.f32 v31, v31;
	v59 =	vld [tilespmem:s19+$0x40];
	v28 =	vadd.f32 v31, v28;
	v34 =	vadd.f32 v60, v34  }
0x2e6: {  	v61 =	vmul.f32 v63, v63;
	v36 =	vadd.f32 v57, v36;
	v29 =	vadd.f32 v30, v29;
	v30 =	vld [tilespmem:s22+$0x40]  }
0x2e7: {  	v63 =	vld [tilespmem:s19+$0x50];
	v28 =	vadd.f32 v52, v28;
	v34 =	vadd.f32 v47, v34;
	v49 =	vmul.f32 v58, v58  }
0x2e8: {  	v50 =	vmul.f32 v52, v52;
	v36 =	vadd.f32 v61, v36;
	v29 =	vadd.f32 v51, v29;
	v51 =	vld [tilespmem:s22+$0x50]  }
0x2e9: {  	v31 =	vld [tilespmem:s19+$0x60];
	v28 =	vadd.f32 v55, v28;
	v34 =	vadd.f32 v49, v34;
	v53 =	vmul.f32 v62, v62  }
0x2ea: {  	v36 =	vadd.f32 v48, v36;
	v57 =	vmul.f32 v59, v59;
	v29 =	vadd.f32 v35, v29;
	v35 =	vld [tilespmem:s22+$0x60]  }
0x2eb: {  	v52 =	vld [tilespmem:s19+$0x70];
	v28 =	vadd.f32 v59, v28;
	v34 =	vadd.f32 v53, v34;
	v56 =	vmul.f32 v30, v30  }
0x2ec: {  	s23 =	sadd.s32 s0, s20;
	v54 =	vmul.f32 v55, v55;
	v36 =	vadd.f32 v50, v36;
	v29 =	vadd.f32 v58, v29;
	v58 =	vld [tilespmem:s22+$0x70]  }
0x2ed: {  	s25 =	sadd.s32 s13, s24;
	v55 =	vld [tilespmem:s23+$0x0];
	v28 =	vadd.f32 v63, v28;
	v34 =	vadd.f32 v56, v34;
	v60 =	vmul.f32 v51, v51  }
0x2ee: {  	v61 =	vmul.f32 v63, v63;
	v36 =	vadd.f32 v54, v36;
	v29 =	vadd.f32 v62, v29;
	v62 =	vld [tilespmem:s25+$0x0]  }
0x2ef: {  	v59 =	vld [tilespmem:s23+$0x10];
	v28 =	vadd.f32 v31, v28;
	v34 =	vadd.f32 v60, v34;
	v47 =	vmul.f32 v35, v35  }
0x2f0: {  	v48 =	vmul.f32 v31, v31;
	v36 =	vadd.f32 v57, v36;
	v29 =	vadd.f32 v30, v29;
	v30 =	vld [tilespmem:s25+$0x10]  }
0x2f1: {  	v63 =	vld [tilespmem:s23+$0x20];
	v28 =	vadd.f32 v52, v28;
	v34 =	vadd.f32 v47, v34;
	v49 =	vmul.f32 v58, v58  }
0x2f2: {  	v50 =	vmul.f32 v52, v52;
	v36 =	vadd.f32 v61, v36;
	v29 =	vadd.f32 v51, v29;
	v51 =	vld [tilespmem:s25+$0x20]  }
0x2f3: {  	v31 =	vld [tilespmem:s23+$0x30];
	v28 =	vadd.f32 v55, v28;
	v34 =	vadd.f32 v49, v34;
	v53 =	vmul.f32 v62, v62  }
0x2f4: {  	v54 =	vmul.f32 v55, v55;
	v36 =	vadd.f32 v48, v36;
	v29 =	vadd.f32 v35, v29;
	v35 =	vld [tilespmem:s25+$0x30]  }
0x2f5: {  	v52 =	vld [tilespmem:s23+$0x40];
	v28 =	vadd.f32 v59, v28;
	v34 =	vadd.f32 v53, v34;
	v56 =	vmul.f32 v30, v30  }
0x2f6: {  	v57 =	vmul.f32 v59, v59;
	v36 =	vadd.f32 v50, v36;
	v29 =	vadd.f32 v58, v29;
	v58 =	vld [tilespmem:s25+$0x40]  }
0x2f7: {  	v55 =	vld [tilespmem:s23+$0x50];
	v28 =	vadd.f32 v63, v28;
	v34 =	vadd.f32 v56, v34;
	v60 =	vmul.f32 v51, v51  }
0x2f8: {  	v61 =	vmul.f32 v63, v63;
	v36 =	vadd.f32 v54, v36;
	v29 =	vadd.f32 v62, v29;
	v62 =	vld [tilespmem:s25+$0x50]  }
0x2f9: {  	v59 =	vld [tilespmem:s23+$0x60];
	v28 =	vadd.f32 v31, v28;
	v34 =	vadd.f32 v60, v34;
	v47 =	vmul.f32 v35, v35  }
0x2fa: {  	v48 =	vmul.f32 v31, v31;
	v36 =	vadd.f32 v57, v36;
	v29 =	vadd.f32 v30, v29;
	v30 =	vld [tilespmem:s25+$0x60]  }
0x2fb: {  	v63 =	vld [tilespmem:s23+$0x70];
	v28 =	vadd.f32 v52, v28;
	v34 =	vadd.f32 v47, v34;
	v49 =	vmul.f32 v58, v58  }
0x2fc: {  	v50 =	vmul.f32 v52, v52;
	v36 =	vadd.f32 v61, v36;
	v29 =	vadd.f32 v51, v29;
	v51 =	vld [tilespmem:s25+$0x70]  }
0x2fd: {  	v31 =	vld [tilespmem:s26+$0x0];
	v28 =	vadd.f32 v55, v28;
	v34 =	vadd.f32 v49, v34;
	v53 =	vmul.f32 v62, v62  }
0x2fe: {  	v54 =	vmul.f32 v55, v55;
	v36 =	vadd.f32 v48, v36;
	v29 =	vadd.f32 v35, v29;
	v35 =	vld [tilespmem:s1+$0x0]  }
0x2ff: {  	v32 =	vld [tilespmem:s1+$0x10];
	v28 =	vadd.f32 v59, v28;
	v34 =	vadd.f32 v53, v34;
	v56 =	vmul.f32 v30, v30  }
0x300: {  	v57 =	vmul.f32 v59, v59;
	v52 =	vld [tilespmem:s26+$0x10];
	v36 =	vadd.f32 v50, v36;
	v29 =	vadd.f32 v58, v29  }
0x301: {  	v38 =	vld [tilespmem:s1+$0x20];
	v28 =	vadd.f32 v63, v28;
	v34 =	vadd.f32 v56, v34;
	v58 =	vmul.f32 v51, v51  }
0x302: {  	v55 =	vld [tilespmem:s26+$0x20];
	v36 =	vadd.f32 v54, v36;
	v61 =	vmul.f32 v31, v31;
	v29 =	vadd.f32 v62, v29  }
0x303: {  	v37 =	vld [tilespmem:s26+$0x30];
	v28 =	vadd.f32 v31, v28;
	v34 =	vadd.f32 v58, v34;
	v60 =	vmul.f32 v35, v35  }
0x304: {  	v46 =	vld [tilespmem:s1+$0x30];
	v59 =	vmul.f32 v63, v63;
	v36 =	vadd.f32 v57, v36;
	v29 =	vadd.f32 v30, v29  }
0x305: {  	v43 =	vld [tilespmem:s26+$0x50];
	v62 =	vmul.f32 v32, v32;
	v28 =	vadd.f32 v52, v28;
	v31 =	vadd.f32 v60, v34  }
0x306: {  	v50 =	vld [tilespmem:s1+$0x40];
	v48 =	vmul.f32 v52, v52;
	v30 =	vadd.f32 v59, v36;
	v29 =	vadd.f32 v51, v29  }
0x307: {  	(xrf2) =	vadd.scan.msk.f32 $0xffff, v24;
	v24 =	vld [tilespmem:s2+$0x0];
	v53 =	vmul.f32 v38, v38;
	v28 =	vadd.f32 v55, v28;
	v31 =	vadd.f32 v62, v31  }
0x308: {  	s23 =	simm.s32 $0x18780;
	v49 =	vmul.f32 v55, v55;
	v55 =	vld [tilespmem:s1+$0x50];
	v30 =	vadd.f32 v61, v30;
	v29 =	vadd.f32 v35, v29  }
0x309: {  	[tilespmem:s23+$0x0] =	vst v5;
	v57 =	vmul.f32 v46, v46;
	v63 =	vld [tilespmem:s26+$0x60];
	v5 =	vadd.f32 v37, v28;
	v31 =	vadd.f32 v53, v31  }
0x30a: {  	(xrf2) =	vadd.scan.msk.f32 $0xffff, v25;
	s22 =	simm.s32 $0x18880;
	v54 =	vmul.f32 v42, v42;
	v30 =	vadd.f32 v48, v30;
	v28 =	vadd.f32 v32, v29;
	v29 =	vld [tilespmem:s1+$0x60]  }
0x30b: {  	[tilespmem:s22+$0x0] =	vst v10;
	v56 =	vmul.f32 v43, v43;
	v60 =	vmul.f32 v50, v50;
	v51 =	vld [tilespmem:s26+$0x70];
	s26 =	simm.s32 $0x19780;
	v59 =	vadd.f32 v57, v31  }
0x30c: {  	s24 =	simm.s32 $0x19880;
	v25 =	vld [tilespmem:s2+$0x10];
	v52 =	vmul.f32 v37, v37;
	[tilespmem:s26+$0x0] =	vst v6;
	v6 =	vadd.f32 v49, v30;
	v10 =	vadd.f32 v38, v28  }
0x30d: {  	[tilespmem:s24+$0x0] =	vst v11;
	s25 =	simm.s32 $0x18980;
	v5 =	vadd.f32 v42, v5;
	v61 =	vmul.f32 v55, v55;
	v30 =	vld [tilespmem:s1+$0x70];
	v33 =	vadd.f32 v60, v59  }
0x30e: {  	s28 =	simm.s32 $0x19980;
	[tilespmem:s25+$0x0] =	vst v12;
	v58 =	vmul.f32 v63, v63;
	v28 =	vld [tilespmem:s2+$0x20];
	v6 =	vadd.f32 v52, v6;
	v10 =	vadd.f32 v46, v10  }
0x30f: {  	v11 =	vld [tilespmem:s2+$0x30];
	[tilespmem:s28+$0x0] =	vst v13;
	v5 =	vadd.f32 v43, v5;
	v13 =	vadd.f32 v61, v33;
	v62 =	vmul.f32 v29, v29  }
0x310: {  	v12 =	vld [tilespmem:s2+$0x50];
	v32 =	vmul.f32 v24, v24;
	v6 =	vadd.f32 v54, v6;
	v10 =	vadd.f32 v50, v10  }
0x311: {  	s31 =	simm.s32 $0x19A80;
	v31 =	vmul.f32 v51, v51;
	v36 =	vadd.f32 v63, v5;
	v38 =	vadd.f32 v62, v13;
	v13 =	vld [tilespmem:s2+$0x60]  }
0x312: {  	s30 =	simm.s32 $0x18B80;
	[tilespmem:s31+$0x0] =	vst v23;
	v63 =	vmul.f32 v30, v30;
	v23 =	vadd.f32 v56, v6;
	v35 =	vadd.f32 v55, v10;
	v10 =	vld [tilespmem:s2+$0x70]  }
0x313: {  	s0 =	simm.s32 $0x19B80;
	[tilespmem:s30+$0x0] =	vst v26;
	v5, _, _ =	vpop (xrf2);
	v34 =	vadd.f32 v51, v36;
	v33 =	vmul.f32 v25, v25;
	v26 =	vmul.f32 v28, v28  }
0x314: {  	[tilespmem:s0+$0x0] =	vst v27;
	s1 =	simm.s32 $0xA;
	v6, _, _ =	vpop (xrf2);
	v36 =	vadd.f32 v58, v23;
	v23 =	vmul.f32 v11, v11;
	v27 =	vadd.f32 v63, v38  }
.LBB2_5:
0x315: {  	s1 =	sadd.s32 $0x2, s1;
	v24 =	vadd.f32 v24, v34;
	v34 =	vmul.f32 v22, v22;
	v29 =	vadd.f32 v29, v35  }
0x316: {  	v35 =	vmul.f32 v12, v12;
	s2 =	sshrl.u32 s1, $0x3;
	v31 =	vadd.f32 v31, v36;
	v36 =	vmul.f32 v13, v13;
	(xrf2) =	vadd.scan.msk.f32 $0xffff, v27  }
0x317: {  	s2 =	smul.u32 $0x6000, s2;
	v24 =	vadd.f32 v25, v24;
	v25 =	vmul.f32 v10, v10;
	v27 =	vadd.f32 v30, v29  }
0x318: {  	v21 =	vadd.f32 v16, v21;
	v6 =	vmul.f32 $1.302083370e-03, v6;
	v29 =	vadd.f32 v32, v31  }
0x319: {  	s21 =	sadd.s32 $0x100, s21;
	v5 =	vmul.f32 $1.302083370e-03, v5;
	v20 =	vsub.s32 $0x5F3759DF, v20;
	p0 =	slt.u32 s1, $0x1E;
	s2 =	sshra.s32 s2, $0x2;
	v24 =	vadd.f32 v28, v24;
	(xrf2) =	vadd.scan.msk.f32 $0xffff, v27;
	v16 =	vmovc v25  }
0x31a: {  	s4 =	sadd.s32 $0xFFFFFF80, s21;
	s3 =	sand.u32 $0x380, s21;
	v27 =	vmul.f32 v6, v6;
	v28 =	vmul.f32 v20, v19;
	s10 =	sadd.s32 s2, s8;
	v25 =	vadd.f32 v33, v29  }
0x31b: {  	s7 =	sand.u32 $0x300, s4;
	v5 =	vsub.f32 v5, v17;
	v29 =	vmul.f32 v15, v9;
	v9 =	vmovc v19;
	s4 =	sadd.s32 s3, s10;
	v11 =	vadd.f32 v11, v24  }
0x31c: {  	s2 =	sadd.s32 s7, s10;
	v24 =	vld [tilespmem:s4+$0x10];
	v19 =	vadd.f32 v26, v25;
	(xrf2) =	vadd.scan.msk.f32 $0xffff, v21;
	v21 =	vmul.f32 v20, v28;
	v25 =	vmul.f32 v18, v8  }
0x31d: {  	v5 =	vadd.f32 $9.999999740e-06, v5;
	v17 =	vmovc v27;
	v18 =	vmul.f32 v29, v15;
	v8 =	vmovc v15;
	v26 =	vld [tilespmem:s4+$0x0];
	v11 =	vadd.f32 v22, v11  }
0x31e: {  	v6 =	vbroadcast v6, $0xF;
	v22 =	vld [tilespmem:s2+$0x0];
	v15 =	vadd.f32 v23, v19;
	v19 =	vsub.f32 $1.500000000e+00, v21;
	[tilespmem:s23+$0xFFFFFF80] =	vst v25;
	s23 =	smov.u32 s22;
	s22 =	smov.u32 s25;
	s25 =	smov.u32 s29  }
0x31f: {  	v5 =	vbroadcast v5, $0xF;
	v18 =	vsub.f32 $1.500000000e+00, v18;
	s29 =	smov.u32 s30;
	v23 =	vld [tilespmem:s4+$0x20];
	v11 =	vadd.f32 v12, v11  }
0x320: {  	v25 =	vmul.f32 v25, v4;
	v12 =	vld [tilespmem:s4+$0x30];
	v21 =	vadd.f32 v34, v15;
	v27, _, _ =	vpop (xrf2);
	v15 =	vmul.f32 v20, v19  }
0x321: {  	v4 =	vmovc v3;
	v3 =	vmovc v7;
	v20 =	vshra.s32 v5, $0x1;
	v19 =	vmul.f32 $5.000000000e-01, v5;
	v28 =	vld [tilespmem:s2+$0x10];
	v11 =	vadd.f32 v13, v11  }
0x322: {  	v32 =	vmul.f32 v24, v24;
	v13 =	vld [tilespmem:s2+$0x20];
	v5 =	vmul.f32 v26, v26;
	v21 =	vadd.f32 v35, v21;
	[tilespmem:s26+$0xFFFFFF80] =	vst v25;
	s26 =	smov.u32 s24;
	s24 =	smov.u32 s28;
	s28 =	smov.u32 s31  }
0x323: {  	s31 =	smov.u32 s0;
	v25 =	vadd.f32 $0.0e+00, v22;
	v22 =	vmul.f32 v22, v22;
	v29 =	vld [tilespmem:s4+$0x40];
	v11 =	vadd.f32 v10, v11;
	v10, _, _ =	vpop (xrf2)  }
0x324: {  	v7 =	vmovc v14;
	v14 =	vmovc v6;
	v30 =	vld [tilespmem:s2+$0x30];
	v34 =	vadd.f32 v32, v5;
	v31 =	vmul.f32 v23, v23;
	v10 =	vmul.f32 $1.302083370e-03, v10  }
0x325: {  	v6 =	vadd.f32 $0.0e+00, v26;
	v21 =	vadd.f32 v36, v21;
	v26 =	vmul.f32 v12, v12;
	v32 =	vld [tilespmem:s4+$0x50];
	(xrf2) =	vadd.scan.msk.f32 $0xffff, v11  }
0x326: {  	v27 =	vmul.f32 $1.302083370e-03, v27;
	v11 =	vld [tilespmem:s2+$0x40];
	v31 =	vadd.f32 v31, v34;
	v33 =	vmul.f32 v10, v10;
	v5, _, _ =	vpop (xrf2)  }
0x327: {  	v6 =	vadd.f32 v24, v6;
	v25 =	vadd.f32 v28, v25;
	v28 =	vmul.f32 v28, v28;
	v24 =	vld [tilespmem:s4+$0x60]  }
0x328: {  	v26 =	vadd.f32 v26, v31;
	v31 =	vmul.f32 v29, v29;
	v34 =	vld [tilespmem:s4+$0x70];
	v27 =	vsub.f32 v27, v33  }
0x329: {  	v6 =	vadd.f32 v23, v6;
	v25 =	vadd.f32 v13, v25;
	v13 =	vmul.f32 v13, v13;
	v33 =	vld [tilespmem:s2+$0x50]  }
0x32a: {  	v23 =	vld [tilespmem:s2+$0x60];
	v26 =	vadd.f32 v31, v26;
	v31 =	vmul.f32 v32, v32;
	v27 =	vadd.f32 $9.999999740e-06, v27  }
0x32b: {  	v22 =	vadd.f32 v28, v22;
	v6 =	vadd.f32 v12, v6;
	v28 =	vmul.f32 v30, v30;
	v12 =	vld [tilespmem:s4+$0x400]  }
0x32c: {  	v35 =	vld [tilespmem:s2+$0x70];
	v26 =	vadd.f32 v31, v26;
	v31 =	vmul.f32 v24, v24;
	v27 =	vbroadcast v27, $0xF  }
0x32d: {  	v25 =	vadd.f32 v30, v25;
	v37 =	vadd.f32 v29, v6;
	v29 =	vmul.f32 v34, v34;
	v30 =	vld [tilespmem:s4+$0x410]  }
0x32e: {  	v36 =	vld [tilespmem:s2+$0x400];
	v26 =	vadd.f32 v31, v26;
	v31 =	vshra.s32 v27, $0x1;
	v27 =	vmul.f32 $5.000000000e-01, v27  }
0x32f: {  	v13 =	vadd.f32 v13, v22;
	v22 =	vadd.f32 v32, v37;
	v32 =	vld [tilespmem:s4+$0x420];
	v31 =	vsub.s32 $0x5F3759DF, v31;
	v6, _, _ =	vpop (xrf2)  }
0x330: {  	v37 =	vld [tilespmem:s2+$0x410];
	v26 =	vadd.f32 v29, v26;
	v29 =	vmul.f32 v12, v12;
	v38 =	vmul.f32 v31, v27  }
0x331: {  	v25 =	vadd.f32 v11, v25;
	v11 =	vmul.f32 v11, v11;
	v22 =	vadd.f32 v24, v22;
	v24 =	vld [tilespmem:s4+$0x430]  }
0x332: {  	v39 =	vld [tilespmem:s2+$0x420];
	v26 =	vadd.f32 v29, v26;
	v29 =	vmul.f32 v30, v30;
	v38 =	vmul.f32 v31, v38  }
0x333: {  	v13 =	vadd.f32 v28, v13;
	v28 =	vmul.f32 v33, v33;
	v22 =	vadd.f32 v34, v22;
	v34 =	vld [tilespmem:s4+$0x440]  }
0x334: {  	v40 =	vld [tilespmem:s2+$0x430];
	v26 =	vadd.f32 v29, v26;
	v29 =	vmul.f32 v32, v32;
	v38 =	vsub.f32 $1.500000000e+00, v38  }
0x335: {  	v25 =	vadd.f32 v33, v25;
	v33 =	vmul.f32 v23, v23;
	v12 =	vadd.f32 v12, v22;
	v22 =	vld [tilespmem:s4+$0x450]  }
0x336: {  	v41 =	vld [tilespmem:s2+$0x440];
	v26 =	vadd.f32 v29, v26;
	v29 =	vmul.f32 v24, v24;
	v31 =	vmul.f32 v31, v38  }
0x337: {  	v11 =	vadd.f32 v11, v13;
	v13 =	vmul.f32 v35, v35;
	v12 =	vadd.f32 v30, v12;
	v30 =	vld [tilespmem:s4+$0x460]  }
0x338: {  	v26 =	vadd.f32 v29, v26;
	v29 =	vmul.f32 v34, v34;
	v38 =	vld [tilespmem:s4+$0x470];
	v27 =	vmul.f32 v31, v27  }
0x339: {  	s5 =	sadd.s32 $0x800, s10;
	v23 =	vadd.f32 v23, v25;
	v25 =	vmul.f32 v36, v36;
	v12 =	vadd.f32 v32, v12;
	v42 =	vld [tilespmem:s2+$0x450]  }
0x33a: {  	s4 =	sadd.s32 s7, s5;
	s5 =	sadd.s32 s3, s5;
	v32 =	vld [tilespmem:s2+$0x460];
	v26 =	vadd.f32 v29, v26;
	v29 =	vmul.f32 v22, v22;
	v27 =	vmul.f32 v27, v31  }
0x33b: {  	v11 =	vadd.f32 v28, v11;
	v28 =	vmul.f32 v37, v37;
	v12 =	vadd.f32 v24, v12;
	v24 =	vld [tilespmem:s5+$0x0]  }
0x33c: {  	v43 =	vld [tilespmem:s2+$0x470];
	v26 =	vadd.f32 v29, v26;
	v29 =	vmul.f32 v30, v30;
	v27 =	vsub.f32 $1.500000000e+00, v27  }
0x33d: {  	v23 =	vadd.f32 v35, v23;
	v12 =	vadd.f32 v34, v12;
	v34 =	vmul.f32 v38, v38;
	v35 =	vld [tilespmem:s5+$0x10]  }
0x33e: {  	v10 =	vbroadcast v10, $0xF;
	v44 =	vld [tilespmem:s4+$0x0];
	v26 =	vadd.f32 v29, v26;
	v27 =	vmul.f32 v27, v31  }
0x33f: {  	v11 =	vadd.f32 v33, v11;
	v12 =	vadd.f32 v22, v12;
	v29 =	vmul.f32 v39, v39;
	v22 =	vld [tilespmem:s5+$0x20]  }
0x340: {  	s30 =	sadd.s32 $0x100, s30;
	v31 =	vld [tilespmem:s4+$0x10];
	v26 =	vadd.f32 v34, v26;
	v33 =	vmul.f32 v24, v24;
	v10 =	vmul.f32 v27, v10  }
0x341: {  	s0 =	sadd.s32 $0x100, s0;
	v23 =	vadd.f32 v36, v23;
	v12 =	vadd.f32 v30, v12;
	v34 =	vmul.f32 v40, v40;
	v30 =	vld [tilespmem:s5+$0x30];
	[tilespmem:s30+$0x0] =	vst v27  }
0x342: {  	v11 =	vadd.f32 v13, v11;
	v13 =	vld [tilespmem:s4+$0x20];
	v26 =	vadd.f32 v33, v26;
	v27 =	vmul.f32 v35, v35;
	[tilespmem:s0+$0x0] =	vst v10  }
0x343: {  	v12 =	vadd.f32 v38, v12;
	v10 =	vadd.f32 v37, v23;
	v23 =	vmul.f32 v41, v41;
	v33 =	vld [tilespmem:s5+$0x40]  }
0x344: {  	v11 =	vadd.f32 v25, v11;
	v25 =	vld [tilespmem:s4+$0x30];
	v26 =	vadd.f32 v27, v26;
	v27 =	vmul.f32 v22, v22  }
0x345: {  	v36 =	vmul.f32 v42, v42;
	v12 =	vadd.f32 v24, v12;
	v10 =	vadd.f32 v39, v10;
	v24 =	vld [tilespmem:s5+$0x50]  }
0x346: {  	v11 =	vadd.f32 v28, v11;
	v28 =	vld [tilespmem:s4+$0x40];
	v26 =	vadd.f32 v27, v26;
	v27 =	vmul.f32 v30, v30  }
0x347: {  	v37 =	vmul.f32 v32, v32;
	v12 =	vadd.f32 v35, v12;
	v10 =	vadd.f32 v40, v10;
	v35 =	vld [tilespmem:s5+$0x60]  }
0x348: {  	v11 =	vadd.f32 v29, v11;
	v29 =	vld [tilespmem:s4+$0x50];
	v26 =	vadd.f32 v27, v26;
	v27 =	vmul.f32 v33, v33  }
0x349: {  	s6 =	sadd.s32 $0xC00, s10;
	v38 =	vmul.f32 v43, v43;
	v12 =	vadd.f32 v22, v12;
	v10 =	vadd.f32 v41, v10;
	v22 =	vld [tilespmem:s5+$0x70]  }
0x34a: {  	s2 =	sadd.s32 s7, s6;
	v11 =	vadd.f32 v34, v11;
	s5 =	sadd.s32 s3, s6;
	v34 =	vld [tilespmem:s4+$0x60];
	v26 =	vadd.f32 v27, v26;
	v27 =	vmul.f32 v24, v24  }
0x34b: {  	v39 =	vmul.f32 v44, v44;
	v12 =	vadd.f32 v30, v12;
	v10 =	vadd.f32 v42, v10;
	v30 =	vld [tilespmem:s5+$0x0]  }
0x34c: {  	v11 =	vadd.f32 v23, v11;
	v23 =	vld [tilespmem:s4+$0x70];
	v26 =	vadd.f32 v27, v26;
	v27 =	vmul.f32 v35, v35  }
0x34d: {  	v12 =	vadd.f32 v33, v12;
	v10 =	vadd.f32 v32, v10;
	v32 =	vmul.f32 v31, v31;
	v33 =	vld [tilespmem:s5+$0x10]  }
0x34e: {  	v11 =	vadd.f32 v36, v11;
	v36 =	vld [tilespmem:s2+$0x0];
	v26 =	vadd.f32 v27, v26;
	v27 =	vmul.f32 v22, v22  }
0x34f: {  	v40 =	vmul.f32 v13, v13;
	v12 =	vadd.f32 v24, v12;
	v10 =	vadd.f32 v43, v10;
	v24 =	vld [tilespmem:s5+$0x20]  }
0x350: {  	v11 =	vadd.f32 v37, v11;
	v37 =	vld [tilespmem:s2+$0x10];
	v26 =	vadd.f32 v27, v26;
	v27 =	vmul.f32 v30, v30  }
0x351: {  	v41 =	vmul.f32 v25, v25;
	v12 =	vadd.f32 v35, v12;
	v10 =	vadd.f32 v44, v10;
	v35 =	vld [tilespmem:s5+$0x30]  }
0x352: {  	v11 =	vadd.f32 v38, v11;
	v38 =	vld [tilespmem:s2+$0x20];
	v26 =	vadd.f32 v27, v26;
	v27 =	vmul.f32 v33, v33  }
0x353: {  	v12 =	vadd.f32 v22, v12;
	v10 =	vadd.f32 v31, v10;
	v31 =	vmul.f32 v28, v28;
	v22 =	vld [tilespmem:s5+$0x40]  }
0x354: {  	v11 =	vadd.f32 v39, v11;
	v39 =	vld [tilespmem:s2+$0x30];
	v26 =	vadd.f32 v27, v26;
	v27 =	vmul.f32 v24, v24  }
0x355: {  	v12 =	vadd.f32 v30, v12;
	v10 =	vadd.f32 v13, v10;
	v13 =	vmul.f32 v29, v29;
	v30 =	vld [tilespmem:s5+$0x50]  }
0x356: {  	v11 =	vadd.f32 v32, v11;
	v32 =	vld [tilespmem:s2+$0x40];
	v26 =	vadd.f32 v27, v26;
	v27 =	vmul.f32 v35, v35  }
0x357: {  	v12 =	vadd.f32 v33, v12;
	v10 =	vadd.f32 v25, v10;
	v25 =	vmul.f32 v34, v34;
	v33 =	vld [tilespmem:s5+$0x60]  }
0x358: {  	v11 =	vadd.f32 v40, v11;
	v40 =	vld [tilespmem:s2+$0x50];
	v26 =	vadd.f32 v27, v26;
	v27 =	vmul.f32 v22, v22  }
0x359: {  	s6 =	sadd.s32 $0x1000, s10;
	v12 =	vadd.f32 v24, v12;
	v10 =	vadd.f32 v28, v10;
	v28 =	vmul.f32 v23, v23;
	v24 =	vld [tilespmem:s5+$0x70]  }
0x35a: {  	s4 =	sadd.s32 s7, s6;
	v11 =	vadd.f32 v41, v11;
	s5 =	sadd.s32 s3, s6;
	v41 =	vld [tilespmem:s2+$0x60];
	v26 =	vadd.f32 v27, v26;
	v27 =	vmul.f32 v30, v30  }
0x35b: {  	v12 =	vadd.f32 v35, v12;
	v10 =	vadd.f32 v29, v10;
	v29 =	vmul.f32 v36, v36;
	v35 =	vld [tilespmem:s5+$0x0]  }
0x35c: {  	v11 =	vadd.f32 v31, v11;
	v31 =	vld [tilespmem:s2+$0x70];
	v26 =	vadd.f32 v27, v26;
	v27 =	vmul.f32 v33, v33  }
0x35d: {  	v12 =	vadd.f32 v22, v12;
	v10 =	vadd.f32 v34, v10;
	v34 =	vmul.f32 v37, v37;
	v22 =	vld [tilespmem:s5+$0x10]  }
0x35e: {  	v11 =	vadd.f32 v13, v11;
	v13 =	vld [tilespmem:s4+$0x0];
	v26 =	vadd.f32 v27, v26;
	v27 =	vmul.f32 v24, v24  }
0x35f: {  	v12 =	vadd.f32 v30, v12;
	v10 =	vadd.f32 v23, v10;
	v23 =	vmul.f32 v38, v38;
	v30 =	vld [tilespmem:s5+$0x20]  }
0x360: {  	v11 =	vadd.f32 v25, v11;
	v42 =	vld [tilespmem:s4+$0x10];
	v25 =	vadd.f32 v27, v26;
	v26 =	vmul.f32 v35, v35  }
0x361: {  	v12 =	vadd.f32 v33, v12;
	v10 =	vadd.f32 v36, v10;
	v27 =	vmul.f32 v39, v39;
	v33 =	vld [tilespmem:s5+$0x30]  }
0x362: {  	v11 =	vadd.f32 v28, v11;
	v36 =	vld [tilespmem:s4+$0x20];
	v25 =	vadd.f32 v26, v25;
	v26 =	vmul.f32 v22, v22  }
0x363: {  	v28 =	vmul.f32 v32, v32;
	v12 =	vadd.f32 v24, v12;
	v10 =	vadd.f32 v37, v10;
	v24 =	vld [tilespmem:s5+$0x40]  }
0x364: {  	v11 =	vadd.f32 v29, v11;
	v29 =	vld [tilespmem:s4+$0x30];
	v25 =	vadd.f32 v26, v25;
	v26 =	vmul.f32 v30, v30  }
0x365: {  	v37 =	vmul.f32 v40, v40;
	v12 =	vadd.f32 v35, v12;
	v10 =	vadd.f32 v38, v10;
	v35 =	vld [tilespmem:s5+$0x50]  }
0x366: {  	v11 =	vadd.f32 v34, v11;
	v34 =	vld [tilespmem:s4+$0x40];
	v25 =	vadd.f32 v26, v25;
	v26 =	vmul.f32 v33, v33  }
0x367: {  	v38 =	vmul.f32 v41, v41;
	v12 =	vadd.f32 v22, v12;
	v10 =	vadd.f32 v39, v10;
	v22 =	vld [tilespmem:s5+$0x60]  }
0x368: {  	v11 =	vadd.f32 v23, v11;
	v23 =	vld [tilespmem:s4+$0x50];
	v25 =	vadd.f32 v26, v25;
	v26 =	vmul.f32 v24, v24  }
0x369: {  	s6 =	sadd.s32 $0x1400, s10;
	v12 =	vadd.f32 v30, v12;
	v10 =	vadd.f32 v32, v10;
	v32 =	vmul.f32 v31, v31;
	v30 =	vld [tilespmem:s5+$0x70]  }
0x36a: {  	s3 =	sadd.s32 s3, s6;
	s2 =	sadd.s32 s7, s6;
	v11 =	vadd.f32 v27, v11;
	v27 =	vld [tilespmem:s4+$0x60];
	v25 =	vadd.f32 v26, v25;
	v26 =	vmul.f32 v35, v35  }
0x36b: {  	v39 =	vmul.f32 v13, v13;
	v12 =	vadd.f32 v33, v12;
	v10 =	vadd.f32 v40, v10;
	v33 =	vld [tilespmem:s3+$0x0]  }
0x36c: {  	v11 =	vadd.f32 v28, v11;
	v40 =	vld [tilespmem:s4+$0x70];
	v25 =	vadd.f32 v26, v25;
	v26 =	vmul.f32 v22, v22  }
0x36d: {  	v12 =	vadd.f32 v24, v12;
	v10 =	vadd.f32 v41, v10;
	v41 =	vmul.f32 v42, v42;
	v43 =	vld [tilespmem:s3+$0x10]  }
0x36e: {  	v11 =	vadd.f32 v37, v11;
	v24 =	vld [tilespmem:s2+$0x0];
	v26 =	vadd.f32 v26, v25;
	v28 =	vmul.f32 v30, v30  }
0x36f: {  	v12 =	vadd.f32 v35, v12;
	v10 =	vadd.f32 v31, v10;
	v31 =	vmul.f32 v36, v36;
	v35 =	vld [tilespmem:s3+$0x20]  }
0x370: {  	v11 =	vadd.f32 v38, v11;
	v25 =	vld [tilespmem:s2+$0x10];
	v26 =	vadd.f32 v28, v26;
	v37 =	vmul.f32 v33, v33  }
0x371: {  	v12 =	vadd.f32 v22, v12;
	v10 =	vadd.f32 v13, v10;
	v13 =	vmul.f32 v29, v29;
	v38 =	vld [tilespmem:s3+$0x30]  }
0x372: {  	v11 =	vadd.f32 v32, v11;
	v28 =	vld [tilespmem:s2+$0x20];
	v22 =	vadd.f32 v37, v26;
	v26 =	vmul.f32 v43, v43  }
0x373: {  	v12 =	vadd.f32 v30, v12;
	v10 =	vadd.f32 v42, v10;
	v37 =	vmul.f32 v34, v34;
	v42 =	vld [tilespmem:s3+$0x40]  }
0x374: {  	v30 =	vadd.f32 v39, v11;
	v11 =	vld [tilespmem:s2+$0x30];
	v26 =	vadd.f32 v26, v22;
	v32 =	vmul.f32 v35, v35  }
0x375: {  	v12 =	vadd.f32 v33, v12;
	v10 =	vadd.f32 v36, v10;
	v36 =	vmul.f32 v23, v23;
	v39 =	vld [tilespmem:s3+$0x50]  }
0x376: {  	v30 =	vadd.f32 v41, v30;
	v22 =	vld [tilespmem:s2+$0x40];
	v26 =	vadd.f32 v32, v26;
	v32 =	vmul.f32 v38, v38  }
0x377: {  	v41 =	vmul.f32 v27, v27;
	v33 =	vadd.f32 v43, v12;
	v10 =	vadd.f32 v29, v10;
	v29 =	vld [tilespmem:s3+$0x60]  }
0x378: {  	v43 =	vadd.f32 v31, v30;
	v12 =	vld [tilespmem:s2+$0x50];
	v26 =	vadd.f32 v32, v26;
	v32 =	vmul.f32 v42, v42  }
0x379: {  	v31 =	vmul.f32 v40, v40;
	v33 =	vadd.f32 v35, v33;
	v10 =	vadd.f32 v34, v10;
	v30 =	vld [tilespmem:s3+$0x70]  }
0x37a: {  	v34 =	vadd.f32 v13, v43;
	v13 =	vld [tilespmem:s2+$0x60];
	v26 =	vadd.f32 v32, v26;
	v35 =	vmul.f32 v39, v39  }
0x37b: {  	v38 =	vadd.f32 v38, v33;
	v23 =	vadd.f32 v23, v10;
	v32 =	vmul.f32 v24, v24;
	v10 =	vld [tilespmem:s2+$0x70]  }
.Ltmp1:
0x37c: {  	v34 =	vadd.f32 v37, v34;
	v26 =	vadd.f32 v35, v26;
	v35 =	vmul.f32 v29, v29;
	(pc) =	sbr.rel @p0 .LBB2_5-.Ltmp1, $4  }
0x37d: {  	v33 =	vmul.f32 v25, v25;
	v23 =	vadd.f32 v27, v23;
	v27 =	vadd.f32 v42, v38  }
0x37e: {  	v36 =	vadd.f32 v36, v34;
	v37 =	vadd.f32 v35, v26;
	v38 =	vmul.f32 v30, v30  }
0x37f: {  	v34 =	vadd.f32 v40, v23;
	v26 =	vmul.f32 v28, v28;
	v35 =	vadd.f32 v39, v27  }
0x380: {  	v36 =	vadd.f32 v41, v36;
	v23 =	vmul.f32 v11, v11;
	v27 =	vadd.f32 v38, v37  }
0x381: {  	_ = 	snop  }
0x382: {  	v24 =	vadd.f32 v24, v34;
	v31 =	vadd.f32 v31, v36  }
0x383: {  	v29 =	vadd.f32 v29, v35  }
0x384: {  	v24 =	vadd.f32 v25, v24;
	v58 =	vadd.f32 v32, v31  }
0x385: {  	v29 =	vadd.f32 v30, v29  }
0x386: {  	(xrf2) =	vadd.scan.msk.f32 $0xffff, v27;
	v24 =	vadd.f32 v28, v24;
	v25 =	vadd.f32 v33, v58  }
0x387: {  	(xrf2) =	vadd.scan.msk.f32 $0xffff, v29  }
0x388: {  	v11 =	vadd.f32 v11, v24;
	v59 =	vadd.f32 v26, v25;
	_ =	sdelay $0x1  }
0x389: {  	v60 =	vmul.f32 v22, v22;
	v11 =	vadd.f32 v22, v11;
	v61 =	vadd.f32 v23, v59;
	_ =	sdelay $0x1  }
0x38a: {  	v62 =	vmul.f32 v12, v12;
	v11 =	vadd.f32 v12, v11;
	v63 =	vadd.f32 v60, v61;
	_ =	sdelay $0x1  }
0x38b: {  	v28 =	vmul.f32 v13, v13;
	v11 =	vadd.f32 v13, v11;
	v12 =	vadd.f32 v62, v63  }
0x38c: {  	v16 =	vadd.f32 v16, v21  }
0x38d: {  	v30 =	vmul.f32 v10, v10;
	v29, _, _ =	vpop (xrf2);
	v32 =	vadd.f32 v10, v11;
	v12 =	vadd.f32 v28, v12  }
0x38e: {  	(xrf2) =	vadd.scan.msk.f32 $0xffff, v16;
	v31, _, _ =	vpop (xrf2)  }
0x38f: {  	v33 =	vmul.f32 $1.302083370e-03, v31;
	(xrf2) =	vadd.scan.msk.f32 $0xffff, v32;
	v12 =	vadd.f32 v30, v12;
	_ =	sdelay $0x1  }
0x390: {  	v34 =	vmul.f32 $1.302083370e-03, v29;
	v35 =	vmul.f32 v33, v33;
	(xrf2) =	vadd.scan.msk.f32 $0xffff, v12;
	_ =	sdelay $0x1  }
0x391: {  	v6 =	vmul.f32 $1.302083370e-03, v6;
	v10 =	vsub.f32 v34, v35  }
0x392: {  	v5 =	vmul.f32 $1.302083370e-03, v5;
	v9 =	vmul.f32 v15, v9  }
0x393: {  	v8 =	vmul.f32 v18, v8;
	v36 =	vsub.s32 $0x5F3759DF, v20;
	v10 =	vadd.f32 $9.999999740e-06, v10  }
0x394: {  	v37 =	vmul.f32 v6, v6;
	v5 =	vsub.f32 v5, v17;
	v9 =	vmul.f32 v9, v15  }
0x395: {  	v38 =	vmul.f32 v36, v19;
	v10 =	vbroadcast v10, $0xF  }
0x396: {  	v4 =	vmul.f32 v8, v4;
	v5 =	vadd.f32 $9.999999740e-06, v5;
	v9 =	vsub.f32 $1.500000000e+00, v9;
	v40, _, _ =	vpop (xrf2)  }
0x397: {  	v20 =	vmul.f32 $1.302083370e-03, v40;
	v39 =	vshra.s32 v10, $0x1;
	v10 =	vmul.f32 $5.000000000e-01, v10;
	v41, _, _ =	vpop (xrf2)  }
0x398: {  	v16 =	vmul.f32 v36, v38;
	v17 =	vsub.s32 $0x5F3759DF, v39;
	v18 =	vmul.f32 $1.302083370e-03, v41  }
0x399: {  	v5 =	vbroadcast v5, $0xF;
	v13 =	vsub.f32 v20, v37;
	v42 =	vmul.f32 v17, v10;
	v43, _, _ =	vpop (xrf2)  }
0x39a: {  	v16 =	vsub.f32 $1.500000000e+00, v16;
	v44 =	vmul.f32 v18, v18;
	v45 =	vmul.f32 $1.302083370e-03, v43  }
0x39b: {  	v56 =	vmul.f32 v9, v15;
	v47 =	vshra.s32 v5, $0x1;
	v13 =	vadd.f32 $9.999999740e-06, v13  }
0x39c: {  	v12 =	vmul.f32 v36, v16;
	v21 =	vmul.f32 v17, v42;
	v20 =	vsub.f32 v45, v44  }
0x39d: {  	v5 =	vmul.f32 $5.000000000e-01, v5;
	v48 =	vsub.s32 $0x5F3759DF, v47;
	v13 =	vbroadcast v13, $0xF  }
0x39e: {  	v53 =	vmul.f32 v12, v19;
	v46 =	vsub.f32 $1.500000000e+00, v21;
	v20 =	vadd.f32 $9.999999740e-06, v20  }
0x39f: {  	v49 =	vshra.s32 v13, $0x1;
	v13 =	vmul.f32 $5.000000000e-01, v13;
	v21 =	vmul.f32 v48, v5  }
0x3a0: {  	v22 =	vsub.s32 $0x5F3759DF, v49;
	v16 =	vmul.f32 v17, v46;
	v20 =	vbroadcast v20, $0xF  }
0x3a1: {  	v50 =	vmul.f32 v22, v13;
	v21 =	vmul.f32 v48, v21  }
0x3a2: {  	v10 =	vmul.f32 v16, v10;
	v51 =	vshra.s32 v20, $0x1;
	v20 =	vmul.f32 $5.000000000e-01, v20  }
0x3a3: {  	v23 =	vmul.f32 v22, v50;
	v21 =	vsub.f32 $1.500000000e+00, v21;
	v24 =	vsub.s32 $0x5F3759DF, v51  }
0x3a4: {  	v10 =	vmul.f32 v10, v16;
	v52 =	vmul.f32 v24, v20  }
0x3a5: {  	v19 =	vmul.f32 v53, v12;
	v17 =	vmul.f32 v48, v21  }
0x3a6: {  	v54 =	vsub.f32 $1.500000000e+00, v23;
	v10 =	vsub.f32 $1.500000000e+00, v10;
	v55 =	vmul.f32 v24, v52  }
0x3a7: {  	v3 =	vmul.f32 v56, v3;
	v57 =	vsub.f32 $1.500000000e+00, v19;
	v5 =	vmul.f32 v17, v5  }
0x3a8: {  	[dreg:$0xe] =	wrdreg s8;
	v10 =	vmul.f32 v10, v16;
	v16 =	vmul.f32 v22, v54;
	v21 =	vsub.f32 $1.500000000e+00, v55  }
0x3a9: {  	[tilespmem:s23+$0xFFFFFF80] =	vst v8;
	v9 =	vmul.f32 v57, v12;
	v5 =	vmul.f32 v5, v17  }
0x3aa: {  	[tilespmem:s26+$0xFFFFFF80] =	vst v4;
	v58 =	vmul.f32 v16, v13;
	v59 =	vmul.f32 v24, v21  }
0x3ab: {  	[tilespmem:s22+$0xFFFFFF80] =	vst v56;
	v11 =	vbroadcast v33, $0xF;
	v7 =	vmul.f32 v9, v7  }
0x3ac: {  	[tilespmem:s24+$0xFFFFFF80] =	vst v3;
	v5 =	vsub.f32 $1.500000000e+00, v5;
	v4 =	vmul.f32 v58, v16;
	v60 =	vmul.f32 v59, v20  }
0x3ad: {  	[tilespmem:s25+$0xFFFFFF80] =	vst v9;
	v11 =	vmul.f32 v10, v11  }
0x3ae: {  	s1 =	sadd.s32 $0x100, s30;
	[tilespmem:s28+$0xFFFFFF80] =	vst v7;
	v3 =	vmul.f32 v5, v17;
	v4 =	vsub.f32 $1.500000000e+00, v4;
	v61 =	vmul.f32 v60, v59  }
0x3af: {  	s2 =	sadd.s32 $0x100, s0;
	v6 =	vbroadcast v6, $0xF;
	[tilespmem:s1+$0x0] =	vst v10  }
0x3b0: {  	[tilespmem:s2+$0x0] =	vst v11;
	v62 =	vmul.f32 v3, v14;
	v4 =	vmul.f32 v4, v16;
	v5 =	vsub.f32 $1.500000000e+00, v61  }
0x3b1: {  	v63 =	vbroadcast v18, $0xF;
	[tilespmem:s29+$0xFFFFFF80] =	vst v3  }
0x3b2: {  	[tilespmem:s31+$0xFFFFFF80] =	vst v62;
	v3 =	vmul.f32 v4, v6;
	v5 =	vmul.f32 v5, v59  }
0x3b3: {  	[tilespmem:s30+$0xFFFFFF80] =	vst v4  }
0x3b4: {  	[tilespmem:s0+$0xFFFFFF80] =	vst v3;
	v3 =	vmul.f32 v5, v63  }
0x3b5: {  	[tilespmem:s1+$0xFFFFFF80] =	vst v5  }
0x3b6: {  	s4 =	simm.s32 $0x0;
	[tilespmem:s2+$0xFFFFFF80] =	vst v3  }
.LBB2_7:
0x3b7: {  	s7 =	smul.u32 $0xC0, s4;
	[smem:$0x7F2] =	sst s4  }
0x3b8: {  	s14 =	smul.u32 $0x600, s4;
	s30 =	simm.s32 $0x0;
	s28 =	rddreg [dreg:$0xe]  }
0x3b9: {  	s11 =	sand.u32 $0x40, s7;
	s0 =	sand.u32 $0x380, s7;
	s8 =	sadd.s32 $0x40, s7  }
0x3ba: {  	s6 =	sadd.s32 $0x50, s7;
	s5 =	sadd.s32 $0x60, s7;
	s4 =	sadd.s32 $0x70, s7  }
0x3bb: {  	s15 =	sadd.s32 $0x80, s7;
	s2 =	sadd.s32 $0x90, s7;
	s10 =	sadd.s32 $0xA0, s7  }
0x3bc: {  	s14 =	sand.u32 $0x1C00, s14;
	s13 =	sor.u32 $0x10, s11;
	s16 =	sshll.u32 s8, $0x3  }
0x3bd: {  	[dreg:$0x5] =	wrdreg s14;
	s17 =	sshll.u32 s6, $0x3;
	s19 =	sshll.u32 s5, $0x3  }
0x3be: {  	s16 =	sand.u32 $0x3C00, s16;
	s20 =	sand.u32 $0x3C00, s19;
	s19 =	rddreg [dreg:$0x5]  }
0x3bf: {  	s0 =	sor.u32 $0x18400, s0;
	s18 =	sand.u32 $0x3C00, s17;
	[dreg:$0x6] =	wrdreg s16  }
0x3c0: {  	s21 =	sshll.u32 s4, $0x3;
	s23 =	sshll.u32 s15, $0x3;
	[dreg:$0x7] =	wrdreg s18  }
0x3c1: {  	s25 =	sshll.u32 s2, $0x3;
	s22 =	sand.u32 $0x3C00, s21;
	[dreg:$0x8] =	wrdreg s20  }
0x3c2: {  	s1 =	sor.u32 s13, s0;
	s24 =	sand.u32 $0x3C00, s23;
	[dreg:$0x9] =	wrdreg s22  }
0x3c3: {  	s26 =	sand.u32 $0x3C00, s25;
	s17 =	sshll.u32 s10, $0x3;
	[dreg:$0xa] =	wrdreg s24  }
0x3c4: {  	v26 =	vld [tilespmem:s7+$0x18400];
	s23 =	simm.s32 $0x80;
	[dreg:$0xb] =	wrdreg s26;
	s16 =	smul.u32 $0x6000, s30  }
0x3c5: {  	v23 =	vld [tilespmem:s7+$0x18440];
	v8 =	vmov s11;
	s18 =	sand.u32 $0x3C00, s17;
	s20 =	sadd.s32 $0xB0, s7;
	s26 =	sand.u32 $0x380, s23  }
0x3c6: {  	v19 =	vld [tilespmem:s7+$0x18450];
	[smem:$0x7F3] =	sst s20;
	s22 =	sshll.u32 s20, $0x3;
	s21 =	sshra.s32 s16, $0x2  }
0x3c7: {  	v27 =	vld [tilespmem:s1+$0x0];
	[dreg:$0xc] =	wrdreg s18;
	s17 =	sand.u32 $0x3C00, s22;
	s1 =	sadd.s32 s21, s28  }
0x3c8: {  	v17 =	vld [tilespmem:s7+$0x18460];
	s18 =	simm.s32 $0x18780;
	[dreg:$0xd] =	wrdreg s17;
	s14 =	sadd.s32 s19, s1  }
0x3c9: {  	v43 =	vld [tilespmem:s18+$0x0];
	s17 =	sadd.s32 s26, s14  }
0x3ca: {  	v3 =	vld.idx.msk [tilespmem:v8+s17+$0x0 ss:$0x1], $0xffff  }
0x3cb: {  	v16 =	vld [tilespmem:s7+$0x18470];
	s19 =	simm.s32 $0x19780  }
0x3cc: {  	v42 =	vld [tilespmem:s19+$0x0]  }
0x3cd: {  	v6 =	vld [tilespmem:s7+$0x18490];
	s12 =	sor.u32 $0x20, s11  }
0x3ce: {  	v4 =	vld [tilespmem:s7+$0x184A0];
	s3 =	sor.u32 s12, s0;
	s24 =	simm.s32 $0x0  }
0x3cf: {  	v25 =	vld [tilespmem:s3+$0x0];
	s23 =	sand.u32 $0x300, s24;
	v3 =	vmul.f32 v3, v43  }
0x3d0: {  	s9 =	sor.u32 $0x30, s11;
	v5 =	vld [tilespmem:s18+$0xFFFFFF80];
	s16 =	sadd.s32 s23, s14  }
0x3d1: {  	s0 =	sor.u32 s9, s0;
	v28 =	vmov s13;
	v7 =	vld.idx.msk [tilespmem:v8+s16+$0x0 ss:$0x1], $0xffff;
	v9 =	vsub.f32 v3, v42  }
0x3d2: {  	s15 =	sand.u32 $0x780, s15;
	v24 =	vld [tilespmem:s0+$0x0]  }
0x3d3: {  	s11 =	sor.u32 s11, s15;
	v10 =	vld [tilespmem:s19+$0xFFFFFF80];
	v9 =	vmul.f32 v9, v26  }
0x3d4: {  	v11 =	vld [tilespmem:s11+$0x18400]  }
0x3d5: {  	s25 =	simm.s32 $0x0;
	v3 =	vld [tilespmem:s7+$0x184B0];
	[tilespmem:v8+s17+$0x0 ss:$0x1] =	vst.idx.msk $0xffff, v9  }
0x3d6: {  	v7 =	vmul.f32 v7, v5;
	s7 =	smul.u32 $0x6000, s25;
	v9 =	vld.idx.msk [tilespmem:v28+s17+$0x0 ss:$0x1], $0xffff;
	_ =	sdelay $0x1  }
0x3d7: {  	v7 =	vsub.f32 v7, v10;
	s7 =	sshra.s32 s7, $0x2  }
0x3d8: {  	s30 =	rddreg [dreg:$0x5];
	s0 =	simm.s32 $0x180;
	s7 =	sadd.s32 s7, s28  }
0x3d9: {  	s11 =	simm.s32 $0x18880;
	s14 =	sand.u32 $0x380, s0;
	v7 =	vmul.f32 v7, v26;
	s3 =	sadd.s32 s30, s7  }
0x3da: {  	v47 =	vld [tilespmem:s11+$0x0];
	s15 =	sadd.s32 s14, s3;
	v9 =	vmul.f32 v9, v43  }
0x3db: {  	[tilespmem:v8+s16+$0x0 ss:$0x1] =	vst.idx.msk $0xffff, v7;
	v12 =	vld.idx.msk [tilespmem:v8+s15+$0x0 ss:$0x1], $0xffff  }
0x3dc: {  	v30 =	vmov s12;
	s20 =	simm.s32 $0x19880;
	v7 =	vsub.f32 v9, v42;
	v9 =	vld.idx.msk [tilespmem:v28+s16+$0x0 ss:$0x1], $0xffff  }
0x3dd: {  	s13 =	simm.s32 $0x100;
	v46 =	vld [tilespmem:s20+$0x0]  }
0x3de: {  	s30 =	sand.u32 $0x300, s13;
	v7 =	vmul.f32 v7, v27  }
0x3df: {  	s12 =	sadd.s32 s30, s3  }
0x3e0: {  	v14 =	vld.idx.msk [tilespmem:v8+s12+$0x0 ss:$0x1], $0xffff;
	[tilespmem:v28+s17+$0x0 ss:$0x1] =	vst.idx.msk $0xffff, v7;
	v7 =	vmul.f32 v12, v47  }
0x3e1: {  	v13 =	vld.idx.msk [tilespmem:v30+s17+$0x0 ss:$0x1], $0xffff;
	v12 =	vmul.f32 v9, v5  }
0x3e2: {  	v9 =	vld [tilespmem:s11+$0xFFFFFF80];
	v15 =	vsub.f32 v7, v46  }
0x3e3: {  	v12 =	vsub.f32 v12, v10  }
0x3e4: {  	v7 =	vld [tilespmem:s20+$0xFFFFFF80];
	v15 =	vmul.f32 v15, v26  }
0x3e5: {  	v12 =	vmul.f32 v12, v27  }
0x3e6: {  	v13 =	vmul.f32 v13, v43;
	[tilespmem:v8+s15+$0x0 ss:$0x1] =	vst.idx.msk $0xffff, v15  }
0x3e7: {  	[tilespmem:v28+s16+$0x0 ss:$0x1] =	vst.idx.msk $0xffff, v12;
	v12 =	vmul.f32 v14, v9;
	v14 =	vld.idx.msk [tilespmem:v28+s15+$0x0 ss:$0x1], $0xffff  }
0x3e8: {  	v36 =	vmov s9;
	v15 =	vld.idx.msk [tilespmem:v30+s16+$0x0 ss:$0x1], $0xffff;
	v13 =	vsub.f32 v13, v42  }
0x3e9: {  	v12 =	vsub.f32 v12, v7  }
0x3ea: {  	v13 =	vmul.f32 v13, v25  }
0x3eb: {  	v12 =	vmul.f32 v12, v26  }
0x3ec: {  	[tilespmem:v30+s17+$0x0 ss:$0x1] =	vst.idx.msk $0xffff, v13;
	v13 =	vmul.f32 v14, v47  }
0x3ed: {  	v14 =	vmul.f32 v15, v5;
	v15 =	vld.idx.msk [tilespmem:v36+s17+$0x0 ss:$0x1], $0xffff;
	[tilespmem:v8+s12+$0x0 ss:$0x1] =	vst.idx.msk $0xffff, v12  }
0x3ee: {  	v12 =	vld.idx.msk [tilespmem:v28+s12+$0x0 ss:$0x1], $0xffff;
	v13 =	vsub.f32 v13, v46  }
0x3ef: {  	v14 =	vsub.f32 v14, v10  }
0x3f0: {  	v13 =	vmul.f32 v13, v27  }
0x3f1: {  	v14 =	vmul.f32 v14, v25  }
0x3f2: {  	v15 =	vmul.f32 v15, v43;
	[tilespmem:v28+s15+$0x0 ss:$0x1] =	vst.idx.msk $0xffff, v13  }
0x3f3: {  	s8 =	sand.u32 $0x40, s8;
	[tilespmem:v30+s16+$0x0 ss:$0x1] =	vst.idx.msk $0xffff, v14;
	v12 =	vmul.f32 v12, v9;
	v13 =	vld.idx.msk [tilespmem:v30+s15+$0x0 ss:$0x1], $0xffff  }
0x3f4: {  	v34 =	vmov s8;
	s21 =	simm.s32 $0x0;
	v14 =	vld.idx.msk [tilespmem:v36+s16+$0x0 ss:$0x1], $0xffff;
	v15 =	vsub.f32 v15, v42  }
0x3f5: {  	s9 =	smul.u32 $0x6000, s21;
	v12 =	vsub.f32 v12, v7  }
0x3f6: {  	s20 =	rddreg [dreg:$0x6];
	v15 =	vmul.f32 v15, v24  }
0x3f7: {  	s22 =	rddreg [dreg:$0x5];
	s25 =	sshra.s32 s9, $0x2;
	s24 =	sadd.s32 s20, s1;
	v12 =	vmul.f32 v12, v27  }
0x3f8: {  	s9 =	simm.s32 $0x280;
	s25 =	sadd.s32 s25, s28;
	s0 =	sadd.s32 s26, s24;
	[tilespmem:v36+s17+$0x0 ss:$0x1] =	vst.idx.msk $0xffff, v15;
	v13 =	vmul.f32 v13, v47  }
0x3f9: {  	s29 =	sand.u32 $0x380, s9;
	s18 =	sadd.s32 s22, s25;
	v14 =	vmul.f32 v14, v5;
	v18 =	vld.idx.msk [tilespmem:v34+s0+$0x0 ss:$0x1], $0xffff;
	[tilespmem:v28+s12+$0x0 ss:$0x1] =	vst.idx.msk $0xffff, v12  }
0x3fa: {  	s9 =	sadd.s32 s29, s18;
	s11 =	simm.s32 $0x200;
	v12 =	vld.idx.msk [tilespmem:v30+s12+$0x0 ss:$0x1], $0xffff;
	v13 =	vsub.f32 v13, v46  }
0x3fb: {  	v20 =	vld.idx.msk [tilespmem:v8+s9+$0x0 ss:$0x1], $0xffff;
	s13 =	simm.s32 $0x18980;
	s3 =	sand.u32 $0x300, s11;
	v15 =	vsub.f32 v14, v10  }
0x3fc: {  	s8 =	sadd.s32 s3, s18;
	v14 =	vld [tilespmem:s13+$0x0];
	v13 =	vmul.f32 v13, v25  }
0x3fd: {  	s21 =	simm.s32 $0x19980;
	v22 =	vld.idx.msk [tilespmem:v8+s8+$0x0 ss:$0x1], $0xffff;
	v21 =	vmul.f32 v15, v24  }
0x3fe: {  	v15 =	vld [tilespmem:s21+$0x0];
	v18 =	vmul.f32 v18, v43;
	[tilespmem:v30+s15+$0x0 ss:$0x1] =	vst.idx.msk $0xffff, v13  }
0x3ff: {  	s6 =	sand.u32 $0x50, s6;
	[tilespmem:v36+s16+$0x0 ss:$0x1] =	vst.idx.msk $0xffff, v21;
	v13 =	vmul.f32 v12, v9;
	v21 =	vld.idx.msk [tilespmem:v36+s15+$0x0 ss:$0x1], $0xffff  }
0x400: {  	v32 =	vmov s6;
	s19 =	sadd.s32 s23, s24;
	v12 =	vld [tilespmem:s13+$0xFFFFFF80];
	v18 =	vsub.f32 v18, v42  }
0x401: {  	v29 =	vld.idx.msk [tilespmem:v34+s19+$0x0 ss:$0x1], $0xffff;
	v20 =	vmul.f32 v20, v14;
	v31 =	vsub.f32 v13, v7  }
0x402: {  	s16 =	rddreg [dreg:$0x7];
	v13 =	vld [tilespmem:s21+$0xFFFFFF80];
	v18 =	vmul.f32 v18, v23  }
0x403: {  	s16 =	sadd.s32 s16, s1;
	v20 =	vsub.f32 v20, v15;
	v31 =	vmul.f32 v31, v25  }
0x404: {  	s22 =	sadd.s32 s26, s16;
	[tilespmem:v34+s0+$0x0 ss:$0x1] =	vst.idx.msk $0xffff, v18;
	v18 =	vmul.f32 v21, v47  }
0x405: {  	v20 =	vmul.f32 v20, v26;
	v22 =	vmul.f32 v22, v12;
	v21 =	vld.idx.msk [tilespmem:v32+s22+$0x0 ss:$0x1], $0xffff;
	[tilespmem:v30+s12+$0x0 ss:$0x1] =	vst.idx.msk $0xffff, v31  }
0x406: {  	v29 =	vmul.f32 v29, v5;
	v31 =	vld.idx.msk [tilespmem:v36+s12+$0x0 ss:$0x1], $0xffff;
	v18 =	vsub.f32 v18, v46  }
0x407: {  	[tilespmem:v8+s9+$0x0 ss:$0x1] =	vst.idx.msk $0xffff, v20;
	v20 =	vsub.f32 v22, v13  }
0x408: {  	s24 =	rddreg [dreg:$0x6];
	v22 =	vsub.f32 v29, v10;
	v18 =	vmul.f32 v18, v24  }
0x409: {  	v29 =	vld.idx.msk [tilespmem:v28+s9+$0x0 ss:$0x1], $0xffff;
	s18 =	sadd.s32 s24, s7;
	v20 =	vmul.f32 v20, v26  }
0x40a: {  	s0 =	sadd.s32 s14, s18;
	v22 =	vmul.f32 v22, v23;
	v21 =	vmul.f32 v21, v43;
	[tilespmem:v36+s15+$0x0 ss:$0x1] =	vst.idx.msk $0xffff, v18  }
0x40b: {  	s5 =	sand.u32 $0x60, s5;
	[tilespmem:v8+s8+$0x0 ss:$0x1] =	vst.idx.msk $0xffff, v20;
	v18 =	vmul.f32 v31, v9;
	v20 =	vld.idx.msk [tilespmem:v34+s0+$0x0 ss:$0x1], $0xffff  }
0x40c: {  	v33 =	vmov s5;
	[tilespmem:v34+s19+$0x0 ss:$0x1] =	vst.idx.msk $0xffff, v22;
	v22 =	vld.idx.msk [tilespmem:v28+s8+$0x0 ss:$0x1], $0xffff;
	v21 =	vsub.f32 v21, v42  }
0x40d: {  	v18 =	vsub.f32 v18, v7  }
0x40e: {  	s11 =	rddreg [dreg:$0x8];
	v29 =	vmul.f32 v29, v14;
	v21 =	vmul.f32 v21, v19  }
0x40f: {  	s15 =	sadd.s32 s11, s1;
	v18 =	vmul.f32 v18, v24  }
0x410: {  	v29 =	vsub.f32 v29, v15;
	s17 =	sadd.s32 s26, s15;
	[tilespmem:v32+s22+$0x0 ss:$0x1] =	vst.idx.msk $0xffff, v21;
	v20 =	vmul.f32 v20, v47  }
0x411: {  	s18 =	sadd.s32 s30, s18;
	[tilespmem:v36+s12+$0x0 ss:$0x1] =	vst.idx.msk $0xffff, v18;
	v18 =	vmul.f32 v22, v12;
	v22 =	vld.idx.msk [tilespmem:v33+s17+$0x0 ss:$0x1], $0xffff  }
0x412: {  	v21 =	vmul.f32 v29, v27;
	v20 =	vsub.f32 v20, v46;
	v29 =	vld.idx.msk [tilespmem:v34+s18+$0x0 ss:$0x1], $0xffff;
	_ =	sdelay $0x1  }
0x413: {  	[tilespmem:v28+s9+$0x0 ss:$0x1] =	vst.idx.msk $0xffff, v21;
	v18 =	vsub.f32 v18, v13;
	v20 =	vmul.f32 v20, v23  }
0x414: {  	s20 =	simm.s32 $0x0;
	s16 =	sadd.s32 s23, s16;
	s13 =	rddreg [dreg:$0x7];
	v21 =	vld.idx.msk [tilespmem:v30+s9+$0x0 ss:$0x1], $0xffff  }
0x415: {  	s6 =	smul.u32 $0x6000, s20;
	v35 =	vld.idx.msk [tilespmem:v32+s16+$0x0 ss:$0x1], $0xffff;
	s12 =	sadd.s32 s13, s7;
	v18 =	vmul.f32 v18, v27;
	[tilespmem:v34+s0+$0x0 ss:$0x1] =	vst.idx.msk $0xffff, v20;
	v20 =	vmul.f32 v22, v43  }
0x416: {  	s24 =	sadd.s32 s14, s12;
	v22 =	vmul.f32 v29, v9  }
0x417: {  	s4 =	sand.u32 $0x70, s4;
	s22 =	sshra.s32 s6, $0x2;
	[tilespmem:v28+s8+$0x0 ss:$0x1] =	vst.idx.msk $0xffff, v18;
	v18 =	vld.idx.msk [tilespmem:v32+s24+$0x0 ss:$0x1], $0xffff;
	v37 =	vsub.f32 v20, v42  }
0x418: {  	s21 =	rddreg [dreg:$0x5];
	v31 =	vmov s4;
	s13 =	sadd.s32 s22, s28;
	s0 =	simm.s32 $0x380;
	v29 =	vld.idx.msk [tilespmem:v30+s8+$0x0 ss:$0x1], $0xffff;
	v22 =	vsub.f32 v22, v7  }
0x419: {  	s11 =	simm.s32 $0x18A80;
	s20 =	sadd.s32 s21, s13;
	s31 =	sand.u32 $0x380, s0;
	v21 =	vmul.f32 v21, v14;
	v37 =	vmul.f32 v37, v17  }
0x41a: {  	s5 =	rddreg [dreg:$0x9];
	v35 =	vmul.f32 v35, v5;
	s6 =	sadd.s32 s31, s20;
	v20 =	vld [tilespmem:s11+$0x0];
	v22 =	vmul.f32 v22, v23  }
0x41b: {  	s5 =	sadd.s32 s5, s1;
	s22 =	simm.s32 $0x19A80;
	v38 =	vld.idx.msk [tilespmem:v8+s6+$0x0 ss:$0x1], $0xffff;
	v39 =	vsub.f32 v21, v15;
	[tilespmem:v33+s17+$0x0 ss:$0x1] =	vst.idx.msk $0xffff, v37  }
0x41c: {  	v35 =	vsub.f32 v35, v10;
	v21 =	vld [tilespmem:s22+$0x0];
	v56 =	vmul.f32 v18, v47;
	s17 =	sadd.s32 s26, s5;
	[tilespmem:v34+s18+$0x0 ss:$0x1] =	vst.idx.msk $0xffff, v22;
	s18 =	simm.s32 $0x300  }
0x41d: {  	v55 =	vmul.f32 v39, v25;
	v57 =	vld.idx.msk [tilespmem:v31+s17+$0x0 ss:$0x1], $0xffff;
	v29 =	vmul.f32 v29, v12;
	s21 =	sand.u32 $0x300, s18  }
0x41e: {  	v18 =	vld [tilespmem:s11+$0xFFFFFF80];
	v22 =	vmul.f32 v35, v19;
	v58 =	vsub.f32 v56, v46;
	[dreg:$0x17] =	wrdreg s21;
	s4 =	sadd.s32 s21, s20  }
0x41f: {  	v29 =	vsub.f32 v29, v13;
	[tilespmem:v30+s9+$0x0 ss:$0x1] =	vst.idx.msk $0xffff, v55;
	v40 =	vld.idx.msk [tilespmem:v8+s4+$0x0 ss:$0x1], $0xffff  }
0x420: {  	v38 =	vmul.f32 v38, v20;
	s18 =	rddreg [dreg:$0x8];
	[tilespmem:v32+s16+$0x0 ss:$0x1] =	vst.idx.msk $0xffff, v22;
	v37 =	vmul.f32 v58, v19;
	v22 =	vld [tilespmem:s22+$0xFFFFFF80]  }
0x421: {  	s20 =	sadd.s32 s23, s15;
	s16 =	sadd.s32 s18, s7;
	v59 =	vld.idx.msk [tilespmem:v36+s9+$0x0 ss:$0x1], $0xffff;
	v29 =	vmul.f32 v29, v25  }
0x422: {  	v38 =	vsub.f32 v38, v21;
	v41 =	vld.idx.msk [tilespmem:v33+s20+$0x0 ss:$0x1], $0xffff;
	s18 =	sadd.s32 s14, s16;
	v35 =	vmul.f32 v57, v43;
	[tilespmem:v32+s24+$0x0 ss:$0x1] =	vst.idx.msk $0xffff, v37  }
0x423: {  	[tilespmem:v30+s8+$0x0 ss:$0x1] =	vst.idx.msk $0xffff, v29;
	v29 =	vld.idx.msk [tilespmem:v33+s18+$0x0 ss:$0x1], $0xffff  }
0x424: {  	v60 =	vmul.f32 v38, v26;
	v35 =	vsub.f32 v35, v42  }
0x425: {  	v62 =	vmul.f32 v40, v18  }
0x426: {  	s24 =	rddreg [dreg:$0xa];
	v61 =	vld.idx.msk [tilespmem:v36+s8+$0x0 ss:$0x1], $0xffff;
	[tilespmem:v8+s6+$0x0 ss:$0x1] =	vst.idx.msk $0xffff, v60;
	v39 =	vmul.f32 v59, v14;
	v35 =	vmul.f32 v35, v16  }
0x427: {  	s15 =	sadd.s32 s24, s1;
	v63 =	vld.idx.msk [tilespmem:v28+s6+$0x0 ss:$0x1], $0xffff;
	v41 =	vmul.f32 v41, v5;
	v37 =	vsub.f32 v62, v22  }
0x428: {  	v39 =	vsub.f32 v39, v15;
	[tilespmem:v31+s17+$0x0 ss:$0x1] =	vst.idx.msk $0xffff, v35;
	v29 =	vmul.f32 v29, v47;
	s17 =	sadd.s32 s26, s15  }
0x429: {  	s21 =	sadd.s32 s30, s12;
	v45 =	vsub.f32 v41, v10;
	v48 =	vld.idx.msk [tilespmem:v8+s17+$0x0 ss:$0x1], $0xffff;
	v37 =	vmul.f32 v37, v26  }
0x42a: {  	v49 =	vld.idx.msk [tilespmem:v32+s21+$0x0 ss:$0x1], $0xffff;
	s11 =	rddreg [dreg:$0x6];
	v44 =	vmul.f32 v39, v24;
	v29 =	vsub.f32 v29, v46  }
0x42b: {  	s22 =	sadd.s32 s11, s25;
	v38 =	vmul.f32 v61, v12;
	v39 =	vmul.f32 v45, v17;
	[tilespmem:v8+s4+$0x0 ss:$0x1] =	vst.idx.msk $0xffff, v37  }
0x42c: {  	s0 =	smov.u32 s23;
	s23 =	rddreg [dreg:$0x9];
	s19 =	sadd.s32 s29, s22;
	v40 =	vmul.f32 v63, v20;
	[tilespmem:v36+s9+$0x0 ss:$0x1] =	vst.idx.msk $0xffff, v44;
	v51 =	vld.idx.msk [tilespmem:v28+s4+$0x0 ss:$0x1], $0xffff;
	v29 =	vmul.f32 v29, v17  }
0x42d: {  	v50 =	vsub.f32 v38, v13;
	[tilespmem:v33+s20+$0x0 ss:$0x1] =	vst.idx.msk $0xffff, v39;
	s9 =	sadd.s32 s23, s7;
	v44 =	vld.idx.msk [tilespmem:v34+s19+$0x0 ss:$0x1], $0xffff  }
0x42e: {  	v40 =	vsub.f32 v40, v21;
	s20 =	sadd.s32 s14, s9;
	[tilespmem:v33+s18+$0x0 ss:$0x1] =	vst.idx.msk $0xffff, v29;
	v29 =	vmul.f32 v48, v43  }
0x42f: {  	v35 =	vmul.f32 v49, v9;
	v37 =	vmul.f32 v50, v24;
	v53 =	vld.idx.msk [tilespmem:v31+s20+$0x0 ss:$0x1], $0xffff  }
0x430: {  	s2 =	sand.u32 $0x50, s2;
	v52 =	vmul.f32 v40, v27;
	v29 =	vsub.f32 v29, v42  }
0x431: {  	s22 =	sadd.s32 s3, s22;
	v35 =	vsub.f32 v35, v7;
	[tilespmem:v36+s8+$0x0 ss:$0x1] =	vst.idx.msk $0xffff, v37;
	v37 =	vmov s2;
	v38 =	vmul.f32 v51, v18  }
0x432: {  	v54 =	vld.idx.msk [tilespmem:v34+s22+$0x0 ss:$0x1], $0xffff;
	[tilespmem:v28+s6+$0x0 ss:$0x1] =	vst.idx.msk $0xffff, v52;
	v44 =	vmul.f32 v44, v14;
	v29 =	vmul.f32 v29, v11  }
0x433: {  	v35 =	vmul.f32 v35, v19;
	s24 =	rddreg [dreg:$0xb];
	s8 =	sadd.s32 s0, s5;
	v39 =	vld.idx.msk [tilespmem:v30+s6+$0x0 ss:$0x1], $0xffff;
	v38 =	vsub.f32 v38, v22  }
0x434: {  	s23 =	simm.s32 $0x1;
	s12 =	sadd.s32 s24, s1;
	v44 =	vsub.f32 v44, v15;
	[tilespmem:v8+s17+$0x0 ss:$0x1] =	vst.idx.msk $0xffff, v29;
	v29 =	vld.idx.msk [tilespmem:v31+s8+$0x0 ss:$0x1], $0xffff;
	v40 =	vmul.f32 v53, v47  }
0x435: {  	s18 =	sadd.s32 s26, s12;
	s2 =	smul.u32 $0x6000, s23;
	v38 =	vmul.f32 v38, v27  }
0x436: {  	[tilespmem:v32+s21+$0x0 ss:$0x1] =	vst.idx.msk $0xffff, v35;
	s11 =	rddreg [dreg:$0x7];
	s17 =	sadd.s32 s30, s16;
	v55 =	vld.idx.msk [tilespmem:v37+s18+$0x0 ss:$0x1], $0xffff;
	v44 =	vmul.f32 v44, v23;
	v40 =	vsub.f32 v40, v46  }
0x437: {  	s24 =	rddreg [dreg:$0xa];
	s2 =	sshra.s32 s2, $0x2;
	s16 =	sadd.s32 s11, s25;
	v41 =	vmul.f32 v54, v12;
	v56 =	vld.idx.msk [tilespmem:v33+s17+$0x0 ss:$0x1], $0xffff;
	[tilespmem:v28+s4+$0x0 ss:$0x1] =	vst.idx.msk $0xffff, v38  }
0x438: {  	s23 =	simm.s32 $0x18B80;
	s11 =	sadd.s32 s2, s28;
	v39 =	vmul.f32 v39, v20;
	[tilespmem:v34+s19+$0x0 ss:$0x1] =	vst.idx.msk $0xffff, v44;
	s19 =	sadd.s32 s29, s16;
	v45 =	vld.idx.msk [tilespmem:v30+s4+$0x0 ss:$0x1], $0xffff;
	v40 =	vmul.f32 v40, v16  }
0x439: {  	s2 =	sadd.s32 s24, s7;
	s24 =	simm.s32 $0x480;
	v41 =	vsub.f32 v41, v13;
	v57 =	vld.idx.msk [tilespmem:v32+s19+$0x0 ss:$0x1], $0xffff;
	v48 =	vmul.f32 v29, v5;
	[smem:$0x7F5] =	sst s11  }
0x43a: {  	s21 =	rddreg [dreg:$0x5];
	s5 =	sand.u32 $0x380, s24;
	v39 =	vsub.f32 v39, v21;
	v29 =	vld [tilespmem:s23+$0x0];
	[tilespmem:v31+s20+$0x0 ss:$0x1] =	vst.idx.msk $0xffff, v40  }
0x43b: {  	v41 =	vmul.f32 v41, v23;
	v40 =	vld [tilespmem:s23+$0xFFFFFF80];
	v35 =	vmul.f32 v55, v43;
	s20 =	sadd.s32 s21, s11;
	s21 =	sadd.s32 s14, s2;
	[smem:$0x7F6] =	sst s5;
	v58 =	vsub.f32 v48, v10  }
0x43c: {  	v49 =	vmul.f32 v39, v25;
	s5 =	sadd.s32 s5, s20;
	v59 =	vld.idx.msk [tilespmem:v8+s21+$0x0 ss:$0x1], $0xffff  }
0x43d: {  	s23 =	simm.s32 $0x19B80;
	[tilespmem:v34+s22+$0x0 ss:$0x1] =	vst.idx.msk $0xffff, v41;
	v35 =	vsub.f32 v35, v42;
	v50 =	vld.idx.msk [tilespmem:v8+s5+$0x0 ss:$0x1], $0xffff;
	v41 =	vmul.f32 v58, v16  }
0x43e: {  	s10 =	sand.u32 $0x60, s10;
	v44 =	vmul.f32 v56, v9;
	s11 =	simm.s32 $0x400;
	[tilespmem:v30+s6+$0x0 ss:$0x1] =	vst.idx.msk $0xffff, v49;
	v38 =	vld [tilespmem:s23+$0x0]  }
0x43f: {  	v39 =	vmov s10;
	s10 =	rddreg [dreg:$0xc];
	v51 =	vmul.f32 v57, v14;
	v52 =	vmul.f32 v35, v6;
	v35 =	vld [tilespmem:s23+$0xFFFFFF80];
	s23 =	sand.u32 $0x300, s11;
	[tilespmem:v31+s8+$0x0 ss:$0x1] =	vst.idx.msk $0xffff, v41  }
0x440: {  	v44 =	vsub.f32 v44, v7;
	s22 =	sadd.s32 s0, s15;
	v45 =	vmul.f32 v45, v18;
	v49 =	vld.idx.msk [tilespmem:v36+s6+$0x0 ss:$0x1], $0xffff;
	[smem:$0x7F9] =	sst s23  }
0x441: {  	v51 =	vsub.f32 v51, v15;
	v62 =	vld.idx.msk [tilespmem:v8+s22+$0x0 ss:$0x1], $0xffff  }
0x442: {  	s10 =	sadd.s32 s10, s1;
	v60 =	vmul.f32 v44, v17;
	v61 =	vsub.f32 v45, v22;
	s8 =	sadd.s32 s23, s20;
	v48 =	vmul.f32 v59, v47  }
0x443: {  	s24 =	rddreg [dreg:$0x8];
	[tilespmem:v37+s18+$0x0 ss:$0x1] =	vst.idx.msk $0xffff, v52;
	v63 =	vld.idx.msk [tilespmem:v8+s8+$0x0 ss:$0x1], $0xffff;
	v50 =	vmul.f32 v50, v29;
	s18 =	sadd.s32 s26, s10;
	v51 =	vmul.f32 v51, v19  }
0x444: {  	[tilespmem:v33+s17+$0x0 ss:$0x1] =	vst.idx.msk $0xffff, v60;
	v44 =	vmul.f32 v61, v25;
	s17 =	sadd.s32 s24, s25;
	v56 =	vld.idx.msk [tilespmem:v39+s18+$0x0 ss:$0x1], $0xffff;
	v48 =	vsub.f32 v48, v46  }
0x445: {  	v49 =	vmul.f32 v49, v20;
	v50 =	vsub.f32 v50, v38;
	[tilespmem:v32+s19+$0x0 ss:$0x1] =	vst.idx.msk $0xffff, v51;
	s19 =	sadd.s32 s29, s17  }
0x446: {  	[tilespmem:v30+s4+$0x0 ss:$0x1] =	vst.idx.msk $0xffff, v44;
	v57 =	vld.idx.msk [tilespmem:v33+s19+$0x0 ss:$0x1], $0xffff;
	v48 =	vmul.f32 v48, v11;
	v45 =	vmul.f32 v62, v5  }
0x447: {  	s20 =	sadd.s32 s3, s16;
	v58 =	vld.idx.msk [tilespmem:v36+s4+$0x0 ss:$0x1], $0xffff;
	v49 =	vsub.f32 v49, v21;
	v50 =	vmul.f32 v50, v26  }
0x448: {  	s24 =	smov.u32 s3;
	v53 =	vld.idx.msk [tilespmem:v32+s20+$0x0 ss:$0x1], $0xffff;
	s3 =	rddreg [dreg:$0xb];
	v41 =	vmul.f32 v63, v40;
	[tilespmem:v8+s21+$0x0 ss:$0x1] =	vst.idx.msk $0xffff, v48;
	v45 =	vsub.f32 v45, v10  }
0x449: {  	s15 =	rddreg [dreg:$0xd];
	s23 =	sadd.s32 s3, s7;
	v59 =	vmul.f32 v49, v24;
	v60 =	vmul.f32 v56, v43;
	[tilespmem:v8+s5+$0x0 ss:$0x1] =	vst.idx.msk $0xffff, v50  }
0x44a: {  	[smem:$0x7F4] =	sst s23;
	v41 =	vsub.f32 v41, v35;
	v45 =	vmul.f32 v45, v11  }
0x44b: {  	s11 =	rddreg [dreg:$0x6];
	s21 =	sadd.s32 s14, s23;
	[tilespmem:v36+s6+$0x0 ss:$0x1] =	vst.idx.msk $0xffff, v59;
	v61 =	vld.idx.msk [tilespmem:v28+s5+$0x0 ss:$0x1], $0xffff;
	v49 =	vsub.f32 v60, v42;
	v44 =	vmul.f32 v57, v14  }
0x44c: {  	s6 =	sadd.s32 s30, s9;
	v62 =	vld.idx.msk [tilespmem:v37+s21+$0x0 ss:$0x1], $0xffff;
	s9 =	sadd.s32 s11, s13;
	v63 =	vmul.f32 v58, v18;
	s11 =	sld [smem:$0x7F3];
	v54 =	vmul.f32 v41, v26;
	[tilespmem:v8+s22+$0x0 ss:$0x1] =	vst.idx.msk $0xffff, v45  }
0x44d: {  	v53 =	vmul.f32 v53, v12;
	v57 =	vld.idx.msk [tilespmem:v31+s6+$0x0 ss:$0x1], $0xffff;
	s23 =	sadd.s32 s31, s9;
	v58 =	vmul.f32 v49, v4;
	v44 =	vsub.f32 v44, v15;
	[smem:$0x7F8] =	sst s0  }
0x44e: {  	s12 =	sadd.s32 s0, s12;
	v51 =	vsub.f32 v63, v22;
	v59 =	vld.idx.msk [tilespmem:v34+s23+$0x0 ss:$0x1], $0xffff;
	[tilespmem:v8+s8+$0x0 ss:$0x1] =	vst.idx.msk $0xffff, v54  }
0x44f: {  	s1 =	sadd.s32 s15, s1;
	v53 =	vsub.f32 v53, v13;
	s3 =	sand.u32 $0x70, s11;
	v55 =	vld.idx.msk [tilespmem:v37+s12+$0x0 ss:$0x1], $0xffff;
	v44 =	vmul.f32 v44, v17;
	[tilespmem:v39+s18+$0x0 ss:$0x1] =	vst.idx.msk $0xffff, v58  }
0x450: {  	v51 =	vmul.f32 v51, v24;
	v41 =	vmov s3;
	v48 =	vmul.f32 v61, v29;
	v60 =	vld.idx.msk [tilespmem:v28+s8+$0x0 ss:$0x1], $0xffff;
	[smem:$0x7F7] =	sst s1  }
0x451: {  	s11 =	rddreg [dreg:$0x9];
	v61 =	vmul.f32 v53, v19;
	v50 =	vmul.f32 v62, v47;
	[tilespmem:v33+s19+$0x0 ss:$0x1] =	vst.idx.msk $0xffff, v44  }
0x452: {  	s11 =	sadd.s32 s11, s25;
	v62 =	vmul.f32 v57, v9;
	[tilespmem:v36+s4+$0x0 ss:$0x1] =	vst.idx.msk $0xffff, v51;
	v48 =	vsub.f32 v48, v38  }
0x453: {  	s22 =	sadd.s32 s29, s11;
	[tilespmem:v32+s20+$0x0 ss:$0x1] =	vst.idx.msk $0xffff, v61;
	v50 =	vsub.f32 v50, v46;
	v49 =	vmul.f32 v59, v20  }
0x454: {  	s4 =	sadd.s32 s26, s1;
	s19 =	rddreg [dreg:$0x17];
	v58 =	vld.idx.msk [tilespmem:v31+s22+$0x0 ss:$0x1], $0xffff;
	v51 =	vsub.f32 v62, v7;
	v48 =	vmul.f32 v48, v27;
	v57 =	vmul.f32 v55, v5  }
0x455: {  	s3 =	sadd.s32 s19, s9;
	v50 =	vmul.f32 v50, v6;
	v63 =	vld.idx.msk [tilespmem:v41+s4+$0x0 ss:$0x1], $0xffff;
	v45 =	vmul.f32 v60, v40;
	v49 =	vsub.f32 v49, v21  }
0x456: {  	s15 =	rddreg [dreg:$0xc];
	v59 =	vld.idx.msk [tilespmem:v34+s3+$0x0 ss:$0x1], $0xffff;
	[tilespmem:v28+s5+$0x0 ss:$0x1] =	vst.idx.msk $0xffff, v48;
	v60 =	vmul.f32 v51, v16;
	v61 =	vsub.f32 v57, v10  }
0x457: {  	s16 =	simm.s32 $0x1;
	s26 =	sadd.s32 s15, s7;
	s9 =	rddreg [dreg:$0x7];
	[tilespmem:v37+s21+$0x0 ss:$0x1] =	vst.idx.msk $0xffff, v50;
	v45 =	vsub.f32 v45, v35;
	v49 =	vmul.f32 v49, v23  }
0x458: {  	s1 =	sadd.s32 s9, s13;
	s9 =	sadd.s32 s30, s2;
	s21 =	smul.u32 $0x6000, s16;
	v62 =	vld.idx.msk [tilespmem:v30+s5+$0x0 ss:$0x1], $0xffff;
	[tilespmem:v31+s6+$0x0 ss:$0x1] =	vst.idx.msk $0xffff, v60;
	v56 =	vmul.f32 v61, v6  }
0x459: {  	s20 =	sadd.s32 s14, s26;
	v57 =	vmul.f32 v58, v14;
	v52 =	vld.idx.msk [tilespmem:v8+s9+$0x0 ss:$0x1], $0xffff;
	v45 =	vmul.f32 v45, v27;
	[tilespmem:v34+s23+$0x0 ss:$0x1] =	vst.idx.msk $0xffff, v49  }
0x45a: {  	s18 =	sadd.s32 s24, s17;
	s6 =	sshra.s32 s21, $0x2;
	v43 =	vmul.f32 v63, v43;
	v63 =	vld.idx.msk [tilespmem:v39+s20+$0x0 ss:$0x1], $0xffff;
	[tilespmem:v37+s12+$0x0 ss:$0x1] =	vst.idx.msk $0xffff, v56  }
0x45b: {  	s6 =	sadd.s32 s6, s28;
	v58 =	vmul.f32 v59, v18;
	v60 =	vsub.f32 v57, v15;
	v49 =	vld.idx.msk [tilespmem:v33+s18+$0x0 ss:$0x1], $0xffff;
	s23 =	sadd.s32 s31, s1;
	[tilespmem:v28+s8+$0x0 ss:$0x1] =	vst.idx.msk $0xffff, v45  }
0x45c: {  	s10 =	sadd.s32 s0, s10;
	s17 =	simm.s32 $0x580;
	v42 =	vsub.f32 v43, v42;
	v59 =	vld.idx.msk [tilespmem:v32+s23+$0x0 ss:$0x1], $0xffff;
	[dreg:$0x10] =	wrdreg s6  }
0x45d: {  	s0 =	sand.u32 $0x380, s17;
	s15 =	smov.u32 s24;
	s24 =	rddreg [dreg:$0x5];
	v43 =	vsub.f32 v58, v22;
	v45 =	vmul.f32 v60, v16;
	v61 =	vld.idx.msk [tilespmem:v30+s8+$0x0 ss:$0x1], $0xffff  }
0x45e: {  	v50 =	vmul.f32 v62, v29;
	v42 =	vmul.f32 v42, v3;
	v62 =	vld.idx.msk [tilespmem:v39+s10+$0x0 ss:$0x1], $0xffff;
	[dreg:$0x11] =	wrdreg s0  }
0x45f: {  	s24 =	sadd.s32 s24, s6;
	s12 =	rddreg [dreg:$0xa];
	v43 =	vmul.f32 v43, v23;
	[tilespmem:v31+s22+$0x0 ss:$0x1] =	vst.idx.msk $0xffff, v45  }
0x460: {  	s16 =	sadd.s32 s0, s24;
	v50 =	vsub.f32 v50, v38;
	v44 =	vmul.f32 v63, v47;
	[tilespmem:v41+s4+$0x0 ss:$0x1] =	vst.idx.msk $0xffff, v42  }
0x461: {  	s21 =	sadd.s32 s12, s25;
	s6 =	simm.s32 $0x18C80;
	v52 =	vmul.f32 v52, v9;
	v63 =	vld.idx.msk [tilespmem:v8+s16+$0x0 ss:$0x1], $0xffff;
	s4 =	simm.s32 $0x500;
	[tilespmem:v34+s3+$0x0 ss:$0x1] =	vst.idx.msk $0xffff, v43  }
0x462: {  	s28 =	sadd.s32 s29, s21;
	v42 =	vld [tilespmem:s6+$0x0];
	v57 =	vmul.f32 v50, v25;
	v44 =	vsub.f32 v44, v46;
	v56 =	vmul.f32 v59, v20;
	s12 =	sand.u32 $0x300, s4  }
0x463: {  	s2 =	simm.s32 $0x19C80;
	v58 =	vld.idx.msk [tilespmem:v8+s28+$0x0 ss:$0x1], $0xffff;
	v49 =	vmul.f32 v49, v12;
	v52 =	vsub.f32 v52, v7;
	[dreg:$0x12] =	wrdreg s12  }
0x464: {  	s22 =	rddreg [dreg:$0xd];
	v43 =	vld [tilespmem:s2+$0x0];
	v44 =	vmul.f32 v44, v4;
	v45 =	vsub.f32 v56, v21;
	[tilespmem:v30+s5+$0x0 ss:$0x1] =	vst.idx.msk $0xffff, v57  }
0x465: {  	s3 =	sadd.s32 s22, s7;
	s4 =	sadd.s32 s12, s24;
	v59 =	vsub.f32 v49, v13;
	v52 =	vmul.f32 v52, v11;
	v51 =	vmul.f32 v61, v40;
	v60 =	vld.idx.msk [tilespmem:v36+s5+$0x0 ss:$0x1], $0xffff  }
0x466: {  	s14 =	sadd.s32 s14, s3;
	s24 =	rddreg [dreg:$0x8];
	v55 =	vld.idx.msk [tilespmem:v8+s4+$0x0 ss:$0x1], $0xffff;
	v53 =	vmul.f32 v62, v5;
	[tilespmem:v39+s20+$0x0 ss:$0x1] =	vst.idx.msk $0xffff, v44;
	v45 =	vmul.f32 v45, v19  }
0x467: {  	s22 =	sadd.s32 s24, s13;
	[tilespmem:v8+s9+$0x0 ss:$0x1] =	vst.idx.msk $0xffff, v52;
	v51 =	vsub.f32 v51, v35;
	v62 =	vmul.f32 v63, v42;
	v63 =	vld.idx.msk [tilespmem:v41+s14+$0x0 ss:$0x1], $0xffff  }
0x468: {  	v61 =	vmul.f32 v59, v17;
	v44 =	vld [tilespmem:s6+$0xFFFFFF80];
	v53 =	vsub.f32 v53, v10;
	s20 =	sadd.s32 s31, s22;
	[tilespmem:v32+s23+$0x0 ss:$0x1] =	vst.idx.msk $0xffff, v45  }
0x469: {  	v50 =	vmul.f32 v58, v14;
	v51 =	vmul.f32 v51, v25;
	v48 =	vsub.f32 v62, v43;
	v56 =	vld.idx.msk [tilespmem:v33+s20+$0x0 ss:$0x1], $0xffff  }
0x46a: {  	[tilespmem:v33+s18+$0x0 ss:$0x1] =	vst.idx.msk $0xffff, v61;
	v45 =	vld [tilespmem:s2+$0xFFFFFF80];
	v53 =	vmul.f32 v53, v4;
	v49 =	vmul.f32 v60, v29  }
0x46b: {  	s0 =	smov.u32 s13;
	s13 =	sadd.s32 s19, s1;
	v50 =	vsub.f32 v50, v15;
	[tilespmem:v30+s8+$0x0 ss:$0x1] =	vst.idx.msk $0xffff, v51;
	v48 =	vmul.f32 v48, v26  }
0x46c: {  	v58 =	vld.idx.msk [tilespmem:v32+s13+$0x0 ss:$0x1], $0xffff;
	[tilespmem:v39+s10+$0x0 ss:$0x1] =	vst.idx.msk $0xffff, v53;
	v47 =	vmul.f32 v63, v47;
	v49 =	vsub.f32 v49, v38  }
0x46d: {  	v59 =	vmul.f32 v50, v11;
	v51 =	vld.idx.msk [tilespmem:v36+s8+$0x0 ss:$0x1], $0xffff;
	v55 =	vmul.f32 v55, v44;
	[tilespmem:v8+s16+$0x0 ss:$0x1] =	vst.idx.msk $0xffff, v48  }
0x46e: {  	v60 =	vld.idx.msk [tilespmem:v28+s16+$0x0 ss:$0x1], $0xffff;
	[dreg:$0xf] =	wrdreg s25;
	v46 =	vsub.f32 v47, v46;
	v61 =	vmul.f32 v56, v20;
	v49 =	vmul.f32 v49, v24  }
0x46f: {  	s1 =	rddreg [dreg:$0xb];
	v62 =	vsub.f32 v55, v45;
	[tilespmem:v8+s28+$0x0 ss:$0x1] =	vst.idx.msk $0xffff, v59  }
0x470: {  	s7 =	rddreg [dreg:$0x6];
	v46 =	vmul.f32 v46, v3;
	v47 =	vsub.f32 v61, v21;
	[tilespmem:v36+s5+$0x0 ss:$0x1] =	vst.idx.msk $0xffff, v49  }
0x471: {  	v48 =	vmul.f32 v62, v26;
	s10 =	sld [smem:$0x7F4]  }
0x472: {  	s23 =	sadd.s32 s1, s25;
	s1 =	sadd.s32 s15, s11;
	s11 =	sld [smem:$0x7F5];
	[tilespmem:v41+s14+$0x0 ss:$0x1] =	vst.idx.msk $0xffff, v46;
	v47 =	vmul.f32 v47, v17  }
0x473: {  	v51 =	vmul.f32 v51, v40;
	s18 =	sld [smem:$0x7F6];
	[tilespmem:v8+s4+$0x0 ss:$0x1] =	vst.idx.msk $0xffff, v48  }
0x474: {  	s12 =	smov.u32 s15;
	s24 =	rddreg [dreg:$0x9];
	[tilespmem:v33+s20+$0x0 ss:$0x1] =	vst.idx.msk $0xffff, v47  }
0x475: {  	v52 =	vmul.f32 v58, v18;
	s28 =	smov.u32 s29;
	v58 =	vsub.f32 v51, v35;
	s15 =	sadd.s32 s30, s10;
	s10 =	sld [smem:$0x7F7]  }
0x476: {  	v57 =	vld.idx.msk [tilespmem:v31+s1+$0x0 ss:$0x1], $0xffff;
	s9 =	sadd.s32 s28, s23;
	s14 =	sld [smem:$0x7F8]  }
0x477: {  	v63 =	vld.idx.msk [tilespmem:v37+s9+$0x0 ss:$0x1], $0xffff;
	v46 =	vmul.f32 v58, v24  }
0x478: {  	v50 =	vmul.f32 v60, v42;
	s5 =	sadd.s32 s7, s11;
	v60 =	vld.idx.msk [tilespmem:v28+s4+$0x0 ss:$0x1], $0xffff  }
0x479: {  	s29 =	smov.u32 s0;
	v59 =	vsub.f32 v52, v22;
	v54 =	vld.idx.msk [tilespmem:v37+s15+$0x0 ss:$0x1], $0xffff;
	s0 =	sadd.s32 s18, s5;
	[tilespmem:v36+s8+$0x0 ss:$0x1] =	vst.idx.msk $0xffff, v46;
	s10 =	sadd.s32 s14, s10  }
0x47a: {  	v48 =	vld.idx.msk [tilespmem:v34+s0+$0x0 ss:$0x1], $0xffff;
	s14 =	sadd.s32 s30, s26;
	[dreg:$0x13] =	wrdreg s10  }
0x47b: {  	s3 =	sadd.s32 s30, s3;
	v61 =	vmul.f32 v59, v19;
	v46 =	vld.idx.msk [tilespmem:v41+s10+$0x0 ss:$0x1], $0xffff;
	[dreg:$0x15] =	wrdreg s14  }
0x47c: {  	s25 =	smov.u32 s11;
	[dreg:$0x14] =	wrdreg s3  }
0x47d: {  	s11 =	sadd.s32 s24, s29;
	s24 =	rddreg [dreg:$0xc];
	v50 =	vsub.f32 v50, v43;
	s7 =	smov.u32 s18;
	[tilespmem:v32+s13+$0x0 ss:$0x1] =	vst.idx.msk $0xffff, v61  }
0x47e: {  	v62 =	vmul.f32 v63, v14;
	s18 =	sadd.s32 s31, s11;
	s30 =	smov.u32 s12;
	s20 =	sld [smem:$0x7F9]  }
0x47f: {  	v50 =	vmul.f32 v50, v27;
	s10 =	smov.u32 s1;
	s1 =	sadd.s32 s30, s23;
	v51 =	vld.idx.msk [tilespmem:v31+s18+$0x0 ss:$0x1], $0xffff;
	[dreg:$0x18] =	wrdreg s30  }
0x480: {  	v49 =	vmul.f32 v57, v12;
	s8 =	sadd.s32 s19, s22;
	v63 =	vsub.f32 v62, v15;
	[dreg:$0x16] =	wrdreg s1  }
0x481: {  	s12 =	smov.u32 s15;
	v47 =	vmul.f32 v54, v9;
	v54 =	vmul.f32 v60, v44;
	[tilespmem:v28+s16+$0x0 ss:$0x1] =	vst.idx.msk $0xffff, v50;
	v50 =	vld.idx.msk [tilespmem:v33+s8+$0x0 ss:$0x1], $0xffff;
	s26 =	smov.u32 s20;
	s20 =	sadd.s32 s20, s5  }
0x482: {  	v49 =	vsub.f32 v49, v13;
	s15 =	sadd.s32 s30, s21;
	s21 =	sadd.s32 s19, s11;
	v53 =	vmul.f32 v48, v29;
	v48 =	vmul.f32 v63, v6;
	s5 =	simm.s32 $0xA;
	v52 =	vld.idx.msk [tilespmem:v34+s20+$0x0 ss:$0x1], $0xffff  }
.LBB2_8:
0x483: {  	s1 =	rddreg [dreg:$0x7]  }
0x484: {  	s11 =	rddreg [dreg:$0xf]  }
0x485: {  	s30 =	rddreg [dreg:$0x18]  }
0x486: {  	s5 =	sadd.s32 $0x2, s5;
	s23 =	rddreg [dreg:$0x5]  }
0x487: {  	s14 =	smov.u32 s7;
	s17 =	sadd.s32 $0x100, s17;
	s3 =	sadd.s32 s24, s11  }
0x488: {  	v46 =	vmul.f32 v46, v5;
	s22 =	sshrl.u32 s5, $0x3;
	s1 =	sadd.s32 s1, s25;
	s13 =	sadd.s32 s30, s3  }
0x489: {  	v55 =	vld.idx.msk [tilespmem:v30+s16+$0x0 ss:$0x1], $0xffff;
	v5 =	vmovc v9;
	v9 =	vmov v12;
	v53 =	vsub.f32 v53, v38;
	v49 =	vmul.f32 v49, v16;
	s19 =	smul.u32 $0x6000, s22;
	s22 =	smov.u32 s21;
	[dreg:$0x19] =	wrdreg s13  }
0x48a: {  	v12 =	vmov v18;
	v47 =	vsub.f32 v47, v7;
	v54 =	vsub.f32 v54, v45;
	[tilespmem:v37+s9+$0x0 ss:$0x1] =	vst.idx.msk $0xffff, v48;
	s24 =	sadd.s32 s28, s3;
	s9 =	sadd.s32 s7, s1;
	[dreg:$0x1a] =	wrdreg s22  }
0x48b: {  	v56 =	vmul.f32 v53, v23;
	[tilespmem:v31+s10+$0x0 ss:$0x1] =	vst.idx.msk $0xffff, v49;
	v48 =	vld.idx.msk [tilespmem:v39+s24+$0x0 ss:$0x1], $0xffff;
	v60 =	vmul.f32 v52, v40;
	s10 =	smov.u32 s26;
	s13 =	smov.u32 s28;
	s22 =	rddreg [dreg:$0x16]  }
0x48c: {  	v10 =	vsub.f32 v46, v10;
	v59 =	vmul.f32 v54, v27;
	s3 =	sshra.s32 s19, $0x2;
	s19 =	sadd.s32 s26, s1;
	s1 =	rddreg [dreg:$0xe];
	v61 =	vmul.f32 v50, v12  }
0x48d: {  	v51 =	vmul.f32 v51, v20;
	s26 =	smov.u32 s22;
	[tilespmem:v34+s0+$0x0 ss:$0x1] =	vst.idx.msk $0xffff, v56;
	s28 =	sadd.s32 s3, s1;
	s1 =	rddreg [dreg:$0xa];
	v46 =	vsub.f32 v60, v35  }
0x48e: {  	s6 =	sadd.s32 $0x100, s6;
	s2 =	sadd.s32 $0x100, s2;
	v47 =	vmul.f32 v47, v6;
	v53 =	vld.idx.msk [tilespmem:v8+s15+$0x0 ss:$0x1], $0xffff;
	[tilespmem:v28+s4+$0x0 ss:$0x1] =	vst.idx.msk $0xffff, v59;
	[dreg:$0x1b] =	wrdreg s26;
	v57 =	vsub.f32 v61, v22  }
0x48f: {  	s7 =	sadd.s32 $0xFFFFFF80, s17;
	s3 =	sand.u32 $0x380, s17;
	v63 =	vmul.f32 v55, v42;
	s26 =	rddreg [dreg:$0x17];
	v49 =	vld.idx.msk [tilespmem:v32+s9+$0x0 ss:$0x1], $0xffff;
	v62 =	vsub.f32 v51, v21;
	v46 =	vmul.f32 v46, v23  }
0x490: {  	s0 =	sand.u32 $0x300, s7;
	s23 =	sadd.s32 s23, s28;
	v51 =	vld.idx.msk [tilespmem:v30+s4+$0x0 ss:$0x1], $0xffff;
	[tilespmem:v37+s12+$0x0 ss:$0x1] =	vst.idx.msk $0xffff, v47;
	s12 =	rddreg [dreg:$0x15];
	v48 =	vmul.f32 v48, v14;
	v61 =	vmul.f32 v57, v17  }
0x491: {  	s1 =	sadd.s32 s1, s29;
	s21 =	sadd.s32 s3, s23;
	v50 =	vld.idx.msk [tilespmem:v39+s12+$0x0 ss:$0x1], $0xffff;
	v58 =	vsub.f32 v63, v43;
	v60 =	vmul.f32 v62, v16;
	[tilespmem:v34+s20+$0x0 ss:$0x1] =	vst.idx.msk $0xffff, v46;
	s20 =	rddreg [dreg:$0xd]  }
0x492: {  	v52 =	vld [tilespmem:s6+$0x0];
	s22 =	sadd.s32 s26, s1;
	s1 =	sadd.s32 s31, s1;
	v48 =	vsub.f32 v48, v15;
	[tilespmem:v33+s8+$0x0 ss:$0x1] =	vst.idx.msk $0xffff, v61;
	s8 =	rddreg [dreg:$0x8]  }
0x493: {  	v55 =	vld.idx.msk [tilespmem:v8+s21+$0x0 ss:$0x1], $0xffff;
	v62 =	vmul.f32 v53, v9;
	v63 =	vmul.f32 v58, v25;
	[tilespmem:v31+s18+$0x0 ss:$0x1] =	vst.idx.msk $0xffff, v60;
	s18 =	sadd.s32 s20, s11;
	s11 =	smov.u32 s29;
	s29 =	smov.u32 s25  }
0x494: {  	v18 =	vmov v40;
	v46 =	vld.idx.msk [tilespmem:v8+s1+$0x0 ss:$0x1], $0xffff;
	s20 =	sadd.s32 s30, s18;
	s30 =	sadd.s32 s8, s29;
	s8 =	rddreg [dreg:$0x11];
	v48 =	vmul.f32 v48, v4  }
0x495: {  	v40 =	vmov v44;
	s23 =	sadd.s32 s0, s23;
	v53 =	vld [tilespmem:s2+$0x0];
	v49 =	vmul.f32 v49, v29;
	v47 =	vsub.f32 v62, v13;
	[tilespmem:v30+s16+$0x0 ss:$0x1] =	vst.idx.msk $0xffff, v63;
	[dreg:$0xf] =	wrdreg s11  }
0x496: {  	s25 =	smov.u32 s28;
	s28 =	smov.u32 s31;
	v60 =	vmul.f32 v51, v40;
	v51 =	vld.idx.msk [tilespmem:v36+s16+$0x0 ss:$0x1], $0xffff;
	[tilespmem:v39+s24+$0x0 ss:$0x1] =	vst.idx.msk $0xffff, v48;
	s24 =	rddreg [dreg:$0x10]  }
0x497: {  	s31 =	smov.u32 s14;
	s14 =	smov.u32 s8;
	v49 =	vsub.f32 v49, v38;
	v47 =	vmul.f32 v47, v11;
	[dreg:$0x10] =	wrdreg s25  }
0x498: {  	v54 =	vmul.f32 v10, v3;
	v56 =	vld.idx.msk [tilespmem:v8+s23+$0x0 ss:$0x1], $0xffff;
	v50 =	vmul.f32 v50, v5;
	s8 =	sadd.s32 s10, s30;
	v61 =	vsub.f32 v60, v45;
	s25 =	smov.u32 s10;
	s10 =	rddreg [dreg:$0x1a]  }
0x499: {  	v10 =	vmov v7;
	v44 =	vld [tilespmem:s6+$0xFFFFFF80];
	s18 =	sadd.s32 s13, s18;
	v55 =	vmul.f32 v55, v52;
	v62 =	vmul.f32 v49, v19;
	[tilespmem:v8+s15+$0x0 ss:$0x1] =	vst.idx.msk $0xffff, v47;
	s15 =	rddreg [dreg:$0x19]  }
0x49a: {  	v63 =	vsub.f32 v50, v10;
	v47 =	vld.idx.msk [tilespmem:v41+s18+$0x0 ss:$0x1], $0xffff;
	s13 =	smov.u32 s24;
	v57 =	vmul.f32 v61, v25;
	s24 =	sadd.s32 s31, s30;
	s30 =	rddreg [dreg:$0x12]  }
0x49b: {  	v50 =	vld [tilespmem:s2+$0xFFFFFF80];
	v55 =	vsub.f32 v55, v53;
	v46 =	vmul.f32 v46, v20;
	s7 =	smov.u32 s30;
	s30 =	rddreg [dreg:$0x14];
	[tilespmem:v32+s9+$0x0 ss:$0x1] =	vst.idx.msk $0xffff, v62  }
0x49c: {  	v7 =	vmov v13;
	v58 =	vld.idx.msk [tilespmem:v32+s19+$0x0 ss:$0x1], $0xffff;
	v60 =	vmul.f32 v63, v4;
	s9 =	smov.u32 s3;
	[tilespmem:v30+s4+$0x0 ss:$0x1] =	vst.idx.msk $0xffff, v57;
	s3 =	rddreg [dreg:$0xb]  }
0x49d: {  	v51 =	vmul.f32 v51, v42;
	[dreg:$0x11] =	wrdreg s9;
	v61 =	vmul.f32 v55, v26;
	v49 =	vld.idx.msk [tilespmem:v33+s24+$0x0 ss:$0x1], $0xffff;
	v46 =	vsub.f32 v46, v21  }
0x49e: {  	v13 =	vmov v22;
	v22 =	vmov v35;
	v62 =	vmul.f32 v56, v44;
	s9 =	smov.u32 s26;
	v63 =	vld.idx.msk [tilespmem:v36+s4+$0x0 ss:$0x1], $0xffff;
	[tilespmem:v39+s12+$0x0 ss:$0x1] =	vst.idx.msk $0xffff, v60;
	s12 =	rddreg [dreg:$0x1b]  }
0x49f: {  	s26 =	smov.u32 s15;
	s3 =	sadd.s32 s3, s11;
	s11 =	rddreg [dreg:$0x13];
	v48 =	vld.idx.msk [tilespmem:v31+s10+$0x0 ss:$0x1], $0xffff;
	v51 =	vsub.f32 v51, v43;
	[tilespmem:v8+s21+$0x0 ss:$0x1] =	vst.idx.msk $0xffff, v61;
	v59 =	vmul.f32 v46, v11  }
0x4a0: {  	[dreg:$0x15] =	wrdreg s26;
	v57 =	vld.idx.msk [tilespmem:v37+s12+$0x0 ss:$0x1], $0xffff;
	v47 =	vmul.f32 v47, v14;
	v14 =	vmovc v20;
	v20 =	vmov v29;
	v60 =	vsub.f32 v62, v50  }
0x4a1: {  	[dreg:$0x18] =	wrdreg s9;
	s9 =	sadd.s32 s9, s3;
	v29 =	vmovc v42;
	v42 =	vmov v52;
	v55 =	vld.idx.msk [tilespmem:v28+s21+$0x0 ss:$0x1], $0xffff;
	v51 =	vmul.f32 v51, v24;
	v62 =	vmul.f32 v58, v18  }
0x4a2: {  	[dreg:$0x16] =	wrdreg s9;
	s9 =	sadd.s32 s28, s3;
	v46 =	vld.idx.msk [tilespmem:v41+s30+$0x0 ss:$0x1], $0xffff;
	[tilespmem:v8+s1+$0x0 ss:$0x1] =	vst.idx.msk $0xffff, v59;
	v59 =	vsub.f32 v47, v15;
	v61 =	vmul.f32 v60, v26  }
0x4a3: {  	s26 =	rddreg [dreg:$0x6];
	[tilespmem:v41+s11+$0x0 ss:$0x1] =	vst.idx.msk $0xffff, v54;
	v52 =	vld.idx.msk [tilespmem:v37+s9+$0x0 ss:$0x1], $0xffff;
	v49 =	vmul.f32 v49, v20;
	v54 =	vmul.f32 v63, v40  }
0x4a4: {  	v35 =	vmov v45;
	s15 =	smov.u32 s0;
	s0 =	sadd.s32 s26, s13;
	[tilespmem:v36+s16+$0x0 ss:$0x1] =	vst.idx.msk $0xffff, v51;
	v51 =	vmul.f32 v59, v3;
	v59 =	vsub.f32 v62, v22  }
0x4a5: {  	s26 =	smov.u32 s20;
	s20 =	sadd.s32 s7, s0;
	s0 =	sadd.s32 s14, s0;
	v15 =	vmovc v21;
	v21 =	vmov v38;
	v60 =	vsub.f32 v49, v38;
	v45 =	vsub.f32 v54, v35  }
0x4a6: {  	p0 =	slt.u32 s5, $0x1E;
	[dreg:$0x12] =	wrdreg s15;
	v56 =	vld.idx.msk [tilespmem:v34+s0+$0x0 ss:$0x1], $0xffff;
	v48 =	vmul.f32 v48, v12;
	[tilespmem:v8+s23+$0x0 ss:$0x1] =	vst.idx.msk $0xffff, v61;
	v63 =	vmul.f32 v55, v42  }
0x4a7: {  	s15 =	smov.u32 s22;
	s22 =	smov.u32 s30;
	s30 =	rddreg [dreg:$0x9];
	v38 =	vmov v43;
	v43 =	vmov v53;
	v58 =	vld.idx.msk [tilespmem:v28+s23+$0x0 ss:$0x1], $0xffff;
	[tilespmem:v41+s18+$0x0 ss:$0x1] =	vst.idx.msk $0xffff, v51;
	v61 =	vmul.f32 v60, v17  }
.Ltmp2:
0x4a8: {  	[dreg:$0x17] =	wrdreg s25;
	s1 =	sadd.s32 s30, s29;
	v49 =	vmul.f32 v45, v24;
	v53 =	vsub.f32 v63, v43;
	v52 =	vmul.f32 v52, v14;
	(pc) =	sbr.rel @p0 .LBB2_8-.Ltmp2, $4  }
0x4a9: {  	[dreg:$0x13] =	wrdreg s22;
	v47 =	vmul.f32 v57, v9;
	v59 =	vmul.f32 v59, v19;
	s18 =	sadd.s32 s31, s1;
	v45 =	vmov v50;
	[tilespmem:v33+s24+$0x0 ss:$0x1] =	vst.idx.msk $0xffff, v61  }
0x4aa: {  	[dreg:$0x14] =	wrdreg s26;
	s26 =	smov.u32 s7;
	[tilespmem:v36+s4+$0x0 ss:$0x1] =	vst.idx.msk $0xffff, v49;
	v62 =	vmul.f32 v53, v27;
	v51 =	vld.idx.msk [tilespmem:v31+s18+$0x0 ss:$0x1], $0xffff;
	v63 =	vsub.f32 v52, v15  }
0x4ab: {  	s7 =	smov.u32 s14;
	s16 =	smov.u32 s21;
	s21 =	sadd.s32 s25, s1;
	v49 =	vsub.f32 v48, v13;
	v52 =	vld.idx.msk [tilespmem:v34+s20+$0x0 ss:$0x1], $0xffff;
	v53 =	vmul.f32 v56, v29;
	[tilespmem:v32+s19+$0x0 ss:$0x1] =	vst.idx.msk $0xffff, v59  }
0x4ac: {  	s25 =	smov.u32 s13;
	s24 =	rddreg [dreg:$0xc];
	s4 =	smov.u32 s23;
	v54 =	vmul.f32 v58, v44;
	v50 =	vld.idx.msk [tilespmem:v33+s8+$0x0 ss:$0x1], $0xffff;
	[tilespmem:v28+s16+$0x0 ss:$0x1] =	vst.idx.msk $0xffff, v62;
	v48 =	vmul.f32 v63, v6  }
0x4ad: {  	_ =	sdelay $0x3  }
0x4ae: {  	v26 =	vld.idx.msk [tilespmem:v30+s16+$0x0 ss:$0x1], $0xffff;
	_ =	sdelay $0x2  }
0x4af: {  	v54 =	vsub.f32 v54, v45;
	_ =	sdelay $0x1  }
0x4b0: {  	v27 =	vmul.f32 v54, v27;
	v26 =	vmul.f32 v26, v42;
	_ =	sdelay $0x1  }
0x4b1: {  	[tilespmem:v28+s4+$0x0 ss:$0x1] =	vst.idx.msk $0xffff, v27;
	v26 =	vsub.f32 v26, v43  }
0x4b2: {  	v27 =	vld.idx.msk [tilespmem:v30+s4+$0x0 ss:$0x1], $0xffff  }
0x4b3: {  	v26 =	vmul.f32 v26, v25;
	_ =	sdelay $0x1  }
0x4b4: {  	[tilespmem:v30+s16+$0x0 ss:$0x1] =	vst.idx.msk $0xffff, v26  }
0x4b5: {  	v56 =	vld.idx.msk [tilespmem:v36+s16+$0x0 ss:$0x1], $0xffff  }
0x4b6: {  	v55 =	vmul.f32 v27, v44;
	_ =	sdelay $0x1  }
0x4b7: {  	v26 =	vsub.f32 v55, v45;
	_ =	sdelay $0x1  }
0x4b8: {  	v57 =	vmul.f32 v26, v25;
	v58 =	vmul.f32 v56, v42;
	_ =	sdelay $0x1  }
0x4b9: {  	[tilespmem:v30+s4+$0x0 ss:$0x1] =	vst.idx.msk $0xffff, v57;
	v26 =	vsub.f32 v58, v43  }
0x4ba: {  	v25 =	vld.idx.msk [tilespmem:v36+s4+$0x0 ss:$0x1], $0xffff  }
0x4bb: {  	v26 =	vmul.f32 v26, v24  }
0x4bc: {  	s1 =	rddreg [dreg:$0x6]  }
0x4bd: {  	s23 =	rddreg [dreg:$0x10];
	[tilespmem:v36+s16+$0x0 ss:$0x1] =	vst.idx.msk $0xffff, v26  }
0x4be: {  	s1 =	sadd.s32 s1, s23;
	s19 =	rddreg [dreg:$0x11]  }
0x4bf: {  	v25 =	vmul.f32 v25, v44;
	s2 =	sadd.s32 s19, s1  }
0x4c0: {  	v26 =	vld.idx.msk [tilespmem:v34+s2+$0x0 ss:$0x1], $0xffff  }
0x4c1: {  	v25 =	vsub.f32 v25, v45;
	_ =	sdelay $0x1  }
0x4c2: {  	v59 =	vmul.f32 v25, v24  }
0x4c3: {  	v61 =	vsub.f32 v53, v38  }
0x4c4: {  	s3 =	rddreg [dreg:$0x7];
	[tilespmem:v36+s4+$0x0 ss:$0x1] =	vst.idx.msk $0xffff, v59;
	v60 =	vmul.f32 v26, v42  }
0x4c5: {  	v24 =	vmul.f32 v61, v23;
	s11 =	rddreg [dreg:$0x12]  }
0x4c6: {  	s3 =	sadd.s32 s3, s25;
	s1 =	sadd.s32 s11, s1;
	v25 =	vsub.f32 v60, v43  }
0x4c7: {  	s14 =	sadd.s32 s7, s3;
	[tilespmem:v34+s0+$0x0 ss:$0x1] =	vst.idx.msk $0xffff, v24;
	v62 =	vld.idx.msk [tilespmem:v34+s1+$0x0 ss:$0x1], $0xffff  }
0x4c8: {  	s4 =	rddreg [dreg:$0x7];
	v30 =	vld.idx.msk [tilespmem:v32+s14+$0x0 ss:$0x1], $0xffff;
	v25 =	vmul.f32 v25, v23  }
0x4c9: {  	s6 =	sadd.s32 s4, s23  }
0x4ca: {  	v63 =	vmul.f32 v52, v40;
	s16 =	sadd.s32 s19, s6;
	[tilespmem:v34+s2+$0x0 ss:$0x1] =	vst.idx.msk $0xffff, v25  }
0x4cb: {  	v36 =	vld.idx.msk [tilespmem:v32+s16+$0x0 ss:$0x1], $0xffff  }
0x4cc: {  	v24 =	vsub.f32 v63, v35;
	v26 =	vmul.f32 v62, v44  }
0x4cd: {  	v25 =	vmul.f32 v30, v29  }
0x4ce: {  	v24 =	vmul.f32 v24, v23;
	v26 =	vsub.f32 v26, v45  }
0x4cf: {  	v54 =	vsub.f32 v25, v38  }
0x4d0: {  	[tilespmem:v34+s20+$0x0 ss:$0x1] =	vst.idx.msk $0xffff, v24;
	v52 =	vmul.f32 v26, v23;
	v53 =	vmul.f32 v36, v42  }
0x4d1: {  	s17 =	rddreg [dreg:$0x8];
	v23 =	vmul.f32 v54, v19  }
0x4d2: {  	[tilespmem:v34+s1+$0x0 ss:$0x1] =	vst.idx.msk $0xffff, v52;
	s1 =	sadd.s32 s17, s25;
	v24 =	vsub.f32 v53, v43  }
0x4d3: {  	[tilespmem:v32+s14+$0x0 ss:$0x1] =	vst.idx.msk $0xffff, v23;
	s20 =	sadd.s32 s7, s1  }
0x4d4: {  	s3 =	sadd.s32 s26, s3;
	s5 =	rddreg [dreg:$0x8];
	v23 =	vld.idx.msk [tilespmem:v33+s20+$0x0 ss:$0x1], $0xffff;
	v24 =	vmul.f32 v24, v19  }
0x4d5: {  	s0 =	sadd.s32 s11, s6;
	v55 =	vld.idx.msk [tilespmem:v32+s3+$0x0 ss:$0x1], $0xffff;
	s4 =	sadd.s32 s5, s23  }
0x4d6: {  	v56 =	vld.idx.msk [tilespmem:v32+s0+$0x0 ss:$0x1], $0xffff;
	s22 =	sadd.s32 s19, s4;
	[tilespmem:v32+s16+$0x0 ss:$0x1] =	vst.idx.msk $0xffff, v24  }
0x4d7: {  	v24 =	vld.idx.msk [tilespmem:v33+s22+$0x0 ss:$0x1], $0xffff;
	_ =	sdelay $0x1  }
0x4d8: {  	v23 =	vmul.f32 v23, v29  }
0x4d9: {  	v25 =	vmul.f32 v55, v40  }
0x4da: {  	v26 =	vmul.f32 v56, v44;
	v23 =	vsub.f32 v23, v38  }
0x4db: {  	v25 =	vsub.f32 v25, v35;
	v24 =	vmul.f32 v24, v42  }
0x4dc: {  	v57 =	vmul.f32 v51, v20;
	s6 =	rddreg [dreg:$0x9];
	v26 =	vsub.f32 v26, v45;
	v23 =	vmul.f32 v23, v17  }
0x4dd: {  	s13 =	smov.u32 s7;
	v62 =	vmul.f32 v50, v18;
	v25 =	vmul.f32 v25, v19;
	s6 =	sadd.s32 s6, s25;
	v24 =	vsub.f32 v24, v43  }
0x4de: {  	s14 =	smov.u32 s26;
	s7 =	smov.u32 s12;
	s12 =	sadd.s32 s13, s6;
	v59 =	vmul.f32 v26, v19;
	[tilespmem:v33+s20+$0x0 ss:$0x1] =	vst.idx.msk $0xffff, v23;
	v23 =	vsub.f32 v57, v21  }
0x4df: {  	s1 =	sadd.s32 s14, s1;
	[tilespmem:v32+s3+$0x0 ss:$0x1] =	vst.idx.msk $0xffff, v25;
	s30 =	rddreg [dreg:$0x9];
	v58 =	vld.idx.msk [tilespmem:v31+s12+$0x0 ss:$0x1], $0xffff;
	v24 =	vmul.f32 v24, v17  }
0x4e0: {  	v30 =	vsub.f32 v62, v22;
	v61 =	vld.idx.msk [tilespmem:v33+s1+$0x0 ss:$0x1], $0xffff;
	s5 =	sadd.s32 s30, s23;
	[tilespmem:v32+s0+$0x0 ss:$0x1] =	vst.idx.msk $0xffff, v59;
	v23 =	vmul.f32 v23, v16  }
0x4e1: {  	s17 =	rddreg [dreg:$0xa];
	s16 =	sadd.s32 s19, s5;
	[tilespmem:v33+s22+$0x0 ss:$0x1] =	vst.idx.msk $0xffff, v24  }
0x4e2: {  	s3 =	sadd.s32 s17, s29;
	s20 =	sadd.s32 s11, s4;
	[tilespmem:v31+s18+$0x0 ss:$0x1] =	vst.idx.msk $0xffff, v23;
	v23 =	vmul.f32 v30, v17;
	v60 =	vld.idx.msk [tilespmem:v31+s16+$0x0 ss:$0x1], $0xffff  }
0x4e3: {  	v63 =	vld.idx.msk [tilespmem:v33+s20+$0x0 ss:$0x1], $0xffff;
	s22 =	sadd.s32 s31, s3  }
0x4e4: {  	v24 =	vmul.f32 v58, v29;
	v32 =	vld.idx.msk [tilespmem:v8+s22+$0x0 ss:$0x1], $0xffff;
	[tilespmem:v33+s8+$0x0 ss:$0x1] =	vst.idx.msk $0xffff, v23  }
0x4e5: {  	v19 =	vmul.f32 v61, v40;
	v36 =	vld.idx.msk [tilespmem:v31+s21+$0x0 ss:$0x1], $0xffff  }
0x4e6: {  	v24 =	vsub.f32 v24, v38  }
0x4e7: {  	v55 =	vmul.f32 v49, v16;
	v19 =	vsub.f32 v19, v35;
	v25 =	vmul.f32 v60, v42  }
0x4e8: {  	s17 =	rddreg [dreg:$0xa];
	v27 =	vmul.f32 v63, v44;
	v34 =	vmul.f32 v24, v16  }
0x4e9: {  	s26 =	smov.u32 s13;
	v19 =	vmul.f32 v19, v17;
	s8 =	sadd.s32 s17, s25;
	v50 =	vmul.f32 v32, v20;
	v25 =	vsub.f32 v25, v43  }
0x4ea: {  	s17 =	sadd.s32 s26, s8;
	v27 =	vsub.f32 v27, v45;
	[tilespmem:v31+s12+$0x0 ss:$0x1] =	vst.idx.msk $0xffff, v34;
	v24 =	vmul.f32 v36, v18  }
0x4eb: {  	[tilespmem:v33+s1+$0x0 ss:$0x1] =	vst.idx.msk $0xffff, v19;
	s18 =	sadd.s32 s14, s6;
	s30 =	rddreg [dreg:$0xa];
	v51 =	vld.idx.msk [tilespmem:v8+s17+$0x0 ss:$0x1], $0xffff;
	v53 =	vsub.f32 v50, v21;
	v25 =	vmul.f32 v25, v16  }
0x4ec: {  	[tilespmem:v31+s10+$0x0 ss:$0x1] =	vst.idx.msk $0xffff, v55;
	v56 =	vld.idx.msk [tilespmem:v31+s18+$0x0 ss:$0x1], $0xffff;
	v52 =	vmul.f32 v27, v17;
	s12 =	sadd.s32 s30, s23;
	v58 =	vsub.f32 v24, v22  }
0x4ed: {  	v60 =	vld.idx.msk [tilespmem:v8+s15+$0x0 ss:$0x1], $0xffff;
	s2 =	sadd.s32 s19, s12;
	v19 =	vmul.f32 v53, v11;
	[tilespmem:v31+s16+$0x0 ss:$0x1] =	vst.idx.msk $0xffff, v25  }
0x4ee: {  	s0 =	sadd.s32 s11, s5;
	s6 =	rddreg [dreg:$0xb];
	[tilespmem:v33+s20+$0x0 ss:$0x1] =	vst.idx.msk $0xffff, v52;
	v17 =	vmul.f32 v58, v16;
	v54 =	vld.idx.msk [tilespmem:v8+s2+$0x0 ss:$0x1], $0xffff  }
0x4ef: {  	s10 =	sadd.s32 s6, s29;
	v57 =	vld.idx.msk [tilespmem:v31+s0+$0x0 ss:$0x1], $0xffff;
	[tilespmem:v8+s22+$0x0 ss:$0x1] =	vst.idx.msk $0xffff, v19  }
0x4f0: {  	s4 =	sadd.s32 s31, s10;
	v59 =	vmul.f32 v51, v29;
	s1 =	rddreg [dreg:$0xc];
	[tilespmem:v31+s21+$0x0 ss:$0x1] =	vst.idx.msk $0xffff, v17  }
0x4f1: {  	s13 =	smov.u32 s25;
	v61 =	vld.idx.msk [tilespmem:v37+s4+$0x0 ss:$0x1], $0xffff;
	s25 =	rddreg [dreg:$0x17]  }
0x4f2: {  	v26 =	vmul.f32 v56, v40;
	v19 =	vsub.f32 v59, v38;
	s20 =	sadd.s32 s25, s3  }
0x4f3: {  	v32 =	vmul.f32 v60, v12;
	v30 =	vld.idx.msk [tilespmem:v8+s20+$0x0 ss:$0x1], $0xffff;
	v23 =	vmul.f32 v54, v42  }
0x4f4: {  	v63 =	vsub.f32 v26, v35;
	s16 =	rddreg [dreg:$0xb];
	v27 =	vmul.f32 v57, v44;
	v62 =	vmul.f32 v19, v11  }
0x4f5: {  	s22 =	rddreg [dreg:$0xb];
	s21 =	sadd.s32 s16, s13;
	v17 =	vsub.f32 v32, v13;
	[tilespmem:v37+s9+$0x0 ss:$0x1] =	vst.idx.msk $0xffff, v48;
	v23 =	vsub.f32 v23, v43  }
0x4f6: {  	v19 =	vmul.f32 v63, v16;
	v33 =	vmul.f32 v61, v20;
	[tilespmem:v8+s17+$0x0 ss:$0x1] =	vst.idx.msk $0xffff, v62;
	s17 =	sadd.s32 s22, s23;
	s22 =	sadd.s32 s26, s21  }
0x4f7: {  	v27 =	vsub.f32 v27, v45;
	v17 =	vmul.f32 v17, v11;
	v34 =	vld.idx.msk [tilespmem:v37+s22+$0x0 ss:$0x1], $0xffff;
	v23 =	vmul.f32 v23, v11  }
0x4f8: {  	s8 =	sadd.s32 s14, s8;
	s6 =	rddreg [dreg:$0xc];
	[tilespmem:v31+s18+$0x0 ss:$0x1] =	vst.idx.msk $0xffff, v19;
	v50 =	vsub.f32 v33, v21;
	v52 =	vmul.f32 v30, v18  }
0x4f9: {  	v36 =	vmul.f32 v27, v16;
	v51 =	vld.idx.msk [tilespmem:v8+s8+$0x0 ss:$0x1], $0xffff;
	[tilespmem:v8+s2+$0x0 ss:$0x1] =	vst.idx.msk $0xffff, v23;
	s2 =	sadd.s32 s19, s17  }
0x4fa: {  	s3 =	rddreg [dreg:$0xd];
	[tilespmem:v8+s15+$0x0 ss:$0x1] =	vst.idx.msk $0xffff, v17;
	v16 =	vmul.f32 v50, v6;
	v54 =	vsub.f32 v52, v22;
	v49 =	vld.idx.msk [tilespmem:v37+s2+$0x0 ss:$0x1], $0xffff  }
0x4fb: {  	s12 =	sadd.s32 s11, s12;
	s5 =	rddreg [dreg:$0xc];
	[tilespmem:v31+s0+$0x0 ss:$0x1] =	vst.idx.msk $0xffff, v36  }
0x4fc: {  	[tilespmem:v37+s4+$0x0 ss:$0x1] =	vst.idx.msk $0xffff, v16;
	v24 =	vmul.f32 v34, v29;
	v17 =	vmul.f32 v54, v11;
	v53 =	vld.idx.msk [tilespmem:v8+s12+$0x0 ss:$0x1], $0xffff  }
0x4fd: {  	s16 =	rddreg [dreg:$0x16]  }
0x4fe: {  	s9 =	sadd.s32 s25, s10;
	s4 =	rddreg [dreg:$0xd];
	v56 =	vsub.f32 v24, v38;
	v57 =	vld.idx.msk [tilespmem:v37+s16+$0x0 ss:$0x1], $0xffff;
	[tilespmem:v8+s20+$0x0 ss:$0x1] =	vst.idx.msk $0xffff, v17  }
0x4ff: {  	v23 =	vmul.f32 v51, v40;
	v61 =	vld.idx.msk [tilespmem:v37+s9+$0x0 ss:$0x1], $0xffff;
	v55 =	vmul.f32 v49, v42  }
0x500: {  	v59 =	vmul.f32 v56, v6  }
0x501: {  	v60 =	vsub.f32 v23, v35;
	v58 =	vmul.f32 v53, v44;
	v16 =	vsub.f32 v55, v43  }
0x502: {  	[tilespmem:v37+s22+$0x0 ss:$0x1] =	vst.idx.msk $0xffff, v59  }
0x503: {  	s30 =	smov.u32 s31;
	s31 =	smov.u32 s13;
	v62 =	vmul.f32 v60, v11;
	s13 =	rddreg [dreg:$0xf];
	v25 =	vsub.f32 v58, v45;
	v16 =	vmul.f32 v16, v6  }
0x504: {  	v27 =	vmul.f32 v57, v12;
	s24 =	sadd.s32 s24, s13;
	v32 =	vmul.f32 v61, v18  }
0x505: {  	s15 =	sadd.s32 s28, s24;
	v63 =	vmul.f32 v25, v11;
	v25 =	vsub.f32 v47, v7;
	[tilespmem:v37+s2+$0x0 ss:$0x1] =	vst.idx.msk $0xffff, v16  }
0x506: {  	v31 =	vsub.f32 v27, v13;
	v26 =	vld.idx.msk [tilespmem:v39+s15+$0x0 ss:$0x1], $0xffff;
	s2 =	rddreg [dreg:$0xd];
	[tilespmem:v8+s8+$0x0 ss:$0x1] =	vst.idx.msk $0xffff, v62;
	s8 =	sadd.s32 s14, s21  }
0x507: {  	s1 =	sadd.s32 s1, s29;
	s17 =	sadd.s32 s11, s17;
	v36 =	vsub.f32 v32, v22;
	s0 =	rddreg [dreg:$0xd];
	[tilespmem:v8+s12+$0x0 ss:$0x1] =	vst.idx.msk $0xffff, v63;
	v28 =	vld.idx.msk [tilespmem:v37+s8+$0x0 ss:$0x1], $0xffff;
	v30 =	vmul.f32 v25, v6  }
0x508: {  	s6 =	sadd.s32 s6, s31;
	s20 =	sadd.s32 s30, s1;
	v34 =	vmul.f32 v31, v6;
	v33 =	vld.idx.msk [tilespmem:v37+s17+$0x0 ss:$0x1], $0xffff  }
0x509: {  	v48 =	vld.idx.msk [tilespmem:v39+s20+$0x0 ss:$0x1], $0xffff;
	s22 =	sadd.s32 s26, s6;
	v16 =	vmul.f32 v36, v6;
	[tilespmem:v37+s7+$0x0 ss:$0x1] =	vst.idx.msk $0xffff, v30  }
0x50a: {  	v50 =	vld.idx.msk [tilespmem:v39+s22+$0x0 ss:$0x1], $0xffff;
	s7 =	rddreg [dreg:$0x15];
	[tilespmem:v37+s16+$0x0 ss:$0x1] =	vst.idx.msk $0xffff, v34  }
0x50b: {  	s1 =	sadd.s32 s25, s1;
	v17 =	vmul.f32 v26, v14;
	v47 =	vld.idx.msk [tilespmem:v39+s7+$0x0 ss:$0x1], $0xffff;
	s21 =	rddreg [dreg:$0x18];
	[tilespmem:v37+s9+$0x0 ss:$0x1] =	vst.idx.msk $0xffff, v16  }
0x50c: {  	v8 =	vmul.f32 v28, v40;
	v51 =	vld.idx.msk [tilespmem:v39+s1+$0x0 ss:$0x1], $0xffff  }
0x50d: {  	s10 =	sadd.s32 s21, s24;
	v17 =	vsub.f32 v17, v15;
	v23 =	vmul.f32 v33, v44  }
0x50e: {  	s5 =	sadd.s32 s5, s23;
	v11 =	vmul.f32 v48, v20;
	v49 =	vld.idx.msk [tilespmem:v39+s10+$0x0 ss:$0x1], $0xffff;
	v8 =	vsub.f32 v8, v35  }
0x50f: {  	v57 =	vmul.f32 v50, v29;
	s24 =	sadd.s32 s19, s5;
	v17 =	vmul.f32 v17, v4;
	v23 =	vsub.f32 v23, v45  }
0x510: {  	s3 =	sadd.s32 s3, s13;
	v56 =	vsub.f32 v11, v21;
	v52 =	vld.idx.msk [tilespmem:v39+s24+$0x0 ss:$0x1], $0xffff;
	v19 =	vmul.f32 v47, v9;
	v8 =	vmul.f32 v8, v6  }
0x511: {  	s28 =	sadd.s32 s28, s3;
	[tilespmem:v39+s15+$0x0 ss:$0x1] =	vst.idx.msk $0xffff, v17;
	v53 =	vmul.f32 v23, v6;
	v59 =	vmul.f32 v51, v18  }
0x512: {  	s6 =	sadd.s32 s14, s6;
	v6 =	vmul.f32 v56, v4;
	v62 =	vld.idx.msk [tilespmem:v41+s28+$0x0 ss:$0x1], $0xffff;
	[tilespmem:v37+s8+$0x0 ss:$0x1] =	vst.idx.msk $0xffff, v8;
	v54 =	vsub.f32 v19, v7  }
0x513: {  	s18 =	smov.u32 s30;
	s4 =	sadd.s32 s4, s29;
	v11 =	vsub.f32 v57, v38;
	s5 =	sadd.s32 s11, s5;
	v55 =	vmul.f32 v49, v12;
	[tilespmem:v37+s17+$0x0 ss:$0x1] =	vst.idx.msk $0xffff, v53;
	v58 =	vld.idx.msk [tilespmem:v39+s6+$0x0 ss:$0x1], $0xffff  }
0x514: {  	s29 =	sadd.s32 s18, s4;
	v19 =	vsub.f32 v59, v22;
	[tilespmem:v39+s20+$0x0 ss:$0x1] =	vst.idx.msk $0xffff, v6;
	v8 =	vmul.f32 v54, v4;
	v60 =	vld.idx.msk [tilespmem:v39+s5+$0x0 ss:$0x1], $0xffff  }
0x515: {  	v11 =	vmul.f32 v11, v4;
	v61 =	vmul.f32 v52, v42;
	v17 =	vsub.f32 v55, v13;
	v27 =	vld.idx.msk [tilespmem:v41+s29+$0x0 ss:$0x1], $0xffff  }
0x516: {  	v5 =	vmul.f32 v46, v5;
	v19 =	vmul.f32 v19, v4;
	[tilespmem:v39+s7+$0x0 ss:$0x1] =	vst.idx.msk $0xffff, v8  }
0x517: {  	s2 =	sadd.s32 s2, s31;
	v24 =	vsub.f32 v61, v43;
	v17 =	vmul.f32 v17, v4;
	s12 =	rddreg [dreg:$0x14];
	[tilespmem:v39+s22+$0x0 ss:$0x1] =	vst.idx.msk $0xffff, v11  }
0x518: {  	v5 =	vsub.f32 v5, v10;
	s30 =	sadd.s32 s26, s2;
	v8 =	vmul.f32 v62, v14;
	[tilespmem:v39+s1+$0x0 ss:$0x1] =	vst.idx.msk $0xffff, v19;
	v63 =	vld.idx.msk [tilespmem:v41+s12+$0x0 ss:$0x1], $0xffff  }
0x519: {  	s4 =	sadd.s32 s25, s4;
	v28 =	vmul.f32 v24, v4;
	[tilespmem:v39+s10+$0x0 ss:$0x1] =	vst.idx.msk $0xffff, v17;
	v16 =	vmul.f32 v58, v40;
	v32 =	vld.idx.msk [tilespmem:v41+s30+$0x0 ss:$0x1], $0xffff  }
0x51a: {  	s0 =	sadd.s32 s0, s23;
	s3 =	sadd.s32 s21, s3;
	v8 =	vsub.f32 v8, v15;
	v36 =	vld.idx.msk [tilespmem:v41+s4+$0x0 ss:$0x1], $0xffff;
	v23 =	vmul.f32 v60, v44;
	v34 =	vmul.f32 v27, v20  }
0x51b: {  	v5 =	vmul.f32 v5, v3;
	s31 =	sadd.s32 s19, s0;
	[tilespmem:v39+s24+$0x0 ss:$0x1] =	vst.idx.msk $0xffff, v28;
	v30 =	vld.idx.msk [tilespmem:v41+s3+$0x0 ss:$0x1], $0xffff;
	v16 =	vsub.f32 v16, v35  }
0x51c: {  	v46 =	vld.idx.msk [tilespmem:v41+s31+$0x0 ss:$0x1], $0xffff;
	v47 =	vmul.f32 v8, v3;
	v31 =	vsub.f32 v23, v45;
	v48 =	vsub.f32 v34, v21  }
0x51d: {  	v33 =	vmul.f32 v16, v4;
	v6 =	vmul.f32 v63, v9  }
0x51e: {  	v37 =	vmul.f32 v31, v4;
	v52 =	vmul.f32 v48, v3  }
0x51f: {  	v53 =	vmul.f32 v32, v29;
	v55 =	vmul.f32 v36, v18;
	[tilespmem:v39+s6+$0x0 ss:$0x1] =	vst.idx.msk $0xffff, v33  }
0x520: {  	v50 =	vmul.f32 v30, v12;
	v6 =	vsub.f32 v6, v7;
	[tilespmem:v39+s5+$0x0 ss:$0x1] =	vst.idx.msk $0xffff, v37  }
0x521: {  	v56 =	vsub.f32 v53, v38;
	v7 =	vmul.f32 v46, v42;
	s5 =	rddreg [dreg:$0x13];
	[tilespmem:v41+s28+$0x0 ss:$0x1] =	vst.idx.msk $0xffff, v47  }
0x522: {  	v54 =	vsub.f32 v50, v13;
	[tilespmem:v41+s29+$0x0 ss:$0x1] =	vst.idx.msk $0xffff, v52;
	v49 =	vmul.f32 v6, v3  }
0x523: {  	[tilespmem:v41+s5+$0x0 ss:$0x1] =	vst.idx.msk $0xffff, v5;
	v6 =	vsub.f32 v55, v22;
	v4 =	vmul.f32 v56, v3  }
0x524: {  	v7 =	vsub.f32 v7, v43;
	v5 =	vmul.f32 v54, v3;
	[tilespmem:v41+s12+$0x0 ss:$0x1] =	vst.idx.msk $0xffff, v49  }
0x525: {  	s2 =	sadd.s32 s14, s2;
	v59 =	vmul.f32 v6, v3;
	[tilespmem:v41+s30+$0x0 ss:$0x1] =	vst.idx.msk $0xffff, v4  }
0x526: {  	s0 =	sadd.s32 s11, s0;
	v10 =	vld.idx.msk [tilespmem:v41+s2+$0x0 ss:$0x1], $0xffff;
	v61 =	vmul.f32 v7, v3;
	[tilespmem:v41+s3+$0x0 ss:$0x1] =	vst.idx.msk $0xffff, v5  }
0x527: {  	v51 =	vld.idx.msk [tilespmem:v41+s0+$0x0 ss:$0x1], $0xffff;
	[tilespmem:v41+s4+$0x0 ss:$0x1] =	vst.idx.msk $0xffff, v59  }
0x528: {  	[tilespmem:v41+s31+$0x0 ss:$0x1] =	vst.idx.msk $0xffff, v61  }
0x529: {  	s4 =	sld [smem:$0x7F2];
	_ =	sdelay $0x1  }
0x52a: {  	v57 =	vmul.f32 v10, v40  }
0x52b: {  	v58 =	vmul.f32 v51, v44;
	s4 =	sadd.s32 $0x1, s4  }
0x52c: {  	v60 =	vsub.f32 v57, v35;
	p0 =	sne.s32 s4, $0x4  }
.Ltmp3:
0x52d: {  	v62 =	vsub.f32 v58, v45;
	(pc) =	sbr.rel @p0 .LBB2_7-.Ltmp3, $4  }
0x52e: {  	v63 =	vmul.f32 v60, v3  }
0x52f: {  	v3 =	vmul.f32 v62, v3  }
0x530: {  	[tilespmem:v41+s2+$0x0 ss:$0x1] =	vst.idx.msk $0xffff, v63  }
0x531: {  	[tilespmem:v41+s0+$0x0 ss:$0x1] =	vst.idx.msk $0xffff, v3  }
0x532: {  	s8 =	sld [smem:$0x7FA];
	_ =	sdelay $0x2  }
0x533: {  	s1 =	rddreg [dreg:$0x1c];
	s0 =	sshll.u32 s8, $0x5;
	s8 =	sadd.s32 $0x1, s8  }
0x534: {  	s0 =	sadd.s32 s1, s0;
	p0 =	sne.s32 s8, $0x20  }
.Ltmp4:
0x535: {  	s30 =	sld [smem:$0x7FB];
	s0 =	sshrl.u32 s0, $0x3;
	(pc) =	sbr.rel @p0 .LBB2_2-.Ltmp4, $4  }
0x536: {  	s0 =	smul.u32 $0x300, s0  }
0x537: {  	s2 =	rddreg [dreg:$0x3];
	s31 =	simm.s32 $0x0  }
0x538: {  	s3 =	rddreg [dreg:$0xe];
	s1 =	sadd.s32 $0x5, s30;
	s0 =	sadd.s32 s2, s0  }
0x539: {  	[hbm4b:s0+s31] =	stream.linear.scatter [tilespmem:s3], [sflag:s1], $0x6000, $0x38;
	[tilespmem:$0x1A700] =	vst v63  }
0x53a: {  	s0 =	simm.s32 $0x7  }
0x53b: {  	_ =	swait.ge [sflag:s0], $0x6000  }
0x53c: {  	[sflag:s0] =	ssyncset.done $0x0  }
0x53d: {  	s1 =	simm.s32 $0x8;
	[sflag:s0] =	ssyncadd.s32 $0xFFFFA000  }
0x53e: {  	_ =	swait.ge [sflag:s1], $0x6000  }
0x53f: {  	s2 =	sld [smem:$0x7FC]  }
0x540: {  	s31 =	sld [smem:$0x7FD];
	_ =	sdelay $0x1  }
0x541: {  	s2 =	sadd.s32 $0x1, s2  }
0x542: {  	p0 =	sne.s32 s2, s31  }
.Ltmp5:
0x543: {  	_ = 	snop;
	(pc) =	sbr.rel @p0 .LBB2_1-.Ltmp5, $3  }
0x544: {  	_ =	sdelay $0x1  }
0x545: {  	[sflag:s1] =	ssyncset.done $0x0  }
0x546: {  	[sflag:s1] =	ssyncadd.s32 $0xFFFFA000  }
0x547: {  	_ =	sfence.sel $0x180000  }
0x548: {  	[bflag:$0x0] =	sbarrier.arrive $0xFFFF  }
0x549: {  	_ =	strace $0x90000047  }
0x54a: {  	s0 =	stileid.u32;
	[bflag:$0x2] =	sbarrier.arrive $0xFFFF  }
0x54b: {  	p0 =	sne.s32 s0, $0x0;
	s0 =	rddreg [dreg:$0x4]  }
0x54c: {  	s0 =	sadd.s32 @!p0 $0x100000, s0  }
0x54d: {  	[sflag:s0] =	ssyncadd.tile.s32 @!p0 $0x1;
	_ =	shalt  }
.Lfunc_end2:
_tile_overlayer_lowered:
.L_overlay_start_2:
0x54e: {  	(tag) =	ssettag $0x2  }
0x54f: {  	s0 =	rddreg [dreg:$0x0];
	s2 =	stileid.u32  }
0x550: {  	s1 =	rddreg [dreg:$0x1];
	p0 =	sne.s32 s2, $0x0  }
0x551: {  	s3 =	rddreg [dreg:$0x2];
	[bflag:$0x3] =	sbarrier.arrive $0xFFFF;
	s2 =	simm.s32 @!p0 $0x1C09  }
0x552: {  	[timem:s3], [sflag:s2] =	dma.local @!p0 [hbm:s0], s1  }
0x553: {  	s0 =	simm.s32 @!p0 $0x9  }
0x554: {  	_ =	swait.ge @!p0 [sflag:s0], s1  }
0x555: {  	s1 =	ssub.s32 @!p0 $0x0, s1;
	[sflag:s0] =	ssyncset.done @!p0 $0x0  }
0x556: {  	[sflag:s0] =	ssyncadd.s32 @!p0 s1  }
0x557: {  	[bflag:$0x3] =	sbarrier.arrive $0xFFFF  }
0x558: {  	_ =	shalt  }

</sc_bundles>
